<compile_context>
chip_gen: v7x
topology: tpu7x:2x2x1
jax: 0.10.2.dev20260603
libtpu: 0.0.44.dev20260713+nightly
codegen_flags: <defaults>
</compile_context>

<pallas_src>
import functools

import jax
import jax.numpy as jnp
from jax import lax
from jax.experimental import pallas as pl
from jax.experimental.pallas import tpu as pltpu
from jax.experimental.pallas import tpu_sc as plsc

NN = 10000
EE = 320000
DD = 128
DH = DD // 2
LAYERS = 5
EPS = 0.0
BN_EPS = 1e-5

NC = 2
NS = 16
EPW = EE // NS
CH = 128
K = 3
GRP = 2 * K * CH
NGRP = EPW // GRP
REM = EPW - NGRP * GRP
RPT = 624
TAIL = NN - NS * RPT


def _sc_agg_body(h_hbm, src2_hbm, dst_hbm, zeros_hbm, out_hbm,
                 src_v, dst_v, rows_r, acc_sh, semg, sems):
    c = lax.axis_index("c")
    s = lax.axis_index("s")
    col = pl.multiple_of(c * DH, DH)

    pre = [
        pltpu.async_copy(zeros_hbm.at[pl.ds(s * RPT, RPT), pl.ds(0, DH)],
                         acc_sh.at[pl.ds(s * RPT, RPT)], semg),
        pltpu.async_copy(src2_hbm.at[pl.ds(c * EE + s * EPW, EPW)], src_v,
                         sems),
        pltpu.async_copy(dst_hbm.at[pl.ds(s * EPW, EPW)], dst_v, sems),
    ]
    @pl.when(s == 0)
    def _():
        pltpu.sync_copy(zeros_hbm.at[pl.ds(NS * RPT, TAIL), pl.ds(0, DH)],
                        acc_sh.at[pl.ds(NS * RPT, TAIL)])
    for d in pre:
        d.wait()
    plsc.subcore_barrier()

    def gath(o, b):
        return pltpu.async_copy(h_hbm.at[src_v.at[pl.ds(o, CH)]],
                                rows_r.at[b], semg)

    def scat(o, b):
        return pltpu.async_copy(rows_r.at[b],
                                acc_sh.at[dst_v.at[pl.ds(o, CH)]],
                                sems, add=True)

    def wait_scat(o, b):
        pltpu.make_async_copy(rows_r.at[b],
                              acc_sh.at[dst_v.at[pl.ds(o, CH)]],
                              sems).wait()

    def group(i, _):
        base_o = pl.multiple_of(i * GRP, GRP)
        prev_o = base_o - GRP

        @pl.when(i > 0)
        def _():
            for b in range(K):
                wait_scat(prev_o + b * CH, b)
        ga = [gath(base_o + b * CH, b) for b in range(K)]
        for d in ga:
            d.wait()

        @pl.when(i > 0)
        def _():
            for b in range(K, 2 * K):
                wait_scat(prev_o + b * CH, b)
        for b in range(K):
            scat(base_o + b * CH, b)
        gb = [gath(base_o + b * CH, b) for b in range(K, 2 * K)]
        for d in gb:
            d.wait()
        for b in range(K, 2 * K):
            scat(base_o + b * CH, b)
        return 0

    lax.fori_loop(0, NGRP, group, 0)

    last_o = (NGRP - 1) * GRP
    for b in range(2 * K):
        wait_scat(last_o + b * CH, b)

    ox = NGRP * GRP
    pltpu.async_copy(h_hbm.at[src_v.at[pl.ds(ox, REM)]],
                     rows_r.at[0, pl.ds(0, REM)], semg).wait()
    pltpu.async_copy(rows_r.at[0, pl.ds(0, REM)],
                     acc_sh.at[dst_v.at[pl.ds(ox, REM)]], sems,
                     add=True).wait()

    plsc.subcore_barrier()
    pltpu.sync_copy(acc_sh.at[pl.ds(s * RPT, RPT)],
                    out_hbm.at[pl.ds(s * RPT, RPT), pl.ds(col, DH)])
    @pl.when(s == 0)
    def _():
        pltpu.sync_copy(acc_sh.at[pl.ds(NS * RPT, TAIL)],
                        out_hbm.at[pl.ds(NS * RPT, TAIL), pl.ds(col, DH)])


_sc_agg = functools.partial(
    pl.kernel,
    out_type=jax.ShapeDtypeStruct((NN, DD), jnp.float32),
    mesh=plsc.VectorSubcoreMesh(core_axis_name="c", subcore_axis_name="s"),
    compiler_params=pltpu.CompilerParams(use_tc_tiling_on_sc=False),
    scratch_types=[
        pltpu.VMEM((EPW,), jnp.int32),
        pltpu.VMEM((EPW,), jnp.int32),
        pltpu.VMEM((2 * K, CH, DH), jnp.float32),
        pltpu.VMEM_SHARED((NN, DH), jnp.float32),
        pltpu.SemaphoreType.DMA,
        pltpu.SemaphoreType.DMA,
    ],
)(_sc_agg_body)


def _unstack(a):
    return jnp.concatenate([a[:NN], a[NN:]], axis=1)


def _mlp_bn_body(h_ref, a_ref, w1_ref, b1_ref, w2_ref, b2_ref,
                 g_ref, be_ref, o_ref):
    x = _unstack(h_ref[...]) * (1.0 + EPS) + a_ref[...]
    t = jnp.maximum(
        jnp.dot(x, w1_ref[...], preferred_element_type=jnp.float32)
        + b1_ref[...], 0.0)
    y = (jnp.dot(t, w2_ref[...], preferred_element_type=jnp.float32)
         + b2_ref[...])
    mu = jnp.mean(y, axis=0, keepdims=True)
    var = jnp.mean((y - mu) ** 2, axis=0, keepdims=True)
    yn = g_ref[...] * (y - mu) * lax.rsqrt(var + BN_EPS) + be_ref[...]
    yn = jnp.maximum(yn, 0.0)
    o_ref[...] = jnp.concatenate([yn[:, :DH], yn[:, DH:]], axis=0)


def _mlp_final_body(h_ref, a_ref, w1_ref, b1_ref, w2_ref, b2_ref, o_ref):
    x = _unstack(h_ref[...]) * (1.0 + EPS) + a_ref[...]
    t = jnp.maximum(
        jnp.dot(x, w1_ref[...], preferred_element_type=jnp.float32)
        + b1_ref[...], 0.0)
    o_ref[...] = (jnp.dot(t, w2_ref[...], preferred_element_type=jnp.float32)
                  + b2_ref[...])


_mlp_bn = pl.pallas_call(
    _mlp_bn_body,
    out_shape=jax.ShapeDtypeStruct((2 * NN, DH), jnp.float32),
)

_mlp_final = pl.pallas_call(
    _mlp_final_body,
    out_shape=jax.ShapeDtypeStruct((NN, DD), jnp.float32),
)


def kernel(x, edge_index, params):
    src = edge_index[0]
    dst = edge_index[1]
    src2 = jnp.concatenate([src, src + NN])
    zeros = jnp.zeros((NN, DD), jnp.float32)
    h = jnp.concatenate([x[:, :DH], x[:, DH:]], axis=0)
    for i in range(LAYERS):
        W1, b1, W2, b2 = params["convs"][i]
        agg = _sc_agg(h, src2, dst, zeros)
        b1r = b1.reshape(1, DD)
        b2r = b2.reshape(1, DD)
        if i < LAYERS - 1:
            gamma, beta = params["bns"][i]
            h = _mlp_bn(h, agg, W1, b1r, W2, b2r,
                        gamma.reshape(1, DD), beta.reshape(1, DD))
        else:
            h = _mlp_final(h, agg, W1, b1r, W2, b2r)
    return h

# --- scband reference (transcript-rebuilt; emitter-appended) ---
"""Pipeline reference for scband-gin-10651518894404 (READ-ONLY COPY).

The authoritative reference and input builder live on the scoring server;
editing this copy changes nothing except your own understanding.
"""

import jax, jax.numpy as jnp
import numpy as np

N = 10000
E = 320000
D = 128
H = 128
O = 128
NUM_LAYERS = 5
EPS = 0.0
BN_EPS = 1e-5


def _init_linear(key, fan_in, fan_out):
    k1, k2 = jax.random.split(key)
    bound = 1.0 / np.sqrt(fan_in)
    W = jax.random.uniform(k1, (fan_in, fan_out), jnp.float32, -bound, bound)
    b = jax.random.uniform(k2, (fan_out,), jnp.float32, -bound, bound)
    return W, b


def setup_inputs(seed: int = 0) -> dict:
    key = jax.random.key(seed)
    ks = jax.random.split(key, 2 + 2 * NUM_LAYERS)
    x = jax.random.normal(ks[0], (N, D), jnp.float32)
    edge_index = jax.random.randint(ks[1], (2, E), 0, N, jnp.int32)
    convs = []
    dims = [(D, H, H)] + [(H, H, H)] * (NUM_LAYERS - 2) + [(H, H, O)]
    for i, (din, dh, dout) in enumerate(dims):
        W1, b1 = _init_linear(ks[2 + 2 * i], din, dh)
        W2, b2 = _init_linear(ks[3 + 2 * i], dh, dout)
        convs.append((W1, b1, W2, b2))
    bns = [(jnp.ones((H,), jnp.float32), jnp.zeros((H,), jnp.float32)) for _ in range(NUM_LAYERS - 1)]
    params = {"convs": convs, "bns": bns}
    return {"x": x, "edge_index": edge_index, "params": params}


def _gin_conv(h, src, dst, W1, b1, W2, b2):
    msgs = jnp.take(h, src, axis=0)
    agg = jax.ops.segment_sum(msgs, dst, num_segments=N)
    out = (1.0 + EPS) * h + agg
    out = jnp.maximum(out @ W1 + b1, 0.0)
    out = out @ W2 + b2
    return out


def _batch_norm(h, gamma, beta):
    mu = jnp.mean(h, axis=0)
    var = jnp.var(h, axis=0)
    return gamma * (h - mu) / jnp.sqrt(var + BN_EPS) + beta


def reference(x, edge_index, params):
    src = edge_index[0]
    dst = edge_index[1]
    h = x
    for i in range(NUM_LAYERS - 1):
        W1, b1, W2, b2 = params["convs"][i]
        h = _gin_conv(h, src, dst, W1, b1, W2, b2)
        gamma, beta = params["bns"][i]
        h = _batch_norm(h, gamma, beta)
        h = jnp.maximum(h, 0.0)
        # dropout is identity in eval mode
    W1, b1, W2, b2 = params["convs"][NUM_LAYERS - 1]
    h = _gin_conv(h, src, dst, W1, b1, W2, b2)
    return h

if __name__ == "__main__":
    import jax
    _d = setup_inputs()
    print(jax.jit(kernel)(*tuple(_d.values())))

</pallas_src>

<mosaic_0001>
#map = affine_map<(d0, d1) -> (0, 0)>
#map1 = affine_map<(d0, d1) -> (0)>
module attributes {stable_mosaic.version = 14 : i64} {
  func.func @_sc_agg_body(%arg0: i32, %arg1: i32, %arg2: memref<20000x64xf32, #tpu.memory_space<hbm>>, %arg3: memref<640000xi32, #tpu.memory_space<hbm>>, %arg4: memref<320000xi32, #tpu.memory_space<hbm>>, %arg5: memref<10000x128xf32, #tpu.memory_space<hbm>>, %arg6: memref<10000x128xf32, #tpu.memory_space<hbm>>, %arg7: memref<20000xi32, #tpu.memory_space<vmem>>, %arg8: memref<20000xi32, #tpu.memory_space<vmem>>, %arg9: memref<6x128x64xf32, #tpu.memory_space<vmem>>, %arg10: memref<10000x64xf32, #tpu.memory_space<vmem_shared>>, %arg11: memref<!tpu.dma_semaphore, #tpu.memory_space<semaphore_mem>>, %arg12: memref<!tpu.dma_semaphore, #tpu.memory_space<semaphore_mem>>) attributes {dimension_semantics = [#tpu.dimension_semantics<core_parallel>, #tpu.dimension_semantics<subcore_parallel>], iteration_bounds = array<i64: 2, 16>, scalar_prefetch = 0 : i64, scratch_operands = 6 : i64, tpu.core_type = #tpu.core_type<sc_vector_subcore>, window_params = [{transform_indices = #map}, {transform_indices = #map1}, {transform_indices = #map1}, {transform_indices = #map}, {transform_indices = #map}]} {
    %mul3A = arith.constant 64 : i32
    %mul3A_0 = arith.muli %arg0, %mul3A : i32
    %multiple_of3A = tpu.assume_multiple %mul3A_0, 64 : i32
    %mul3A_1 = arith.constant 624 : i32
    %mul3A_2 = arith.muli %arg1, %mul3A_1 : i32
    %mul3A_3 = arith.constant 624 : i32
    %mul3A_4 = arith.muli %arg1, %mul3A_3 : i32
    %dma_start3A = arith.constant 0 : i32
    %dma_start3A_5 = tpu.memref_slice %arg10[%mul3A_4, %dma_start3A] : memref<10000x64xf32, #tpu.memory_space<vmem_shared>> -> memref<624x64xf32, #tpu.memory_space<vmem_shared>>
    %dma_start3A_6 = arith.constant 0 : i32
    %dma_start3A_7 = tpu.memref_slice %arg5[%mul3A_2, %dma_start3A_6] : memref<10000x128xf32, #tpu.memory_space<hbm>> -> memref<624x64xf32, #tpu.memory_space<hbm>>
    tpu.enqueue_dma source(%dma_start3A_7 : memref<624x64xf32, #tpu.memory_space<hbm>>) target(%dma_start3A_5 : memref<624x64xf32, #tpu.memory_space<vmem_shared>>) target_semaphore(%arg11 : memref<!tpu.dma_semaphore, #tpu.memory_space<semaphore_mem>>)
    %mul3A_8 = arith.constant 320000 : i32
    %mul3A_9 = arith.muli %arg0, %mul3A_8 : i32
    %mul3A_10 = arith.constant 20000 : i32
    %mul3A_11 = arith.muli %arg1, %mul3A_10 : i32
    %add3A = arith.addi %mul3A_9, %mul3A_11 : i32
    %dma_start3A_12 = tpu.memref_slice %arg3[%add3A] : memref<640000xi32, #tpu.memory_space<hbm>> -> memref<20000xi32, #tpu.memory_space<hbm>>
    %dma_start3A_13 = tpu.memref_slice %arg3[%add3A] : memref<640000xi32, #tpu.memory_space<hbm>> -> memref<20000xi32, #tpu.memory_space<hbm>>
    tpu.enqueue_dma source(%dma_start3A_13 : memref<20000xi32, #tpu.memory_space<hbm>>) target(%arg7 : memref<20000xi32, #tpu.memory_space<vmem>>) target_semaphore(%arg12 : memref<!tpu.dma_semaphore, #tpu.memory_space<semaphore_mem>>)
    %mul3A_14 = arith.constant 20000 : i32
    %mul3A_15 = arith.muli %arg1, %mul3A_14 : i32
    %dma_start3A_16 = tpu.memref_slice %arg4[%mul3A_15] : memref<320000xi32, #tpu.memory_space<hbm>> -> memref<20000xi32, #tpu.memory_space<hbm>>
    %dma_start3A_17 = tpu.memref_slice %arg4[%mul3A_15] : memref<320000xi32, #tpu.memory_space<hbm>> -> memref<20000xi32, #tpu.memory_space<hbm>>
    tpu.enqueue_dma source(%dma_start3A_17 : memref<20000xi32, #tpu.memory_space<hbm>>) target(%arg8 : memref<20000xi32, #tpu.memory_space<vmem>>) target_semaphore(%arg12 : memref<!tpu.dma_semaphore, #tpu.memory_space<semaphore_mem>>)
    %eq3A = arith.constant 0 : i32
    %eq3A_18 = arith.cmpi eq, %arg1, %eq3A : i32
    %convert_element_type3A = arith.extui %eq3A_18 : i1 to i32
    %cond3A = arith.constant 0 : i32
    %cond3A_19 = arith.cmpi ne, %convert_element_type3A, %cond3A : i32
    scf.if %cond3A_19 {
      "tpu.region"() ({
        %run_scoped3A = tpu.sem_alloc : memref<!tpu.dma_semaphore, #tpu.memory_space<semaphore_mem>>
        %dma_start3A_143 = arith.constant 9984 : i32
        %dma_start3A_144 = arith.constant 0 : i32
        %dma_start3A_145 = tpu.memref_slice %arg10[%dma_start3A_143, %dma_start3A_144] : memref<10000x64xf32, #tpu.memory_space<vmem_shared>> -> memref<16x64xf32, #tpu.memory_space<vmem_shared>>
        %dma_start3A_146 = arith.constant 9984 : i32
        %dma_start3A_147 = arith.constant 0 : i32
        %dma_start3A_148 = tpu.memref_slice %arg5[%dma_start3A_146, %dma_start3A_147] : memref<10000x128xf32, #tpu.memory_space<hbm>> -> memref<16x64xf32, #tpu.memory_space<hbm>>
        tpu.enqueue_dma source(%dma_start3A_148 : memref<16x64xf32, #tpu.memory_space<hbm>>) target(%dma_start3A_145 : memref<16x64xf32, #tpu.memory_space<vmem_shared>>) target_semaphore(%run_scoped3A : memref<!tpu.dma_semaphore, #tpu.memory_space<semaphore_mem>>)
        %dma_wait3A_149 = arith.constant 9984 : i32
        %dma_wait3A_150 = arith.constant 0 : i32
        %dma_wait3A_151 = tpu.memref_slice %arg10[%dma_wait3A_149, %dma_wait3A_150] : memref<10000x64xf32, #tpu.memory_space<vmem_shared>> -> memref<16x64xf32, #tpu.memory_space<vmem_shared>>
        %dma_wait3A_152 = arith.constant 9984 : i32
        %dma_wait3A_153 = arith.constant 0 : i32
        %dma_wait3A_154 = tpu.memref_slice %arg5[%dma_wait3A_152, %dma_wait3A_153] : memref<10000x128xf32, #tpu.memory_space<hbm>> -> memref<16x64xf32, #tpu.memory_space<hbm>>
        tpu.wait_dma2 semaphore(%run_scoped3A : memref<!tpu.dma_semaphore, #tpu.memory_space<semaphore_mem>>) src(%dma_wait3A_154 : memref<16x64xf32, #tpu.memory_space<hbm>>) dst(%dma_wait3A_151 : memref<16x64xf32, #tpu.memory_space<vmem_shared>>)
        tpu.yield
      }) : () -> ()
    } else {
    }
    %dma_wait3A = arith.constant 0 : i32
    %dma_wait3A_20 = tpu.memref_slice %arg10[%mul3A_4, %dma_wait3A] : memref<10000x64xf32, #tpu.memory_space<vmem_shared>> -> memref<624x64xf32, #tpu.memory_space<vmem_shared>>
    %dma_wait3A_21 = arith.constant 0 : i32
    %dma_wait3A_22 = tpu.memref_slice %arg5[%mul3A_2, %dma_wait3A_21] : memref<10000x128xf32, #tpu.memory_space<hbm>> -> memref<624x64xf32, #tpu.memory_space<hbm>>
    tpu.wait_dma2 semaphore(%arg11 : memref<!tpu.dma_semaphore, #tpu.memory_space<semaphore_mem>>) src(%dma_wait3A_22 : memref<624x64xf32, #tpu.memory_space<hbm>>) dst(%dma_wait3A_20 : memref<624x64xf32, #tpu.memory_space<vmem_shared>>)
    %dma_wait3A_23 = tpu.memref_slice %arg3[%add3A] : memref<640000xi32, #tpu.memory_space<hbm>> -> memref<20000xi32, #tpu.memory_space<hbm>>
    %dma_wait3A_24 = tpu.memref_slice %arg3[%add3A] : memref<640000xi32, #tpu.memory_space<hbm>> -> memref<20000xi32, #tpu.memory_space<hbm>>
    tpu.wait_dma2 semaphore(%arg12 : memref<!tpu.dma_semaphore, #tpu.memory_space<semaphore_mem>>) src(%dma_wait3A_24 : memref<20000xi32, #tpu.memory_space<hbm>>) dst(%arg7 : memref<20000xi32, #tpu.memory_space<vmem>>)
    %dma_wait3A_25 = tpu.memref_slice %arg4[%mul3A_15] : memref<320000xi32, #tpu.memory_space<hbm>> -> memref<20000xi32, #tpu.memory_space<hbm>>
    %dma_wait3A_26 = tpu.memref_slice %arg4[%mul3A_15] : memref<320000xi32, #tpu.memory_space<hbm>> -> memref<20000xi32, #tpu.memory_space<hbm>>
    tpu.wait_dma2 semaphore(%arg12 : memref<!tpu.dma_semaphore, #tpu.memory_space<semaphore_mem>>) src(%dma_wait3A_26 : memref<20000xi32, #tpu.memory_space<hbm>>) dst(%arg8 : memref<20000xi32, #tpu.memory_space<vmem>>)
    %barrier3A = arith.constant 0 : index
    tpu.barrier barrier_id(%barrier3A)
    %scan3A = arith.constant 0 : i32
    %scan3A_27 = arith.constant 0 : i32
    %scan3A_28 = arith.constant 26 : i32
    %scan3A_29 = arith.addi %scan3A_27, %scan3A_28 : i32
    %scan3A_30 = arith.constant 1 : i32
    %scan3A_31 = scf.for %scan3A_143 = %scan3A_27 to %scan3A_29 step %scan3A_30 iter_args(%scan3A_144 = %scan3A) -> (i32)  : i32 {
      %mul3A_145 = arith.constant 768 : i32
      %mul3A_146 = arith.muli %scan3A_143, %mul3A_145 : i32
      %multiple_of3A_147 = tpu.assume_multiple %mul3A_146, 768 : i32
      %sub3A = arith.constant 768 : i32
      %sub3A_148 = arith.subi %multiple_of3A_147, %sub3A : i32
      %gt3A = arith.constant 0 : i32
      %gt3A_149 = arith.cmpi sgt, %scan3A_143, %gt3A : i32
      %convert_element_type3A_150 = arith.extui %gt3A_149 : i1 to i32
      %cond3A_151 = arith.constant 0 : i32
      %cond3A_152 = arith.cmpi ne, %convert_element_type3A_150, %cond3A_151 : i32
      scf.if %cond3A_152 {
        %add3A_345 = arith.constant 0 : i32
        %add3A_346 = arith.addi %sub3A_148, %add3A_345 : i32
        %dma_wait3A_347 = arith.constant 0 : i32
        %dma_wait3A_348 = arith.constant 0 : i32
        %dma_wait3A_349 = arith.constant 0 : i32
        %dma_wait3A_350 = tpu.memref_slice %arg9[%dma_wait3A_347, %dma_wait3A_348, %dma_wait3A_349] : memref<6x128x64xf32, #tpu.memory_space<vmem>> -> memref<1x128x64xf32, #tpu.memory_space<vmem>>
        %dma_wait3A_351 = tpu.memref_squeeze %dma_wait3A_350 : memref<1x128x64xf32, #tpu.memory_space<vmem>> -> memref<128x64xf32, #tpu.memory_space<vmem>>
        %dma_wait3A_352 = tpu.memref_slice %arg8[%add3A_346] : memref<20000xi32, #tpu.memory_space<vmem>> -> memref<128xi32, #tpu.memory_space<vmem>>
        %dma_wait3A_353 = arith.constant 0 : i32
        %dma_wait3A_354 = arith.constant 0 : i32
        %dma_wait3A_355 = tpu.memref_slice %arg10[%dma_wait3A_353, %dma_wait3A_354] : memref<10000x64xf32, #tpu.memory_space<vmem_shared>> -> memref<10000x64xf32, #tpu.memory_space<vmem_shared>>
        tpu.wait_indirect_dma semaphore(%arg12 : memref<!tpu.dma_semaphore, #tpu.memory_space<semaphore_mem>>) src(%dma_wait3A_351 : memref<128x64xf32, #tpu.memory_space<vmem>>) dst(%dma_wait3A_355 : memref<10000x64xf32, #tpu.memory_space<vmem_shared>>)
        %add3A_356 = arith.constant 128 : i32
        %add3A_357 = arith.addi %sub3A_148, %add3A_356 : i32
        %dma_wait3A_358 = arith.constant 1 : i32
        %dma_wait3A_359 = arith.constant 0 : i32
        %dma_wait3A_360 = arith.constant 0 : i32
        %dma_wait3A_361 = tpu.memref_slice %arg9[%dma_wait3A_358, %dma_wait3A_359, %dma_wait3A_360] : memref<6x128x64xf32, #tpu.memory_space<vmem>> -> memref<1x128x64xf32, #tpu.memory_space<vmem>>
        %dma_wait3A_362 = tpu.memref_squeeze %dma_wait3A_361 : memref<1x128x64xf32, #tpu.memory_space<vmem>> -> memref<128x64xf32, #tpu.memory_space<vmem>>
        %dma_wait3A_363 = tpu.memref_slice %arg8[%add3A_357] : memref<20000xi32, #tpu.memory_space<vmem>> -> memref<128xi32, #tpu.memory_space<vmem>>
        %dma_wait3A_364 = arith.constant 0 : i32
        %dma_wait3A_365 = arith.constant 0 : i32
        %dma_wait3A_366 = tpu.memref_slice %arg10[%dma_wait3A_364, %dma_wait3A_365] : memref<10000x64xf32, #tpu.memory_space<vmem_shared>> -> memref<10000x64xf32, #tpu.memory_space<vmem_shared>>
        tpu.wait_indirect_dma semaphore(%arg12 : memref<!tpu.dma_semaphore, #tpu.memory_space<semaphore_mem>>) src(%dma_wait3A_362 : memref<128x64xf32, #tpu.memory_space<vmem>>) dst(%dma_wait3A_366 : memref<10000x64xf32, #tpu.memory_space<vmem_shared>>)
        %add3A_367 = arith.constant 256 : i32
        %add3A_368 = arith.addi %sub3A_148, %add3A_367 : i32
        %dma_wait3A_369 = arith.constant 2 : i32
        %dma_wait3A_370 = arith.constant 0 : i32
        %dma_wait3A_371 = arith.constant 0 : i32
        %dma_wait3A_372 = tpu.memref_slice %arg9[%dma_wait3A_369, %dma_wait3A_370, %dma_wait3A_371] : memref<6x128x64xf32, #tpu.memory_space<vmem>> -> memref<1x128x64xf32, #tpu.memory_space<vmem>>
        %dma_wait3A_373 = tpu.memref_squeeze %dma_wait3A_372 : memref<1x128x64xf32, #tpu.memory_space<vmem>> -> memref<128x64xf32, #tpu.memory_space<vmem>>
        %dma_wait3A_374 = tpu.memref_slice %arg8[%add3A_368] : memref<20000xi32, #tpu.memory_space<vmem>> -> memref<128xi32, #tpu.memory_space<vmem>>
        %dma_wait3A_375 = arith.constant 0 : i32
        %dma_wait3A_376 = arith.constant 0 : i32
        %dma_wait3A_377 = tpu.memref_slice %arg10[%dma_wait3A_375, %dma_wait3A_376] : memref<10000x64xf32, #tpu.memory_space<vmem_shared>> -> memref<10000x64xf32, #tpu.memory_space<vmem_shared>>
        tpu.wait_indirect_dma semaphore(%arg12 : memref<!tpu.dma_semaphore, #tpu.memory_space<semaphore_mem>>) src(%dma_wait3A_373 : memref<128x64xf32, #tpu.memory_space<vmem>>) dst(%dma_wait3A_377 : memref<10000x64xf32, #tpu.memory_space<vmem_shared>>)
      } else {
      }
      %add3A_153 = arith.constant 0 : i32
      %add3A_154 = arith.addi %multiple_of3A_147, %add3A_153 : i32
      %dma_start3A_155 = arith.constant 0 : i32
      %dma_start3A_156 = arith.constant 0 : i32
      %dma_start3A_157 = arith.constant 0 : i32
      %dma_start3A_158 = tpu.memref_slice %arg9[%dma_start3A_155, %dma_start3A_156, %dma_start3A_157] : memref<6x128x64xf32, #tpu.memory_space<vmem>> -> memref<1x128x64xf32, #tpu.memory_space<vmem>>
      %dma_start3A_159 = tpu.memref_squeeze %dma_start3A_158 : memref<1x128x64xf32, #tpu.memory_space<vmem>> -> memref<128x64xf32, #tpu.memory_space<vmem>>
      %dma_start3A_160 = tpu.memref_slice %arg7[%add3A_154] : memref<20000xi32, #tpu.memory_space<vmem>> -> memref<128xi32, #tpu.memory_space<vmem>>
      %dma_start3A_161 = arith.constant 0 : i32
      %dma_start3A_162 = arith.constant 0 : i32
      %dma_start3A_163 = tpu.memref_slice %arg2[%dma_start3A_161, %dma_start3A_162] : memref<20000x64xf32, #tpu.memory_space<hbm>> -> memref<20000x64xf32, #tpu.memory_space<hbm>>
      tpu.enqueue_indirect_dma source(%dma_start3A_163 : memref<20000x64xf32, #tpu.memory_space<hbm>>) target(%dma_start3A_159 : memref<128x64xf32, #tpu.memory_space<vmem>>) offsets(%dma_start3A_160 : memref<128xi32, #tpu.memory_space<vmem>>) semaphore(%arg11 : memref<!tpu.dma_semaphore, #tpu.memory_space<semaphore_mem>>)
      %add3A_164 = arith.constant 128 : i32
      %add3A_165 = arith.addi %multiple_of3A_147, %add3A_164 : i32
      %dma_start3A_166 = arith.constant 1 : i32
      %dma_start3A_167 = arith.constant 0 : i32
      %dma_start3A_168 = arith.constant 0 : i32
      %dma_start3A_169 = tpu.memref_slice %arg9[%dma_start3A_166, %dma_start3A_167, %dma_start3A_168] : memref<6x128x64xf32, #tpu.memory_space<vmem>> -> memref<1x128x64xf32, #tpu.memory_space<vmem>>
      %dma_start3A_170 = tpu.memref_squeeze %dma_start3A_169 : memref<1x128x64xf32, #tpu.memory_space<vmem>> -> memref<128x64xf32, #tpu.memory_space<vmem>>
      %dma_start3A_171 = tpu.memref_slice %arg7[%add3A_165] : memref<20000xi32, #tpu.memory_space<vmem>> -> memref<128xi32, #tpu.memory_space<vmem>>
      %dma_start3A_172 = arith.constant 0 : i32
      %dma_start3A_173 = arith.constant 0 : i32
      %dma_start3A_174 = tpu.memref_slice %arg2[%dma_start3A_172, %dma_start3A_173] : memref<20000x64xf32, #tpu.memory_space<hbm>> -> memref<20000x64xf32, #tpu.memory_space<hbm>>
      tpu.enqueue_indirect_dma source(%dma_start3A_174 : memref<20000x64xf32, #tpu.memory_space<hbm>>) target(%dma_start3A_170 : memref<128x64xf32, #tpu.memory_space<vmem>>) offsets(%dma_start3A_171 : memref<128xi32, #tpu.memory_space<vmem>>) semaphore(%arg11 : memref<!tpu.dma_semaphore, #tpu.memory_space<semaphore_mem>>)
      %add3A_175 = arith.constant 256 : i32
      %add3A_176 = arith.addi %multiple_of3A_147, %add3A_175 : i32
      %dma_start3A_177 = arith.constant 2 : i32
      %dma_start3A_178 = arith.constant 0 : i32
      %dma_start3A_179 = arith.constant 0 : i32
      %dma_start3A_180 = tpu.memref_slice %arg9[%dma_start3A_177, %dma_start3A_178, %dma_start3A_179] : memref<6x128x64xf32, #tpu.memory_space<vmem>> -> memref<1x128x64xf32, #tpu.memory_space<vmem>>
      %dma_start3A_181 = tpu.memref_squeeze %dma_start3A_180 : memref<1x128x64xf32, #tpu.memory_space<vmem>> -> memref<128x64xf32, #tpu.memory_space<vmem>>
      %dma_start3A_182 = tpu.memref_slice %arg7[%add3A_176] : memref<20000xi32, #tpu.memory_space<vmem>> -> memref<128xi32, #tpu.memory_space<vmem>>
      %dma_start3A_183 = arith.constant 0 : i32
      %dma_start3A_184 = arith.constant 0 : i32
      %dma_start3A_185 = tpu.memref_slice %arg2[%dma_start3A_183, %dma_start3A_184] : memref<20000x64xf32, #tpu.memory_space<hbm>> -> memref<20000x64xf32, #tpu.memory_space<hbm>>
      tpu.enqueue_indirect_dma source(%dma_start3A_185 : memref<20000x64xf32, #tpu.memory_space<hbm>>) target(%dma_start3A_181 : memref<128x64xf32, #tpu.memory_space<vmem>>) offsets(%dma_start3A_182 : memref<128xi32, #tpu.memory_space<vmem>>) semaphore(%arg11 : memref<!tpu.dma_semaphore, #tpu.memory_space<semaphore_mem>>)
      %dma_wait3A_186 = arith.constant 0 : i32
      %dma_wait3A_187 = arith.constant 0 : i32
      %dma_wait3A_188 = arith.constant 0 : i32
      %dma_wait3A_189 = tpu.memref_slice %arg9[%dma_wait3A_186, %dma_wait3A_187, %dma_wait3A_188] : memref<6x128x64xf32, #tpu.memory_space<vmem>> -> memref<1x128x64xf32, #tpu.memory_space<vmem>>
      %dma_wait3A_190 = tpu.memref_squeeze %dma_wait3A_189 : memref<1x128x64xf32, #tpu.memory_space<vmem>> -> memref<128x64xf32, #tpu.memory_space<vmem>>
      %dma_wait3A_191 = tpu.memref_slice %arg7[%add3A_154] : memref<20000xi32, #tpu.memory_space<vmem>> -> memref<128xi32, #tpu.memory_space<vmem>>
      %dma_wait3A_192 = arith.constant 0 : i32
      %dma_wait3A_193 = arith.constant 0 : i32
      %dma_wait3A_194 = tpu.memref_slice %arg2[%dma_wait3A_192, %dma_wait3A_193] : memref<20000x64xf32, #tpu.memory_space<hbm>> -> memref<20000x64xf32, #tpu.memory_space<hbm>>
      tpu.wait_indirect_dma semaphore(%arg11 : memref<!tpu.dma_semaphore, #tpu.memory_space<semaphore_mem>>) src(%dma_wait3A_194 : memref<20000x64xf32, #tpu.memory_space<hbm>>) dst(%dma_wait3A_190 : memref<128x64xf32, #tpu.memory_space<vmem>>)
      %dma_wait3A_195 = arith.constant 1 : i32
      %dma_wait3A_196 = arith.constant 0 : i32
      %dma_wait3A_197 = arith.constant 0 : i32
      %dma_wait3A_198 = tpu.memref_slice %arg9[%dma_wait3A_195, %dma_wait3A_196, %dma_wait3A_197] : memref<6x128x64xf32, #tpu.memory_space<vmem>> -> memref<1x128x64xf32, #tpu.memory_space<vmem>>
      %dma_wait3A_199 = tpu.memref_squeeze %dma_wait3A_198 : memref<1x128x64xf32, #tpu.memory_space<vmem>> -> memref<128x64xf32, #tpu.memory_space<vmem>>
      %dma_wait3A_200 = tpu.memref_slice %arg7[%add3A_165] : memref<20000xi32, #tpu.memory_space<vmem>> -> memref<128xi32, #tpu.memory_space<vmem>>
      %dma_wait3A_201 = arith.constant 0 : i32
      %dma_wait3A_202 = arith.constant 0 : i32
      %dma_wait3A_203 = tpu.memref_slice %arg2[%dma_wait3A_201, %dma_wait3A_202] : memref<20000x64xf32, #tpu.memory_space<hbm>> -> memref<20000x64xf32, #tpu.memory_space<hbm>>
      tpu.wait_indirect_dma semaphore(%arg11 : memref<!tpu.dma_semaphore, #tpu.memory_space<semaphore_mem>>) src(%dma_wait3A_203 : memref<20000x64xf32, #tpu.memory_space<hbm>>) dst(%dma_wait3A_199 : memref<128x64xf32, #tpu.memory_space<vmem>>)
      %dma_wait3A_204 = arith.constant 2 : i32
      %dma_wait3A_205 = arith.constant 0 : i32
      %dma_wait3A_206 = arith.constant 0 : i32
      %dma_wait3A_207 = tpu.memref_slice %arg9[%dma_wait3A_204, %dma_wait3A_205, %dma_wait3A_206] : memref<6x128x64xf32, #tpu.memory_space<vmem>> -> memref<1x128x64xf32, #tpu.memory_space<vmem>>
      %dma_wait3A_208 = tpu.memref_squeeze %dma_wait3A_207 : memref<1x128x64xf32, #tpu.memory_space<vmem>> -> memref<128x64xf32, #tpu.memory_space<vmem>>
      %dma_wait3A_209 = tpu.memref_slice %arg7[%add3A_176] : memref<20000xi32, #tpu.memory_space<vmem>> -> memref<128xi32, #tpu.memory_space<vmem>>
      %dma_wait3A_210 = arith.constant 0 : i32
      %dma_wait3A_211 = arith.constant 0 : i32
      %dma_wait3A_212 = tpu.memref_slice %arg2[%dma_wait3A_210, %dma_wait3A_211] : memref<20000x64xf32, #tpu.memory_space<hbm>> -> memref<20000x64xf32, #tpu.memory_space<hbm>>
      tpu.wait_indirect_dma semaphore(%arg11 : memref<!tpu.dma_semaphore, #tpu.memory_space<semaphore_mem>>) src(%dma_wait3A_212 : memref<20000x64xf32, #tpu.memory_space<hbm>>) dst(%dma_wait3A_208 : memref<128x64xf32, #tpu.memory_space<vmem>>)
      %gt3A_213 = arith.constant 0 : i32
      %gt3A_214 = arith.cmpi sgt, %scan3A_143, %gt3A_213 : i32
      %convert_element_type3A_215 = arith.extui %gt3A_214 : i1 to i32
      %cond3A_216 = arith.constant 0 : i32
      %cond3A_217 = arith.cmpi ne, %convert_element_type3A_215, %cond3A_216 : i32
      scf.if %cond3A_217 {
        %add3A_345 = arith.constant 384 : i32
        %add3A_346 = arith.addi %sub3A_148, %add3A_345 : i32
        %dma_wait3A_347 = arith.constant 3 : i32
        %dma_wait3A_348 = arith.constant 0 : i32
        %dma_wait3A_349 = arith.constant 0 : i32
        %dma_wait3A_350 = tpu.memref_slice %arg9[%dma_wait3A_347, %dma_wait3A_348, %dma_wait3A_349] : memref<6x128x64xf32, #tpu.memory_space<vmem>> -> memref<1x128x64xf32, #tpu.memory_space<vmem>>
        %dma_wait3A_351 = tpu.memref_squeeze %dma_wait3A_350 : memref<1x128x64xf32, #tpu.memory_space<vmem>> -> memref<128x64xf32, #tpu.memory_space<vmem>>
        %dma_wait3A_352 = tpu.memref_slice %arg8[%add3A_346] : memref<20000xi32, #tpu.memory_space<vmem>> -> memref<128xi32, #tpu.memory_space<vmem>>
        %dma_wait3A_353 = arith.constant 0 : i32
        %dma_wait3A_354 = arith.constant 0 : i32
        %dma_wait3A_355 = tpu.memref_slice %arg10[%dma_wait3A_353, %dma_wait3A_354] : memref<10000x64xf32, #tpu.memory_space<vmem_shared>> -> memref<10000x64xf32, #tpu.memory_space<vmem_shared>>
        tpu.wait_indirect_dma semaphore(%arg12 : memref<!tpu.dma_semaphore, #tpu.memory_space<semaphore_mem>>) src(%dma_wait3A_351 : memref<128x64xf32, #tpu.memory_space<vmem>>) dst(%dma_wait3A_355 : memref<10000x64xf32, #tpu.memory_space<vmem_shared>>)
        %add3A_356 = arith.constant 512 : i32
        %add3A_357 = arith.addi %sub3A_148, %add3A_356 : i32
        %dma_wait3A_358 = arith.constant 4 : i32
        %dma_wait3A_359 = arith.constant 0 : i32
        %dma_wait3A_360 = arith.constant 0 : i32
        %dma_wait3A_361 = tpu.memref_slice %arg9[%dma_wait3A_358, %dma_wait3A_359, %dma_wait3A_360] : memref<6x128x64xf32, #tpu.memory_space<vmem>> -> memref<1x128x64xf32, #tpu.memory_space<vmem>>
        %dma_wait3A_362 = tpu.memref_squeeze %dma_wait3A_361 : memref<1x128x64xf32, #tpu.memory_space<vmem>> -> memref<128x64xf32, #tpu.memory_space<vmem>>
        %dma_wait3A_363 = tpu.memref_slice %arg8[%add3A_357] : memref<20000xi32, #tpu.memory_space<vmem>> -> memref<128xi32, #tpu.memory_space<vmem>>
        %dma_wait3A_364 = arith.constant 0 : i32
        %dma_wait3A_365 = arith.constant 0 : i32
        %dma_wait3A_366 = tpu.memref_slice %arg10[%dma_wait3A_364, %dma_wait3A_365] : memref<10000x64xf32, #tpu.memory_space<vmem_shared>> -> memref<10000x64xf32, #tpu.memory_space<vmem_shared>>
        tpu.wait_indirect_dma semaphore(%arg12 : memref<!tpu.dma_semaphore, #tpu.memory_space<semaphore_mem>>) src(%dma_wait3A_362 : memref<128x64xf32, #tpu.memory_space<vmem>>) dst(%dma_wait3A_366 : memref<10000x64xf32, #tpu.memory_space<vmem_shared>>)
        %add3A_367 = arith.constant 640 : i32
        %add3A_368 = arith.addi %sub3A_148, %add3A_367 : i32
        %dma_wait3A_369 = arith.constant 5 : i32
        %dma_wait3A_370 = arith.constant 0 : i32
        %dma_wait3A_371 = arith.constant 0 : i32
        %dma_wait3A_372 = tpu.memref_slice %arg9[%dma_wait3A_369, %dma_wait3A_370, %dma_wait3A_371] : memref<6x128x64xf32, #tpu.memory_space<vmem>> -> memref<1x128x64xf32, #tpu.memory_space<vmem>>
        %dma_wait3A_373 = tpu.memref_squeeze %dma_wait3A_372 : memref<1x128x64xf32, #tpu.memory_space<vmem>> -> memref<128x64xf32, #tpu.memory_space<vmem>>
        %dma_wait3A_374 = tpu.memref_slice %arg8[%add3A_368] : memref<20000xi32, #tpu.memory_space<vmem>> -> memref<128xi32, #tpu.memory_space<vmem>>
        %dma_wait3A_375 = arith.constant 0 : i32
        %dma_wait3A_376 = arith.constant 0 : i32
        %dma_wait3A_377 = tpu.memref_slice %arg10[%dma_wait3A_375, %dma_wait3A_376] : memref<10000x64xf32, #tpu.memory_space<vmem_shared>> -> memref<10000x64xf32, #tpu.memory_space<vmem_shared>>
        tpu.wait_indirect_dma semaphore(%arg12 : memref<!tpu.dma_semaphore, #tpu.memory_space<semaphore_mem>>) src(%dma_wait3A_373 : memref<128x64xf32, #tpu.memory_space<vmem>>) dst(%dma_wait3A_377 : memref<10000x64xf32, #tpu.memory_space<vmem_shared>>)
      } else {
      }
      %add3A_218 = arith.constant 0 : i32
      %add3A_219 = arith.addi %multiple_of3A_147, %add3A_218 : i32
      %dma_start3A_220 = arith.constant 0 : i32
      %dma_start3A_221 = arith.constant 0 : i32
      %dma_start3A_222 = arith.constant 0 : i32
      %dma_start3A_223 = tpu.memref_slice %arg9[%dma_start3A_220, %dma_start3A_221, %dma_start3A_222] : memref<6x128x64xf32, #tpu.memory_space<vmem>> -> memref<1x128x64xf32, #tpu.memory_space<vmem>>
      %dma_start3A_224 = tpu.memref_squeeze %dma_start3A_223 : memref<1x128x64xf32, #tpu.memory_space<vmem>> -> memref<128x64xf32, #tpu.memory_space<vmem>>
      %dma_start3A_225 = tpu.memref_slice %arg8[%add3A_219] : memref<20000xi32, #tpu.memory_space<vmem>> -> memref<128xi32, #tpu.memory_space<vmem>>
      %dma_start3A_226 = arith.constant 0 : i32
      %dma_start3A_227 = arith.constant 0 : i32
      %dma_start3A_228 = tpu.memref_slice %arg10[%dma_start3A_226, %dma_start3A_227] : memref<10000x64xf32, #tpu.memory_space<vmem_shared>> -> memref<10000x64xf32, #tpu.memory_space<vmem_shared>>
      tpu.enqueue_indirect_dma source(%dma_start3A_224 : memref<128x64xf32, #tpu.memory_space<vmem>>) target(%dma_start3A_228 : memref<10000x64xf32, #tpu.memory_space<vmem_shared>>) offsets(%dma_start3A_225 : memref<128xi32, #tpu.memory_space<vmem>>) semaphore(%arg12 : memref<!tpu.dma_semaphore, #tpu.memory_space<semaphore_mem>>) {add = true}
      %add3A_229 = arith.constant 128 : i32
      %add3A_230 = arith.addi %multiple_of3A_147, %add3A_229 : i32
      %dma_start3A_231 = arith.constant 1 : i32
      %dma_start3A_232 = arith.constant 0 : i32
      %dma_start3A_233 = arith.constant 0 : i32
      %dma_start3A_234 = tpu.memref_slice %arg9[%dma_start3A_231, %dma_start3A_232, %dma_start3A_233] : memref<6x128x64xf32, #tpu.memory_space<vmem>> -> memref<1x128x64xf32, #tpu.memory_space<vmem>>
      %dma_start3A_235 = tpu.memref_squeeze %dma_start3A_234 : memref<1x128x64xf32, #tpu.memory_space<vmem>> -> memref<128x64xf32, #tpu.memory_space<vmem>>
      %dma_start3A_236 = tpu.memref_slice %arg8[%add3A_230] : memref<20000xi32, #tpu.memory_space<vmem>> -> memref<128xi32, #tpu.memory_space<vmem>>
      %dma_start3A_237 = arith.constant 0 : i32
      %dma_start3A_238 = arith.constant 0 : i32
      %dma_start3A_239 = tpu.memref_slice %arg10[%dma_start3A_237, %dma_start3A_238] : memref<10000x64xf32, #tpu.memory_space<vmem_shared>> -> memref<10000x64xf32, #tpu.memory_space<vmem_shared>>
      tpu.enqueue_indirect_dma source(%dma_start3A_235 : memref<128x64xf32, #tpu.memory_space<vmem>>) target(%dma_start3A_239 : memref<10000x64xf32, #tpu.memory_space<vmem_shared>>) offsets(%dma_start3A_236 : memref<128xi32, #tpu.memory_space<vmem>>) semaphore(%arg12 : memref<!tpu.dma_semaphore, #tpu.memory_space<semaphore_mem>>) {add = true}
      %add3A_240 = arith.constant 256 : i32
      %add3A_241 = arith.addi %multiple_of3A_147, %add3A_240 : i32
      %dma_start3A_242 = arith.constant 2 : i32
      %dma_start3A_243 = arith.constant 0 : i32
      %dma_start3A_244 = arith.constant 0 : i32
      %dma_start3A_245 = tpu.memref_slice %arg9[%dma_start3A_242, %dma_start3A_243, %dma_start3A_244] : memref<6x128x64xf32, #tpu.memory_space<vmem>> -> memref<1x128x64xf32, #tpu.memory_space<vmem>>
      %dma_start3A_246 = tpu.memref_squeeze %dma_start3A_245 : memref<1x128x64xf32, #tpu.memory_space<vmem>> -> memref<128x64xf32, #tpu.memory_space<vmem>>
      %dma_start3A_247 = tpu.memref_slice %arg8[%add3A_241] : memref<20000xi32, #tpu.memory_space<vmem>> -> memref<128xi32, #tpu.memory_space<vmem>>
      %dma_start3A_248 = arith.constant 0 : i32
      %dma_start3A_249 = arith.constant 0 : i32
      %dma_start3A_250 = tpu.memref_slice %arg10[%dma_start3A_248, %dma_start3A_249] : memref<10000x64xf32, #tpu.memory_space<vmem_shared>> -> memref<10000x64xf32, #tpu.memory_space<vmem_shared>>
      tpu.enqueue_indirect_dma source(%dma_start3A_246 : memref<128x64xf32, #tpu.memory_space<vmem>>) target(%dma_start3A_250 : memref<10000x64xf32, #tpu.memory_space<vmem_shared>>) offsets(%dma_start3A_247 : memref<128xi32, #tpu.memory_space<vmem>>) semaphore(%arg12 : memref<!tpu.dma_semaphore, #tpu.memory_space<semaphore_mem>>) {add = true}
      %add3A_251 = arith.constant 384 : i32
      %add3A_252 = arith.addi %multiple_of3A_147, %add3A_251 : i32
      %dma_start3A_253 = arith.constant 3 : i32
      %dma_start3A_254 = arith.constant 0 : i32
      %dma_start3A_255 = arith.constant 0 : i32
      %dma_start3A_256 = tpu.memref_slice %arg9[%dma_start3A_253, %dma_start3A_254, %dma_start3A_255] : memref<6x128x64xf32, #tpu.memory_space<vmem>> -> memref<1x128x64xf32, #tpu.memory_space<vmem>>
      %dma_start3A_257 = tpu.memref_squeeze %dma_start3A_256 : memref<1x128x64xf32, #tpu.memory_space<vmem>> -> memref<128x64xf32, #tpu.memory_space<vmem>>
      %dma_start3A_258 = tpu.memref_slice %arg7[%add3A_252] : memref<20000xi32, #tpu.memory_space<vmem>> -> memref<128xi32, #tpu.memory_space<vmem>>
      %dma_start3A_259 = arith.constant 0 : i32
      %dma_start3A_260 = arith.constant 0 : i32
      %dma_start3A_261 = tpu.memref_slice %arg2[%dma_start3A_259, %dma_start3A_260] : memref<20000x64xf32, #tpu.memory_space<hbm>> -> memref<20000x64xf32, #tpu.memory_space<hbm>>
      tpu.enqueue_indirect_dma source(%dma_start3A_261 : memref<20000x64xf32, #tpu.memory_space<hbm>>) target(%dma_start3A_257 : memref<128x64xf32, #tpu.memory_space<vmem>>) offsets(%dma_start3A_258 : memref<128xi32, #tpu.memory_space<vmem>>) semaphore(%arg11 : memref<!tpu.dma_semaphore, #tpu.memory_space<semaphore_mem>>)
      %add3A_262 = arith.constant 512 : i32
      %add3A_263 = arith.addi %multiple_of3A_147, %add3A_262 : i32
      %dma_start3A_264 = arith.constant 4 : i32
      %dma_start3A_265 = arith.constant 0 : i32
      %dma_start3A_266 = arith.constant 0 : i32
      %dma_start3A_267 = tpu.memref_slice %arg9[%dma_start3A_264, %dma_start3A_265, %dma_start3A_266] : memref<6x128x64xf32, #tpu.memory_space<vmem>> -> memref<1x128x64xf32, #tpu.memory_space<vmem>>
      %dma_start3A_268 = tpu.memref_squeeze %dma_start3A_267 : memref<1x128x64xf32, #tpu.memory_space<vmem>> -> memref<128x64xf32, #tpu.memory_space<vmem>>
      %dma_start3A_269 = tpu.memref_slice %arg7[%add3A_263] : memref<20000xi32, #tpu.memory_space<vmem>> -> memref<128xi32, #tpu.memory_space<vmem>>
      %dma_start3A_270 = arith.constant 0 : i32
      %dma_start3A_271 = arith.constant 0 : i32
      %dma_start3A_272 = tpu.memref_slice %arg2[%dma_start3A_270, %dma_start3A_271] : memref<20000x64xf32, #tpu.memory_space<hbm>> -> memref<20000x64xf32, #tpu.memory_space<hbm>>
      tpu.enqueue_indirect_dma source(%dma_start3A_272 : memref<20000x64xf32, #tpu.memory_space<hbm>>) target(%dma_start3A_268 : memref<128x64xf32, #tpu.memory_space<vmem>>) offsets(%dma_start3A_269 : memref<128xi32, #tpu.memory_space<vmem>>) semaphore(%arg11 : memref<!tpu.dma_semaphore, #tpu.memory_space<semaphore_mem>>)
      %add3A_273 = arith.constant 640 : i32
      %add3A_274 = arith.addi %multiple_of3A_147, %add3A_273 : i32
      %dma_start3A_275 = arith.constant 5 : i32
      %dma_start3A_276 = arith.constant 0 : i32
      %dma_start3A_277 = arith.constant 0 : i32
      %dma_start3A_278 = tpu.memref_slice %arg9[%dma_start3A_275, %dma_start3A_276, %dma_start3A_277] : memref<6x128x64xf32, #tpu.memory_space<vmem>> -> memref<1x128x64xf32, #tpu.memory_space<vmem>>
      %dma_start3A_279 = tpu.memref_squeeze %dma_start3A_278 : memref<1x128x64xf32, #tpu.memory_space<vmem>> -> memref<128x64xf32, #tpu.memory_space<vmem>>
      %dma_start3A_280 = tpu.memref_slice %arg7[%add3A_274] : memref<20000xi32, #tpu.memory_space<vmem>> -> memref<128xi32, #tpu.memory_space<vmem>>
      %dma_start3A_281 = arith.constant 0 : i32
      %dma_start3A_282 = arith.constant 0 : i32
      %dma_start3A_283 = tpu.memref_slice %arg2[%dma_start3A_281, %dma_start3A_282] : memref<20000x64xf32, #tpu.memory_space<hbm>> -> memref<20000x64xf32, #tpu.memory_space<hbm>>
      tpu.enqueue_indirect_dma source(%dma_start3A_283 : memref<20000x64xf32, #tpu.memory_space<hbm>>) target(%dma_start3A_279 : memref<128x64xf32, #tpu.memory_space<vmem>>) offsets(%dma_start3A_280 : memref<128xi32, #tpu.memory_space<vmem>>) semaphore(%arg11 : memref<!tpu.dma_semaphore, #tpu.memory_space<semaphore_mem>>)
      %dma_wait3A_284 = arith.constant 3 : i32
      %dma_wait3A_285 = arith.constant 0 : i32
      %dma_wait3A_286 = arith.constant 0 : i32
      %dma_wait3A_287 = tpu.memref_slice %arg9[%dma_wait3A_284, %dma_wait3A_285, %dma_wait3A_286] : memref<6x128x64xf32, #tpu.memory_space<vmem>> -> memref<1x128x64xf32, #tpu.memory_space<vmem>>
      %dma_wait3A_288 = tpu.memref_squeeze %dma_wait3A_287 : memref<1x128x64xf32, #tpu.memory_space<vmem>> -> memref<128x64xf32, #tpu.memory_space<vmem>>
      %dma_wait3A_289 = tpu.memref_slice %arg7[%add3A_252] : memref<20000xi32, #tpu.memory_space<vmem>> -> memref<128xi32, #tpu.memory_space<vmem>>
      %dma_wait3A_290 = arith.constant 0 : i32
      %dma_wait3A_291 = arith.constant 0 : i32
      %dma_wait3A_292 = tpu.memref_slice %arg2[%dma_wait3A_290, %dma_wait3A_291] : memref<20000x64xf32, #tpu.memory_space<hbm>> -> memref<20000x64xf32, #tpu.memory_space<hbm>>
      tpu.wait_indirect_dma semaphore(%arg11 : memref<!tpu.dma_semaphore, #tpu.memory_space<semaphore_mem>>) src(%dma_wait3A_292 : memref<20000x64xf32, #tpu.memory_space<hbm>>) dst(%dma_wait3A_288 : memref<128x64xf32, #tpu.memory_space<vmem>>)
      %dma_wait3A_293 = arith.constant 4 : i32
      %dma_wait3A_294 = arith.constant 0 : i32
      %dma_wait3A_295 = arith.constant 0 : i32
      %dma_wait3A_296 = tpu.memref_slice %arg9[%dma_wait3A_293, %dma_wait3A_294, %dma_wait3A_295] : memref<6x128x64xf32, #tpu.memory_space<vmem>> -> memref<1x128x64xf32, #tpu.memory_space<vmem>>
      %dma_wait3A_297 = tpu.memref_squeeze %dma_wait3A_296 : memref<1x128x64xf32, #tpu.memory_space<vmem>> -> memref<128x64xf32, #tpu.memory_space<vmem>>
      %dma_wait3A_298 = tpu.memref_slice %arg7[%add3A_263] : memref<20000xi32, #tpu.memory_space<vmem>> -> memref<128xi32, #tpu.memory_space<vmem>>
      %dma_wait3A_299 = arith.constant 0 : i32
      %dma_wait3A_300 = arith.constant 0 : i32
      %dma_wait3A_301 = tpu.memref_slice %arg2[%dma_wait3A_299, %dma_wait3A_300] : memref<20000x64xf32, #tpu.memory_space<hbm>> -> memref<20000x64xf32, #tpu.memory_space<hbm>>
      tpu.wait_indirect_dma semaphore(%arg11 : memref<!tpu.dma_semaphore, #tpu.memory_space<semaphore_mem>>) src(%dma_wait3A_301 : memref<20000x64xf32, #tpu.memory_space<hbm>>) dst(%dma_wait3A_297 : memref<128x64xf32, #tpu.memory_space<vmem>>)
      %dma_wait3A_302 = arith.constant 5 : i32
      %dma_wait3A_303 = arith.constant 0 : i32
      %dma_wait3A_304 = arith.constant 0 : i32
      %dma_wait3A_305 = tpu.memref_slice %arg9[%dma_wait3A_302, %dma_wait3A_303, %dma_wait3A_304] : memref<6x128x64xf32, #tpu.memory_space<vmem>> -> memref<1x128x64xf32, #tpu.memory_space<vmem>>
      %dma_wait3A_306 = tpu.memref_squeeze %dma_wait3A_305 : memref<1x128x64xf32, #tpu.memory_space<vmem>> -> memref<128x64xf32, #tpu.memory_space<vmem>>
      %dma_wait3A_307 = tpu.memref_slice %arg7[%add3A_274] : memref<20000xi32, #tpu.memory_space<vmem>> -> memref<128xi32, #tpu.memory_space<vmem>>
      %dma_wait3A_308 = arith.constant 0 : i32
      %dma_wait3A_309 = arith.constant 0 : i32
      %dma_wait3A_310 = tpu.memref_slice %arg2[%dma_wait3A_308, %dma_wait3A_309] : memref<20000x64xf32, #tpu.memory_space<hbm>> -> memref<20000x64xf32, #tpu.memory_space<hbm>>
      tpu.wait_indirect_dma semaphore(%arg11 : memref<!tpu.dma_semaphore, #tpu.memory_space<semaphore_mem>>) src(%dma_wait3A_310 : memref<20000x64xf32, #tpu.memory_space<hbm>>) dst(%dma_wait3A_306 : memref<128x64xf32, #tpu.memory_space<vmem>>)
      %add3A_311 = arith.constant 384 : i32
      %add3A_312 = arith.addi %multiple_of3A_147, %add3A_311 : i32
      %dma_start3A_313 = arith.constant 3 : i32
      %dma_start3A_314 = arith.constant 0 : i32
      %dma_start3A_315 = arith.constant 0 : i32
      %dma_start3A_316 = tpu.memref_slice %arg9[%dma_start3A_313, %dma_start3A_314, %dma_start3A_315] : memref<6x128x64xf32, #tpu.memory_space<vmem>> -> memref<1x128x64xf32, #tpu.memory_space<vmem>>
      %dma_start3A_317 = tpu.memref_squeeze %dma_start3A_316 : memref<1x128x64xf32, #tpu.memory_space<vmem>> -> memref<128x64xf32, #tpu.memory_space<vmem>>
      %dma_start3A_318 = tpu.memref_slice %arg8[%add3A_312] : memref<20000xi32, #tpu.memory_space<vmem>> -> memref<128xi32, #tpu.memory_space<vmem>>
      %dma_start3A_319 = arith.constant 0 : i32
      %dma_start3A_320 = arith.constant 0 : i32
      %dma_start3A_321 = tpu.memref_slice %arg10[%dma_start3A_319, %dma_start3A_320] : memref<10000x64xf32, #tpu.memory_space<vmem_shared>> -> memref<10000x64xf32, #tpu.memory_space<vmem_shared>>
      tpu.enqueue_indirect_dma source(%dma_start3A_317 : memref<128x64xf32, #tpu.memory_space<vmem>>) target(%dma_start3A_321 : memref<10000x64xf32, #tpu.memory_space<vmem_shared>>) offsets(%dma_start3A_318 : memref<128xi32, #tpu.memory_space<vmem>>) semaphore(%arg12 : memref<!tpu.dma_semaphore, #tpu.memory_space<semaphore_mem>>) {add = true}
      %add3A_322 = arith.constant 512 : i32
      %add3A_323 = arith.addi %multiple_of3A_147, %add3A_322 : i32
      %dma_start3A_324 = arith.constant 4 : i32
      %dma_start3A_325 = arith.constant 0 : i32
      %dma_start3A_326 = arith.constant 0 : i32
      %dma_start3A_327 = tpu.memref_slice %arg9[%dma_start3A_324, %dma_start3A_325, %dma_start3A_326] : memref<6x128x64xf32, #tpu.memory_space<vmem>> -> memref<1x128x64xf32, #tpu.memory_space<vmem>>
      %dma_start3A_328 = tpu.memref_squeeze %dma_start3A_327 : memref<1x128x64xf32, #tpu.memory_space<vmem>> -> memref<128x64xf32, #tpu.memory_space<vmem>>
      %dma_start3A_329 = tpu.memref_slice %arg8[%add3A_323] : memref<20000xi32, #tpu.memory_space<vmem>> -> memref<128xi32, #tpu.memory_space<vmem>>
      %dma_start3A_330 = arith.constant 0 : i32
      %dma_start3A_331 = arith.constant 0 : i32
      %dma_start3A_332 = tpu.memref_slice %arg10[%dma_start3A_330, %dma_start3A_331] : memref<10000x64xf32, #tpu.memory_space<vmem_shared>> -> memref<10000x64xf32, #tpu.memory_space<vmem_shared>>
      tpu.enqueue_indirect_dma source(%dma_start3A_328 : memref<128x64xf32, #tpu.memory_space<vmem>>) target(%dma_start3A_332 : memref<10000x64xf32, #tpu.memory_space<vmem_shared>>) offsets(%dma_start3A_329 : memref<128xi32, #tpu.memory_space<vmem>>) semaphore(%arg12 : memref<!tpu.dma_semaphore, #tpu.memory_space<semaphore_mem>>) {add = true}
      %add3A_333 = arith.constant 640 : i32
      %add3A_334 = arith.addi %multiple_of3A_147, %add3A_333 : i32
      %dma_start3A_335 = arith.constant 5 : i32
      %dma_start3A_336 = arith.constant 0 : i32
      %dma_start3A_337 = arith.constant 0 : i32
      %dma_start3A_338 = tpu.memref_slice %arg9[%dma_start3A_335, %dma_start3A_336, %dma_start3A_337] : memref<6x128x64xf32, #tpu.memory_space<vmem>> -> memref<1x128x64xf32, #tpu.memory_space<vmem>>
      %dma_start3A_339 = tpu.memref_squeeze %dma_start3A_338 : memref<1x128x64xf32, #tpu.memory_space<vmem>> -> memref<128x64xf32, #tpu.memory_space<vmem>>
      %dma_start3A_340 = tpu.memref_slice %arg8[%add3A_334] : memref<20000xi32, #tpu.memory_space<vmem>> -> memref<128xi32, #tpu.memory_space<vmem>>
      %dma_start3A_341 = arith.constant 0 : i32
      %dma_start3A_342 = arith.constant 0 : i32
      %dma_start3A_343 = tpu.memref_slice %arg10[%dma_start3A_341, %dma_start3A_342] : memref<10000x64xf32, #tpu.memory_space<vmem_shared>> -> memref<10000x64xf32, #tpu.memory_space<vmem_shared>>
      tpu.enqueue_indirect_dma source(%dma_start3A_339 : memref<128x64xf32, #tpu.memory_space<vmem>>) target(%dma_start3A_343 : memref<10000x64xf32, #tpu.memory_space<vmem_shared>>) offsets(%dma_start3A_340 : memref<128xi32, #tpu.memory_space<vmem>>) semaphore(%arg12 : memref<!tpu.dma_semaphore, #tpu.memory_space<semaphore_mem>>) {add = true}
      %scan3A_344 = arith.constant 0 : i32
      scf.yield %scan3A_344 : i32
    }
    %scan3A_32 = arith.constant 26 : i32
    %dma_wait3A_33 = arith.constant 0 : i32
    %dma_wait3A_34 = arith.constant 0 : i32
    %dma_wait3A_35 = arith.constant 0 : i32
    %dma_wait3A_36 = tpu.memref_slice %arg9[%dma_wait3A_33, %dma_wait3A_34, %dma_wait3A_35] : memref<6x128x64xf32, #tpu.memory_space<vmem>> -> memref<1x128x64xf32, #tpu.memory_space<vmem>>
    %dma_wait3A_37 = tpu.memref_squeeze %dma_wait3A_36 : memref<1x128x64xf32, #tpu.memory_space<vmem>> -> memref<128x64xf32, #tpu.memory_space<vmem>>
    %dma_wait3A_38 = arith.constant 19200 : i32
    %dma_wait3A_39 = tpu.memref_slice %arg8[%dma_wait3A_38] : memref<20000xi32, #tpu.memory_space<vmem>> -> memref<128xi32, #tpu.memory_space<vmem>>
    %dma_wait3A_40 = arith.constant 0 : i32
    %dma_wait3A_41 = arith.constant 0 : i32
    %dma_wait3A_42 = tpu.memref_slice %arg10[%dma_wait3A_40, %dma_wait3A_41] : memref<10000x64xf32, #tpu.memory_space<vmem_shared>> -> memref<10000x64xf32, #tpu.memory_space<vmem_shared>>
    tpu.wait_indirect_dma semaphore(%arg12 : memref<!tpu.dma_semaphore, #tpu.memory_space<semaphore_mem>>) src(%dma_wait3A_37 : memref<128x64xf32, #tpu.memory_space<vmem>>) dst(%dma_wait3A_42 : memref<10000x64xf32, #tpu.memory_space<vmem_shared>>)
    %dma_wait3A_43 = arith.constant 1 : i32
    %dma_wait3A_44 = arith.constant 0 : i32
    %dma_wait3A_45 = arith.constant 0 : i32
    %dma_wait3A_46 = tpu.memref_slice %arg9[%dma_wait3A_43, %dma_wait3A_44, %dma_wait3A_45] : memref<6x128x64xf32, #tpu.memory_space<vmem>> -> memref<1x128x64xf32, #tpu.memory_space<vmem>>
    %dma_wait3A_47 = tpu.memref_squeeze %dma_wait3A_46 : memref<1x128x64xf32, #tpu.memory_space<vmem>> -> memref<128x64xf32, #tpu.memory_space<vmem>>
    %dma_wait3A_48 = arith.constant 19328 : i32
    %dma_wait3A_49 = tpu.memref_slice %arg8[%dma_wait3A_48] : memref<20000xi32, #tpu.memory_space<vmem>> -> memref<128xi32, #tpu.memory_space<vmem>>
    %dma_wait3A_50 = arith.constant 0 : i32
    %dma_wait3A_51 = arith.constant 0 : i32
    %dma_wait3A_52 = tpu.memref_slice %arg10[%dma_wait3A_50, %dma_wait3A_51] : memref<10000x64xf32, #tpu.memory_space<vmem_shared>> -> memref<10000x64xf32, #tpu.memory_space<vmem_shared>>
    tpu.wait_indirect_dma semaphore(%arg12 : memref<!tpu.dma_semaphore, #tpu.memory_space<semaphore_mem>>) src(%dma_wait3A_47 : memref<128x64xf32, #tpu.memory_space<vmem>>) dst(%dma_wait3A_52 : memref<10000x64xf32, #tpu.memory_space<vmem_shared>>)
    %dma_wait3A_53 = arith.constant 2 : i32
    %dma_wait3A_54 = arith.constant 0 : i32
    %dma_wait3A_55 = arith.constant 0 : i32
    %dma_wait3A_56 = tpu.memref_slice %arg9[%dma_wait3A_53, %dma_wait3A_54, %dma_wait3A_55] : memref<6x128x64xf32, #tpu.memory_space<vmem>> -> memref<1x128x64xf32, #tpu.memory_space<vmem>>
    %dma_wait3A_57 = tpu.memref_squeeze %dma_wait3A_56 : memref<1x128x64xf32, #tpu.memory_space<vmem>> -> memref<128x64xf32, #tpu.memory_space<vmem>>
    %dma_wait3A_58 = arith.constant 19456 : i32
    %dma_wait3A_59 = tpu.memref_slice %arg8[%dma_wait3A_58] : memref<20000xi32, #tpu.memory_space<vmem>> -> memref<128xi32, #tpu.memory_space<vmem>>
    %dma_wait3A_60 = arith.constant 0 : i32
    %dma_wait3A_61 = arith.constant 0 : i32
    %dma_wait3A_62 = tpu.memref_slice %arg10[%dma_wait3A_60, %dma_wait3A_61] : memref<10000x64xf32, #tpu.memory_space<vmem_shared>> -> memref<10000x64xf32, #tpu.memory_space<vmem_shared>>
    tpu.wait_indirect_dma semaphore(%arg12 : memref<!tpu.dma_semaphore, #tpu.memory_space<semaphore_mem>>) src(%dma_wait3A_57 : memref<128x64xf32, #tpu.memory_space<vmem>>) dst(%dma_wait3A_62 : memref<10000x64xf32, #tpu.memory_space<vmem_shared>>)
    %dma_wait3A_63 = arith.constant 3 : i32
    %dma_wait3A_64 = arith.constant 0 : i32
    %dma_wait3A_65 = arith.constant 0 : i32
    %dma_wait3A_66 = tpu.memref_slice %arg9[%dma_wait3A_63, %dma_wait3A_64, %dma_wait3A_65] : memref<6x128x64xf32, #tpu.memory_space<vmem>> -> memref<1x128x64xf32, #tpu.memory_space<vmem>>
    %dma_wait3A_67 = tpu.memref_squeeze %dma_wait3A_66 : memref<1x128x64xf32, #tpu.memory_space<vmem>> -> memref<128x64xf32, #tpu.memory_space<vmem>>
    %dma_wait3A_68 = arith.constant 19584 : i32
    %dma_wait3A_69 = tpu.memref_slice %arg8[%dma_wait3A_68] : memref<20000xi32, #tpu.memory_space<vmem>> -> memref<128xi32, #tpu.memory_space<vmem>>
    %dma_wait3A_70 = arith.constant 0 : i32
    %dma_wait3A_71 = arith.constant 0 : i32
    %dma_wait3A_72 = tpu.memref_slice %arg10[%dma_wait3A_70, %dma_wait3A_71] : memref<10000x64xf32, #tpu.memory_space<vmem_shared>> -> memref<10000x64xf32, #tpu.memory_space<vmem_shared>>
    tpu.wait_indirect_dma semaphore(%arg12 : memref<!tpu.dma_semaphore, #tpu.memory_space<semaphore_mem>>) src(%dma_wait3A_67 : memref<128x64xf32, #tpu.memory_space<vmem>>) dst(%dma_wait3A_72 : memref<10000x64xf32, #tpu.memory_space<vmem_shared>>)
    %dma_wait3A_73 = arith.constant 4 : i32
    %dma_wait3A_74 = arith.constant 0 : i32
    %dma_wait3A_75 = arith.constant 0 : i32
    %dma_wait3A_76 = tpu.memref_slice %arg9[%dma_wait3A_73, %dma_wait3A_74, %dma_wait3A_75] : memref<6x128x64xf32, #tpu.memory_space<vmem>> -> memref<1x128x64xf32, #tpu.memory_space<vmem>>
    %dma_wait3A_77 = tpu.memref_squeeze %dma_wait3A_76 : memref<1x128x64xf32, #tpu.memory_space<vmem>> -> memref<128x64xf32, #tpu.memory_space<vmem>>
    %dma_wait3A_78 = arith.constant 19712 : i32
    %dma_wait3A_79 = tpu.memref_slice %arg8[%dma_wait3A_78] : memref<20000xi32, #tpu.memory_space<vmem>> -> memref<128xi32, #tpu.memory_space<vmem>>
    %dma_wait3A_80 = arith.constant 0 : i32
    %dma_wait3A_81 = arith.constant 0 : i32
    %dma_wait3A_82 = tpu.memref_slice %arg10[%dma_wait3A_80, %dma_wait3A_81] : memref<10000x64xf32, #tpu.memory_space<vmem_shared>> -> memref<10000x64xf32, #tpu.memory_space<vmem_shared>>
    tpu.wait_indirect_dma semaphore(%arg12 : memref<!tpu.dma_semaphore, #tpu.memory_space<semaphore_mem>>) src(%dma_wait3A_77 : memref<128x64xf32, #tpu.memory_space<vmem>>) dst(%dma_wait3A_82 : memref<10000x64xf32, #tpu.memory_space<vmem_shared>>)
    %dma_wait3A_83 = arith.constant 5 : i32
    %dma_wait3A_84 = arith.constant 0 : i32
    %dma_wait3A_85 = arith.constant 0 : i32
    %dma_wait3A_86 = tpu.memref_slice %arg9[%dma_wait3A_83, %dma_wait3A_84, %dma_wait3A_85] : memref<6x128x64xf32, #tpu.memory_space<vmem>> -> memref<1x128x64xf32, #tpu.memory_space<vmem>>
    %dma_wait3A_87 = tpu.memref_squeeze %dma_wait3A_86 : memref<1x128x64xf32, #tpu.memory_space<vmem>> -> memref<128x64xf32, #tpu.memory_space<vmem>>
    %dma_wait3A_88 = arith.constant 19840 : i32
    %dma_wait3A_89 = tpu.memref_slice %arg8[%dma_wait3A_88] : memref<20000xi32, #tpu.memory_space<vmem>> -> memref<128xi32, #tpu.memory_space<vmem>>
    %dma_wait3A_90 = arith.constant 0 : i32
    %dma_wait3A_91 = arith.constant 0 : i32
    %dma_wait3A_92 = tpu.memref_slice %arg10[%dma_wait3A_90, %dma_wait3A_91] : memref<10000x64xf32, #tpu.memory_space<vmem_shared>> -> memref<10000x64xf32, #tpu.memory_space<vmem_shared>>
    tpu.wait_indirect_dma semaphore(%arg12 : memref<!tpu.dma_semaphore, #tpu.memory_space<semaphore_mem>>) src(%dma_wait3A_87 : memref<128x64xf32, #tpu.memory_space<vmem>>) dst(%dma_wait3A_92 : memref<10000x64xf32, #tpu.memory_space<vmem_shared>>)
    %dma_start3A_93 = arith.constant 0 : i32
    %dma_start3A_94 = arith.constant 0 : i32
    %dma_start3A_95 = arith.constant 0 : i32
    %dma_start3A_96 = tpu.memref_slice %arg9[%dma_start3A_93, %dma_start3A_94, %dma_start3A_95] : memref<6x128x64xf32, #tpu.memory_space<vmem>> -> memref<1x32x64xf32, #tpu.memory_space<vmem>>
    %dma_start3A_97 = tpu.memref_squeeze %dma_start3A_96 : memref<1x32x64xf32, #tpu.memory_space<vmem>> -> memref<32x64xf32, #tpu.memory_space<vmem>>
    %dma_start3A_98 = arith.constant 19968 : i32
    %dma_start3A_99 = tpu.memref_slice %arg7[%dma_start3A_98] : memref<20000xi32, #tpu.memory_space<vmem>> -> memref<32xi32, #tpu.memory_space<vmem>>
    %dma_start3A_100 = arith.constant 0 : i32
    %dma_start3A_101 = arith.constant 0 : i32
    %dma_start3A_102 = tpu.memref_slice %arg2[%dma_start3A_100, %dma_start3A_101] : memref<20000x64xf32, #tpu.memory_space<hbm>> -> memref<20000x64xf32, #tpu.memory_space<hbm>>
    tpu.enqueue_indirect_dma source(%dma_start3A_102 : memref<20000x64xf32, #tpu.memory_space<hbm>>) target(%dma_start3A_97 : memref<32x64xf32, #tpu.memory_space<vmem>>) offsets(%dma_start3A_99 : memref<32xi32, #tpu.memory_space<vmem>>) semaphore(%arg11 : memref<!tpu.dma_semaphore, #tpu.memory_space<semaphore_mem>>)
    %dma_wait3A_103 = arith.constant 0 : i32
    %dma_wait3A_104 = arith.constant 0 : i32
    %dma_wait3A_105 = arith.constant 0 : i32
    %dma_wait3A_106 = tpu.memref_slice %arg9[%dma_wait3A_103, %dma_wait3A_104, %dma_wait3A_105] : memref<6x128x64xf32, #tpu.memory_space<vmem>> -> memref<1x32x64xf32, #tpu.memory_space<vmem>>
    %dma_wait3A_107 = tpu.memref_squeeze %dma_wait3A_106 : memref<1x32x64xf32, #tpu.memory_space<vmem>> -> memref<32x64xf32, #tpu.memory_space<vmem>>
    %dma_wait3A_108 = arith.constant 19968 : i32
    %dma_wait3A_109 = tpu.memref_slice %arg7[%dma_wait3A_108] : memref<20000xi32, #tpu.memory_space<vmem>> -> memref<32xi32, #tpu.memory_space<vmem>>
    %dma_wait3A_110 = arith.constant 0 : i32
    %dma_wait3A_111 = arith.constant 0 : i32
    %dma_wait3A_112 = tpu.memref_slice %arg2[%dma_wait3A_110, %dma_wait3A_111] : memref<20000x64xf32, #tpu.memory_space<hbm>> -> memref<20000x64xf32, #tpu.memory_space<hbm>>
    tpu.wait_indirect_dma semaphore(%arg11 : memref<!tpu.dma_semaphore, #tpu.memory_space<semaphore_mem>>) src(%dma_wait3A_112 : memref<20000x64xf32, #tpu.memory_space<hbm>>) dst(%dma_wait3A_107 : memref<32x64xf32, #tpu.memory_space<vmem>>)
    %dma_start3A_113 = arith.constant 0 : i32
    %dma_start3A_114 = arith.constant 0 : i32
    %dma_start3A_115 = arith.constant 0 : i32
    %dma_start3A_116 = tpu.memref_slice %arg9[%dma_start3A_113, %dma_start3A_114, %dma_start3A_115] : memref<6x128x64xf32, #tpu.memory_space<vmem>> -> memref<1x32x64xf32, #tpu.memory_space<vmem>>
    %dma_start3A_117 = tpu.memref_squeeze %dma_start3A_116 : memref<1x32x64xf32, #tpu.memory_space<vmem>> -> memref<32x64xf32, #tpu.memory_space<vmem>>
    %dma_start3A_118 = arith.constant 19968 : i32
    %dma_start3A_119 = tpu.memref_slice %arg8[%dma_start3A_118] : memref<20000xi32, #tpu.memory_space<vmem>> -> memref<32xi32, #tpu.memory_space<vmem>>
    %dma_start3A_120 = arith.constant 0 : i32
    %dma_start3A_121 = arith.constant 0 : i32
    %dma_start3A_122 = tpu.memref_slice %arg10[%dma_start3A_120, %dma_start3A_121] : memref<10000x64xf32, #tpu.memory_space<vmem_shared>> -> memref<10000x64xf32, #tpu.memory_space<vmem_shared>>
    tpu.enqueue_indirect_dma source(%dma_start3A_117 : memref<32x64xf32, #tpu.memory_space<vmem>>) target(%dma_start3A_122 : memref<10000x64xf32, #tpu.memory_space<vmem_shared>>) offsets(%dma_start3A_119 : memref<32xi32, #tpu.memory_space<vmem>>) semaphore(%arg12 : memref<!tpu.dma_semaphore, #tpu.memory_space<semaphore_mem>>) {add = true}
    %dma_wait3A_123 = arith.constant 0 : i32
    %dma_wait3A_124 = arith.constant 0 : i32
    %dma_wait3A_125 = arith.constant 0 : i32
    %dma_wait3A_126 = tpu.memref_slice %arg9[%dma_wait3A_123, %dma_wait3A_124, %dma_wait3A_125] : memref<6x128x64xf32, #tpu.memory_space<vmem>> -> memref<1x32x64xf32, #tpu.memory_space<vmem>>
    %dma_wait3A_127 = tpu.memref_squeeze %dma_wait3A_126 : memref<1x32x64xf32, #tpu.memory_space<vmem>> -> memref<32x64xf32, #tpu.memory_space<vmem>>
    %dma_wait3A_128 = arith.constant 19968 : i32
    %dma_wait3A_129 = tpu.memref_slice %arg8[%dma_wait3A_128] : memref<20000xi32, #tpu.memory_space<vmem>> -> memref<32xi32, #tpu.memory_space<vmem>>
    %dma_wait3A_130 = arith.constant 0 : i32
    %dma_wait3A_131 = arith.constant 0 : i32
    %dma_wait3A_132 = tpu.memref_slice %arg10[%dma_wait3A_130, %dma_wait3A_131] : memref<10000x64xf32, #tpu.memory_space<vmem_shared>> -> memref<10000x64xf32, #tpu.memory_space<vmem_shared>>
    tpu.wait_indirect_dma semaphore(%arg12 : memref<!tpu.dma_semaphore, #tpu.memory_space<semaphore_mem>>) src(%dma_wait3A_127 : memref<32x64xf32, #tpu.memory_space<vmem>>) dst(%dma_wait3A_132 : memref<10000x64xf32, #tpu.memory_space<vmem_shared>>)
    %barrier3A_133 = arith.constant 0 : index
    tpu.barrier barrier_id(%barrier3A_133)
    %mul3A_134 = arith.constant 624 : i32
    %mul3A_135 = arith.muli %arg1, %mul3A_134 : i32
    %mul3A_136 = arith.constant 624 : i32
    %mul3A_137 = arith.muli %arg1, %mul3A_136 : i32
    "tpu.region"() ({
      %run_scoped3A = tpu.sem_alloc : memref<!tpu.dma_semaphore, #tpu.memory_space<semaphore_mem>>
      %dma_start3A_143 = tpu.memref_slice %arg6[%mul3A_137, %multiple_of3A] : memref<10000x128xf32, #tpu.memory_space<hbm>> -> memref<624x64xf32, #tpu.memory_space<hbm>>
      %dma_start3A_144 = arith.constant 0 : i32
      %dma_start3A_145 = tpu.memref_slice %arg10[%mul3A_135, %dma_start3A_144] : memref<10000x64xf32, #tpu.memory_space<vmem_shared>> -> memref<624x64xf32, #tpu.memory_space<vmem_shared>>
      tpu.enqueue_dma source(%dma_start3A_145 : memref<624x64xf32, #tpu.memory_space<vmem_shared>>) target(%dma_start3A_143 : memref<624x64xf32, #tpu.memory_space<hbm>>) target_semaphore(%run_scoped3A : memref<!tpu.dma_semaphore, #tpu.memory_space<semaphore_mem>>)
      %dma_wait3A_146 = tpu.memref_slice %arg6[%mul3A_137, %multiple_of3A] : memref<10000x128xf32, #tpu.memory_space<hbm>> -> memref<624x64xf32, #tpu.memory_space<hbm>>
      %dma_wait3A_147 = arith.constant 0 : i32
      %dma_wait3A_148 = tpu.memref_slice %arg10[%mul3A_135, %dma_wait3A_147] : memref<10000x64xf32, #tpu.memory_space<vmem_shared>> -> memref<624x64xf32, #tpu.memory_space<vmem_shared>>
      tpu.wait_dma2 semaphore(%run_scoped3A : memref<!tpu.dma_semaphore, #tpu.memory_space<semaphore_mem>>) src(%dma_wait3A_148 : memref<624x64xf32, #tpu.memory_space<vmem_shared>>) dst(%dma_wait3A_146 : memref<624x64xf32, #tpu.memory_space<hbm>>)
      tpu.yield
    }) : () -> ()
    %eq3A_138 = arith.constant 0 : i32
    %eq3A_139 = arith.cmpi eq, %arg1, %eq3A_138 : i32
    %convert_element_type3A_140 = arith.extui %eq3A_139 : i1 to i32
    %cond3A_141 = arith.constant 0 : i32
    %cond3A_142 = arith.cmpi ne, %convert_element_type3A_140, %cond3A_141 : i32
    scf.if %cond3A_142 {
      "tpu.region"() ({
        %run_scoped3A = tpu.sem_alloc : memref<!tpu.dma_semaphore, #tpu.memory_space<semaphore_mem>>
        %dma_start3A_143 = arith.constant 9984 : i32
        %dma_start3A_144 = tpu.memref_slice %arg6[%dma_start3A_143, %multiple_of3A] : memref<10000x128xf32, #tpu.memory_space<hbm>> -> memref<16x64xf32, #tpu.memory_space<hbm>>
        %dma_start3A_145 = arith.constant 9984 : i32
        %dma_start3A_146 = arith.constant 0 : i32
        %dma_start3A_147 = tpu.memref_slice %arg10[%dma_start3A_145, %dma_start3A_146] : memref<10000x64xf32, #tpu.memory_space<vmem_shared>> -> memref<16x64xf32, #tpu.memory_space<vmem_shared>>
        tpu.enqueue_dma source(%dma_start3A_147 : memref<16x64xf32, #tpu.memory_space<vmem_shared>>) target(%dma_start3A_144 : memref<16x64xf32, #tpu.memory_space<hbm>>) target_semaphore(%run_scoped3A : memref<!tpu.dma_semaphore, #tpu.memory_space<semaphore_mem>>)
        %dma_wait3A_148 = arith.constant 9984 : i32
        %dma_wait3A_149 = tpu.memref_slice %arg6[%dma_wait3A_148, %multiple_of3A] : memref<10000x128xf32, #tpu.memory_space<hbm>> -> memref<16x64xf32, #tpu.memory_space<hbm>>
        %dma_wait3A_150 = arith.constant 9984 : i32
        %dma_wait3A_151 = arith.constant 0 : i32
        %dma_wait3A_152 = tpu.memref_slice %arg10[%dma_wait3A_150, %dma_wait3A_151] : memref<10000x64xf32, #tpu.memory_space<vmem_shared>> -> memref<16x64xf32, #tpu.memory_space<vmem_shared>>
        tpu.wait_dma2 semaphore(%run_scoped3A : memref<!tpu.dma_semaphore, #tpu.memory_space<semaphore_mem>>) src(%dma_wait3A_152 : memref<16x64xf32, #tpu.memory_space<vmem_shared>>) dst(%dma_wait3A_149 : memref<16x64xf32, #tpu.memory_space<hbm>>)
        tpu.yield
      }) : () -> ()
    } else {
    }
    return
  }
}

#map = affine_map<(d0, d1) -> (0, 0)>
#map1 = affine_map<(d0, d1) -> (0)>
module attributes {stable_mosaic.version = 14 : i64} {
  func.func @_sc_agg_body(%arg0: i32, %arg1: i32, %arg2: memref<20000x64xf32, #tpu.memory_space<hbm>>, %arg3: memref<640000xi32, #tpu.memory_space<hbm>>, %arg4: memref<320000xi32, #tpu.memory_space<hbm>>, %arg5: memref<10000x128xf32, #tpu.memory_space<hbm>>, %arg6: memref<10000x128xf32, #tpu.memory_space<hbm>>, %arg7: memref<20000xi32, #tpu.memory_space<vmem>>, %arg8: memref<20000xi32, #tpu.memory_space<vmem>>, %arg9: memref<6x128x64xf32, #tpu.memory_space<vmem>>, %arg10: memref<10000x64xf32, #tpu.memory_space<vmem_shared>>, %arg11: memref<!tpu.dma_semaphore, #tpu.memory_space<semaphore_mem>>, %arg12: memref<!tpu.dma_semaphore, #tpu.memory_space<semaphore_mem>>) attributes {dimension_semantics = [#tpu.dimension_semantics<core_parallel>, #tpu.dimension_semantics<subcore_parallel>], iteration_bounds = array<i64: 2, 16>, scalar_prefetch = 0 : i64, scratch_operands = 6 : i64, tpu.core_type = #tpu.core_type<sc_vector_subcore>, window_params = [{transform_indices = #map}, {transform_indices = #map1}, {transform_indices = #map1}, {transform_indices = #map}, {transform_indices = #map}]} {
    %mul3A = arith.constant 64 : i32
    %mul3A_0 = arith.muli %arg0, %mul3A : i32
    %multiple_of3A = tpu.assume_multiple %mul3A_0, 64 : i32
    %mul3A_1 = arith.constant 624 : i32
    %mul3A_2 = arith.muli %arg1, %mul3A_1 : i32
    %mul3A_3 = arith.constant 624 : i32
    %mul3A_4 = arith.muli %arg1, %mul3A_3 : i32
    %dma_start3A = arith.constant 0 : i32
    %dma_start3A_5 = tpu.memref_slice %arg10[%mul3A_4, %dma_start3A] : memref<10000x64xf32, #tpu.memory_space<vmem_shared>> -> memref<624x64xf32, #tpu.memory_space<vmem_shared>>
    %dma_start3A_6 = arith.constant 0 : i32
    %dma_start3A_7 = tpu.memref_slice %arg5[%mul3A_2, %dma_start3A_6] : memref<10000x128xf32, #tpu.memory_space<hbm>> -> memref<624x64xf32, #tpu.memory_space<hbm>>
    tpu.enqueue_dma source(%dma_start3A_7 : memref<624x64xf32, #tpu.memory_space<hbm>>) target(%dma_start3A_5 : memref<624x64xf32, #tpu.memory_space<vmem_shared>>) target_semaphore(%arg11 : memref<!tpu.dma_semaphore, #tpu.memory_space<semaphore_mem>>)
    %mul3A_8 = arith.constant 320000 : i32
    %mul3A_9 = arith.muli %arg0, %mul3A_8 : i32
    %mul3A_10 = arith.constant 20000 : i32
    %mul3A_11 = arith.muli %arg1, %mul3A_10 : i32
    %add3A = arith.addi %mul3A_9, %mul3A_11 : i32
    %dma_start3A_12 = tpu.memref_slice %arg3[%add3A] : memref<640000xi32, #tpu.memory_space<hbm>> -> memref<20000xi32, #tpu.memory_space<hbm>>
    %dma_start3A_13 = tpu.memref_slice %arg3[%add3A] : memref<640000xi32, #tpu.memory_space<hbm>> -> memref<20000xi32, #tpu.memory_space<hbm>>
    tpu.enqueue_dma source(%dma_start3A_13 : memref<20000xi32, #tpu.memory_space<hbm>>) target(%arg7 : memref<20000xi32, #tpu.memory_space<vmem>>) target_semaphore(%arg12 : memref<!tpu.dma_semaphore, #tpu.memory_space<semaphore_mem>>)
    %mul3A_14 = arith.constant 20000 : i32
    %mul3A_15 = arith.muli %arg1, %mul3A_14 : i32
    %dma_start3A_16 = tpu.memref_slice %arg4[%mul3A_15] : memref<320000xi32, #tpu.memory_space<hbm>> -> memref<20000xi32, #tpu.memory_space<hbm>>
    %dma_start3A_17 = tpu.memref_slice %arg4[%mul3A_15] : memref<320000xi32, #tpu.memory_space<hbm>> -> memref<20000xi32, #tpu.memory_space<hbm>>
    tpu.enqueue_dma source(%dma_start3A_17 : memref<20000xi32, #tpu.memory_space<hbm>>) target(%arg8 : memref<20000xi32, #tpu.memory_space<vmem>>) target_semaphore(%arg12 : memref<!tpu.dma_semaphore, #tpu.memory_space<semaphore_mem>>)
    %eq3A = arith.constant 0 : i32
    %eq3A_18 = arith.cmpi eq, %arg1, %eq3A : i32
    %convert_element_type3A = arith.extui %eq3A_18 : i1 to i32
    %cond3A = arith.constant 0 : i32
    %cond3A_19 = arith.cmpi ne, %convert_element_type3A, %cond3A : i32
    scf.if %cond3A_19 {
      "tpu.region"() ({
        %run_scoped3A = tpu.sem_alloc : memref<!tpu.dma_semaphore, #tpu.memory_space<semaphore_mem>>
        %dma_start3A_143 = arith.constant 9984 : i32
        %dma_start3A_144 = arith.constant 0 : i32
        %dma_start3A_145 = tpu.memref_slice %arg10[%dma_start3A_143, %dma_start3A_144] : memref<10000x64xf32, #tpu.memory_space<vmem_shared>> -> memref<16x64xf32, #tpu.memory_space<vmem_shared>>
        %dma_start3A_146 = arith.constant 9984 : i32
        %dma_start3A_147 = arith.constant 0 : i32
        %dma_start3A_148 = tpu.memref_slice %arg5[%dma_start3A_146, %dma_start3A_147] : memref<10000x128xf32, #tpu.memory_space<hbm>> -> memref<16x64xf32, #tpu.memory_space<hbm>>
        tpu.enqueue_dma source(%dma_start3A_148 : memref<16x64xf32, #tpu.memory_space<hbm>>) target(%dma_start3A_145 : memref<16x64xf32, #tpu.memory_space<vmem_shared>>) target_semaphore(%run_scoped3A : memref<!tpu.dma_semaphore, #tpu.memory_space<semaphore_mem>>)
        %dma_wait3A_149 = arith.constant 9984 : i32
        %dma_wait3A_150 = arith.constant 0 : i32
        %dma_wait3A_151 = tpu.memref_slice %arg10[%dma_wait3A_149, %dma_wait3A_150] : memref<10000x64xf32, #tpu.memory_space<vmem_shared>> -> memref<16x64xf32, #tpu.memory_space<vmem_shared>>
        %dma_wait3A_152 = arith.constant 9984 : i32
        %dma_wait3A_153 = arith.constant 0 : i32
        %dma_wait3A_154 = tpu.memref_slice %arg5[%dma_wait3A_152, %dma_wait3A_153] : memref<10000x128xf32, #tpu.memory_space<hbm>> -> memref<16x64xf32, #tpu.memory_space<hbm>>
        tpu.wait_dma2 semaphore(%run_scoped3A : memref<!tpu.dma_semaphore, #tpu.memory_space<semaphore_mem>>) src(%dma_wait3A_154 : memref<16x64xf32, #tpu.memory_space<hbm>>) dst(%dma_wait3A_151 : memref<16x64xf32, #tpu.memory_space<vmem_shared>>)
        tpu.yield
      }) : () -> ()
    } else {
    }
    %dma_wait3A = arith.constant 0 : i32
    %dma_wait3A_20 = tpu.memref_slice %arg10[%mul3A_4, %dma_wait3A] : memref<10000x64xf32, #tpu.memory_space<vmem_shared>> -> memref<624x64xf32, #tpu.memory_space<vmem_shared>>
    %dma_wait3A_21 = arith.constant 0 : i32
    %dma_wait3A_22 = tpu.memref_slice %arg5[%mul3A_2, %dma_wait3A_21] : memref<10000x128xf32, #tpu.memory_space<hbm>> -> memref<624x64xf32, #tpu.memory_space<hbm>>
    tpu.wait_dma2 semaphore(%arg11 : memref<!tpu.dma_semaphore, #tpu.memory_space<semaphore_mem>>) src(%dma_wait3A_22 : memref<624x64xf32, #tpu.memory_space<hbm>>) dst(%dma_wait3A_20 : memref<624x64xf32, #tpu.memory_space<vmem_shared>>)
    %dma_wait3A_23 = tpu.memref_slice %arg3[%add3A] : memref<640000xi32, #tpu.memory_space<hbm>> -> memref<20000xi32, #tpu.memory_space<hbm>>
    %dma_wait3A_24 = tpu.memref_slice %arg3[%add3A] : memref<640000xi32, #tpu.memory_space<hbm>> -> memref<20000xi32, #tpu.memory_space<hbm>>
    tpu.wait_dma2 semaphore(%arg12 : memref<!tpu.dma_semaphore, #tpu.memory_space<semaphore_mem>>) src(%dma_wait3A_24 : memref<20000xi32, #tpu.memory_space<hbm>>) dst(%arg7 : memref<20000xi32, #tpu.memory_space<vmem>>)
    %dma_wait3A_25 = tpu.memref_slice %arg4[%mul3A_15] : memref<320000xi32, #tpu.memory_space<hbm>> -> memref<20000xi32, #tpu.memory_space<hbm>>
    %dma_wait3A_26 = tpu.memref_slice %arg4[%mul3A_15] : memref<320000xi32, #tpu.memory_space<hbm>> -> memref<20000xi32, #tpu.memory_space<hbm>>
    tpu.wait_dma2 semaphore(%arg12 : memref<!tpu.dma_semaphore, #tpu.memory_space<semaphore_mem>>) src(%dma_wait3A_26 : memref<20000xi32, #tpu.memory_space<hbm>>) dst(%arg8 : memref<20000xi32, #tpu.memory_space<vmem>>)
    %barrier3A = arith.constant 0 : index
    tpu.barrier barrier_id(%barrier3A)
    %scan3A = arith.constant 0 : i32
    %scan3A_27 = arith.constant 0 : i32
    %scan3A_28 = arith.constant 26 : i32
    %scan3A_29 = arith.addi %scan3A_27, %scan3A_28 : i32
    %scan3A_30 = arith.constant 1 : i32
    %scan3A_31 = scf.for %scan3A_143 = %scan3A_27 to %scan3A_29 step %scan3A_30 iter_args(%scan3A_144 = %scan3A) -> (i32)  : i32 {
      %mul3A_145 = arith.constant 768 : i32
      %mul3A_146 = arith.muli %scan3A_143, %mul3A_145 : i32
      %multiple_of3A_147 = tpu.assume_multiple %mul3A_146, 768 : i32
      %sub3A = arith.constant 768 : i32
      %sub3A_148 = arith.subi %multiple_of3A_147, %sub3A : i32
      %gt3A = arith.constant 0 : i32
      %gt3A_149 = arith.cmpi sgt, %scan3A_143, %gt3A : i32
      %convert_element_type3A_150 = arith.extui %gt3A_149 : i1 to i32
      %cond3A_151 = arith.constant 0 : i32
      %cond3A_152 = arith.cmpi ne, %convert_element_type3A_150, %cond3A_151 : i32
      scf.if %cond3A_152 {
        %add3A_345 = arith.constant 0 : i32
        %add3A_346 = arith.addi %sub3A_148, %add3A_345 : i32
        %dma_wait3A_347 = arith.constant 0 : i32
        %dma_wait3A_348 = arith.constant 0 : i32
        %dma_wait3A_349 = arith.constant 0 : i32
        %dma_wait3A_350 = tpu.memref_slice %arg9[%dma_wait3A_347, %dma_wait3A_348, %dma_wait3A_349] : memref<6x128x64xf32, #tpu.memory_space<vmem>> -> memref<1x128x64xf32, #tpu.memory_space<vmem>>
        %dma_wait3A_351 = tpu.memref_squeeze %dma_wait3A_350 : memref<1x128x64xf32, #tpu.memory_space<vmem>> -> memref<128x64xf32, #tpu.memory_space<vmem>>
        %dma_wait3A_352 = tpu.memref_slice %arg8[%add3A_346] : memref<20000xi32, #tpu.memory_space<vmem>> -> memref<128xi32, #tpu.memory_space<vmem>>
        %dma_wait3A_353 = arith.constant 0 : i32
        %dma_wait3A_354 = arith.constant 0 : i32
        %dma_wait3A_355 = tpu.memref_slice %arg10[%dma_wait3A_353, %dma_wait3A_354] : memref<10000x64xf32, #tpu.memory_space<vmem_shared>> -> memref<10000x64xf32, #tpu.memory_space<vmem_shared>>
        tpu.wait_indirect_dma semaphore(%arg12 : memref<!tpu.dma_semaphore, #tpu.memory_space<semaphore_mem>>) src(%dma_wait3A_351 : memref<128x64xf32, #tpu.memory_space<vmem>>) dst(%dma_wait3A_355 : memref<10000x64xf32, #tpu.memory_space<vmem_shared>>)
        %add3A_356 = arith.constant 128 : i32
        %add3A_357 = arith.addi %sub3A_148, %add3A_356 : i32
        %dma_wait3A_358 = arith.constant 1 : i32
        %dma_wait3A_359 = arith.constant 0 : i32
        %dma_wait3A_360 = arith.constant 0 : i32
        %dma_wait3A_361 = tpu.memref_slice %arg9[%dma_wait3A_358, %dma_wait3A_359, %dma_wait3A_360] : memref<6x128x64xf32, #tpu.memory_space<vmem>> -> memref<1x128x64xf32, #tpu.memory_space<vmem>>
        %dma_wait3A_362 = tpu.memref_squeeze %dma_wait3A_361 : memref<1x128x64xf32, #tpu.memory_space<vmem>> -> memref<128x64xf32, #tpu.memory_space<vmem>>
        %dma_wait3A_363 = tpu.memref_slice %arg8[%add3A_357] : memref<20000xi32, #tpu.memory_space<vmem>> -> memref<128xi32, #tpu.memory_space<vmem>>
        %dma_wait3A_364 = arith.constant 0 : i32
        %dma_wait3A_365 = arith.constant 0 : i32
        %dma_wait3A_366 = tpu.memref_slice %arg10[%dma_wait3A_364, %dma_wait3A_365] : memref<10000x64xf32, #tpu.memory_space<vmem_shared>> -> memref<10000x64xf32, #tpu.memory_space<vmem_shared>>
        tpu.wait_indirect_dma semaphore(%arg12 : memref<!tpu.dma_semaphore, #tpu.memory_space<semaphore_mem>>) src(%dma_wait3A_362 : memref<128x64xf32, #tpu.memory_space<vmem>>) dst(%dma_wait3A_366 : memref<10000x64xf32, #tpu.memory_space<vmem_shared>>)
        %add3A_367 = arith.constant 256 : i32
        %add3A_368 = arith.addi %sub3A_148, %add3A_367 : i32
        %dma_wait3A_369 = arith.constant 2 : i32
        %dma_wait3A_370 = arith.constant 0 : i32
        %dma_wait3A_371 = arith.constant 0 : i32
        %dma_wait3A_372 = tpu.memref_slice %arg9[%dma_wait3A_369, %dma_wait3A_370, %dma_wait3A_371] : memref<6x128x64xf32, #tpu.memory_space<vmem>> -> memref<1x128x64xf32, #tpu.memory_space<vmem>>
        %dma_wait3A_373 = tpu.memref_squeeze %dma_wait3A_372 : memref<1x128x64xf32, #tpu.memory_space<vmem>> -> memref<128x64xf32, #tpu.memory_space<vmem>>
        %dma_wait3A_374 = tpu.memref_slice %arg8[%add3A_368] : memref<20000xi32, #tpu.memory_space<vmem>> -> memref<128xi32, #tpu.memory_space<vmem>>
        %dma_wait3A_375 = arith.constant 0 : i32
        %dma_wait3A_376 = arith.constant 0 : i32
        %dma_wait3A_377 = tpu.memref_slice %arg10[%dma_wait3A_375, %dma_wait3A_376] : memref<10000x64xf32, #tpu.memory_space<vmem_shared>> -> memref<10000x64xf32, #tpu.memory_space<vmem_shared>>
        tpu.wait_indirect_dma semaphore(%arg12 : memref<!tpu.dma_semaphore, #tpu.memory_space<semaphore_mem>>) src(%dma_wait3A_373 : memref<128x64xf32, #tpu.memory_space<vmem>>) dst(%dma_wait3A_377 : memref<10000x64xf32, #tpu.memory_space<vmem_shared>>)
      } else {
      }
      %add3A_153 = arith.constant 0 : i32
      %add3A_154 = arith.addi %multiple_of3A_147, %add3A_153 : i32
      %dma_start3A_155 = arith.constant 0 : i32
      %dma_start3A_156 = arith.constant 0 : i32
      %dma_start3A_157 = arith.constant 0 : i32
      %dma_start3A_158 = tpu.memref_slice %arg9[%dma_start3A_155, %dma_start3A_156, %dma_start3A_157] : memref<6x128x64xf32, #tpu.memory_space<vmem>> -> memref<1x128x64xf32, #tpu.memory_space<vmem>>
      %dma_start3A_159 = tpu.memref_squeeze %dma_start3A_158 : memref<1x128x64xf32, #tpu.memory_space<vmem>> -> memref<128x64xf32, #tpu.memory_space<vmem>>
      %dma_start3A_160 = tpu.memref_slice %arg7[%add3A_154] : memref<20000xi32, #tpu.memory_space<vmem>> -> memref<128xi32, #tpu.memory_space<vmem>>
      %dma_start3A_161 = arith.constant 0 : i32
      %dma_start3A_162 = arith.constant 0 : i32
      %dma_start3A_163 = tpu.memref_slice %arg2[%dma_start3A_161, %dma_start3A_162] : memref<20000x64xf32, #tpu.memory_space<hbm>> -> memref<20000x64xf32, #tpu.memory_space<hbm>>
      tpu.enqueue_indirect_dma source(%dma_start3A_163 : memref<20000x64xf32, #tpu.memory_space<hbm>>) target(%dma_start3A_159 : memref<128x64xf32, #tpu.memory_space<vmem>>) offsets(%dma_start3A_160 : memref<128xi32, #tpu.memory_space<vmem>>) semaphore(%arg11 : memref<!tpu.dma_semaphore, #tpu.memory_space<semaphore_mem>>)
      %add3A_164 = arith.constant 128 : i32
      %add3A_165 = arith.addi %multiple_of3A_147, %add3A_164 : i32
      %dma_start3A_166 = arith.constant 1 : i32
      %dma_start3A_167 = arith.constant 0 : i32
      %dma_start3A_168 = arith.constant 0 : i32
      %dma_start3A_169 = tpu.memref_slice %arg9[%dma_start3A_166, %dma_start3A_167, %dma_start3A_168] : memref<6x128x64xf32, #tpu.memory_space<vmem>> -> memref<1x128x64xf32, #tpu.memory_space<vmem>>
      %dma_start3A_170 = tpu.memref_squeeze %dma_start3A_169 : memref<1x128x64xf32, #tpu.memory_space<vmem>> -> memref<128x64xf32, #tpu.memory_space<vmem>>
      %dma_start3A_171 = tpu.memref_slice %arg7[%add3A_165] : memref<20000xi32, #tpu.memory_space<vmem>> -> memref<128xi32, #tpu.memory_space<vmem>>
      %dma_start3A_172 = arith.constant 0 : i32
      %dma_start3A_173 = arith.constant 0 : i32
      %dma_start3A_174 = tpu.memref_slice %arg2[%dma_start3A_172, %dma_start3A_173] : memref<20000x64xf32, #tpu.memory_space<hbm>> -> memref<20000x64xf32, #tpu.memory_space<hbm>>
      tpu.enqueue_indirect_dma source(%dma_start3A_174 : memref<20000x64xf32, #tpu.memory_space<hbm>>) target(%dma_start3A_170 : memref<128x64xf32, #tpu.memory_space<vmem>>) offsets(%dma_start3A_171 : memref<128xi32, #tpu.memory_space<vmem>>) semaphore(%arg11 : memref<!tpu.dma_semaphore, #tpu.memory_space<semaphore_mem>>)
      %add3A_175 = arith.constant 256 : i32
      %add3A_176 = arith.addi %multiple_of3A_147, %add3A_175 : i32
      %dma_start3A_177 = arith.constant 2 : i32
      %dma_start3A_178 = arith.constant 0 : i32
      %dma_start3A_179 = arith.constant 0 : i32
      %dma_start3A_180 = tpu.memref_slice %arg9[%dma_start3A_177, %dma_start3A_178, %dma_start3A_179] : memref<6x128x64xf32, #tpu.memory_space<vmem>> -> memref<1x128x64xf32, #tpu.memory_space<vmem>>
      %dma_start3A_181 = tpu.memref_squeeze %dma_start3A_180 : memref<1x128x64xf32, #tpu.memory_space<vmem>> -> memref<128x64xf32, #tpu.memory_space<vmem>>
      %dma_start3A_182 = tpu.memref_slice %arg7[%add3A_176] : memref<20000xi32, #tpu.memory_space<vmem>> -> memref<128xi32, #tpu.memory_space<vmem>>
      %dma_start3A_183 = arith.constant 0 : i32
      %dma_start3A_184 = arith.constant 0 : i32
      %dma_start3A_185 = tpu.memref_slice %arg2[%dma_start3A_183, %dma_start3A_184] : memref<20000x64xf32, #tpu.memory_space<hbm>> -> memref<20000x64xf32, #tpu.memory_space<hbm>>
      tpu.enqueue_indirect_dma source(%dma_start3A_185 : memref<20000x64xf32, #tpu.memory_space<hbm>>) target(%dma_start3A_181 : memref<128x64xf32, #tpu.memory_space<vmem>>) offsets(%dma_start3A_182 : memref<128xi32, #tpu.memory_space<vmem>>) semaphore(%arg11 : memref<!tpu.dma_semaphore, #tpu.memory_space<semaphore_mem>>)
      %dma_wait3A_186 = arith.constant 0 : i32
      %dma_wait3A_187 = arith.constant 0 : i32
      %dma_wait3A_188 = arith.constant 0 : i32
      %dma_wait3A_189 = tpu.memref_slice %arg9[%dma_wait3A_186, %dma_wait3A_187, %dma_wait3A_188] : memref<6x128x64xf32, #tpu.memory_space<vmem>> -> memref<1x128x64xf32, #tpu.memory_space<vmem>>
      %dma_wait3A_190 = tpu.memref_squeeze %dma_wait3A_189 : memref<1x128x64xf32, #tpu.memory_space<vmem>> -> memref<128x64xf32, #tpu.memory_space<vmem>>
      %dma_wait3A_191 = tpu.memref_slice %arg7[%add3A_154] : memref<20000xi32, #tpu.memory_space<vmem>> -> memref<128xi32, #tpu.memory_space<vmem>>
      %dma_wait3A_192 = arith.constant 0 : i32
      %dma_wait3A_193 = arith.constant 0 : i32
      %dma_wait3A_194 = tpu.memref_slice %arg2[%dma_wait3A_192, %dma_wait3A_193] : memref<20000x64xf32, #tpu.memory_space<hbm>> -> memref<20000x64xf32, #tpu.memory_space<hbm>>
      tpu.wait_indirect_dma semaphore(%arg11 : memref<!tpu.dma_semaphore, #tpu.memory_space<semaphore_mem>>) src(%dma_wait3A_194 : memref<20000x64xf32, #tpu.memory_space<hbm>>) dst(%dma_wait3A_190 : memref<128x64xf32, #tpu.memory_space<vmem>>)
      %dma_wait3A_195 = arith.constant 1 : i32
      %dma_wait3A_196 = arith.constant 0 : i32
      %dma_wait3A_197 = arith.constant 0 : i32
      %dma_wait3A_198 = tpu.memref_slice %arg9[%dma_wait3A_195, %dma_wait3A_196, %dma_wait3A_197] : memref<6x128x64xf32, #tpu.memory_space<vmem>> -> memref<1x128x64xf32, #tpu.memory_space<vmem>>
      %dma_wait3A_199 = tpu.memref_squeeze %dma_wait3A_198 : memref<1x128x64xf32, #tpu.memory_space<vmem>> -> memref<128x64xf32, #tpu.memory_space<vmem>>
      %dma_wait3A_200 = tpu.memref_slice %arg7[%add3A_165] : memref<20000xi32, #tpu.memory_space<vmem>> -> memref<128xi32, #tpu.memory_space<vmem>>
      %dma_wait3A_201 = arith.constant 0 : i32
      %dma_wait3A_202 = arith.constant 0 : i32
      %dma_wait3A_203 = tpu.memref_slice %arg2[%dma_wait3A_201, %dma_wait3A_202] : memref<20000x64xf32, #tpu.memory_space<hbm>> -> memref<20000x64xf32, #tpu.memory_space<hbm>>
      tpu.wait_indirect_dma semaphore(%arg11 : memref<!tpu.dma_semaphore, #tpu.memory_space<semaphore_mem>>) src(%dma_wait3A_203 : memref<20000x64xf32, #tpu.memory_space<hbm>>) dst(%dma_wait3A_199 : memref<128x64xf32, #tpu.memory_space<vmem>>)
      %dma_wait3A_204 = arith.constant 2 : i32
      %dma_wait3A_205 = arith.constant 0 : i32
      %dma_wait3A_206 = arith.constant 0 : i32
      %dma_wait3A_207 = tpu.memref_slice %arg9[%dma_wait3A_204, %dma_wait3A_205, %dma_wait3A_206] : memref<6x128x64xf32, #tpu.memory_space<vmem>> -> memref<1x128x64xf32, #tpu.memory_space<vmem>>
      %dma_wait3A_208 = tpu.memref_squeeze %dma_wait3A_207 : memref<1x128x64xf32, #tpu.memory_space<vmem>> -> memref<128x64xf32, #tpu.memory_space<vmem>>
      %dma_wait3A_209 = tpu.memref_slice %arg7[%add3A_176] : memref<20000xi32, #tpu.memory_space<vmem>> -> memref<128xi32, #tpu.memory_space<vmem>>
      %dma_wait3A_210 = arith.constant 0 : i32
      %dma_wait3A_211 = arith.constant 0 : i32
      %dma_wait3A_212 = tpu.memref_slice %arg2[%dma_wait3A_210, %dma_wait3A_211] : memref<20000x64xf32, #tpu.memory_space<hbm>> -> memref<20000x64xf32, #tpu.memory_space<hbm>>
      tpu.wait_indirect_dma semaphore(%arg11 : memref<!tpu.dma_semaphore, #tpu.memory_space<semaphore_mem>>) src(%dma_wait3A_212 : memref<20000x64xf32, #tpu.memory_space<hbm>>) dst(%dma_wait3A_208 : memref<128x64xf32, #tpu.memory_space<vmem>>)
      %gt3A_213 = arith.constant 0 : i32
      %gt3A_214 = arith.cmpi sgt, %scan3A_143, %gt3A_213 : i32
      %convert_element_type3A_215 = arith.extui %gt3A_214 : i1 to i32
      %cond3A_216 = arith.constant 0 : i32
      %cond3A_217 = arith.cmpi ne, %convert_element_type3A_215, %cond3A_216 : i32
      scf.if %cond3A_217 {
        %add3A_345 = arith.constant 384 : i32
        %add3A_346 = arith.addi %sub3A_148, %add3A_345 : i32
        %dma_wait3A_347 = arith.constant 3 : i32
        %dma_wait3A_348 = arith.constant 0 : i32
        %dma_wait3A_349 = arith.constant 0 : i32
        %dma_wait3A_350 = tpu.memref_slice %arg9[%dma_wait3A_347, %dma_wait3A_348, %dma_wait3A_349] : memref<6x128x64xf32, #tpu.memory_space<vmem>> -> memref<1x128x64xf32, #tpu.memory_space<vmem>>
        %dma_wait3A_351 = tpu.memref_squeeze %dma_wait3A_350 : memref<1x128x64xf32, #tpu.memory_space<vmem>> -> memref<128x64xf32, #tpu.memory_space<vmem>>
        %dma_wait3A_352 = tpu.memref_slice %arg8[%add3A_346] : memref<20000xi32, #tpu.memory_space<vmem>> -> memref<128xi32, #tpu.memory_space<vmem>>
        %dma_wait3A_353 = arith.constant 0 : i32
        %dma_wait3A_354 = arith.constant 0 : i32
        %dma_wait3A_355 = tpu.memref_slice %arg10[%dma_wait3A_353, %dma_wait3A_354] : memref<10000x64xf32, #tpu.memory_space<vmem_shared>> -> memref<10000x64xf32, #tpu.memory_space<vmem_shared>>
        tpu.wait_indirect_dma semaphore(%arg12 : memref<!tpu.dma_semaphore, #tpu.memory_space<semaphore_mem>>) src(%dma_wait3A_351 : memref<128x64xf32, #tpu.memory_space<vmem>>) dst(%dma_wait3A_355 : memref<10000x64xf32, #tpu.memory_space<vmem_shared>>)
        %add3A_356 = arith.constant 512 : i32
        %add3A_357 = arith.addi %sub3A_148, %add3A_356 : i32
        %dma_wait3A_358 = arith.constant 4 : i32
        %dma_wait3A_359 = arith.constant 0 : i32
        %dma_wait3A_360 = arith.constant 0 : i32
        %dma_wait3A_361 = tpu.memref_slice %arg9[%dma_wait3A_358, %dma_wait3A_359, %dma_wait3A_360] : memref<6x128x64xf32, #tpu.memory_space<vmem>> -> memref<1x128x64xf32, #tpu.memory_space<vmem>>
        %dma_wait3A_362 = tpu.memref_squeeze %dma_wait3A_361 : memref<1x128x64xf32, #tpu.memory_space<vmem>> -> memref<128x64xf32, #tpu.memory_space<vmem>>
        %dma_wait3A_363 = tpu.memref_slice %arg8[%add3A_357] : memref<20000xi32, #tpu.memory_space<vmem>> -> memref<128xi32, #tpu.memory_space<vmem>>
        %dma_wait3A_364 = arith.constant 0 : i32
        %dma_wait3A_365 = arith.constant 0 : i32
        %dma_wait3A_366 = tpu.memref_slice %arg10[%dma_wait3A_364, %dma_wait3A_365] : memref<10000x64xf32, #tpu.memory_space<vmem_shared>> -> memref<10000x64xf32, #tpu.memory_space<vmem_shared>>
        tpu.wait_indirect_dma semaphore(%arg12 : memref<!tpu.dma_semaphore, #tpu.memory_space<semaphore_mem>>) src(%dma_wait3A_362 : memref<128x64xf32, #tpu.memory_space<vmem>>) dst(%dma_wait3A_366 : memref<10000x64xf32, #tpu.memory_space<vmem_shared>>)
        %add3A_367 = arith.constant 640 : i32
        %add3A_368 = arith.addi %sub3A_148, %add3A_367 : i32
        %dma_wait3A_369 = arith.constant 5 : i32
        %dma_wait3A_370 = arith.constant 0 : i32
        %dma_wait3A_371 = arith.constant 0 : i32
        %dma_wait3A_372 = tpu.memref_slice %arg9[%dma_wait3A_369, %dma_wait3A_370, %dma_wait3A_371] : memref<6x128x64xf32, #tpu.memory_space<vmem>> -> memref<1x128x64xf32, #tpu.memory_space<vmem>>
        %dma_wait3A_373 = tpu.memref_squeeze %dma_wait3A_372 : memref<1x128x64xf32, #tpu.memory_space<vmem>> -> memref<128x64xf32, #tpu.memory_space<vmem>>
        %dma_wait3A_374 = tpu.memref_slice %arg8[%add3A_368] : memref<20000xi32, #tpu.memory_space<vmem>> -> memref<128xi32, #tpu.memory_space<vmem>>
        %dma_wait3A_375 = arith.constant 0 : i32
        %dma_wait3A_376 = arith.constant 0 : i32
        %dma_wait3A_377 = tpu.memref_slice %arg10[%dma_wait3A_375, %dma_wait3A_376] : memref<10000x64xf32, #tpu.memory_space<vmem_shared>> -> memref<10000x64xf32, #tpu.memory_space<vmem_shared>>
        tpu.wait_indirect_dma semaphore(%arg12 : memref<!tpu.dma_semaphore, #tpu.memory_space<semaphore_mem>>) src(%dma_wait3A_373 : memref<128x64xf32, #tpu.memory_space<vmem>>) dst(%dma_wait3A_377 : memref<10000x64xf32, #tpu.memory_space<vmem_shared>>)
      } else {
      }
      %add3A_218 = arith.constant 0 : i32
      %add3A_219 = arith.addi %multiple_of3A_147, %add3A_218 : i32
      %dma_start3A_220 = arith.constant 0 : i32
      %dma_start3A_221 = arith.constant 0 : i32
      %dma_start3A_222 = arith.constant 0 : i32
      %dma_start3A_223 = tpu.memref_slice %arg9[%dma_start3A_220, %dma_start3A_221, %dma_start3A_222] : memref<6x128x64xf32, #tpu.memory_space<vmem>> -> memref<1x128x64xf32, #tpu.memory_space<vmem>>
      %dma_start3A_224 = tpu.memref_squeeze %dma_start3A_223 : memref<1x128x64xf32, #tpu.memory_space<vmem>> -> memref<128x64xf32, #tpu.memory_space<vmem>>
      %dma_start3A_225 = tpu.memref_slice %arg8[%add3A_219] : memref<20000xi32, #tpu.memory_space<vmem>> -> memref<128xi32, #tpu.memory_space<vmem>>
      %dma_start3A_226 = arith.constant 0 : i32
      %dma_start3A_227 = arith.constant 0 : i32
      %dma_start3A_228 = tpu.memref_slice %arg10[%dma_start3A_226, %dma_start3A_227] : memref<10000x64xf32, #tpu.memory_space<vmem_shared>> -> memref<10000x64xf32, #tpu.memory_space<vmem_shared>>
      tpu.enqueue_indirect_dma source(%dma_start3A_224 : memref<128x64xf32, #tpu.memory_space<vmem>>) target(%dma_start3A_228 : memref<10000x64xf32, #tpu.memory_space<vmem_shared>>) offsets(%dma_start3A_225 : memref<128xi32, #tpu.memory_space<vmem>>) semaphore(%arg12 : memref<!tpu.dma_semaphore, #tpu.memory_space<semaphore_mem>>) {add = true}
      %add3A_229 = arith.constant 128 : i32
      %add3A_230 = arith.addi %multiple_of3A_147, %add3A_229 : i32
      %dma_start3A_231 = arith.constant 1 : i32
      %dma_start3A_232 = arith.constant 0 : i32
      %dma_start3A_233 = arith.constant 0 : i32
      %dma_start3A_234 = tpu.memref_slice %arg9[%dma_start3A_231, %dma_start3A_232, %dma_start3A_233] : memref<6x128x64xf32, #tpu.memory_space<vmem>> -> memref<1x128x64xf32, #tpu.memory_space<vmem>>
      %dma_start3A_235 = tpu.memref_squeeze %dma_start3A_234 : memref<1x128x64xf32, #tpu.memory_space<vmem>> -> memref<128x64xf32, #tpu.memory_space<vmem>>
      %dma_start3A_236 = tpu.memref_slice %arg8[%add3A_230] : memref<20000xi32, #tpu.memory_space<vmem>> -> memref<128xi32, #tpu.memory_space<vmem>>
      %dma_start3A_237 = arith.constant 0 : i32
      %dma_start3A_238 = arith.constant 0 : i32
      %dma_start3A_239 = tpu.memref_slice %arg10[%dma_start3A_237, %dma_start3A_238] : memref<10000x64xf32, #tpu.memory_space<vmem_shared>> -> memref<10000x64xf32, #tpu.memory_space<vmem_shared>>
      tpu.enqueue_indirect_dma source(%dma_start3A_235 : memref<128x64xf32, #tpu.memory_space<vmem>>) target(%dma_start3A_239 : memref<10000x64xf32, #tpu.memory_space<vmem_shared>>) offsets(%dma_start3A_236 : memref<128xi32, #tpu.memory_space<vmem>>) semaphore(%arg12 : memref<!tpu.dma_semaphore, #tpu.memory_space<semaphore_mem>>) {add = true}
      %add3A_240 = arith.constant 256 : i32
      %add3A_241 = arith.addi %multiple_of3A_147, %add3A_240 : i32
      %dma_start3A_242 = arith.constant 2 : i32
      %dma_start3A_243 = arith.constant 0 : i32
      %dma_start3A_244 = arith.constant 0 : i32
      %dma_start3A_245 = tpu.memref_slice %arg9[%dma_start3A_242, %dma_start3A_243, %dma_start3A_244] : memref<6x128x64xf32, #tpu.memory_space<vmem>> -> memref<1x128x64xf32, #tpu.memory_space<vmem>>
      %dma_start3A_246 = tpu.memref_squeeze %dma_start3A_245 : memref<1x128x64xf32, #tpu.memory_space<vmem>> -> memref<128x64xf32, #tpu.memory_space<vmem>>
      %dma_start3A_247 = tpu.memref_slice %arg8[%add3A_241] : memref<20000xi32, #tpu.memory_space<vmem>> -> memref<128xi32, #tpu.memory_space<vmem>>
      %dma_start3A_248 = arith.constant 0 : i32
      %dma_start3A_249 = arith.constant 0 : i32
      %dma_start3A_250 = tpu.memref_slice %arg10[%dma_start3A_248, %dma_start3A_249] : memref<10000x64xf32, #tpu.memory_space<vmem_shared>> -> memref<10000x64xf32, #tpu.memory_space<vmem_shared>>
      tpu.enqueue_indirect_dma source(%dma_start3A_246 : memref<128x64xf32, #tpu.memory_space<vmem>>) target(%dma_start3A_250 : memref<10000x64xf32, #tpu.memory_space<vmem_shared>>) offsets(%dma_start3A_247 : memref<128xi32, #tpu.memory_space<vmem>>) semaphore(%arg12 : memref<!tpu.dma_semaphore, #tpu.memory_space<semaphore_mem>>) {add = true}
      %add3A_251 = arith.constant 384 : i32
      %add3A_252 = arith.addi %multiple_of3A_147, %add3A_251 : i32
      %dma_start3A_253 = arith.constant 3 : i32
      %dma_start3A_254 = arith.constant 0 : i32
      %dma_start3A_255 = arith.constant 0 : i32
      %dma_start3A_256 = tpu.memref_slice %arg9[%dma_start3A_253, %dma_start3A_254, %dma_start3A_255] : memref<6x128x64xf32, #tpu.memory_space<vmem>> -> memref<1x128x64xf32, #tpu.memory_space<vmem>>
      %dma_start3A_257 = tpu.memref_squeeze %dma_start3A_256 : memref<1x128x64xf32, #tpu.memory_space<vmem>> -> memref<128x64xf32, #tpu.memory_space<vmem>>
      %dma_start3A_258 = tpu.memref_slice %arg7[%add3A_252] : memref<20000xi32, #tpu.memory_space<vmem>> -> memref<128xi32, #tpu.memory_space<vmem>>
      %dma_start3A_259 = arith.constant 0 : i32
      %dma_start3A_260 = arith.constant 0 : i32
      %dma_start3A_261 = tpu.memref_slice %arg2[%dma_start3A_259, %dma_start3A_260] : memref<20000x64xf32, #tpu.memory_space<hbm>> -> memref<20000x64xf32, #tpu.memory_space<hbm>>
      tpu.enqueue_indirect_dma source(%dma_start3A_261 : memref<20000x64xf32, #tpu.memory_space<hbm>>) target(%dma_start3A_257 : memref<128x64xf32, #tpu.memory_space<vmem>>) offsets(%dma_start3A_258 : memref<128xi32, #tpu.memory_space<vmem>>) semaphore(%arg11 : memref<!tpu.dma_semaphore, #tpu.memory_space<semaphore_mem>>)
      %add3A_262 = arith.constant 512 : i32
      %add3A_263 = arith.addi %multiple_of3A_147, %add3A_262 : i32
      %dma_start3A_264 = arith.constant 4 : i32
      %dma_start3A_265 = arith.constant 0 : i32
      %dma_start3A_266 = arith.constant 0 : i32
      %dma_start3A_267 = tpu.memref_slice %arg9[%dma_start3A_264, %dma_start3A_265, %dma_start3A_266] : memref<6x128x64xf32, #tpu.memory_space<vmem>> -> memref<1x128x64xf32, #tpu.memory_space<vmem>>
      %dma_start3A_268 = tpu.memref_squeeze %dma_start3A_267 : memref<1x128x64xf32, #tpu.memory_space<vmem>> -> memref<128x64xf32, #tpu.memory_space<vmem>>
      %dma_start3A_269 = tpu.memref_slice %arg7[%add3A_263] : memref<20000xi32, #tpu.memory_space<vmem>> -> memref<128xi32, #tpu.memory_space<vmem>>
      %dma_start3A_270 = arith.constant 0 : i32
      %dma_start3A_271 = arith.constant 0 : i32
      %dma_start3A_272 = tpu.memref_slice %arg2[%dma_start3A_270, %dma_start3A_271] : memref<20000x64xf32, #tpu.memory_space<hbm>> -> memref<20000x64xf32, #tpu.memory_space<hbm>>
      tpu.enqueue_indirect_dma source(%dma_start3A_272 : memref<20000x64xf32, #tpu.memory_space<hbm>>) target(%dma_start3A_268 : memref<128x64xf32, #tpu.memory_space<vmem>>) offsets(%dma_start3A_269 : memref<128xi32, #tpu.memory_space<vmem>>) semaphore(%arg11 : memref<!tpu.dma_semaphore, #tpu.memory_space<semaphore_mem>>)
      %add3A_273 = arith.constant 640 : i32
      %add3A_274 = arith.addi %multiple_of3A_147, %add3A_273 : i32
      %dma_start3A_275 = arith.constant 5 : i32
      %dma_start3A_276 = arith.constant 0 : i32
      %dma_start3A_277 = arith.constant 0 : i32
      %dma_start3A_278 = tpu.memref_slice %arg9[%dma_start3A_275, %dma_start3A_276, %dma_start3A_277] : memref<6x128x64xf32, #tpu.memory_space<vmem>> -> memref<1x128x64xf32, #tpu.memory_space<vmem>>
      %dma_start3A_279 = tpu.memref_squeeze %dma_start3A_278 : memref<1x128x64xf32, #tpu.memory_space<vmem>> -> memref<128x64xf32, #tpu.memory_space<vmem>>
      %dma_start3A_280 = tpu.memref_slice %arg7[%add3A_274] : memref<20000xi32, #tpu.memory_space<vmem>> -> memref<128xi32, #tpu.memory_space<vmem>>
      %dma_start3A_281 = arith.constant 0 : i32
      %dma_start3A_282 = arith.constant 0 : i32
      %dma_start3A_283 = tpu.memref_slice %arg2[%dma_start3A_281, %dma_start3A_282] : memref<20000x64xf32, #tpu.memory_space<hbm>> -> memref<20000x64xf32, #tpu.memory_space<hbm>>
      tpu.enqueue_indirect_dma source(%dma_start3A_283 : memref<20000x64xf32, #tpu.memory_space<hbm>>) target(%dma_start3A_279 : memref<128x64xf32, #tpu.memory_space<vmem>>) offsets(%dma_start3A_280 : memref<128xi32, #tpu.memory_space<vmem>>) semaphore(%arg11 : memref<!tpu.dma_semaphore, #tpu.memory_space<semaphore_mem>>)
      %dma_wait3A_284 = arith.constant 3 : i32
      %dma_wait3A_285 = arith.constant 0 : i32
      %dma_wait3A_286 = arith.constant 0 : i32
      %dma_wait3A_287 = tpu.memref_slice %arg9[%dma_wait3A_284, %dma_wait3A_285, %dma_wait3A_286] : memref<6x128x64xf32, #tpu.memory_space<vmem>> -> memref<1x128x64xf32, #tpu.memory_space<vmem>>
      %dma_wait3A_288 = tpu.memref_squeeze %dma_wait3A_287 : memref<1x128x64xf32, #tpu.memory_space<vmem>> -> memref<128x64xf32, #tpu.memory_space<vmem>>
      %dma_wait3A_289 = tpu.memref_slice %arg7[%add3A_252] : memref<20000xi32, #tpu.memory_space<vmem>> -> memref<128xi32, #tpu.memory_space<vmem>>
      %dma_wait3A_290 = arith.constant 0 : i32
      %dma_wait3A_291 = arith.constant 0 : i32
      %dma_wait3A_292 = tpu.memref_slice %arg2[%dma_wait3A_290, %dma_wait3A_291] : memref<20000x64xf32, #tpu.memory_space<hbm>> -> memref<20000x64xf32, #tpu.memory_space<hbm>>
      tpu.wait_indirect_dma semaphore(%arg11 : memref<!tpu.dma_semaphore, #tpu.memory_space<semaphore_mem>>) src(%dma_wait3A_292 : memref<20000x64xf32, #tpu.memory_space<hbm>>) dst(%dma_wait3A_288 : memref<128x64xf32, #tpu.memory_space<vmem>>)
      %dma_wait3A_293 = arith.constant 4 : i32
      %dma_wait3A_294 = arith.constant 0 : i32
      %dma_wait3A_295 = arith.constant 0 : i32
      %dma_wait3A_296 = tpu.memref_slice %arg9[%dma_wait3A_293, %dma_wait3A_294, %dma_wait3A_295] : memref<6x128x64xf32, #tpu.memory_space<vmem>> -> memref<1x128x64xf32, #tpu.memory_space<vmem>>
      %dma_wait3A_297 = tpu.memref_squeeze %dma_wait3A_296 : memref<1x128x64xf32, #tpu.memory_space<vmem>> -> memref<128x64xf32, #tpu.memory_space<vmem>>
      %dma_wait3A_298 = tpu.memref_slice %arg7[%add3A_263] : memref<20000xi32, #tpu.memory_space<vmem>> -> memref<128xi32, #tpu.memory_space<vmem>>
      %dma_wait3A_299 = arith.constant 0 : i32
      %dma_wait3A_300 = arith.constant 0 : i32
      %dma_wait3A_301 = tpu.memref_slice %arg2[%dma_wait3A_299, %dma_wait3A_300] : memref<20000x64xf32, #tpu.memory_space<hbm>> -> memref<20000x64xf32, #tpu.memory_space<hbm>>
      tpu.wait_indirect_dma semaphore(%arg11 : memref<!tpu.dma_semaphore, #tpu.memory_space<semaphore_mem>>) src(%dma_wait3A_301 : memref<20000x64xf32, #tpu.memory_space<hbm>>) dst(%dma_wait3A_297 : memref<128x64xf32, #tpu.memory_space<vmem>>)
      %dma_wait3A_302 = arith.constant 5 : i32
      %dma_wait3A_303 = arith.constant 0 : i32
      %dma_wait3A_304 = arith.constant 0 : i32
      %dma_wait3A_305 = tpu.memref_slice %arg9[%dma_wait3A_302, %dma_wait3A_303, %dma_wait3A_304] : memref<6x128x64xf32, #tpu.memory_space<vmem>> -> memref<1x128x64xf32, #tpu.memory_space<vmem>>
      %dma_wait3A_306 = tpu.memref_squeeze %dma_wait3A_305 : memref<1x128x64xf32, #tpu.memory_space<vmem>> -> memref<128x64xf32, #tpu.memory_space<vmem>>
      %dma_wait3A_307 = tpu.memref_slice %arg7[%add3A_274] : memref<20000xi32, #tpu.memory_space<vmem>> -> memref<128xi32, #tpu.memory_space<vmem>>
      %dma_wait3A_308 = arith.constant 0 : i32
      %dma_wait3A_309 = arith.constant 0 : i32
      %dma_wait3A_310 = tpu.memref_slice %arg2[%dma_wait3A_308, %dma_wait3A_309] : memref<20000x64xf32, #tpu.memory_space<hbm>> -> memref<20000x64xf32, #tpu.memory_space<hbm>>
      tpu.wait_indirect_dma semaphore(%arg11 : memref<!tpu.dma_semaphore, #tpu.memory_space<semaphore_mem>>) src(%dma_wait3A_310 : memref<20000x64xf32, #tpu.memory_space<hbm>>) dst(%dma_wait3A_306 : memref<128x64xf32, #tpu.memory_space<vmem>>)
      %add3A_311 = arith.constant 384 : i32
      %add3A_312 = arith.addi %multiple_of3A_147, %add3A_311 : i32
      %dma_start3A_313 = arith.constant 3 : i32
      %dma_start3A_314 = arith.constant 0 : i32
      %dma_start3A_315 = arith.constant 0 : i32
      %dma_start3A_316 = tpu.memref_slice %arg9[%dma_start3A_313, %dma_start3A_314, %dma_start3A_315] : memref<6x128x64xf32, #tpu.memory_space<vmem>> -> memref<1x128x64xf32, #tpu.memory_space<vmem>>
      %dma_start3A_317 = tpu.memref_squeeze %dma_start3A_316 : memref<1x128x64xf32, #tpu.memory_space<vmem>> -> memref<128x64xf32, #tpu.memory_space<vmem>>
      %dma_start3A_318 = tpu.memref_slice %arg8[%add3A_312] : memref<20000xi32, #tpu.memory_space<vmem>> -> memref<128xi32, #tpu.memory_space<vmem>>
      %dma_start3A_319 = arith.constant 0 : i32
      %dma_start3A_320 = arith.constant 0 : i32
      %dma_start3A_321 = tpu.memref_slice %arg10[%dma_start3A_319, %dma_start3A_320] : memref<10000x64xf32, #tpu.memory_space<vmem_shared>> -> memref<10000x64xf32, #tpu.memory_space<vmem_shared>>
      tpu.enqueue_indirect_dma source(%dma_start3A_317 : memref<128x64xf32, #tpu.memory_space<vmem>>) target(%dma_start3A_321 : memref<10000x64xf32, #tpu.memory_space<vmem_shared>>) offsets(%dma_start3A_318 : memref<128xi32, #tpu.memory_space<vmem>>) semaphore(%arg12 : memref<!tpu.dma_semaphore, #tpu.memory_space<semaphore_mem>>) {add = true}
      %add3A_322 = arith.constant 512 : i32
      %add3A_323 = arith.addi %multiple_of3A_147, %add3A_322 : i32
      %dma_start3A_324 = arith.constant 4 : i32
      %dma_start3A_325 = arith.constant 0 : i32
      %dma_start3A_326 = arith.constant 0 : i32
      %dma_start3A_327 = tpu.memref_slice %arg9[%dma_start3A_324, %dma_start3A_325, %dma_start3A_326] : memref<6x128x64xf32, #tpu.memory_space<vmem>> -> memref<1x128x64xf32, #tpu.memory_space<vmem>>
      %dma_start3A_328 = tpu.memref_squeeze %dma_start3A_327 : memref<1x128x64xf32, #tpu.memory_space<vmem>> -> memref<128x64xf32, #tpu.memory_space<vmem>>
      %dma_start3A_329 = tpu.memref_slice %arg8[%add3A_323] : memref<20000xi32, #tpu.memory_space<vmem>> -> memref<128xi32, #tpu.memory_space<vmem>>
      %dma_start3A_330 = arith.constant 0 : i32
      %dma_start3A_331 = arith.constant 0 : i32
      %dma_start3A_332 = tpu.memref_slice %arg10[%dma_start3A_330, %dma_start3A_331] : memref<10000x64xf32, #tpu.memory_space<vmem_shared>> -> memref<10000x64xf32, #tpu.memory_space<vmem_shared>>
      tpu.enqueue_indirect_dma source(%dma_start3A_328 : memref<128x64xf32, #tpu.memory_space<vmem>>) target(%dma_start3A_332 : memref<10000x64xf32, #tpu.memory_space<vmem_shared>>) offsets(%dma_start3A_329 : memref<128xi32, #tpu.memory_space<vmem>>) semaphore(%arg12 : memref<!tpu.dma_semaphore, #tpu.memory_space<semaphore_mem>>) {add = true}
      %add3A_333 = arith.constant 640 : i32
      %add3A_334 = arith.addi %multiple_of3A_147, %add3A_333 : i32
      %dma_start3A_335 = arith.constant 5 : i32
      %dma_start3A_336 = arith.constant 0 : i32
      %dma_start3A_337 = arith.constant 0 : i32
      %dma_start3A_338 = tpu.memref_slice %arg9[%dma_start3A_335, %dma_start3A_336, %dma_start3A_337] : memref<6x128x64xf32, #tpu.memory_space<vmem>> -> memref<1x128x64xf32, #tpu.memory_space<vmem>>
      %dma_start3A_339 = tpu.memref_squeeze %dma_start3A_338 : memref<1x128x64xf32, #tpu.memory_space<vmem>> -> memref<128x64xf32, #tpu.memory_space<vmem>>
      %dma_start3A_340 = tpu.memref_slice %arg8[%add3A_334] : memref<20000xi32, #tpu.memory_space<vmem>> -> memref<128xi32, #tpu.memory_space<vmem>>
      %dma_start3A_341 = arith.constant 0 : i32
      %dma_start3A_342 = arith.constant 0 : i32
      %dma_start3A_343 = tpu.memref_slice %arg10[%dma_start3A_341, %dma_start3A_342] : memref<10000x64xf32, #tpu.memory_space<vmem_shared>> -> memref<10000x64xf32, #tpu.memory_space<vmem_shared>>
      tpu.enqueue_indirect_dma source(%dma_start3A_339 : memref<128x64xf32, #tpu.memory_space<vmem>>) target(%dma_start3A_343 : memref<10000x64xf32, #tpu.memory_space<vmem_shared>>) offsets(%dma_start3A_340 : memref<128xi32, #tpu.memory_space<vmem>>) semaphore(%arg12 : memref<!tpu.dma_semaphore, #tpu.memory_space<semaphore_mem>>) {add = true}
      %scan3A_344 = arith.constant 0 : i32
      scf.yield %scan3A_344 : i32
    }
    %scan3A_32 = arith.constant 26 : i32
    %dma_wait3A_33 = arith.constant 0 : i32
    %dma_wait3A_34 = arith.constant 0 : i32
    %dma_wait3A_35 = arith.constant 0 : i32
    %dma_wait3A_36 = tpu.memref_slice %arg9[%dma_wait3A_33, %dma_wait3A_34, %dma_wait3A_35] : memref<6x128x64xf32, #tpu.memory_space<vmem>> -> memref<1x128x64xf32, #tpu.memory_space<vmem>>
    %dma_wait3A_37 = tpu.memref_squeeze %dma_wait3A_36 : memref<1x128x64xf32, #tpu.memory_space<vmem>> -> memref<128x64xf32, #tpu.memory_space<vmem>>
    %dma_wait3A_38 = arith.constant 19200 : i32
    %dma_wait3A_39 = tpu.memref_slice %arg8[%dma_wait3A_38] : memref<20000xi32, #tpu.memory_space<vmem>> -> memref<128xi32, #tpu.memory_space<vmem>>
    %dma_wait3A_40 = arith.constant 0 : i32
    %dma_wait3A_41 = arith.constant 0 : i32
    %dma_wait3A_42 = tpu.memref_slice %arg10[%dma_wait3A_40, %dma_wait3A_41] : memref<10000x64xf32, #tpu.memory_space<vmem_shared>> -> memref<10000x64xf32, #tpu.memory_space<vmem_shared>>
    tpu.wait_indirect_dma semaphore(%arg12 : memref<!tpu.dma_semaphore, #tpu.memory_space<semaphore_mem>>) src(%dma_wait3A_37 : memref<128x64xf32, #tpu.memory_space<vmem>>) dst(%dma_wait3A_42 : memref<10000x64xf32, #tpu.memory_space<vmem_shared>>)
    %dma_wait3A_43 = arith.constant 1 : i32
    %dma_wait3A_44 = arith.constant 0 : i32
    %dma_wait3A_45 = arith.constant 0 : i32
    %dma_wait3A_46 = tpu.memref_slice %arg9[%dma_wait3A_43, %dma_wait3A_44, %dma_wait3A_45] : memref<6x128x64xf32, #tpu.memory_space<vmem>> -> memref<1x128x64xf32, #tpu.memory_space<vmem>>
    %dma_wait3A_47 = tpu.memref_squeeze %dma_wait3A_46 : memref<1x128x64xf32, #tpu.memory_space<vmem>> -> memref<128x64xf32, #tpu.memory_space<vmem>>
    %dma_wait3A_48 = arith.constant 19328 : i32
    %dma_wait3A_49 = tpu.memref_slice %arg8[%dma_wait3A_48] : memref<20000xi32, #tpu.memory_space<vmem>> -> memref<128xi32, #tpu.memory_space<vmem>>
    %dma_wait3A_50 = arith.constant 0 : i32
    %dma_wait3A_51 = arith.constant 0 : i32
    %dma_wait3A_52 = tpu.memref_slice %arg10[%dma_wait3A_50, %dma_wait3A_51] : memref<10000x64xf32, #tpu.memory_space<vmem_shared>> -> memref<10000x64xf32, #tpu.memory_space<vmem_shared>>
    tpu.wait_indirect_dma semaphore(%arg12 : memref<!tpu.dma_semaphore, #tpu.memory_space<semaphore_mem>>) src(%dma_wait3A_47 : memref<128x64xf32, #tpu.memory_space<vmem>>) dst(%dma_wait3A_52 : memref<10000x64xf32, #tpu.memory_space<vmem_shared>>)
    %dma_wait3A_53 = arith.constant 2 : i32
    %dma_wait3A_54 = arith.constant 0 : i32
    %dma_wait3A_55 = arith.constant 0 : i32
    %dma_wait3A_56 = tpu.memref_slice %arg9[%dma_wait3A_53, %dma_wait3A_54, %dma_wait3A_55] : memref<6x128x64xf32, #tpu.memory_space<vmem>> -> memref<1x128x64xf32, #tpu.memory_space<vmem>>
    %dma_wait3A_57 = tpu.memref_squeeze %dma_wait3A_56 : memref<1x128x64xf32, #tpu.memory_space<vmem>> -> memref<128x64xf32, #tpu.memory_space<vmem>>
    %dma_wait3A_58 = arith.constant 19456 : i32
    %dma_wait3A_59 = tpu.memref_slice %arg8[%dma_wait3A_58] : memref<20000xi32, #tpu.memory_space<vmem>> -> memref<128xi32, #tpu.memory_space<vmem>>
    %dma_wait3A_60 = arith.constant 0 : i32
    %dma_wait3A_61 = arith.constant 0 : i32
    %dma_wait3A_62 = tpu.memref_slice %arg10[%dma_wait3A_60, %dma_wait3A_61] : memref<10000x64xf32, #tpu.memory_space<vmem_shared>> -> memref<10000x64xf32, #tpu.memory_space<vmem_shared>>
    tpu.wait_indirect_dma semaphore(%arg12 : memref<!tpu.dma_semaphore, #tpu.memory_space<semaphore_mem>>) src(%dma_wait3A_57 : memref<128x64xf32, #tpu.memory_space<vmem>>) dst(%dma_wait3A_62 : memref<10000x64xf32, #tpu.memory_space<vmem_shared>>)
    %dma_wait3A_63 = arith.constant 3 : i32
    %dma_wait3A_64 = arith.constant 0 : i32
    %dma_wait3A_65 = arith.constant 0 : i32
    %dma_wait3A_66 = tpu.memref_slice %arg9[%dma_wait3A_63, %dma_wait3A_64, %dma_wait3A_65] : memref<6x128x64xf32, #tpu.memory_space<vmem>> -> memref<1x128x64xf32, #tpu.memory_space<vmem>>
    %dma_wait3A_67 = tpu.memref_squeeze %dma_wait3A_66 : memref<1x128x64xf32, #tpu.memory_space<vmem>> -> memref<128x64xf32, #tpu.memory_space<vmem>>
    %dma_wait3A_68 = arith.constant 19584 : i32
    %dma_wait3A_69 = tpu.memref_slice %arg8[%dma_wait3A_68] : memref<20000xi32, #tpu.memory_space<vmem>> -> memref<128xi32, #tpu.memory_space<vmem>>
    %dma_wait3A_70 = arith.constant 0 : i32
    %dma_wait3A_71 = arith.constant 0 : i32
    %dma_wait3A_72 = tpu.memref_slice %arg10[%dma_wait3A_70, %dma_wait3A_71] : memref<10000x64xf32, #tpu.memory_space<vmem_shared>> -> memref<10000x64xf32, #tpu.memory_space<vmem_shared>>
    tpu.wait_indirect_dma semaphore(%arg12 : memref<!tpu.dma_semaphore, #tpu.memory_space<semaphore_mem>>) src(%dma_wait3A_67 : memref<128x64xf32, #tpu.memory_space<vmem>>) dst(%dma_wait3A_72 : memref<10000x64xf32, #tpu.memory_space<vmem_shared>>)
    %dma_wait3A_73 = arith.constant 4 : i32
    %dma_wait3A_74 = arith.constant 0 : i32
    %dma_wait3A_75 = arith.constant 0 : i32
    %dma_wait3A_76 = tpu.memref_slice %arg9[%dma_wait3A_73, %dma_wait3A_74, %dma_wait3A_75] : memref<6x128x64xf32, #tpu.memory_space<vmem>> -> memref<1x128x64xf32, #tpu.memory_space<vmem>>
    %dma_wait3A_77 = tpu.memref_squeeze %dma_wait3A_76 : memref<1x128x64xf32, #tpu.memory_space<vmem>> -> memref<128x64xf32, #tpu.memory_space<vmem>>
    %dma_wait3A_78 = arith.constant 19712 : i32
    %dma_wait3A_79 = tpu.memref_slice %arg8[%dma_wait3A_78] : memref<20000xi32, #tpu.memory_space<vmem>> -> memref<128xi32, #tpu.memory_space<vmem>>
    %dma_wait3A_80 = arith.constant 0 : i32
    %dma_wait3A_81 = arith.constant 0 : i32
    %dma_wait3A_82 = tpu.memref_slice %arg10[%dma_wait3A_80, %dma_wait3A_81] : memref<10000x64xf32, #tpu.memory_space<vmem_shared>> -> memref<10000x64xf32, #tpu.memory_space<vmem_shared>>
    tpu.wait_indirect_dma semaphore(%arg12 : memref<!tpu.dma_semaphore, #tpu.memory_space<semaphore_mem>>) src(%dma_wait3A_77 : memref<128x64xf32, #tpu.memory_space<vmem>>) dst(%dma_wait3A_82 : memref<10000x64xf32, #tpu.memory_space<vmem_shared>>)
    %dma_wait3A_83 = arith.constant 5 : i32
    %dma_wait3A_84 = arith.constant 0 : i32
    %dma_wait3A_85 = arith.constant 0 : i32
    %dma_wait3A_86 = tpu.memref_slice %arg9[%dma_wait3A_83, %dma_wait3A_84, %dma_wait3A_85] : memref<6x128x64xf32, #tpu.memory_space<vmem>> -> memref<1x128x64xf32, #tpu.memory_space<vmem>>
    %dma_wait3A_87 = tpu.memref_squeeze %dma_wait3A_86 : memref<1x128x64xf32, #tpu.memory_space<vmem>> -> memref<128x64xf32, #tpu.memory_space<vmem>>
    %dma_wait3A_88 = arith.constant 19840 : i32
    %dma_wait3A_89 = tpu.memref_slice %arg8[%dma_wait3A_88] : memref<20000xi32, #tpu.memory_space<vmem>> -> memref<128xi32, #tpu.memory_space<vmem>>
    %dma_wait3A_90 = arith.constant 0 : i32
    %dma_wait3A_91 = arith.constant 0 : i32
    %dma_wait3A_92 = tpu.memref_slice %arg10[%dma_wait3A_90, %dma_wait3A_91] : memref<10000x64xf32, #tpu.memory_space<vmem_shared>> -> memref<10000x64xf32, #tpu.memory_space<vmem_shared>>
    tpu.wait_indirect_dma semaphore(%arg12 : memref<!tpu.dma_semaphore, #tpu.memory_space<semaphore_mem>>) src(%dma_wait3A_87 : memref<128x64xf32, #tpu.memory_space<vmem>>) dst(%dma_wait3A_92 : memref<10000x64xf32, #tpu.memory_space<vmem_shared>>)
    %dma_start3A_93 = arith.constant 0 : i32
    %dma_start3A_94 = arith.constant 0 : i32
    %dma_start3A_95 = arith.constant 0 : i32
    %dma_start3A_96 = tpu.memref_slice %arg9[%dma_start3A_93, %dma_start3A_94, %dma_start3A_95] : memref<6x128x64xf32, #tpu.memory_space<vmem>> -> memref<1x32x64xf32, #tpu.memory_space<vmem>>
    %dma_start3A_97 = tpu.memref_squeeze %dma_start3A_96 : memref<1x32x64xf32, #tpu.memory_space<vmem>> -> memref<32x64xf32, #tpu.memory_space<vmem>>
    %dma_start3A_98 = arith.constant 19968 : i32
    %dma_start3A_99 = tpu.memref_slice %arg7[%dma_start3A_98] : memref<20000xi32, #tpu.memory_space<vmem>> -> memref<32xi32, #tpu.memory_space<vmem>>
    %dma_start3A_100 = arith.constant 0 : i32
    %dma_start3A_101 = arith.constant 0 : i32
    %dma_start3A_102 = tpu.memref_slice %arg2[%dma_start3A_100, %dma_start3A_101] : memref<20000x64xf32, #tpu.memory_space<hbm>> -> memref<20000x64xf32, #tpu.memory_space<hbm>>
    tpu.enqueue_indirect_dma source(%dma_start3A_102 : memref<20000x64xf32, #tpu.memory_space<hbm>>) target(%dma_start3A_97 : memref<32x64xf32, #tpu.memory_space<vmem>>) offsets(%dma_start3A_99 : memref<32xi32, #tpu.memory_space<vmem>>) semaphore(%arg11 : memref<!tpu.dma_semaphore, #tpu.memory_space<semaphore_mem>>)
    %dma_wait3A_103 = arith.constant 0 : i32
    %dma_wait3A_104 = arith.constant 0 : i32
    %dma_wait3A_105 = arith.constant 0 : i32
    %dma_wait3A_106 = tpu.memref_slice %arg9[%dma_wait3A_103, %dma_wait3A_104, %dma_wait3A_105] : memref<6x128x64xf32, #tpu.memory_space<vmem>> -> memref<1x32x64xf32, #tpu.memory_space<vmem>>
    %dma_wait3A_107 = tpu.memref_squeeze %dma_wait3A_106 : memref<1x32x64xf32, #tpu.memory_space<vmem>> -> memref<32x64xf32, #tpu.memory_space<vmem>>
    %dma_wait3A_108 = arith.constant 19968 : i32
    %dma_wait3A_109 = tpu.memref_slice %arg7[%dma_wait3A_108] : memref<20000xi32, #tpu.memory_space<vmem>> -> memref<32xi32, #tpu.memory_space<vmem>>
    %dma_wait3A_110 = arith.constant 0 : i32
    %dma_wait3A_111 = arith.constant 0 : i32
    %dma_wait3A_112 = tpu.memref_slice %arg2[%dma_wait3A_110, %dma_wait3A_111] : memref<20000x64xf32, #tpu.memory_space<hbm>> -> memref<20000x64xf32, #tpu.memory_space<hbm>>
    tpu.wait_indirect_dma semaphore(%arg11 : memref<!tpu.dma_semaphore, #tpu.memory_space<semaphore_mem>>) src(%dma_wait3A_112 : memref<20000x64xf32, #tpu.memory_space<hbm>>) dst(%dma_wait3A_107 : memref<32x64xf32, #tpu.memory_space<vmem>>)
    %dma_start3A_113 = arith.constant 0 : i32
    %dma_start3A_114 = arith.constant 0 : i32
    %dma_start3A_115 = arith.constant 0 : i32
    %dma_start3A_116 = tpu.memref_slice %arg9[%dma_start3A_113, %dma_start3A_114, %dma_start3A_115] : memref<6x128x64xf32, #tpu.memory_space<vmem>> -> memref<1x32x64xf32, #tpu.memory_space<vmem>>
    %dma_start3A_117 = tpu.memref_squeeze %dma_start3A_116 : memref<1x32x64xf32, #tpu.memory_space<vmem>> -> memref<32x64xf32, #tpu.memory_space<vmem>>
    %dma_start3A_118 = arith.constant 19968 : i32
    %dma_start3A_119 = tpu.memref_slice %arg8[%dma_start3A_118] : memref<20000xi32, #tpu.memory_space<vmem>> -> memref<32xi32, #tpu.memory_space<vmem>>
    %dma_start3A_120 = arith.constant 0 : i32
    %dma_start3A_121 = arith.constant 0 : i32
    %dma_start3A_122 = tpu.memref_slice %arg10[%dma_start3A_120, %dma_start3A_121] : memref<10000x64xf32, #tpu.memory_space<vmem_shared>> -> memref<10000x64xf32, #tpu.memory_space<vmem_shared>>
    tpu.enqueue_indirect_dma source(%dma_start3A_117 : memref<32x64xf32, #tpu.memory_space<vmem>>) target(%dma_start3A_122 : memref<10000x64xf32, #tpu.memory_space<vmem_shared>>) offsets(%dma_start3A_119 : memref<32xi32, #tpu.memory_space<vmem>>) semaphore(%arg12 : memref<!tpu.dma_semaphore, #tpu.memory_space<semaphore_mem>>) {add = true}
    %dma_wait3A_123 = arith.constant 0 : i32
    %dma_wait3A_124 = arith.constant 0 : i32
    %dma_wait3A_125 = arith.constant 0 : i32
    %dma_wait3A_126 = tpu.memref_slice %arg9[%dma_wait3A_123, %dma_wait3A_124, %dma_wait3A_125] : memref<6x128x64xf32, #tpu.memory_space<vmem>> -> memref<1x32x64xf32, #tpu.memory_space<vmem>>
    %dma_wait3A_127 = tpu.memref_squeeze %dma_wait3A_126 : memref<1x32x64xf32, #tpu.memory_space<vmem>> -> memref<32x64xf32, #tpu.memory_space<vmem>>
    %dma_wait3A_128 = arith.constant 19968 : i32
    %dma_wait3A_129 = tpu.memref_slice %arg8[%dma_wait3A_128] : memref<20000xi32, #tpu.memory_space<vmem>> -> memref<32xi32, #tpu.memory_space<vmem>>
    %dma_wait3A_130 = arith.constant 0 : i32
    %dma_wait3A_131 = arith.constant 0 : i32
    %dma_wait3A_132 = tpu.memref_slice %arg10[%dma_wait3A_130, %dma_wait3A_131] : memref<10000x64xf32, #tpu.memory_space<vmem_shared>> -> memref<10000x64xf32, #tpu.memory_space<vmem_shared>>
    tpu.wait_indirect_dma semaphore(%arg12 : memref<!tpu.dma_semaphore, #tpu.memory_space<semaphore_mem>>) src(%dma_wait3A_127 : memref<32x64xf32, #tpu.memory_space<vmem>>) dst(%dma_wait3A_132 : memref<10000x64xf32, #tpu.memory_space<vmem_shared>>)
    %barrier3A_133 = arith.constant 0 : index
    tpu.barrier barrier_id(%barrier3A_133)
    %mul3A_134 = arith.constant 624 : i32
    %mul3A_135 = arith.muli %arg1, %mul3A_134 : i32
    %mul3A_136 = arith.constant 624 : i32
    %mul3A_137 = arith.muli %arg1, %mul3A_136 : i32
    "tpu.region"() ({
      %run_scoped3A = tpu.sem_alloc : memref<!tpu.dma_semaphore, #tpu.memory_space<semaphore_mem>>
      %dma_start3A_143 = tpu.memref_slice %arg6[%mul3A_137, %multiple_of3A] : memref<10000x128xf32, #tpu.memory_space<hbm>> -> memref<624x64xf32, #tpu.memory_space<hbm>>
      %dma_start3A_144 = arith.constant 0 : i32
      %dma_start3A_145 = tpu.memref_slice %arg10[%mul3A_135, %dma_start3A_144] : memref<10000x64xf32, #tpu.memory_space<vmem_shared>> -> memref<624x64xf32, #tpu.memory_space<vmem_shared>>
      tpu.enqueue_dma source(%dma_start3A_145 : memref<624x64xf32, #tpu.memory_space<vmem_shared>>) target(%dma_start3A_143 : memref<624x64xf32, #tpu.memory_space<hbm>>) target_semaphore(%run_scoped3A : memref<!tpu.dma_semaphore, #tpu.memory_space<semaphore_mem>>)
      %dma_wait3A_146 = tpu.memref_slice %arg6[%mul3A_137, %multiple_of3A] : memref<10000x128xf32, #tpu.memory_space<hbm>> -> memref<624x64xf32, #tpu.memory_space<hbm>>
      %dma_wait3A_147 = arith.constant 0 : i32
      %dma_wait3A_148 = tpu.memref_slice %arg10[%mul3A_135, %dma_wait3A_147] : memref<10000x64xf32, #tpu.memory_space<vmem_shared>> -> memref<624x64xf32, #tpu.memory_space<vmem_shared>>
      tpu.wait_dma2 semaphore(%run_scoped3A : memref<!tpu.dma_semaphore, #tpu.memory_space<semaphore_mem>>) src(%dma_wait3A_148 : memref<624x64xf32, #tpu.memory_space<vmem_shared>>) dst(%dma_wait3A_146 : memref<624x64xf32, #tpu.memory_space<hbm>>)
      tpu.yield
    }) : () -> ()
    %eq3A_138 = arith.constant 0 : i32
    %eq3A_139 = arith.cmpi eq, %arg1, %eq3A_138 : i32
    %convert_element_type3A_140 = arith.extui %eq3A_139 : i1 to i32
    %cond3A_141 = arith.constant 0 : i32
    %cond3A_142 = arith.cmpi ne, %convert_element_type3A_140, %cond3A_141 : i32
    scf.if %cond3A_142 {
      "tpu.region"() ({
        %run_scoped3A = tpu.sem_alloc : memref<!tpu.dma_semaphore, #tpu.memory_space<semaphore_mem>>
        %dma_start3A_143 = arith.constant 9984 : i32
        %dma_start3A_144 = tpu.memref_slice %arg6[%dma_start3A_143, %multiple_of3A] : memref<10000x128xf32, #tpu.memory_space<hbm>> -> memref<16x64xf32, #tpu.memory_space<hbm>>
        %dma_start3A_145 = arith.constant 9984 : i32
        %dma_start3A_146 = arith.constant 0 : i32
        %dma_start3A_147 = tpu.memref_slice %arg10[%dma_start3A_145, %dma_start3A_146] : memref<10000x64xf32, #tpu.memory_space<vmem_shared>> -> memref<16x64xf32, #tpu.memory_space<vmem_shared>>
        tpu.enqueue_dma source(%dma_start3A_147 : memref<16x64xf32, #tpu.memory_space<vmem_shared>>) target(%dma_start3A_144 : memref<16x64xf32, #tpu.memory_space<hbm>>) target_semaphore(%run_scoped3A : memref<!tpu.dma_semaphore, #tpu.memory_space<semaphore_mem>>)
        %dma_wait3A_148 = arith.constant 9984 : i32
        %dma_wait3A_149 = tpu.memref_slice %arg6[%dma_wait3A_148, %multiple_of3A] : memref<10000x128xf32, #tpu.memory_space<hbm>> -> memref<16x64xf32, #tpu.memory_space<hbm>>
        %dma_wait3A_150 = arith.constant 9984 : i32
        %dma_wait3A_151 = arith.constant 0 : i32
        %dma_wait3A_152 = tpu.memref_slice %arg10[%dma_wait3A_150, %dma_wait3A_151] : memref<10000x64xf32, #tpu.memory_space<vmem_shared>> -> memref<16x64xf32, #tpu.memory_space<vmem_shared>>
        tpu.wait_dma2 semaphore(%run_scoped3A : memref<!tpu.dma_semaphore, #tpu.memory_space<semaphore_mem>>) src(%dma_wait3A_152 : memref<16x64xf32, #tpu.memory_space<vmem_shared>>) dst(%dma_wait3A_149 : memref<16x64xf32, #tpu.memory_space<hbm>>)
        tpu.yield
      }) : () -> ()
    } else {
    }
    return
  }
}

#map = affine_map<(d0, d1) -> (0, 0)>
#map1 = affine_map<(d0, d1) -> (0)>
module attributes {stable_mosaic.version = 14 : i64} {
  func.func @_sc_agg_body(%arg0: i32, %arg1: i32, %arg2: memref<20000x64xf32, #tpu.memory_space<hbm>>, %arg3: memref<640000xi32, #tpu.memory_space<hbm>>, %arg4: memref<320000xi32, #tpu.memory_space<hbm>>, %arg5: memref<10000x128xf32, #tpu.memory_space<hbm>>, %arg6: memref<10000x128xf32, #tpu.memory_space<hbm>>, %arg7: memref<20000xi32, #tpu.memory_space<vmem>>, %arg8: memref<20000xi32, #tpu.memory_space<vmem>>, %arg9: memref<6x128x64xf32, #tpu.memory_space<vmem>>, %arg10: memref<10000x64xf32, #tpu.memory_space<vmem_shared>>, %arg11: memref<!tpu.dma_semaphore, #tpu.memory_space<semaphore_mem>>, %arg12: memref<!tpu.dma_semaphore, #tpu.memory_space<semaphore_mem>>) attributes {dimension_semantics = [#tpu.dimension_semantics<core_parallel>, #tpu.dimension_semantics<subcore_parallel>], iteration_bounds = array<i64: 2, 16>, scalar_prefetch = 0 : i64, scratch_operands = 6 : i64, tpu.core_type = #tpu.core_type<sc_vector_subcore>, window_params = [{transform_indices = #map}, {transform_indices = #map1}, {transform_indices = #map1}, {transform_indices = #map}, {transform_indices = #map}]} {
    %mul3A = arith.constant 64 : i32
    %mul3A_0 = arith.muli %arg0, %mul3A : i32
    %multiple_of3A = tpu.assume_multiple %mul3A_0, 64 : i32
    %mul3A_1 = arith.constant 624 : i32
    %mul3A_2 = arith.muli %arg1, %mul3A_1 : i32
    %mul3A_3 = arith.constant 624 : i32
    %mul3A_4 = arith.muli %arg1, %mul3A_3 : i32
    %dma_start3A = arith.constant 0 : i32
    %dma_start3A_5 = tpu.memref_slice %arg10[%mul3A_4, %dma_start3A] : memref<10000x64xf32, #tpu.memory_space<vmem_shared>> -> memref<624x64xf32, #tpu.memory_space<vmem_shared>>
    %dma_start3A_6 = arith.constant 0 : i32
    %dma_start3A_7 = tpu.memref_slice %arg5[%mul3A_2, %dma_start3A_6] : memref<10000x128xf32, #tpu.memory_space<hbm>> -> memref<624x64xf32, #tpu.memory_space<hbm>>
    tpu.enqueue_dma source(%dma_start3A_7 : memref<624x64xf32, #tpu.memory_space<hbm>>) target(%dma_start3A_5 : memref<624x64xf32, #tpu.memory_space<vmem_shared>>) target_semaphore(%arg11 : memref<!tpu.dma_semaphore, #tpu.memory_space<semaphore_mem>>)
    %mul3A_8 = arith.constant 320000 : i32
    %mul3A_9 = arith.muli %arg0, %mul3A_8 : i32
    %mul3A_10 = arith.constant 20000 : i32
    %mul3A_11 = arith.muli %arg1, %mul3A_10 : i32
    %add3A = arith.addi %mul3A_9, %mul3A_11 : i32
    %dma_start3A_12 = tpu.memref_slice %arg3[%add3A] : memref<640000xi32, #tpu.memory_space<hbm>> -> memref<20000xi32, #tpu.memory_space<hbm>>
    %dma_start3A_13 = tpu.memref_slice %arg3[%add3A] : memref<640000xi32, #tpu.memory_space<hbm>> -> memref<20000xi32, #tpu.memory_space<hbm>>
    tpu.enqueue_dma source(%dma_start3A_13 : memref<20000xi32, #tpu.memory_space<hbm>>) target(%arg7 : memref<20000xi32, #tpu.memory_space<vmem>>) target_semaphore(%arg12 : memref<!tpu.dma_semaphore, #tpu.memory_space<semaphore_mem>>)
    %mul3A_14 = arith.constant 20000 : i32
    %mul3A_15 = arith.muli %arg1, %mul3A_14 : i32
    %dma_start3A_16 = tpu.memref_slice %arg4[%mul3A_15] : memref<320000xi32, #tpu.memory_space<hbm>> -> memref<20000xi32, #tpu.memory_space<hbm>>
    %dma_start3A_17 = tpu.memref_slice %arg4[%mul3A_15] : memref<320000xi32, #tpu.memory_space<hbm>> -> memref<20000xi32, #tpu.memory_space<hbm>>
    tpu.enqueue_dma source(%dma_start3A_17 : memref<20000xi32, #tpu.memory_space<hbm>>) target(%arg8 : memref<20000xi32, #tpu.memory_space<vmem>>) target_semaphore(%arg12 : memref<!tpu.dma_semaphore, #tpu.memory_space<semaphore_mem>>)
    %eq3A = arith.constant 0 : i32
    %eq3A_18 = arith.cmpi eq, %arg1, %eq3A : i32
    %convert_element_type3A = arith.extui %eq3A_18 : i1 to i32
    %cond3A = arith.constant 0 : i32
    %cond3A_19 = arith.cmpi ne, %convert_element_type3A, %cond3A : i32
    scf.if %cond3A_19 {
      "tpu.region"() ({
        %run_scoped3A = tpu.sem_alloc : memref<!tpu.dma_semaphore, #tpu.memory_space<semaphore_mem>>
        %dma_start3A_143 = arith.constant 9984 : i32
        %dma_start3A_144 = arith.constant 0 : i32
        %dma_start3A_145 = tpu.memref_slice %arg10[%dma_start3A_143, %dma_start3A_144] : memref<10000x64xf32, #tpu.memory_space<vmem_shared>> -> memref<16x64xf32, #tpu.memory_space<vmem_shared>>
        %dma_start3A_146 = arith.constant 9984 : i32
        %dma_start3A_147 = arith.constant 0 : i32
        %dma_start3A_148 = tpu.memref_slice %arg5[%dma_start3A_146, %dma_start3A_147] : memref<10000x128xf32, #tpu.memory_space<hbm>> -> memref<16x64xf32, #tpu.memory_space<hbm>>
        tpu.enqueue_dma source(%dma_start3A_148 : memref<16x64xf32, #tpu.memory_space<hbm>>) target(%dma_start3A_145 : memref<16x64xf32, #tpu.memory_space<vmem_shared>>) target_semaphore(%run_scoped3A : memref<!tpu.dma_semaphore, #tpu.memory_space<semaphore_mem>>)
        %dma_wait3A_149 = arith.constant 9984 : i32
        %dma_wait3A_150 = arith.constant 0 : i32
        %dma_wait3A_151 = tpu.memref_slice %arg10[%dma_wait3A_149, %dma_wait3A_150] : memref<10000x64xf32, #tpu.memory_space<vmem_shared>> -> memref<16x64xf32, #tpu.memory_space<vmem_shared>>
        %dma_wait3A_152 = arith.constant 9984 : i32
        %dma_wait3A_153 = arith.constant 0 : i32
        %dma_wait3A_154 = tpu.memref_slice %arg5[%dma_wait3A_152, %dma_wait3A_153] : memref<10000x128xf32, #tpu.memory_space<hbm>> -> memref<16x64xf32, #tpu.memory_space<hbm>>
        tpu.wait_dma2 semaphore(%run_scoped3A : memref<!tpu.dma_semaphore, #tpu.memory_space<semaphore_mem>>) src(%dma_wait3A_154 : memref<16x64xf32, #tpu.memory_space<hbm>>) dst(%dma_wait3A_151 : memref<16x64xf32, #tpu.memory_space<vmem_shared>>)
        tpu.yield
      }) : () -> ()
    } else {
    }
    %dma_wait3A = arith.constant 0 : i32
    %dma_wait3A_20 = tpu.memref_slice %arg10[%mul3A_4, %dma_wait3A] : memref<10000x64xf32, #tpu.memory_space<vmem_shared>> -> memref<624x64xf32, #tpu.memory_space<vmem_shared>>
    %dma_wait3A_21 = arith.constant 0 : i32
    %dma_wait3A_22 = tpu.memref_slice %arg5[%mul3A_2, %dma_wait3A_21] : memref<10000x128xf32, #tpu.memory_space<hbm>> -> memref<624x64xf32, #tpu.memory_space<hbm>>
    tpu.wait_dma2 semaphore(%arg11 : memref<!tpu.dma_semaphore, #tpu.memory_space<semaphore_mem>>) src(%dma_wait3A_22 : memref<624x64xf32, #tpu.memory_space<hbm>>) dst(%dma_wait3A_20 : memref<624x64xf32, #tpu.memory_space<vmem_shared>>)
    %dma_wait3A_23 = tpu.memref_slice %arg3[%add3A] : memref<640000xi32, #tpu.memory_space<hbm>> -> memref<20000xi32, #tpu.memory_space<hbm>>
    %dma_wait3A_24 = tpu.memref_slice %arg3[%add3A] : memref<640000xi32, #tpu.memory_space<hbm>> -> memref<20000xi32, #tpu.memory_space<hbm>>
    tpu.wait_dma2 semaphore(%arg12 : memref<!tpu.dma_semaphore, #tpu.memory_space<semaphore_mem>>) src(%dma_wait3A_24 : memref<20000xi32, #tpu.memory_space<hbm>>) dst(%arg7 : memref<20000xi32, #tpu.memory_space<vmem>>)
    %dma_wait3A_25 = tpu.memref_slice %arg4[%mul3A_15] : memref<320000xi32, #tpu.memory_space<hbm>> -> memref<20000xi32, #tpu.memory_space<hbm>>
    %dma_wait3A_26 = tpu.memref_slice %arg4[%mul3A_15] : memref<320000xi32, #tpu.memory_space<hbm>> -> memref<20000xi32, #tpu.memory_space<hbm>>
    tpu.wait_dma2 semaphore(%arg12 : memref<!tpu.dma_semaphore, #tpu.memory_space<semaphore_mem>>) src(%dma_wait3A_26 : memref<20000xi32, #tpu.memory_space<hbm>>) dst(%arg8 : memref<20000xi32, #tpu.memory_space<vmem>>)
    %barrier3A = arith.constant 0 : index
    tpu.barrier barrier_id(%barrier3A)
    %scan3A = arith.constant 0 : i32
    %scan3A_27 = arith.constant 0 : i32
    %scan3A_28 = arith.constant 26 : i32
    %scan3A_29 = arith.addi %scan3A_27, %scan3A_28 : i32
    %scan3A_30 = arith.constant 1 : i32
    %scan3A_31 = scf.for %scan3A_143 = %scan3A_27 to %scan3A_29 step %scan3A_30 iter_args(%scan3A_144 = %scan3A) -> (i32)  : i32 {
      %mul3A_145 = arith.constant 768 : i32
      %mul3A_146 = arith.muli %scan3A_143, %mul3A_145 : i32
      %multiple_of3A_147 = tpu.assume_multiple %mul3A_146, 768 : i32
      %sub3A = arith.constant 768 : i32
      %sub3A_148 = arith.subi %multiple_of3A_147, %sub3A : i32
      %gt3A = arith.constant 0 : i32
      %gt3A_149 = arith.cmpi sgt, %scan3A_143, %gt3A : i32
      %convert_element_type3A_150 = arith.extui %gt3A_149 : i1 to i32
      %cond3A_151 = arith.constant 0 : i32
      %cond3A_152 = arith.cmpi ne, %convert_element_type3A_150, %cond3A_151 : i32
      scf.if %cond3A_152 {
        %add3A_345 = arith.constant 0 : i32
        %add3A_346 = arith.addi %sub3A_148, %add3A_345 : i32
        %dma_wait3A_347 = arith.constant 0 : i32
        %dma_wait3A_348 = arith.constant 0 : i32
        %dma_wait3A_349 = arith.constant 0 : i32
        %dma_wait3A_350 = tpu.memref_slice %arg9[%dma_wait3A_347, %dma_wait3A_348, %dma_wait3A_349] : memref<6x128x64xf32, #tpu.memory_space<vmem>> -> memref<1x128x64xf32, #tpu.memory_space<vmem>>
        %dma_wait3A_351 = tpu.memref_squeeze %dma_wait3A_350 : memref<1x128x64xf32, #tpu.memory_space<vmem>> -> memref<128x64xf32, #tpu.memory_space<vmem>>
        %dma_wait3A_352 = tpu.memref_slice %arg8[%add3A_346] : memref<20000xi32, #tpu.memory_space<vmem>> -> memref<128xi32, #tpu.memory_space<vmem>>
        %dma_wait3A_353 = arith.constant 0 : i32
        %dma_wait3A_354 = arith.constant 0 : i32
        %dma_wait3A_355 = tpu.memref_slice %arg10[%dma_wait3A_353, %dma_wait3A_354] : memref<10000x64xf32, #tpu.memory_space<vmem_shared>> -> memref<10000x64xf32, #tpu.memory_space<vmem_shared>>
        tpu.wait_indirect_dma semaphore(%arg12 : memref<!tpu.dma_semaphore, #tpu.memory_space<semaphore_mem>>) src(%dma_wait3A_351 : memref<128x64xf32, #tpu.memory_space<vmem>>) dst(%dma_wait3A_355 : memref<10000x64xf32, #tpu.memory_space<vmem_shared>>)
        %add3A_356 = arith.constant 128 : i32
        %add3A_357 = arith.addi %sub3A_148, %add3A_356 : i32
        %dma_wait3A_358 = arith.constant 1 : i32
        %dma_wait3A_359 = arith.constant 0 : i32
        %dma_wait3A_360 = arith.constant 0 : i32
        %dma_wait3A_361 = tpu.memref_slice %arg9[%dma_wait3A_358, %dma_wait3A_359, %dma_wait3A_360] : memref<6x128x64xf32, #tpu.memory_space<vmem>> -> memref<1x128x64xf32, #tpu.memory_space<vmem>>
        %dma_wait3A_362 = tpu.memref_squeeze %dma_wait3A_361 : memref<1x128x64xf32, #tpu.memory_space<vmem>> -> memref<128x64xf32, #tpu.memory_space<vmem>>
        %dma_wait3A_363 = tpu.memref_slice %arg8[%add3A_357] : memref<20000xi32, #tpu.memory_space<vmem>> -> memref<128xi32, #tpu.memory_space<vmem>>
        %dma_wait3A_364 = arith.constant 0 : i32
        %dma_wait3A_365 = arith.constant 0 : i32
        %dma_wait3A_366 = tpu.memref_slice %arg10[%dma_wait3A_364, %dma_wait3A_365] : memref<10000x64xf32, #tpu.memory_space<vmem_shared>> -> memref<10000x64xf32, #tpu.memory_space<vmem_shared>>
        tpu.wait_indirect_dma semaphore(%arg12 : memref<!tpu.dma_semaphore, #tpu.memory_space<semaphore_mem>>) src(%dma_wait3A_362 : memref<128x64xf32, #tpu.memory_space<vmem>>) dst(%dma_wait3A_366 : memref<10000x64xf32, #tpu.memory_space<vmem_shared>>)
        %add3A_367 = arith.constant 256 : i32
        %add3A_368 = arith.addi %sub3A_148, %add3A_367 : i32
        %dma_wait3A_369 = arith.constant 2 : i32
        %dma_wait3A_370 = arith.constant 0 : i32
        %dma_wait3A_371 = arith.constant 0 : i32
        %dma_wait3A_372 = tpu.memref_slice %arg9[%dma_wait3A_369, %dma_wait3A_370, %dma_wait3A_371] : memref<6x128x64xf32, #tpu.memory_space<vmem>> -> memref<1x128x64xf32, #tpu.memory_space<vmem>>
        %dma_wait3A_373 = tpu.memref_squeeze %dma_wait3A_372 : memref<1x128x64xf32, #tpu.memory_space<vmem>> -> memref<128x64xf32, #tpu.memory_space<vmem>>
        %dma_wait3A_374 = tpu.memref_slice %arg8[%add3A_368] : memref<20000xi32, #tpu.memory_space<vmem>> -> memref<128xi32, #tpu.memory_space<vmem>>
        %dma_wait3A_375 = arith.constant 0 : i32
        %dma_wait3A_376 = arith.constant 0 : i32
        %dma_wait3A_377 = tpu.memref_slice %arg10[%dma_wait3A_375, %dma_wait3A_376] : memref<10000x64xf32, #tpu.memory_space<vmem_shared>> -> memref<10000x64xf32, #tpu.memory_space<vmem_shared>>
        tpu.wait_indirect_dma semaphore(%arg12 : memref<!tpu.dma_semaphore, #tpu.memory_space<semaphore_mem>>) src(%dma_wait3A_373 : memref<128x64xf32, #tpu.memory_space<vmem>>) dst(%dma_wait3A_377 : memref<10000x64xf32, #tpu.memory_space<vmem_shared>>)
      } else {
      }
      %add3A_153 = arith.constant 0 : i32
      %add3A_154 = arith.addi %multiple_of3A_147, %add3A_153 : i32
      %dma_start3A_155 = arith.constant 0 : i32
      %dma_start3A_156 = arith.constant 0 : i32
      %dma_start3A_157 = arith.constant 0 : i32
      %dma_start3A_158 = tpu.memref_slice %arg9[%dma_start3A_155, %dma_start3A_156, %dma_start3A_157] : memref<6x128x64xf32, #tpu.memory_space<vmem>> -> memref<1x128x64xf32, #tpu.memory_space<vmem>>
      %dma_start3A_159 = tpu.memref_squeeze %dma_start3A_158 : memref<1x128x64xf32, #tpu.memory_space<vmem>> -> memref<128x64xf32, #tpu.memory_space<vmem>>
      %dma_start3A_160 = tpu.memref_slice %arg7[%add3A_154] : memref<20000xi32, #tpu.memory_space<vmem>> -> memref<128xi32, #tpu.memory_space<vmem>>
      %dma_start3A_161 = arith.constant 0 : i32
      %dma_start3A_162 = arith.constant 0 : i32
      %dma_start3A_163 = tpu.memref_slice %arg2[%dma_start3A_161, %dma_start3A_162] : memref<20000x64xf32, #tpu.memory_space<hbm>> -> memref<20000x64xf32, #tpu.memory_space<hbm>>
      tpu.enqueue_indirect_dma source(%dma_start3A_163 : memref<20000x64xf32, #tpu.memory_space<hbm>>) target(%dma_start3A_159 : memref<128x64xf32, #tpu.memory_space<vmem>>) offsets(%dma_start3A_160 : memref<128xi32, #tpu.memory_space<vmem>>) semaphore(%arg11 : memref<!tpu.dma_semaphore, #tpu.memory_space<semaphore_mem>>)
      %add3A_164 = arith.constant 128 : i32
      %add3A_165 = arith.addi %multiple_of3A_147, %add3A_164 : i32
      %dma_start3A_166 = arith.constant 1 : i32
      %dma_start3A_167 = arith.constant 0 : i32
      %dma_start3A_168 = arith.constant 0 : i32
      %dma_start3A_169 = tpu.memref_slice %arg9[%dma_start3A_166, %dma_start3A_167, %dma_start3A_168] : memref<6x128x64xf32, #tpu.memory_space<vmem>> -> memref<1x128x64xf32, #tpu.memory_space<vmem>>
      %dma_start3A_170 = tpu.memref_squeeze %dma_start3A_169 : memref<1x128x64xf32, #tpu.memory_space<vmem>> -> memref<128x64xf32, #tpu.memory_space<vmem>>
      %dma_start3A_171 = tpu.memref_slice %arg7[%add3A_165] : memref<20000xi32, #tpu.memory_space<vmem>> -> memref<128xi32, #tpu.memory_space<vmem>>
      %dma_start3A_172 = arith.constant 0 : i32
      %dma_start3A_173 = arith.constant 0 : i32
      %dma_start3A_174 = tpu.memref_slice %arg2[%dma_start3A_172, %dma_start3A_173] : memref<20000x64xf32, #tpu.memory_space<hbm>> -> memref<20000x64xf32, #tpu.memory_space<hbm>>
      tpu.enqueue_indirect_dma source(%dma_start3A_174 : memref<20000x64xf32, #tpu.memory_space<hbm>>) target(%dma_start3A_170 : memref<128x64xf32, #tpu.memory_space<vmem>>) offsets(%dma_start3A_171 : memref<128xi32, #tpu.memory_space<vmem>>) semaphore(%arg11 : memref<!tpu.dma_semaphore, #tpu.memory_space<semaphore_mem>>)
      %add3A_175 = arith.constant 256 : i32
      %add3A_176 = arith.addi %multiple_of3A_147, %add3A_175 : i32
      %dma_start3A_177 = arith.constant 2 : i32
      %dma_start3A_178 = arith.constant 0 : i32
      %dma_start3A_179 = arith.constant 0 : i32
      %dma_start3A_180 = tpu.memref_slice %arg9[%dma_start3A_177, %dma_start3A_178, %dma_start3A_179] : memref<6x128x64xf32, #tpu.memory_space<vmem>> -> memref<1x128x64xf32, #tpu.memory_space<vmem>>
      %dma_start3A_181 = tpu.memref_squeeze %dma_start3A_180 : memref<1x128x64xf32, #tpu.memory_space<vmem>> -> memref<128x64xf32, #tpu.memory_space<vmem>>
      %dma_start3A_182 = tpu.memref_slice %arg7[%add3A_176] : memref<20000xi32, #tpu.memory_space<vmem>> -> memref<128xi32, #tpu.memory_space<vmem>>
      %dma_start3A_183 = arith.constant 0 : i32
      %dma_start3A_184 = arith.constant 0 : i32
      %dma_start3A_185 = tpu.memref_slice %arg2[%dma_start3A_183, %dma_start3A_184] : memref<20000x64xf32, #tpu.memory_space<hbm>> -> memref<20000x64xf32, #tpu.memory_space<hbm>>
      tpu.enqueue_indirect_dma source(%dma_start3A_185 : memref<20000x64xf32, #tpu.memory_space<hbm>>) target(%dma_start3A_181 : memref<128x64xf32, #tpu.memory_space<vmem>>) offsets(%dma_start3A_182 : memref<128xi32, #tpu.memory_space<vmem>>) semaphore(%arg11 : memref<!tpu.dma_semaphore, #tpu.memory_space<semaphore_mem>>)
      %dma_wait3A_186 = arith.constant 0 : i32
      %dma_wait3A_187 = arith.constant 0 : i32
      %dma_wait3A_188 = arith.constant 0 : i32
      %dma_wait3A_189 = tpu.memref_slice %arg9[%dma_wait3A_186, %dma_wait3A_187, %dma_wait3A_188] : memref<6x128x64xf32, #tpu.memory_space<vmem>> -> memref<1x128x64xf32, #tpu.memory_space<vmem>>
      %dma_wait3A_190 = tpu.memref_squeeze %dma_wait3A_189 : memref<1x128x64xf32, #tpu.memory_space<vmem>> -> memref<128x64xf32, #tpu.memory_space<vmem>>
      %dma_wait3A_191 = tpu.memref_slice %arg7[%add3A_154] : memref<20000xi32, #tpu.memory_space<vmem>> -> memref<128xi32, #tpu.memory_space<vmem>>
      %dma_wait3A_192 = arith.constant 0 : i32
      %dma_wait3A_193 = arith.constant 0 : i32
      %dma_wait3A_194 = tpu.memref_slice %arg2[%dma_wait3A_192, %dma_wait3A_193] : memref<20000x64xf32, #tpu.memory_space<hbm>> -> memref<20000x64xf32, #tpu.memory_space<hbm>>
      tpu.wait_indirect_dma semaphore(%arg11 : memref<!tpu.dma_semaphore, #tpu.memory_space<semaphore_mem>>) src(%dma_wait3A_194 : memref<20000x64xf32, #tpu.memory_space<hbm>>) dst(%dma_wait3A_190 : memref<128x64xf32, #tpu.memory_space<vmem>>)
      %dma_wait3A_195 = arith.constant 1 : i32
      %dma_wait3A_196 = arith.constant 0 : i32
      %dma_wait3A_197 = arith.constant 0 : i32
      %dma_wait3A_198 = tpu.memref_slice %arg9[%dma_wait3A_195, %dma_wait3A_196, %dma_wait3A_197] : memref<6x128x64xf32, #tpu.memory_space<vmem>> -> memref<1x128x64xf32, #tpu.memory_space<vmem>>
      %dma_wait3A_199 = tpu.memref_squeeze %dma_wait3A_198 : memref<1x128x64xf32, #tpu.memory_space<vmem>> -> memref<128x64xf32, #tpu.memory_space<vmem>>
      %dma_wait3A_200 = tpu.memref_slice %arg7[%add3A_165] : memref<20000xi32, #tpu.memory_space<vmem>> -> memref<128xi32, #tpu.memory_space<vmem>>
      %dma_wait3A_201 = arith.constant 0 : i32
      %dma_wait3A_202 = arith.constant 0 : i32
      %dma_wait3A_203 = tpu.memref_slice %arg2[%dma_wait3A_201, %dma_wait3A_202] : memref<20000x64xf32, #tpu.memory_space<hbm>> -> memref<20000x64xf32, #tpu.memory_space<hbm>>
      tpu.wait_indirect_dma semaphore(%arg11 : memref<!tpu.dma_semaphore, #tpu.memory_space<semaphore_mem>>) src(%dma_wait3A_203 : memref<20000x64xf32, #tpu.memory_space<hbm>>) dst(%dma_wait3A_199 : memref<128x64xf32, #tpu.memory_space<vmem>>)
      %dma_wait3A_204 = arith.constant 2 : i32
      %dma_wait3A_205 = arith.constant 0 : i32
      %dma_wait3A_206 = arith.constant 0 : i32
      %dma_wait3A_207 = tpu.memref_slice %arg9[%dma_wait3A_204, %dma_wait3A_205, %dma_wait3A_206] : memref<6x128x64xf32, #tpu.memory_space<vmem>> -> memref<1x128x64xf32, #tpu.memory_space<vmem>>
      %dma_wait3A_208 = tpu.memref_squeeze %dma_wait3A_207 : memref<1x128x64xf32, #tpu.memory_space<vmem>> -> memref<128x64xf32, #tpu.memory_space<vmem>>
      %dma_wait3A_209 = tpu.memref_slice %arg7[%add3A_176] : memref<20000xi32, #tpu.memory_space<vmem>> -> memref<128xi32, #tpu.memory_space<vmem>>
      %dma_wait3A_210 = arith.constant 0 : i32
      %dma_wait3A_211 = arith.constant 0 : i32
      %dma_wait3A_212 = tpu.memref_slice %arg2[%dma_wait3A_210, %dma_wait3A_211] : memref<20000x64xf32, #tpu.memory_space<hbm>> -> memref<20000x64xf32, #tpu.memory_space<hbm>>
      tpu.wait_indirect_dma semaphore(%arg11 : memref<!tpu.dma_semaphore, #tpu.memory_space<semaphore_mem>>) src(%dma_wait3A_212 : memref<20000x64xf32, #tpu.memory_space<hbm>>) dst(%dma_wait3A_208 : memref<128x64xf32, #tpu.memory_space<vmem>>)
      %gt3A_213 = arith.constant 0 : i32
      %gt3A_214 = arith.cmpi sgt, %scan3A_143, %gt3A_213 : i32
      %convert_element_type3A_215 = arith.extui %gt3A_214 : i1 to i32
      %cond3A_216 = arith.constant 0 : i32
      %cond3A_217 = arith.cmpi ne, %convert_element_type3A_215, %cond3A_216 : i32
      scf.if %cond3A_217 {
        %add3A_345 = arith.constant 384 : i32
        %add3A_346 = arith.addi %sub3A_148, %add3A_345 : i32
        %dma_wait3A_347 = arith.constant 3 : i32
        %dma_wait3A_348 = arith.constant 0 : i32
        %dma_wait3A_349 = arith.constant 0 : i32
        %dma_wait3A_350 = tpu.memref_slice %arg9[%dma_wait3A_347, %dma_wait3A_348, %dma_wait3A_349] : memref<6x128x64xf32, #tpu.memory_space<vmem>> -> memref<1x128x64xf32, #tpu.memory_space<vmem>>
        %dma_wait3A_351 = tpu.memref_squeeze %dma_wait3A_350 : memref<1x128x64xf32, #tpu.memory_space<vmem>> -> memref<128x64xf32, #tpu.memory_space<vmem>>
        %dma_wait3A_352 = tpu.memref_slice %arg8[%add3A_346] : memref<20000xi32, #tpu.memory_space<vmem>> -> memref<128xi32, #tpu.memory_space<vmem>>
        %dma_wait3A_353 = arith.constant 0 : i32
        %dma_wait3A_354 = arith.constant 0 : i32
        %dma_wait3A_355 = tpu.memref_slice %arg10[%dma_wait3A_353, %dma_wait3A_354] : memref<10000x64xf32, #tpu.memory_space<vmem_shared>> -> memref<10000x64xf32, #tpu.memory_space<vmem_shared>>
        tpu.wait_indirect_dma semaphore(%arg12 : memref<!tpu.dma_semaphore, #tpu.memory_space<semaphore_mem>>) src(%dma_wait3A_351 : memref<128x64xf32, #tpu.memory_space<vmem>>) dst(%dma_wait3A_355 : memref<10000x64xf32, #tpu.memory_space<vmem_shared>>)
        %add3A_356 = arith.constant 512 : i32
        %add3A_357 = arith.addi %sub3A_148, %add3A_356 : i32
        %dma_wait3A_358 = arith.constant 4 : i32
        %dma_wait3A_359 = arith.constant 0 : i32
        %dma_wait3A_360 = arith.constant 0 : i32
        %dma_wait3A_361 = tpu.memref_slice %arg9[%dma_wait3A_358, %dma_wait3A_359, %dma_wait3A_360] : memref<6x128x64xf32, #tpu.memory_space<vmem>> -> memref<1x128x64xf32, #tpu.memory_space<vmem>>
        %dma_wait3A_362 = tpu.memref_squeeze %dma_wait3A_361 : memref<1x128x64xf32, #tpu.memory_space<vmem>> -> memref<128x64xf32, #tpu.memory_space<vmem>>
        %dma_wait3A_363 = tpu.memref_slice %arg8[%add3A_357] : memref<20000xi32, #tpu.memory_space<vmem>> -> memref<128xi32, #tpu.memory_space<vmem>>
        %dma_wait3A_364 = arith.constant 0 : i32
        %dma_wait3A_365 = arith.constant 0 : i32
        %dma_wait3A_366 = tpu.memref_slice %arg10[%dma_wait3A_364, %dma_wait3A_365] : memref<10000x64xf32, #tpu.memory_space<vmem_shared>> -> memref<10000x64xf32, #tpu.memory_space<vmem_shared>>
        tpu.wait_indirect_dma semaphore(%arg12 : memref<!tpu.dma_semaphore, #tpu.memory_space<semaphore_mem>>) src(%dma_wait3A_362 : memref<128x64xf32, #tpu.memory_space<vmem>>) dst(%dma_wait3A_366 : memref<10000x64xf32, #tpu.memory_space<vmem_shared>>)
        %add3A_367 = arith.constant 640 : i32
        %add3A_368 = arith.addi %sub3A_148, %add3A_367 : i32
        %dma_wait3A_369 = arith.constant 5 : i32
        %dma_wait3A_370 = arith.constant 0 : i32
        %dma_wait3A_371 = arith.constant 0 : i32
        %dma_wait3A_372 = tpu.memref_slice %arg9[%dma_wait3A_369, %dma_wait3A_370, %dma_wait3A_371] : memref<6x128x64xf32, #tpu.memory_space<vmem>> -> memref<1x128x64xf32, #tpu.memory_space<vmem>>
        %dma_wait3A_373 = tpu.memref_squeeze %dma_wait3A_372 : memref<1x128x64xf32, #tpu.memory_space<vmem>> -> memref<128x64xf32, #tpu.memory_space<vmem>>
        %dma_wait3A_374 = tpu.memref_slice %arg8[%add3A_368] : memref<20000xi32, #tpu.memory_space<vmem>> -> memref<128xi32, #tpu.memory_space<vmem>>
        %dma_wait3A_375 = arith.constant 0 : i32
        %dma_wait3A_376 = arith.constant 0 : i32
        %dma_wait3A_377 = tpu.memref_slice %arg10[%dma_wait3A_375, %dma_wait3A_376] : memref<10000x64xf32, #tpu.memory_space<vmem_shared>> -> memref<10000x64xf32, #tpu.memory_space<vmem_shared>>
        tpu.wait_indirect_dma semaphore(%arg12 : memref<!tpu.dma_semaphore, #tpu.memory_space<semaphore_mem>>) src(%dma_wait3A_373 : memref<128x64xf32, #tpu.memory_space<vmem>>) dst(%dma_wait3A_377 : memref<10000x64xf32, #tpu.memory_space<vmem_shared>>)
      } else {
      }
      %add3A_218 = arith.constant 0 : i32
      %add3A_219 = arith.addi %multiple_of3A_147, %add3A_218 : i32
      %dma_start3A_220 = arith.constant 0 : i32
      %dma_start3A_221 = arith.constant 0 : i32
      %dma_start3A_222 = arith.constant 0 : i32
      %dma_start3A_223 = tpu.memref_slice %arg9[%dma_start3A_220, %dma_start3A_221, %dma_start3A_222] : memref<6x128x64xf32, #tpu.memory_space<vmem>> -> memref<1x128x64xf32, #tpu.memory_space<vmem>>
      %dma_start3A_224 = tpu.memref_squeeze %dma_start3A_223 : memref<1x128x64xf32, #tpu.memory_space<vmem>> -> memref<128x64xf32, #tpu.memory_space<vmem>>
      %dma_start3A_225 = tpu.memref_slice %arg8[%add3A_219] : memref<20000xi32, #tpu.memory_space<vmem>> -> memref<128xi32, #tpu.memory_space<vmem>>
      %dma_start3A_226 = arith.constant 0 : i32
      %dma_start3A_227 = arith.constant 0 : i32
      %dma_start3A_228 = tpu.memref_slice %arg10[%dma_start3A_226, %dma_start3A_227] : memref<10000x64xf32, #tpu.memory_space<vmem_shared>> -> memref<10000x64xf32, #tpu.memory_space<vmem_shared>>
      tpu.enqueue_indirect_dma source(%dma_start3A_224 : memref<128x64xf32, #tpu.memory_space<vmem>>) target(%dma_start3A_228 : memref<10000x64xf32, #tpu.memory_space<vmem_shared>>) offsets(%dma_start3A_225 : memref<128xi32, #tpu.memory_space<vmem>>) semaphore(%arg12 : memref<!tpu.dma_semaphore, #tpu.memory_space<semaphore_mem>>) {add = true}
      %add3A_229 = arith.constant 128 : i32
      %add3A_230 = arith.addi %multiple_of3A_147, %add3A_229 : i32
      %dma_start3A_231 = arith.constant 1 : i32
      %dma_start3A_232 = arith.constant 0 : i32
      %dma_start3A_233 = arith.constant 0 : i32
      %dma_start3A_234 = tpu.memref_slice %arg9[%dma_start3A_231, %dma_start3A_232, %dma_start3A_233] : memref<6x128x64xf32, #tpu.memory_space<vmem>> -> memref<1x128x64xf32, #tpu.memory_space<vmem>>
      %dma_start3A_235 = tpu.memref_squeeze %dma_start3A_234 : memref<1x128x64xf32, #tpu.memory_space<vmem>> -> memref<128x64xf32, #tpu.memory_space<vmem>>
      %dma_start3A_236 = tpu.memref_slice %arg8[%add3A_230] : memref<20000xi32, #tpu.memory_space<vmem>> -> memref<128xi32, #tpu.memory_space<vmem>>
      %dma_start3A_237 = arith.constant 0 : i32
      %dma_start3A_238 = arith.constant 0 : i32
      %dma_start3A_239 = tpu.memref_slice %arg10[%dma_start3A_237, %dma_start3A_238] : memref<10000x64xf32, #tpu.memory_space<vmem_shared>> -> memref<10000x64xf32, #tpu.memory_space<vmem_shared>>
      tpu.enqueue_indirect_dma source(%dma_start3A_235 : memref<128x64xf32, #tpu.memory_space<vmem>>) target(%dma_start3A_239 : memref<10000x64xf32, #tpu.memory_space<vmem_shared>>) offsets(%dma_start3A_236 : memref<128xi32, #tpu.memory_space<vmem>>) semaphore(%arg12 : memref<!tpu.dma_semaphore, #tpu.memory_space<semaphore_mem>>) {add = true}
      %add3A_240 = arith.constant 256 : i32
      %add3A_241 = arith.addi %multiple_of3A_147, %add3A_240 : i32
      %dma_start3A_242 = arith.constant 2 : i32
      %dma_start3A_243 = arith.constant 0 : i32
      %dma_start3A_244 = arith.constant 0 : i32
      %dma_start3A_245 = tpu.memref_slice %arg9[%dma_start3A_242, %dma_start3A_243, %dma_start3A_244] : memref<6x128x64xf32, #tpu.memory_space<vmem>> -> memref<1x128x64xf32, #tpu.memory_space<vmem>>
      %dma_start3A_246 = tpu.memref_squeeze %dma_start3A_245 : memref<1x128x64xf32, #tpu.memory_space<vmem>> -> memref<128x64xf32, #tpu.memory_space<vmem>>
      %dma_start3A_247 = tpu.memref_slice %arg8[%add3A_241] : memref<20000xi32, #tpu.memory_space<vmem>> -> memref<128xi32, #tpu.memory_space<vmem>>
      %dma_start3A_248 = arith.constant 0 : i32
      %dma_start3A_249 = arith.constant 0 : i32
      %dma_start3A_250 = tpu.memref_slice %arg10[%dma_start3A_248, %dma_start3A_249] : memref<10000x64xf32, #tpu.memory_space<vmem_shared>> -> memref<10000x64xf32, #tpu.memory_space<vmem_shared>>
      tpu.enqueue_indirect_dma source(%dma_start3A_246 : memref<128x64xf32, #tpu.memory_space<vmem>>) target(%dma_start3A_250 : memref<10000x64xf32, #tpu.memory_space<vmem_shared>>) offsets(%dma_start3A_247 : memref<128xi32, #tpu.memory_space<vmem>>) semaphore(%arg12 : memref<!tpu.dma_semaphore, #tpu.memory_space<semaphore_mem>>) {add = true}
      %add3A_251 = arith.constant 384 : i32
      %add3A_252 = arith.addi %multiple_of3A_147, %add3A_251 : i32
      %dma_start3A_253 = arith.constant 3 : i32
      %dma_start3A_254 = arith.constant 0 : i32
      %dma_start3A_255 = arith.constant 0 : i32
      %dma_start3A_256 = tpu.memref_slice %arg9[%dma_start3A_253, %dma_start3A_254, %dma_start3A_255] : memref<6x128x64xf32, #tpu.memory_space<vmem>> -> memref<1x128x64xf32, #tpu.memory_space<vmem>>
      %dma_start3A_257 = tpu.memref_squeeze %dma_start3A_256 : memref<1x128x64xf32, #tpu.memory_space<vmem>> -> memref<128x64xf32, #tpu.memory_space<vmem>>
      %dma_start3A_258 = tpu.memref_slice %arg7[%add3A_252] : memref<20000xi32, #tpu.memory_space<vmem>> -> memref<128xi32, #tpu.memory_space<vmem>>
      %dma_start3A_259 = arith.constant 0 : i32
      %dma_start3A_260 = arith.constant 0 : i32
      %dma_start3A_261 = tpu.memref_slice %arg2[%dma_start3A_259, %dma_start3A_260] : memref<20000x64xf32, #tpu.memory_space<hbm>> -> memref<20000x64xf32, #tpu.memory_space<hbm>>
      tpu.enqueue_indirect_dma source(%dma_start3A_261 : memref<20000x64xf32, #tpu.memory_space<hbm>>) target(%dma_start3A_257 : memref<128x64xf32, #tpu.memory_space<vmem>>) offsets(%dma_start3A_258 : memref<128xi32, #tpu.memory_space<vmem>>) semaphore(%arg11 : memref<!tpu.dma_semaphore, #tpu.memory_space<semaphore_mem>>)
      %add3A_262 = arith.constant 512 : i32
      %add3A_263 = arith.addi %multiple_of3A_147, %add3A_262 : i32
      %dma_start3A_264 = arith.constant 4 : i32
      %dma_start3A_265 = arith.constant 0 : i32
      %dma_start3A_266 = arith.constant 0 : i32
      %dma_start3A_267 = tpu.memref_slice %arg9[%dma_start3A_264, %dma_start3A_265, %dma_start3A_266] : memref<6x128x64xf32, #tpu.memory_space<vmem>> -> memref<1x128x64xf32, #tpu.memory_space<vmem>>
      %dma_start3A_268 = tpu.memref_squeeze %dma_start3A_267 : memref<1x128x64xf32, #tpu.memory_space<vmem>> -> memref<128x64xf32, #tpu.memory_space<vmem>>
      %dma_start3A_269 = tpu.memref_slice %arg7[%add3A_263] : memref<20000xi32, #tpu.memory_space<vmem>> -> memref<128xi32, #tpu.memory_space<vmem>>
      %dma_start3A_270 = arith.constant 0 : i32
      %dma_start3A_271 = arith.constant 0 : i32
      %dma_start3A_272 = tpu.memref_slice %arg2[%dma_start3A_270, %dma_start3A_271] : memref<20000x64xf32, #tpu.memory_space<hbm>> -> memref<20000x64xf32, #tpu.memory_space<hbm>>
      tpu.enqueue_indirect_dma source(%dma_start3A_272 : memref<20000x64xf32, #tpu.memory_space<hbm>>) target(%dma_start3A_268 : memref<128x64xf32, #tpu.memory_space<vmem>>) offsets(%dma_start3A_269 : memref<128xi32, #tpu.memory_space<vmem>>) semaphore(%arg11 : memref<!tpu.dma_semaphore, #tpu.memory_space<semaphore_mem>>)
      %add3A_273 = arith.constant 640 : i32
      %add3A_274 = arith.addi %multiple_of3A_147, %add3A_273 : i32
      %dma_start3A_275 = arith.constant 5 : i32
      %dma_start3A_276 = arith.constant 0 : i32
      %dma_start3A_277 = arith.constant 0 : i32
      %dma_start3A_278 = tpu.memref_slice %arg9[%dma_start3A_275, %dma_start3A_276, %dma_start3A_277] : memref<6x128x64xf32, #tpu.memory_space<vmem>> -> memref<1x128x64xf32, #tpu.memory_space<vmem>>
      %dma_start3A_279 = tpu.memref_squeeze %dma_start3A_278 : memref<1x128x64xf32, #tpu.memory_space<vmem>> -> memref<128x64xf32, #tpu.memory_space<vmem>>
      %dma_start3A_280 = tpu.memref_slice %arg7[%add3A_274] : memref<20000xi32, #tpu.memory_space<vmem>> -> memref<128xi32, #tpu.memory_space<vmem>>
      %dma_start3A_281 = arith.constant 0 : i32
      %dma_start3A_282 = arith.constant 0 : i32
      %dma_start3A_283 = tpu.memref_slice %arg2[%dma_start3A_281, %dma_start3A_282] : memref<20000x64xf32, #tpu.memory_space<hbm>> -> memref<20000x64xf32, #tpu.memory_space<hbm>>
      tpu.enqueue_indirect_dma source(%dma_start3A_283 : memref<20000x64xf32, #tpu.memory_space<hbm>>) target(%dma_start3A_279 : memref<128x64xf32, #tpu.memory_space<vmem>>) offsets(%dma_start3A_280 : memref<128xi32, #tpu.memory_space<vmem>>) semaphore(%arg11 : memref<!tpu.dma_semaphore, #tpu.memory_space<semaphore_mem>>)
      %dma_wait3A_284 = arith.constant 3 : i32
      %dma_wait3A_285 = arith.constant 0 : i32
      %dma_wait3A_286 = arith.constant 0 : i32
      %dma_wait3A_287 = tpu.memref_slice %arg9[%dma_wait3A_284, %dma_wait3A_285, %dma_wait3A_286] : memref<6x128x64xf32, #tpu.memory_space<vmem>> -> memref<1x128x64xf32, #tpu.memory_space<vmem>>
      %dma_wait3A_288 = tpu.memref_squeeze %dma_wait3A_287 : memref<1x128x64xf32, #tpu.memory_space<vmem>> -> memref<128x64xf32, #tpu.memory_space<vmem>>
      %dma_wait3A_289 = tpu.memref_slice %arg7[%add3A_252] : memref<20000xi32, #tpu.memory_space<vmem>> -> memref<128xi32, #tpu.memory_space<vmem>>
      %dma_wait3A_290 = arith.constant 0 : i32
      %dma_wait3A_291 = arith.constant 0 : i32
      %dma_wait3A_292 = tpu.memref_slice %arg2[%dma_wait3A_290, %dma_wait3A_291] : memref<20000x64xf32, #tpu.memory_space<hbm>> -> memref<20000x64xf32, #tpu.memory_space<hbm>>
      tpu.wait_indirect_dma semaphore(%arg11 : memref<!tpu.dma_semaphore, #tpu.memory_space<semaphore_mem>>) src(%dma_wait3A_292 : memref<20000x64xf32, #tpu.memory_space<hbm>>) dst(%dma_wait3A_288 : memref<128x64xf32, #tpu.memory_space<vmem>>)
      %dma_wait3A_293 = arith.constant 4 : i32
      %dma_wait3A_294 = arith.constant 0 : i32
      %dma_wait3A_295 = arith.constant 0 : i32
      %dma_wait3A_296 = tpu.memref_slice %arg9[%dma_wait3A_293, %dma_wait3A_294, %dma_wait3A_295] : memref<6x128x64xf32, #tpu.memory_space<vmem>> -> memref<1x128x64xf32, #tpu.memory_space<vmem>>
      %dma_wait3A_297 = tpu.memref_squeeze %dma_wait3A_296 : memref<1x128x64xf32, #tpu.memory_space<vmem>> -> memref<128x64xf32, #tpu.memory_space<vmem>>
      %dma_wait3A_298 = tpu.memref_slice %arg7[%add3A_263] : memref<20000xi32, #tpu.memory_space<vmem>> -> memref<128xi32, #tpu.memory_space<vmem>>
      %dma_wait3A_299 = arith.constant 0 : i32
      %dma_wait3A_300 = arith.constant 0 : i32
      %dma_wait3A_301 = tpu.memref_slice %arg2[%dma_wait3A_299, %dma_wait3A_300] : memref<20000x64xf32, #tpu.memory_space<hbm>> -> memref<20000x64xf32, #tpu.memory_space<hbm>>
      tpu.wait_indirect_dma semaphore(%arg11 : memref<!tpu.dma_semaphore, #tpu.memory_space<semaphore_mem>>) src(%dma_wait3A_301 : memref<20000x64xf32, #tpu.memory_space<hbm>>) dst(%dma_wait3A_297 : memref<128x64xf32, #tpu.memory_space<vmem>>)
      %dma_wait3A_302 = arith.constant 5 : i32
      %dma_wait3A_303 = arith.constant 0 : i32
      %dma_wait3A_304 = arith.constant 0 : i32
      %dma_wait3A_305 = tpu.memref_slice %arg9[%dma_wait3A_302, %dma_wait3A_303, %dma_wait3A_304] : memref<6x128x64xf32, #tpu.memory_space<vmem>> -> memref<1x128x64xf32, #tpu.memory_space<vmem>>
      %dma_wait3A_306 = tpu.memref_squeeze %dma_wait3A_305 : memref<1x128x64xf32, #tpu.memory_space<vmem>> -> memref<128x64xf32, #tpu.memory_space<vmem>>
      %dma_wait3A_307 = tpu.memref_slice %arg7[%add3A_274] : memref<20000xi32, #tpu.memory_space<vmem>> -> memref<128xi32, #tpu.memory_space<vmem>>
      %dma_wait3A_308 = arith.constant 0 : i32
      %dma_wait3A_309 = arith.constant 0 : i32
      %dma_wait3A_310 = tpu.memref_slice %arg2[%dma_wait3A_308, %dma_wait3A_309] : memref<20000x64xf32, #tpu.memory_space<hbm>> -> memref<20000x64xf32, #tpu.memory_space<hbm>>
      tpu.wait_indirect_dma semaphore(%arg11 : memref<!tpu.dma_semaphore, #tpu.memory_space<semaphore_mem>>) src(%dma_wait3A_310 : memref<20000x64xf32, #tpu.memory_space<hbm>>) dst(%dma_wait3A_306 : memref<128x64xf32, #tpu.memory_space<vmem>>)
      %add3A_311 = arith.constant 384 : i32
      %add3A_312 = arith.addi %multiple_of3A_147, %add3A_311 : i32
      %dma_start3A_313 = arith.constant 3 : i32
      %dma_start3A_314 = arith.constant 0 : i32
      %dma_start3A_315 = arith.constant 0 : i32
      %dma_start3A_316 = tpu.memref_slice %arg9[%dma_start3A_313, %dma_start3A_314, %dma_start3A_315] : memref<6x128x64xf32, #tpu.memory_space<vmem>> -> memref<1x128x64xf32, #tpu.memory_space<vmem>>
      %dma_start3A_317 = tpu.memref_squeeze %dma_start3A_316 : memref<1x128x64xf32, #tpu.memory_space<vmem>> -> memref<128x64xf32, #tpu.memory_space<vmem>>
      %dma_start3A_318 = tpu.memref_slice %arg8[%add3A_312] : memref<20000xi32, #tpu.memory_space<vmem>> -> memref<128xi32, #tpu.memory_space<vmem>>
      %dma_start3A_319 = arith.constant 0 : i32
      %dma_start3A_320 = arith.constant 0 : i32
      %dma_start3A_321 = tpu.memref_slice %arg10[%dma_start3A_319, %dma_start3A_320] : memref<10000x64xf32, #tpu.memory_space<vmem_shared>> -> memref<10000x64xf32, #tpu.memory_space<vmem_shared>>
      tpu.enqueue_indirect_dma source(%dma_start3A_317 : memref<128x64xf32, #tpu.memory_space<vmem>>) target(%dma_start3A_321 : memref<10000x64xf32, #tpu.memory_space<vmem_shared>>) offsets(%dma_start3A_318 : memref<128xi32, #tpu.memory_space<vmem>>) semaphore(%arg12 : memref<!tpu.dma_semaphore, #tpu.memory_space<semaphore_mem>>) {add = true}
      %add3A_322 = arith.constant 512 : i32
      %add3A_323 = arith.addi %multiple_of3A_147, %add3A_322 : i32
      %dma_start3A_324 = arith.constant 4 : i32
      %dma_start3A_325 = arith.constant 0 : i32
      %dma_start3A_326 = arith.constant 0 : i32
      %dma_start3A_327 = tpu.memref_slice %arg9[%dma_start3A_324, %dma_start3A_325, %dma_start3A_326] : memref<6x128x64xf32, #tpu.memory_space<vmem>> -> memref<1x128x64xf32, #tpu.memory_space<vmem>>
      %dma_start3A_328 = tpu.memref_squeeze %dma_start3A_327 : memref<1x128x64xf32, #tpu.memory_space<vmem>> -> memref<128x64xf32, #tpu.memory_space<vmem>>
      %dma_start3A_329 = tpu.memref_slice %arg8[%add3A_323] : memref<20000xi32, #tpu.memory_space<vmem>> -> memref<128xi32, #tpu.memory_space<vmem>>
      %dma_start3A_330 = arith.constant 0 : i32
      %dma_start3A_331 = arith.constant 0 : i32
      %dma_start3A_332 = tpu.memref_slice %arg10[%dma_start3A_330, %dma_start3A_331] : memref<10000x64xf32, #tpu.memory_space<vmem_shared>> -> memref<10000x64xf32, #tpu.memory_space<vmem_shared>>
      tpu.enqueue_indirect_dma source(%dma_start3A_328 : memref<128x64xf32, #tpu.memory_space<vmem>>) target(%dma_start3A_332 : memref<10000x64xf32, #tpu.memory_space<vmem_shared>>) offsets(%dma_start3A_329 : memref<128xi32, #tpu.memory_space<vmem>>) semaphore(%arg12 : memref<!tpu.dma_semaphore, #tpu.memory_space<semaphore_mem>>) {add = true}
      %add3A_333 = arith.constant 640 : i32
      %add3A_334 = arith.addi %multiple_of3A_147, %add3A_333 : i32
      %dma_start3A_335 = arith.constant 5 : i32
      %dma_start3A_336 = arith.constant 0 : i32
      %dma_start3A_337 = arith.constant 0 : i32
      %dma_start3A_338 = tpu.memref_slice %arg9[%dma_start3A_335, %dma_start3A_336, %dma_start3A_337] : memref<6x128x64xf32, #tpu.memory_space<vmem>> -> memref<1x128x64xf32, #tpu.memory_space<vmem>>
      %dma_start3A_339 = tpu.memref_squeeze %dma_start3A_338 : memref<1x128x64xf32, #tpu.memory_space<vmem>> -> memref<128x64xf32, #tpu.memory_space<vmem>>
      %dma_start3A_340 = tpu.memref_slice %arg8[%add3A_334] : memref<20000xi32, #tpu.memory_space<vmem>> -> memref<128xi32, #tpu.memory_space<vmem>>
      %dma_start3A_341 = arith.constant 0 : i32
      %dma_start3A_342 = arith.constant 0 : i32
      %dma_start3A_343 = tpu.memref_slice %arg10[%dma_start3A_341, %dma_start3A_342] : memref<10000x64xf32, #tpu.memory_space<vmem_shared>> -> memref<10000x64xf32, #tpu.memory_space<vmem_shared>>
      tpu.enqueue_indirect_dma source(%dma_start3A_339 : memref<128x64xf32, #tpu.memory_space<vmem>>) target(%dma_start3A_343 : memref<10000x64xf32, #tpu.memory_space<vmem_shared>>) offsets(%dma_start3A_340 : memref<128xi32, #tpu.memory_space<vmem>>) semaphore(%arg12 : memref<!tpu.dma_semaphore, #tpu.memory_space<semaphore_mem>>) {add = true}
      %scan3A_344 = arith.constant 0 : i32
      scf.yield %scan3A_344 : i32
    }
    %scan3A_32 = arith.constant 26 : i32
    %dma_wait3A_33 = arith.constant 0 : i32
    %dma_wait3A_34 = arith.constant 0 : i32
    %dma_wait3A_35 = arith.constant 0 : i32
    %dma_wait3A_36 = tpu.memref_slice %arg9[%dma_wait3A_33, %dma_wait3A_34, %dma_wait3A_35] : memref<6x128x64xf32, #tpu.memory_space<vmem>> -> memref<1x128x64xf32, #tpu.memory_space<vmem>>
    %dma_wait3A_37 = tpu.memref_squeeze %dma_wait3A_36 : memref<1x128x64xf32, #tpu.memory_space<vmem>> -> memref<128x64xf32, #tpu.memory_space<vmem>>
    %dma_wait3A_38 = arith.constant 19200 : i32
    %dma_wait3A_39 = tpu.memref_slice %arg8[%dma_wait3A_38] : memref<20000xi32, #tpu.memory_space<vmem>> -> memref<128xi32, #tpu.memory_space<vmem>>
    %dma_wait3A_40 = arith.constant 0 : i32
    %dma_wait3A_41 = arith.constant 0 : i32
    %dma_wait3A_42 = tpu.memref_slice %arg10[%dma_wait3A_40, %dma_wait3A_41] : memref<10000x64xf32, #tpu.memory_space<vmem_shared>> -> memref<10000x64xf32, #tpu.memory_space<vmem_shared>>
    tpu.wait_indirect_dma semaphore(%arg12 : memref<!tpu.dma_semaphore, #tpu.memory_space<semaphore_mem>>) src(%dma_wait3A_37 : memref<128x64xf32, #tpu.memory_space<vmem>>) dst(%dma_wait3A_42 : memref<10000x64xf32, #tpu.memory_space<vmem_shared>>)
    %dma_wait3A_43 = arith.constant 1 : i32
    %dma_wait3A_44 = arith.constant 0 : i32
    %dma_wait3A_45 = arith.constant 0 : i32
    %dma_wait3A_46 = tpu.memref_slice %arg9[%dma_wait3A_43, %dma_wait3A_44, %dma_wait3A_45] : memref<6x128x64xf32, #tpu.memory_space<vmem>> -> memref<1x128x64xf32, #tpu.memory_space<vmem>>
    %dma_wait3A_47 = tpu.memref_squeeze %dma_wait3A_46 : memref<1x128x64xf32, #tpu.memory_space<vmem>> -> memref<128x64xf32, #tpu.memory_space<vmem>>
    %dma_wait3A_48 = arith.constant 19328 : i32
    %dma_wait3A_49 = tpu.memref_slice %arg8[%dma_wait3A_48] : memref<20000xi32, #tpu.memory_space<vmem>> -> memref<128xi32, #tpu.memory_space<vmem>>
    %dma_wait3A_50 = arith.constant 0 : i32
    %dma_wait3A_51 = arith.constant 0 : i32
    %dma_wait3A_52 = tpu.memref_slice %arg10[%dma_wait3A_50, %dma_wait3A_51] : memref<10000x64xf32, #tpu.memory_space<vmem_shared>> -> memref<10000x64xf32, #tpu.memory_space<vmem_shared>>
    tpu.wait_indirect_dma semaphore(%arg12 : memref<!tpu.dma_semaphore, #tpu.memory_space<semaphore_mem>>) src(%dma_wait3A_47 : memref<128x64xf32, #tpu.memory_space<vmem>>) dst(%dma_wait3A_52 : memref<10000x64xf32, #tpu.memory_space<vmem_shared>>)
    %dma_wait3A_53 = arith.constant 2 : i32
    %dma_wait3A_54 = arith.constant 0 : i32
    %dma_wait3A_55 = arith.constant 0 : i32
    %dma_wait3A_56 = tpu.memref_slice %arg9[%dma_wait3A_53, %dma_wait3A_54, %dma_wait3A_55] : memref<6x128x64xf32, #tpu.memory_space<vmem>> -> memref<1x128x64xf32, #tpu.memory_space<vmem>>
    %dma_wait3A_57 = tpu.memref_squeeze %dma_wait3A_56 : memref<1x128x64xf32, #tpu.memory_space<vmem>> -> memref<128x64xf32, #tpu.memory_space<vmem>>
    %dma_wait3A_58 = arith.constant 19456 : i32
    %dma_wait3A_59 = tpu.memref_slice %arg8[%dma_wait3A_58] : memref<20000xi32, #tpu.memory_space<vmem>> -> memref<128xi32, #tpu.memory_space<vmem>>
    %dma_wait3A_60 = arith.constant 0 : i32
    %dma_wait3A_61 = arith.constant 0 : i32
    %dma_wait3A_62 = tpu.memref_slice %arg10[%dma_wait3A_60, %dma_wait3A_61] : memref<10000x64xf32, #tpu.memory_space<vmem_shared>> -> memref<10000x64xf32, #tpu.memory_space<vmem_shared>>
    tpu.wait_indirect_dma semaphore(%arg12 : memref<!tpu.dma_semaphore, #tpu.memory_space<semaphore_mem>>) src(%dma_wait3A_57 : memref<128x64xf32, #tpu.memory_space<vmem>>) dst(%dma_wait3A_62 : memref<10000x64xf32, #tpu.memory_space<vmem_shared>>)
    %dma_wait3A_63 = arith.constant 3 : i32
    %dma_wait3A_64 = arith.constant 0 : i32
    %dma_wait3A_65 = arith.constant 0 : i32
    %dma_wait3A_66 = tpu.memref_slice %arg9[%dma_wait3A_63, %dma_wait3A_64, %dma_wait3A_65] : memref<6x128x64xf32, #tpu.memory_space<vmem>> -> memref<1x128x64xf32, #tpu.memory_space<vmem>>
    %dma_wait3A_67 = tpu.memref_squeeze %dma_wait3A_66 : memref<1x128x64xf32, #tpu.memory_space<vmem>> -> memref<128x64xf32, #tpu.memory_space<vmem>>
    %dma_wait3A_68 = arith.constant 19584 : i32
    %dma_wait3A_69 = tpu.memref_slice %arg8[%dma_wait3A_68] : memref<20000xi32, #tpu.memory_space<vmem>> -> memref<128xi32, #tpu.memory_space<vmem>>
    %dma_wait3A_70 = arith.constant 0 : i32
    %dma_wait3A_71 = arith.constant 0 : i32
    %dma_wait3A_72 = tpu.memref_slice %arg10[%dma_wait3A_70, %dma_wait3A_71] : memref<10000x64xf32, #tpu.memory_space<vmem_shared>> -> memref<10000x64xf32, #tpu.memory_space<vmem_shared>>
    tpu.wait_indirect_dma semaphore(%arg12 : memref<!tpu.dma_semaphore, #tpu.memory_space<semaphore_mem>>) src(%dma_wait3A_67 : memref<128x64xf32, #tpu.memory_space<vmem>>) dst(%dma_wait3A_72 : memref<10000x64xf32, #tpu.memory_space<vmem_shared>>)
    %dma_wait3A_73 = arith.constant 4 : i32
    %dma_wait3A_74 = arith.constant 0 : i32
    %dma_wait3A_75 = arith.constant 0 : i32
    %dma_wait3A_76 = tpu.memref_slice %arg9[%dma_wait3A_73, %dma_wait3A_74, %dma_wait3A_75] : memref<6x128x64xf32, #tpu.memory_space<vmem>> -> memref<1x128x64xf32, #tpu.memory_space<vmem>>
    %dma_wait3A_77 = tpu.memref_squeeze %dma_wait3A_76 : memref<1x128x64xf32, #tpu.memory_space<vmem>> -> memref<128x64xf32, #tpu.memory_space<vmem>>
    %dma_wait3A_78 = arith.constant 19712 : i32
    %dma_wait3A_79 = tpu.memref_slice %arg8[%dma_wait3A_78] : memref<20000xi32, #tpu.memory_space<vmem>> -> memref<128xi32, #tpu.memory_space<vmem>>
    %dma_wait3A_80 = arith.constant 0 : i32
    %dma_wait3A_81 = arith.constant 0 : i32
    %dma_wait3A_82 = tpu.memref_slice %arg10[%dma_wait3A_80, %dma_wait3A_81] : memref<10000x64xf32, #tpu.memory_space<vmem_shared>> -> memref<10000x64xf32, #tpu.memory_space<vmem_shared>>
    tpu.wait_indirect_dma semaphore(%arg12 : memref<!tpu.dma_semaphore, #tpu.memory_space<semaphore_mem>>) src(%dma_wait3A_77 : memref<128x64xf32, #tpu.memory_space<vmem>>) dst(%dma_wait3A_82 : memref<10000x64xf32, #tpu.memory_space<vmem_shared>>)
    %dma_wait3A_83 = arith.constant 5 : i32
    %dma_wait3A_84 = arith.constant 0 : i32
    %dma_wait3A_85 = arith.constant 0 : i32
    %dma_wait3A_86 = tpu.memref_slice %arg9[%dma_wait3A_83, %dma_wait3A_84, %dma_wait3A_85] : memref<6x128x64xf32, #tpu.memory_space<vmem>> -> memref<1x128x64xf32, #tpu.memory_space<vmem>>
    %dma_wait3A_87 = tpu.memref_squeeze %dma_wait3A_86 : memref<1x128x64xf32, #tpu.memory_space<vmem>> -> memref<128x64xf32, #tpu.memory_space<vmem>>
    %dma_wait3A_88 = arith.constant 19840 : i32
    %dma_wait3A_89 = tpu.memref_slice %arg8[%dma_wait3A_88] : memref<20000xi32, #tpu.memory_space<vmem>> -> memref<128xi32, #tpu.memory_space<vmem>>
    %dma_wait3A_90 = arith.constant 0 : i32
    %dma_wait3A_91 = arith.constant 0 : i32
    %dma_wait3A_92 = tpu.memref_slice %arg10[%dma_wait3A_90, %dma_wait3A_91] : memref<10000x64xf32, #tpu.memory_space<vmem_shared>> -> memref<10000x64xf32, #tpu.memory_space<vmem_shared>>
    tpu.wait_indirect_dma semaphore(%arg12 : memref<!tpu.dma_semaphore, #tpu.memory_space<semaphore_mem>>) src(%dma_wait3A_87 : memref<128x64xf32, #tpu.memory_space<vmem>>) dst(%dma_wait3A_92 : memref<10000x64xf32, #tpu.memory_space<vmem_shared>>)
    %dma_start3A_93 = arith.constant 0 : i32
    %dma_start3A_94 = arith.constant 0 : i32
    %dma_start3A_95 = arith.constant 0 : i32
    %dma_start3A_96 = tpu.memref_slice %arg9[%dma_start3A_93, %dma_start3A_94, %dma_start3A_95] : memref<6x128x64xf32, #tpu.memory_space<vmem>> -> memref<1x32x64xf32, #tpu.memory_space<vmem>>
    %dma_start3A_97 = tpu.memref_squeeze %dma_start3A_96 : memref<1x32x64xf32, #tpu.memory_space<vmem>> -> memref<32x64xf32, #tpu.memory_space<vmem>>
    %dma_start3A_98 = arith.constant 19968 : i32
    %dma_start3A_99 = tpu.memref_slice %arg7[%dma_start3A_98] : memref<20000xi32, #tpu.memory_space<vmem>> -> memref<32xi32, #tpu.memory_space<vmem>>
    %dma_start3A_100 = arith.constant 0 : i32
    %dma_start3A_101 = arith.constant 0 : i32
    %dma_start3A_102 = tpu.memref_slice %arg2[%dma_start3A_100, %dma_start3A_101] : memref<20000x64xf32, #tpu.memory_space<hbm>> -> memref<20000x64xf32, #tpu.memory_space<hbm>>
    tpu.enqueue_indirect_dma source(%dma_start3A_102 : memref<20000x64xf32, #tpu.memory_space<hbm>>) target(%dma_start3A_97 : memref<32x64xf32, #tpu.memory_space<vmem>>) offsets(%dma_start3A_99 : memref<32xi32, #tpu.memory_space<vmem>>) semaphore(%arg11 : memref<!tpu.dma_semaphore, #tpu.memory_space<semaphore_mem>>)
    %dma_wait3A_103 = arith.constant 0 : i32
    %dma_wait3A_104 = arith.constant 0 : i32
    %dma_wait3A_105 = arith.constant 0 : i32
    %dma_wait3A_106 = tpu.memref_slice %arg9[%dma_wait3A_103, %dma_wait3A_104, %dma_wait3A_105] : memref<6x128x64xf32, #tpu.memory_space<vmem>> -> memref<1x32x64xf32, #tpu.memory_space<vmem>>
    %dma_wait3A_107 = tpu.memref_squeeze %dma_wait3A_106 : memref<1x32x64xf32, #tpu.memory_space<vmem>> -> memref<32x64xf32, #tpu.memory_space<vmem>>
    %dma_wait3A_108 = arith.constant 19968 : i32
    %dma_wait3A_109 = tpu.memref_slice %arg7[%dma_wait3A_108] : memref<20000xi32, #tpu.memory_space<vmem>> -> memref<32xi32, #tpu.memory_space<vmem>>
    %dma_wait3A_110 = arith.constant 0 : i32
    %dma_wait3A_111 = arith.constant 0 : i32
    %dma_wait3A_112 = tpu.memref_slice %arg2[%dma_wait3A_110, %dma_wait3A_111] : memref<20000x64xf32, #tpu.memory_space<hbm>> -> memref<20000x64xf32, #tpu.memory_space<hbm>>
    tpu.wait_indirect_dma semaphore(%arg11 : memref<!tpu.dma_semaphore, #tpu.memory_space<semaphore_mem>>) src(%dma_wait3A_112 : memref<20000x64xf32, #tpu.memory_space<hbm>>) dst(%dma_wait3A_107 : memref<32x64xf32, #tpu.memory_space<vmem>>)
    %dma_start3A_113 = arith.constant 0 : i32
    %dma_start3A_114 = arith.constant 0 : i32
    %dma_start3A_115 = arith.constant 0 : i32
    %dma_start3A_116 = tpu.memref_slice %arg9[%dma_start3A_113, %dma_start3A_114, %dma_start3A_115] : memref<6x128x64xf32, #tpu.memory_space<vmem>> -> memref<1x32x64xf32, #tpu.memory_space<vmem>>
    %dma_start3A_117 = tpu.memref_squeeze %dma_start3A_116 : memref<1x32x64xf32, #tpu.memory_space<vmem>> -> memref<32x64xf32, #tpu.memory_space<vmem>>
    %dma_start3A_118 = arith.constant 19968 : i32
    %dma_start3A_119 = tpu.memref_slice %arg8[%dma_start3A_118] : memref<20000xi32, #tpu.memory_space<vmem>> -> memref<32xi32, #tpu.memory_space<vmem>>
    %dma_start3A_120 = arith.constant 0 : i32
    %dma_start3A_121 = arith.constant 0 : i32
    %dma_start3A_122 = tpu.memref_slice %arg10[%dma_start3A_120, %dma_start3A_121] : memref<10000x64xf32, #tpu.memory_space<vmem_shared>> -> memref<10000x64xf32, #tpu.memory_space<vmem_shared>>
    tpu.enqueue_indirect_dma source(%dma_start3A_117 : memref<32x64xf32, #tpu.memory_space<vmem>>) target(%dma_start3A_122 : memref<10000x64xf32, #tpu.memory_space<vmem_shared>>) offsets(%dma_start3A_119 : memref<32xi32, #tpu.memory_space<vmem>>) semaphore(%arg12 : memref<!tpu.dma_semaphore, #tpu.memory_space<semaphore_mem>>) {add = true}
    %dma_wait3A_123 = arith.constant 0 : i32
    %dma_wait3A_124 = arith.constant 0 : i32
    %dma_wait3A_125 = arith.constant 0 : i32
    %dma_wait3A_126 = tpu.memref_slice %arg9[%dma_wait3A_123, %dma_wait3A_124, %dma_wait3A_125] : memref<6x128x64xf32, #tpu.memory_space<vmem>> -> memref<1x32x64xf32, #tpu.memory_space<vmem>>
    %dma_wait3A_127 = tpu.memref_squeeze %dma_wait3A_126 : memref<1x32x64xf32, #tpu.memory_space<vmem>> -> memref<32x64xf32, #tpu.memory_space<vmem>>
    %dma_wait3A_128 = arith.constant 19968 : i32
    %dma_wait3A_129 = tpu.memref_slice %arg8[%dma_wait3A_128] : memref<20000xi32, #tpu.memory_space<vmem>> -> memref<32xi32, #tpu.memory_space<vmem>>
    %dma_wait3A_130 = arith.constant 0 : i32
    %dma_wait3A_131 = arith.constant 0 : i32
    %dma_wait3A_132 = tpu.memref_slice %arg10[%dma_wait3A_130, %dma_wait3A_131] : memref<10000x64xf32, #tpu.memory_space<vmem_shared>> -> memref<10000x64xf32, #tpu.memory_space<vmem_shared>>
    tpu.wait_indirect_dma semaphore(%arg12 : memref<!tpu.dma_semaphore, #tpu.memory_space<semaphore_mem>>) src(%dma_wait3A_127 : memref<32x64xf32, #tpu.memory_space<vmem>>) dst(%dma_wait3A_132 : memref<10000x64xf32, #tpu.memory_space<vmem_shared>>)
    %barrier3A_133 = arith.constant 0 : index
    tpu.barrier barrier_id(%barrier3A_133)
    %mul3A_134 = arith.constant 624 : i32
    %mul3A_135 = arith.muli %arg1, %mul3A_134 : i32
    %mul3A_136 = arith.constant 624 : i32
    %mul3A_137 = arith.muli %arg1, %mul3A_136 : i32
    "tpu.region"() ({
      %run_scoped3A = tpu.sem_alloc : memref<!tpu.dma_semaphore, #tpu.memory_space<semaphore_mem>>
      %dma_start3A_143 = tpu.memref_slice %arg6[%mul3A_137, %multiple_of3A] : memref<10000x128xf32, #tpu.memory_space<hbm>> -> memref<624x64xf32, #tpu.memory_space<hbm>>
      %dma_start3A_144 = arith.constant 0 : i32
      %dma_start3A_145 = tpu.memref_slice %arg10[%mul3A_135, %dma_start3A_144] : memref<10000x64xf32, #tpu.memory_space<vmem_shared>> -> memref<624x64xf32, #tpu.memory_space<vmem_shared>>
      tpu.enqueue_dma source(%dma_start3A_145 : memref<624x64xf32, #tpu.memory_space<vmem_shared>>) target(%dma_start3A_143 : memref<624x64xf32, #tpu.memory_space<hbm>>) target_semaphore(%run_scoped3A : memref<!tpu.dma_semaphore, #tpu.memory_space<semaphore_mem>>)
      %dma_wait3A_146 = tpu.memref_slice %arg6[%mul3A_137, %multiple_of3A] : memref<10000x128xf32, #tpu.memory_space<hbm>> -> memref<624x64xf32, #tpu.memory_space<hbm>>
      %dma_wait3A_147 = arith.constant 0 : i32
      %dma_wait3A_148 = tpu.memref_slice %arg10[%mul3A_135, %dma_wait3A_147] : memref<10000x64xf32, #tpu.memory_space<vmem_shared>> -> memref<624x64xf32, #tpu.memory_space<vmem_shared>>
      tpu.wait_dma2 semaphore(%run_scoped3A : memref<!tpu.dma_semaphore, #tpu.memory_space<semaphore_mem>>) src(%dma_wait3A_148 : memref<624x64xf32, #tpu.memory_space<vmem_shared>>) dst(%dma_wait3A_146 : memref<624x64xf32, #tpu.memory_space<hbm>>)
      tpu.yield
    }) : () -> ()
    %eq3A_138 = arith.constant 0 : i32
    %eq3A_139 = arith.cmpi eq, %arg1, %eq3A_138 : i32
    %convert_element_type3A_140 = arith.extui %eq3A_139 : i1 to i32
    %cond3A_141 = arith.constant 0 : i32
    %cond3A_142 = arith.cmpi ne, %convert_element_type3A_140, %cond3A_141 : i32
    scf.if %cond3A_142 {
      "tpu.region"() ({
        %run_scoped3A = tpu.sem_alloc : memref<!tpu.dma_semaphore, #tpu.memory_space<semaphore_mem>>
        %dma_start3A_143 = arith.constant 9984 : i32
        %dma_start3A_144 = tpu.memref_slice %arg6[%dma_start3A_143, %multiple_of3A] : memref<10000x128xf32, #tpu.memory_space<hbm>> -> memref<16x64xf32, #tpu.memory_space<hbm>>
        %dma_start3A_145 = arith.constant 9984 : i32
        %dma_start3A_146 = arith.constant 0 : i32
        %dma_start3A_147 = tpu.memref_slice %arg10[%dma_start3A_145, %dma_start3A_146] : memref<10000x64xf32, #tpu.memory_space<vmem_shared>> -> memref<16x64xf32, #tpu.memory_space<vmem_shared>>
        tpu.enqueue_dma source(%dma_start3A_147 : memref<16x64xf32, #tpu.memory_space<vmem_shared>>) target(%dma_start3A_144 : memref<16x64xf32, #tpu.memory_space<hbm>>) target_semaphore(%run_scoped3A : memref<!tpu.dma_semaphore, #tpu.memory_space<semaphore_mem>>)
        %dma_wait3A_148 = arith.constant 9984 : i32
        %dma_wait3A_149 = tpu.memref_slice %arg6[%dma_wait3A_148, %multiple_of3A] : memref<10000x128xf32, #tpu.memory_space<hbm>> -> memref<16x64xf32, #tpu.memory_space<hbm>>
        %dma_wait3A_150 = arith.constant 9984 : i32
        %dma_wait3A_151 = arith.constant 0 : i32
        %dma_wait3A_152 = tpu.memref_slice %arg10[%dma_wait3A_150, %dma_wait3A_151] : memref<10000x64xf32, #tpu.memory_space<vmem_shared>> -> memref<16x64xf32, #tpu.memory_space<vmem_shared>>
        tpu.wait_dma2 semaphore(%run_scoped3A : memref<!tpu.dma_semaphore, #tpu.memory_space<semaphore_mem>>) src(%dma_wait3A_152 : memref<16x64xf32, #tpu.memory_space<vmem_shared>>) dst(%dma_wait3A_149 : memref<16x64xf32, #tpu.memory_space<hbm>>)
        tpu.yield
      }) : () -> ()
    } else {
    }
    return
  }
}

#map = affine_map<(d0, d1) -> (0, 0)>
#map1 = affine_map<(d0, d1) -> (0)>
module attributes {stable_mosaic.version = 14 : i64} {
  func.func @_sc_agg_body(%arg0: i32, %arg1: i32, %arg2: memref<20000x64xf32, #tpu.memory_space<hbm>>, %arg3: memref<640000xi32, #tpu.memory_space<hbm>>, %arg4: memref<320000xi32, #tpu.memory_space<hbm>>, %arg5: memref<10000x128xf32, #tpu.memory_space<hbm>>, %arg6: memref<10000x128xf32, #tpu.memory_space<hbm>>, %arg7: memref<20000xi32, #tpu.memory_space<vmem>>, %arg8: memref<20000xi32, #tpu.memory_space<vmem>>, %arg9: memref<6x128x64xf32, #tpu.memory_space<vmem>>, %arg10: memref<10000x64xf32, #tpu.memory_space<vmem_shared>>, %arg11: memref<!tpu.dma_semaphore, #tpu.memory_space<semaphore_mem>>, %arg12: memref<!tpu.dma_semaphore, #tpu.memory_space<semaphore_mem>>) attributes {dimension_semantics = [#tpu.dimension_semantics<core_parallel>, #tpu.dimension_semantics<subcore_parallel>], iteration_bounds = array<i64: 2, 16>, scalar_prefetch = 0 : i64, scratch_operands = 6 : i64, tpu.core_type = #tpu.core_type<sc_vector_subcore>, window_params = [{transform_indices = #map}, {transform_indices = #map1}, {transform_indices = #map1}, {transform_indices = #map}, {transform_indices = #map}]} {
    %mul3A = arith.constant 64 : i32
    %mul3A_0 = arith.muli %arg0, %mul3A : i32
    %multiple_of3A = tpu.assume_multiple %mul3A_0, 64 : i32
    %mul3A_1 = arith.constant 624 : i32
    %mul3A_2 = arith.muli %arg1, %mul3A_1 : i32
    %mul3A_3 = arith.constant 624 : i32
    %mul3A_4 = arith.muli %arg1, %mul3A_3 : i32
    %dma_start3A = arith.constant 0 : i32
    %dma_start3A_5 = tpu.memref_slice %arg10[%mul3A_4, %dma_start3A] : memref<10000x64xf32, #tpu.memory_space<vmem_shared>> -> memref<624x64xf32, #tpu.memory_space<vmem_shared>>
    %dma_start3A_6 = arith.constant 0 : i32
    %dma_start3A_7 = tpu.memref_slice %arg5[%mul3A_2, %dma_start3A_6] : memref<10000x128xf32, #tpu.memory_space<hbm>> -> memref<624x64xf32, #tpu.memory_space<hbm>>
    tpu.enqueue_dma source(%dma_start3A_7 : memref<624x64xf32, #tpu.memory_space<hbm>>) target(%dma_start3A_5 : memref<624x64xf32, #tpu.memory_space<vmem_shared>>) target_semaphore(%arg11 : memref<!tpu.dma_semaphore, #tpu.memory_space<semaphore_mem>>)
    %mul3A_8 = arith.constant 320000 : i32
    %mul3A_9 = arith.muli %arg0, %mul3A_8 : i32
    %mul3A_10 = arith.constant 20000 : i32
    %mul3A_11 = arith.muli %arg1, %mul3A_10 : i32
    %add3A = arith.addi %mul3A_9, %mul3A_11 : i32
    %dma_start3A_12 = tpu.memref_slice %arg3[%add3A] : memref<640000xi32, #tpu.memory_space<hbm>> -> memref<20000xi32, #tpu.memory_space<hbm>>
    %dma_start3A_13 = tpu.memref_slice %arg3[%add3A] : memref<640000xi32, #tpu.memory_space<hbm>> -> memref<20000xi32, #tpu.memory_space<hbm>>
    tpu.enqueue_dma source(%dma_start3A_13 : memref<20000xi32, #tpu.memory_space<hbm>>) target(%arg7 : memref<20000xi32, #tpu.memory_space<vmem>>) target_semaphore(%arg12 : memref<!tpu.dma_semaphore, #tpu.memory_space<semaphore_mem>>)
    %mul3A_14 = arith.constant 20000 : i32
    %mul3A_15 = arith.muli %arg1, %mul3A_14 : i32
    %dma_start3A_16 = tpu.memref_slice %arg4[%mul3A_15] : memref<320000xi32, #tpu.memory_space<hbm>> -> memref<20000xi32, #tpu.memory_space<hbm>>
    %dma_start3A_17 = tpu.memref_slice %arg4[%mul3A_15] : memref<320000xi32, #tpu.memory_space<hbm>> -> memref<20000xi32, #tpu.memory_space<hbm>>
    tpu.enqueue_dma source(%dma_start3A_17 : memref<20000xi32, #tpu.memory_space<hbm>>) target(%arg8 : memref<20000xi32, #tpu.memory_space<vmem>>) target_semaphore(%arg12 : memref<!tpu.dma_semaphore, #tpu.memory_space<semaphore_mem>>)
    %eq3A = arith.constant 0 : i32
    %eq3A_18 = arith.cmpi eq, %arg1, %eq3A : i32
    %convert_element_type3A = arith.extui %eq3A_18 : i1 to i32
    %cond3A = arith.constant 0 : i32
    %cond3A_19 = arith.cmpi ne, %convert_element_type3A, %cond3A : i32
    scf.if %cond3A_19 {
      "tpu.region"() ({
        %run_scoped3A = tpu.sem_alloc : memref<!tpu.dma_semaphore, #tpu.memory_space<semaphore_mem>>
        %dma_start3A_143 = arith.constant 9984 : i32
        %dma_start3A_144 = arith.constant 0 : i32
        %dma_start3A_145 = tpu.memref_slice %arg10[%dma_start3A_143, %dma_start3A_144] : memref<10000x64xf32, #tpu.memory_space<vmem_shared>> -> memref<16x64xf32, #tpu.memory_space<vmem_shared>>
        %dma_start3A_146 = arith.constant 9984 : i32
        %dma_start3A_147 = arith.constant 0 : i32
        %dma_start3A_148 = tpu.memref_slice %arg5[%dma_start3A_146, %dma_start3A_147] : memref<10000x128xf32, #tpu.memory_space<hbm>> -> memref<16x64xf32, #tpu.memory_space<hbm>>
        tpu.enqueue_dma source(%dma_start3A_148 : memref<16x64xf32, #tpu.memory_space<hbm>>) target(%dma_start3A_145 : memref<16x64xf32, #tpu.memory_space<vmem_shared>>) target_semaphore(%run_scoped3A : memref<!tpu.dma_semaphore, #tpu.memory_space<semaphore_mem>>)
        %dma_wait3A_149 = arith.constant 9984 : i32
        %dma_wait3A_150 = arith.constant 0 : i32
        %dma_wait3A_151 = tpu.memref_slice %arg10[%dma_wait3A_149, %dma_wait3A_150] : memref<10000x64xf32, #tpu.memory_space<vmem_shared>> -> memref<16x64xf32, #tpu.memory_space<vmem_shared>>
        %dma_wait3A_152 = arith.constant 9984 : i32
        %dma_wait3A_153 = arith.constant 0 : i32
        %dma_wait3A_154 = tpu.memref_slice %arg5[%dma_wait3A_152, %dma_wait3A_153] : memref<10000x128xf32, #tpu.memory_space<hbm>> -> memref<16x64xf32, #tpu.memory_space<hbm>>
        tpu.wait_dma2 semaphore(%run_scoped3A : memref<!tpu.dma_semaphore, #tpu.memory_space<semaphore_mem>>) src(%dma_wait3A_154 : memref<16x64xf32, #tpu.memory_space<hbm>>) dst(%dma_wait3A_151 : memref<16x64xf32, #tpu.memory_space<vmem_shared>>)
        tpu.yield
      }) : () -> ()
    } else {
    }
    %dma_wait3A = arith.constant 0 : i32
    %dma_wait3A_20 = tpu.memref_slice %arg10[%mul3A_4, %dma_wait3A] : memref<10000x64xf32, #tpu.memory_space<vmem_shared>> -> memref<624x64xf32, #tpu.memory_space<vmem_shared>>
    %dma_wait3A_21 = arith.constant 0 : i32
    %dma_wait3A_22 = tpu.memref_slice %arg5[%mul3A_2, %dma_wait3A_21] : memref<10000x128xf32, #tpu.memory_space<hbm>> -> memref<624x64xf32, #tpu.memory_space<hbm>>
    tpu.wait_dma2 semaphore(%arg11 : memref<!tpu.dma_semaphore, #tpu.memory_space<semaphore_mem>>) src(%dma_wait3A_22 : memref<624x64xf32, #tpu.memory_space<hbm>>) dst(%dma_wait3A_20 : memref<624x64xf32, #tpu.memory_space<vmem_shared>>)
    %dma_wait3A_23 = tpu.memref_slice %arg3[%add3A] : memref<640000xi32, #tpu.memory_space<hbm>> -> memref<20000xi32, #tpu.memory_space<hbm>>
    %dma_wait3A_24 = tpu.memref_slice %arg3[%add3A] : memref<640000xi32, #tpu.memory_space<hbm>> -> memref<20000xi32, #tpu.memory_space<hbm>>
    tpu.wait_dma2 semaphore(%arg12 : memref<!tpu.dma_semaphore, #tpu.memory_space<semaphore_mem>>) src(%dma_wait3A_24 : memref<20000xi32, #tpu.memory_space<hbm>>) dst(%arg7 : memref<20000xi32, #tpu.memory_space<vmem>>)
    %dma_wait3A_25 = tpu.memref_slice %arg4[%mul3A_15] : memref<320000xi32, #tpu.memory_space<hbm>> -> memref<20000xi32, #tpu.memory_space<hbm>>
    %dma_wait3A_26 = tpu.memref_slice %arg4[%mul3A_15] : memref<320000xi32, #tpu.memory_space<hbm>> -> memref<20000xi32, #tpu.memory_space<hbm>>
    tpu.wait_dma2 semaphore(%arg12 : memref<!tpu.dma_semaphore, #tpu.memory_space<semaphore_mem>>) src(%dma_wait3A_26 : memref<20000xi32, #tpu.memory_space<hbm>>) dst(%arg8 : memref<20000xi32, #tpu.memory_space<vmem>>)
    %barrier3A = arith.constant 0 : index
    tpu.barrier barrier_id(%barrier3A)
    %scan3A = arith.constant 0 : i32
    %scan3A_27 = arith.constant 0 : i32
    %scan3A_28 = arith.constant 26 : i32
    %scan3A_29 = arith.addi %scan3A_27, %scan3A_28 : i32
    %scan3A_30 = arith.constant 1 : i32
    %scan3A_31 = scf.for %scan3A_143 = %scan3A_27 to %scan3A_29 step %scan3A_30 iter_args(%scan3A_144 = %scan3A) -> (i32)  : i32 {
      %mul3A_145 = arith.constant 768 : i32
      %mul3A_146 = arith.muli %scan3A_143, %mul3A_145 : i32
      %multiple_of3A_147 = tpu.assume_multiple %mul3A_146, 768 : i32
      %sub3A = arith.constant 768 : i32
      %sub3A_148 = arith.subi %multiple_of3A_147, %sub3A : i32
      %gt3A = arith.constant 0 : i32
      %gt3A_149 = arith.cmpi sgt, %scan3A_143, %gt3A : i32
      %convert_element_type3A_150 = arith.extui %gt3A_149 : i1 to i32
      %cond3A_151 = arith.constant 0 : i32
      %cond3A_152 = arith.cmpi ne, %convert_element_type3A_150, %cond3A_151 : i32
      scf.if %cond3A_152 {
        %add3A_345 = arith.constant 0 : i32
        %add3A_346 = arith.addi %sub3A_148, %add3A_345 : i32
        %dma_wait3A_347 = arith.constant 0 : i32
        %dma_wait3A_348 = arith.constant 0 : i32
        %dma_wait3A_349 = arith.constant 0 : i32
        %dma_wait3A_350 = tpu.memref_slice %arg9[%dma_wait3A_347, %dma_wait3A_348, %dma_wait3A_349] : memref<6x128x64xf32, #tpu.memory_space<vmem>> -> memref<1x128x64xf32, #tpu.memory_space<vmem>>
        %dma_wait3A_351 = tpu.memref_squeeze %dma_wait3A_350 : memref<1x128x64xf32, #tpu.memory_space<vmem>> -> memref<128x64xf32, #tpu.memory_space<vmem>>
        %dma_wait3A_352 = tpu.memref_slice %arg8[%add3A_346] : memref<20000xi32, #tpu.memory_space<vmem>> -> memref<128xi32, #tpu.memory_space<vmem>>
        %dma_wait3A_353 = arith.constant 0 : i32
        %dma_wait3A_354 = arith.constant 0 : i32
        %dma_wait3A_355 = tpu.memref_slice %arg10[%dma_wait3A_353, %dma_wait3A_354] : memref<10000x64xf32, #tpu.memory_space<vmem_shared>> -> memref<10000x64xf32, #tpu.memory_space<vmem_shared>>
        tpu.wait_indirect_dma semaphore(%arg12 : memref<!tpu.dma_semaphore, #tpu.memory_space<semaphore_mem>>) src(%dma_wait3A_351 : memref<128x64xf32, #tpu.memory_space<vmem>>) dst(%dma_wait3A_355 : memref<10000x64xf32, #tpu.memory_space<vmem_shared>>)
        %add3A_356 = arith.constant 128 : i32
        %add3A_357 = arith.addi %sub3A_148, %add3A_356 : i32
        %dma_wait3A_358 = arith.constant 1 : i32
        %dma_wait3A_359 = arith.constant 0 : i32
        %dma_wait3A_360 = arith.constant 0 : i32
        %dma_wait3A_361 = tpu.memref_slice %arg9[%dma_wait3A_358, %dma_wait3A_359, %dma_wait3A_360] : memref<6x128x64xf32, #tpu.memory_space<vmem>> -> memref<1x128x64xf32, #tpu.memory_space<vmem>>
        %dma_wait3A_362 = tpu.memref_squeeze %dma_wait3A_361 : memref<1x128x64xf32, #tpu.memory_space<vmem>> -> memref<128x64xf32, #tpu.memory_space<vmem>>
        %dma_wait3A_363 = tpu.memref_slice %arg8[%add3A_357] : memref<20000xi32, #tpu.memory_space<vmem>> -> memref<128xi32, #tpu.memory_space<vmem>>
        %dma_wait3A_364 = arith.constant 0 : i32
        %dma_wait3A_365 = arith.constant 0 : i32
        %dma_wait3A_366 = tpu.memref_slice %arg10[%dma_wait3A_364, %dma_wait3A_365] : memref<10000x64xf32, #tpu.memory_space<vmem_shared>> -> memref<10000x64xf32, #tpu.memory_space<vmem_shared>>
        tpu.wait_indirect_dma semaphore(%arg12 : memref<!tpu.dma_semaphore, #tpu.memory_space<semaphore_mem>>) src(%dma_wait3A_362 : memref<128x64xf32, #tpu.memory_space<vmem>>) dst(%dma_wait3A_366 : memref<10000x64xf32, #tpu.memory_space<vmem_shared>>)
        %add3A_367 = arith.constant 256 : i32
        %add3A_368 = arith.addi %sub3A_148, %add3A_367 : i32
        %dma_wait3A_369 = arith.constant 2 : i32
        %dma_wait3A_370 = arith.constant 0 : i32
        %dma_wait3A_371 = arith.constant 0 : i32
        %dma_wait3A_372 = tpu.memref_slice %arg9[%dma_wait3A_369, %dma_wait3A_370, %dma_wait3A_371] : memref<6x128x64xf32, #tpu.memory_space<vmem>> -> memref<1x128x64xf32, #tpu.memory_space<vmem>>
        %dma_wait3A_373 = tpu.memref_squeeze %dma_wait3A_372 : memref<1x128x64xf32, #tpu.memory_space<vmem>> -> memref<128x64xf32, #tpu.memory_space<vmem>>
        %dma_wait3A_374 = tpu.memref_slice %arg8[%add3A_368] : memref<20000xi32, #tpu.memory_space<vmem>> -> memref<128xi32, #tpu.memory_space<vmem>>
        %dma_wait3A_375 = arith.constant 0 : i32
        %dma_wait3A_376 = arith.constant 0 : i32
        %dma_wait3A_377 = tpu.memref_slice %arg10[%dma_wait3A_375, %dma_wait3A_376] : memref<10000x64xf32, #tpu.memory_space<vmem_shared>> -> memref<10000x64xf32, #tpu.memory_space<vmem_shared>>
        tpu.wait_indirect_dma semaphore(%arg12 : memref<!tpu.dma_semaphore, #tpu.memory_space<semaphore_mem>>) src(%dma_wait3A_373 : memref<128x64xf32, #tpu.memory_space<vmem>>) dst(%dma_wait3A_377 : memref<10000x64xf32, #tpu.memory_space<vmem_shared>>)
      } else {
      }
      %add3A_153 = arith.constant 0 : i32
      %add3A_154 = arith.addi %multiple_of3A_147, %add3A_153 : i32
      %dma_start3A_155 = arith.constant 0 : i32
      %dma_start3A_156 = arith.constant 0 : i32
      %dma_start3A_157 = arith.constant 0 : i32
      %dma_start3A_158 = tpu.memref_slice %arg9[%dma_start3A_155, %dma_start3A_156, %dma_start3A_157] : memref<6x128x64xf32, #tpu.memory_space<vmem>> -> memref<1x128x64xf32, #tpu.memory_space<vmem>>
      %dma_start3A_159 = tpu.memref_squeeze %dma_start3A_158 : memref<1x128x64xf32, #tpu.memory_space<vmem>> -> memref<128x64xf32, #tpu.memory_space<vmem>>
      %dma_start3A_160 = tpu.memref_slice %arg7[%add3A_154] : memref<20000xi32, #tpu.memory_space<vmem>> -> memref<128xi32, #tpu.memory_space<vmem>>
      %dma_start3A_161 = arith.constant 0 : i32
      %dma_start3A_162 = arith.constant 0 : i32
      %dma_start3A_163 = tpu.memref_slice %arg2[%dma_start3A_161, %dma_start3A_162] : memref<20000x64xf32, #tpu.memory_space<hbm>> -> memref<20000x64xf32, #tpu.memory_space<hbm>>
      tpu.enqueue_indirect_dma source(%dma_start3A_163 : memref<20000x64xf32, #tpu.memory_space<hbm>>) target(%dma_start3A_159 : memref<128x64xf32, #tpu.memory_space<vmem>>) offsets(%dma_start3A_160 : memref<128xi32, #tpu.memory_space<vmem>>) semaphore(%arg11 : memref<!tpu.dma_semaphore, #tpu.memory_space<semaphore_mem>>)
      %add3A_164 = arith.constant 128 : i32
      %add3A_165 = arith.addi %multiple_of3A_147, %add3A_164 : i32
      %dma_start3A_166 = arith.constant 1 : i32
      %dma_start3A_167 = arith.constant 0 : i32
      %dma_start3A_168 = arith.constant 0 : i32
      %dma_start3A_169 = tpu.memref_slice %arg9[%dma_start3A_166, %dma_start3A_167, %dma_start3A_168] : memref<6x128x64xf32, #tpu.memory_space<vmem>> -> memref<1x128x64xf32, #tpu.memory_space<vmem>>
      %dma_start3A_170 = tpu.memref_squeeze %dma_start3A_169 : memref<1x128x64xf32, #tpu.memory_space<vmem>> -> memref<128x64xf32, #tpu.memory_space<vmem>>
      %dma_start3A_171 = tpu.memref_slice %arg7[%add3A_165] : memref<20000xi32, #tpu.memory_space<vmem>> -> memref<128xi32, #tpu.memory_space<vmem>>
      %dma_start3A_172 = arith.constant 0 : i32
      %dma_start3A_173 = arith.constant 0 : i32
      %dma_start3A_174 = tpu.memref_slice %arg2[%dma_start3A_172, %dma_start3A_173] : memref<20000x64xf32, #tpu.memory_space<hbm>> -> memref<20000x64xf32, #tpu.memory_space<hbm>>
      tpu.enqueue_indirect_dma source(%dma_start3A_174 : memref<20000x64xf32, #tpu.memory_space<hbm>>) target(%dma_start3A_170 : memref<128x64xf32, #tpu.memory_space<vmem>>) offsets(%dma_start3A_171 : memref<128xi32, #tpu.memory_space<vmem>>) semaphore(%arg11 : memref<!tpu.dma_semaphore, #tpu.memory_space<semaphore_mem>>)
      %add3A_175 = arith.constant 256 : i32
      %add3A_176 = arith.addi %multiple_of3A_147, %add3A_175 : i32
      %dma_start3A_177 = arith.constant 2 : i32
      %dma_start3A_178 = arith.constant 0 : i32
      %dma_start3A_179 = arith.constant 0 : i32
      %dma_start3A_180 = tpu.memref_slice %arg9[%dma_start3A_177, %dma_start3A_178, %dma_start3A_179] : memref<6x128x64xf32, #tpu.memory_space<vmem>> -> memref<1x128x64xf32, #tpu.memory_space<vmem>>
      %dma_start3A_181 = tpu.memref_squeeze %dma_start3A_180 : memref<1x128x64xf32, #tpu.memory_space<vmem>> -> memref<128x64xf32, #tpu.memory_space<vmem>>
      %dma_start3A_182 = tpu.memref_slice %arg7[%add3A_176] : memref<20000xi32, #tpu.memory_space<vmem>> -> memref<128xi32, #tpu.memory_space<vmem>>
      %dma_start3A_183 = arith.constant 0 : i32
      %dma_start3A_184 = arith.constant 0 : i32
      %dma_start3A_185 = tpu.memref_slice %arg2[%dma_start3A_183, %dma_start3A_184] : memref<20000x64xf32, #tpu.memory_space<hbm>> -> memref<20000x64xf32, #tpu.memory_space<hbm>>
      tpu.enqueue_indirect_dma source(%dma_start3A_185 : memref<20000x64xf32, #tpu.memory_space<hbm>>) target(%dma_start3A_181 : memref<128x64xf32, #tpu.memory_space<vmem>>) offsets(%dma_start3A_182 : memref<128xi32, #tpu.memory_space<vmem>>) semaphore(%arg11 : memref<!tpu.dma_semaphore, #tpu.memory_space<semaphore_mem>>)
      %dma_wait3A_186 = arith.constant 0 : i32
      %dma_wait3A_187 = arith.constant 0 : i32
      %dma_wait3A_188 = arith.constant 0 : i32
      %dma_wait3A_189 = tpu.memref_slice %arg9[%dma_wait3A_186, %dma_wait3A_187, %dma_wait3A_188] : memref<6x128x64xf32, #tpu.memory_space<vmem>> -> memref<1x128x64xf32, #tpu.memory_space<vmem>>
      %dma_wait3A_190 = tpu.memref_squeeze %dma_wait3A_189 : memref<1x128x64xf32, #tpu.memory_space<vmem>> -> memref<128x64xf32, #tpu.memory_space<vmem>>
      %dma_wait3A_191 = tpu.memref_slice %arg7[%add3A_154] : memref<20000xi32, #tpu.memory_space<vmem>> -> memref<128xi32, #tpu.memory_space<vmem>>
      %dma_wait3A_192 = arith.constant 0 : i32
      %dma_wait3A_193 = arith.constant 0 : i32
      %dma_wait3A_194 = tpu.memref_slice %arg2[%dma_wait3A_192, %dma_wait3A_193] : memref<20000x64xf32, #tpu.memory_space<hbm>> -> memref<20000x64xf32, #tpu.memory_space<hbm>>
      tpu.wait_indirect_dma semaphore(%arg11 : memref<!tpu.dma_semaphore, #tpu.memory_space<semaphore_mem>>) src(%dma_wait3A_194 : memref<20000x64xf32, #tpu.memory_space<hbm>>) dst(%dma_wait3A_190 : memref<128x64xf32, #tpu.memory_space<vmem>>)
      %dma_wait3A_195 = arith.constant 1 : i32
      %dma_wait3A_196 = arith.constant 0 : i32
      %dma_wait3A_197 = arith.constant 0 : i32
      %dma_wait3A_198 = tpu.memref_slice %arg9[%dma_wait3A_195, %dma_wait3A_196, %dma_wait3A_197] : memref<6x128x64xf32, #tpu.memory_space<vmem>> -> memref<1x128x64xf32, #tpu.memory_space<vmem>>
      %dma_wait3A_199 = tpu.memref_squeeze %dma_wait3A_198 : memref<1x128x64xf32, #tpu.memory_space<vmem>> -> memref<128x64xf32, #tpu.memory_space<vmem>>
      %dma_wait3A_200 = tpu.memref_slice %arg7[%add3A_165] : memref<20000xi32, #tpu.memory_space<vmem>> -> memref<128xi32, #tpu.memory_space<vmem>>
      %dma_wait3A_201 = arith.constant 0 : i32
      %dma_wait3A_202 = arith.constant 0 : i32
      %dma_wait3A_203 = tpu.memref_slice %arg2[%dma_wait3A_201, %dma_wait3A_202] : memref<20000x64xf32, #tpu.memory_space<hbm>> -> memref<20000x64xf32, #tpu.memory_space<hbm>>
      tpu.wait_indirect_dma semaphore(%arg11 : memref<!tpu.dma_semaphore, #tpu.memory_space<semaphore_mem>>) src(%dma_wait3A_203 : memref<20000x64xf32, #tpu.memory_space<hbm>>) dst(%dma_wait3A_199 : memref<128x64xf32, #tpu.memory_space<vmem>>)
      %dma_wait3A_204 = arith.constant 2 : i32
      %dma_wait3A_205 = arith.constant 0 : i32
      %dma_wait3A_206 = arith.constant 0 : i32
      %dma_wait3A_207 = tpu.memref_slice %arg9[%dma_wait3A_204, %dma_wait3A_205, %dma_wait3A_206] : memref<6x128x64xf32, #tpu.memory_space<vmem>> -> memref<1x128x64xf32, #tpu.memory_space<vmem>>
      %dma_wait3A_208 = tpu.memref_squeeze %dma_wait3A_207 : memref<1x128x64xf32, #tpu.memory_space<vmem>> -> memref<128x64xf32, #tpu.memory_space<vmem>>
      %dma_wait3A_209 = tpu.memref_slice %arg7[%add3A_176] : memref<20000xi32, #tpu.memory_space<vmem>> -> memref<128xi32, #tpu.memory_space<vmem>>
      %dma_wait3A_210 = arith.constant 0 : i32
      %dma_wait3A_211 = arith.constant 0 : i32
      %dma_wait3A_212 = tpu.memref_slice %arg2[%dma_wait3A_210, %dma_wait3A_211] : memref<20000x64xf32, #tpu.memory_space<hbm>> -> memref<20000x64xf32, #tpu.memory_space<hbm>>
      tpu.wait_indirect_dma semaphore(%arg11 : memref<!tpu.dma_semaphore, #tpu.memory_space<semaphore_mem>>) src(%dma_wait3A_212 : memref<20000x64xf32, #tpu.memory_space<hbm>>) dst(%dma_wait3A_208 : memref<128x64xf32, #tpu.memory_space<vmem>>)
      %gt3A_213 = arith.constant 0 : i32
      %gt3A_214 = arith.cmpi sgt, %scan3A_143, %gt3A_213 : i32
      %convert_element_type3A_215 = arith.extui %gt3A_214 : i1 to i32
      %cond3A_216 = arith.constant 0 : i32
      %cond3A_217 = arith.cmpi ne, %convert_element_type3A_215, %cond3A_216 : i32
      scf.if %cond3A_217 {
        %add3A_345 = arith.constant 384 : i32
        %add3A_346 = arith.addi %sub3A_148, %add3A_345 : i32
        %dma_wait3A_347 = arith.constant 3 : i32
        %dma_wait3A_348 = arith.constant 0 : i32
        %dma_wait3A_349 = arith.constant 0 : i32
        %dma_wait3A_350 = tpu.memref_slice %arg9[%dma_wait3A_347, %dma_wait3A_348, %dma_wait3A_349] : memref<6x128x64xf32, #tpu.memory_space<vmem>> -> memref<1x128x64xf32, #tpu.memory_space<vmem>>
        %dma_wait3A_351 = tpu.memref_squeeze %dma_wait3A_350 : memref<1x128x64xf32, #tpu.memory_space<vmem>> -> memref<128x64xf32, #tpu.memory_space<vmem>>
        %dma_wait3A_352 = tpu.memref_slice %arg8[%add3A_346] : memref<20000xi32, #tpu.memory_space<vmem>> -> memref<128xi32, #tpu.memory_space<vmem>>
        %dma_wait3A_353 = arith.constant 0 : i32
        %dma_wait3A_354 = arith.constant 0 : i32
        %dma_wait3A_355 = tpu.memref_slice %arg10[%dma_wait3A_353, %dma_wait3A_354] : memref<10000x64xf32, #tpu.memory_space<vmem_shared>> -> memref<10000x64xf32, #tpu.memory_space<vmem_shared>>
        tpu.wait_indirect_dma semaphore(%arg12 : memref<!tpu.dma_semaphore, #tpu.memory_space<semaphore_mem>>) src(%dma_wait3A_351 : memref<128x64xf32, #tpu.memory_space<vmem>>) dst(%dma_wait3A_355 : memref<10000x64xf32, #tpu.memory_space<vmem_shared>>)
        %add3A_356 = arith.constant 512 : i32
        %add3A_357 = arith.addi %sub3A_148, %add3A_356 : i32
        %dma_wait3A_358 = arith.constant 4 : i32
        %dma_wait3A_359 = arith.constant 0 : i32
        %dma_wait3A_360 = arith.constant 0 : i32
        %dma_wait3A_361 = tpu.memref_slice %arg9[%dma_wait3A_358, %dma_wait3A_359, %dma_wait3A_360] : memref<6x128x64xf32, #tpu.memory_space<vmem>> -> memref<1x128x64xf32, #tpu.memory_space<vmem>>
        %dma_wait3A_362 = tpu.memref_squeeze %dma_wait3A_361 : memref<1x128x64xf32, #tpu.memory_space<vmem>> -> memref<128x64xf32, #tpu.memory_space<vmem>>
        %dma_wait3A_363 = tpu.memref_slice %arg8[%add3A_357] : memref<20000xi32, #tpu.memory_space<vmem>> -> memref<128xi32, #tpu.memory_space<vmem>>
        %dma_wait3A_364 = arith.constant 0 : i32
        %dma_wait3A_365 = arith.constant 0 : i32
        %dma_wait3A_366 = tpu.memref_slice %arg10[%dma_wait3A_364, %dma_wait3A_365] : memref<10000x64xf32, #tpu.memory_space<vmem_shared>> -> memref<10000x64xf32, #tpu.memory_space<vmem_shared>>
        tpu.wait_indirect_dma semaphore(%arg12 : memref<!tpu.dma_semaphore, #tpu.memory_space<semaphore_mem>>) src(%dma_wait3A_362 : memref<128x64xf32, #tpu.memory_space<vmem>>) dst(%dma_wait3A_366 : memref<10000x64xf32, #tpu.memory_space<vmem_shared>>)
        %add3A_367 = arith.constant 640 : i32
        %add3A_368 = arith.addi %sub3A_148, %add3A_367 : i32
        %dma_wait3A_369 = arith.constant 5 : i32
        %dma_wait3A_370 = arith.constant 0 : i32
        %dma_wait3A_371 = arith.constant 0 : i32
        %dma_wait3A_372 = tpu.memref_slice %arg9[%dma_wait3A_369, %dma_wait3A_370, %dma_wait3A_371] : memref<6x128x64xf32, #tpu.memory_space<vmem>> -> memref<1x128x64xf32, #tpu.memory_space<vmem>>
        %dma_wait3A_373 = tpu.memref_squeeze %dma_wait3A_372 : memref<1x128x64xf32, #tpu.memory_space<vmem>> -> memref<128x64xf32, #tpu.memory_space<vmem>>
        %dma_wait3A_374 = tpu.memref_slice %arg8[%add3A_368] : memref<20000xi32, #tpu.memory_space<vmem>> -> memref<128xi32, #tpu.memory_space<vmem>>
        %dma_wait3A_375 = arith.constant 0 : i32
        %dma_wait3A_376 = arith.constant 0 : i32
        %dma_wait3A_377 = tpu.memref_slice %arg10[%dma_wait3A_375, %dma_wait3A_376] : memref<10000x64xf32, #tpu.memory_space<vmem_shared>> -> memref<10000x64xf32, #tpu.memory_space<vmem_shared>>
        tpu.wait_indirect_dma semaphore(%arg12 : memref<!tpu.dma_semaphore, #tpu.memory_space<semaphore_mem>>) src(%dma_wait3A_373 : memref<128x64xf32, #tpu.memory_space<vmem>>) dst(%dma_wait3A_377 : memref<10000x64xf32, #tpu.memory_space<vmem_shared>>)
      } else {
      }
      %add3A_218 = arith.constant 0 : i32
      %add3A_219 = arith.addi %multiple_of3A_147, %add3A_218 : i32
      %dma_start3A_220 = arith.constant 0 : i32
      %dma_start3A_221 = arith.constant 0 : i32
      %dma_start3A_222 = arith.constant 0 : i32
      %dma_start3A_223 = tpu.memref_slice %arg9[%dma_start3A_220, %dma_start3A_221, %dma_start3A_222] : memref<6x128x64xf32, #tpu.memory_space<vmem>> -> memref<1x128x64xf32, #tpu.memory_space<vmem>>
      %dma_start3A_224 = tpu.memref_squeeze %dma_start3A_223 : memref<1x128x64xf32, #tpu.memory_space<vmem>> -> memref<128x64xf32, #tpu.memory_space<vmem>>
      %dma_start3A_225 = tpu.memref_slice %arg8[%add3A_219] : memref<20000xi32, #tpu.memory_space<vmem>> -> memref<128xi32, #tpu.memory_space<vmem>>
      %dma_start3A_226 = arith.constant 0 : i32
      %dma_start3A_227 = arith.constant 0 : i32
      %dma_start3A_228 = tpu.memref_slice %arg10[%dma_start3A_226, %dma_start3A_227] : memref<10000x64xf32, #tpu.memory_space<vmem_shared>> -> memref<10000x64xf32, #tpu.memory_space<vmem_shared>>
      tpu.enqueue_indirect_dma source(%dma_start3A_224 : memref<128x64xf32, #tpu.memory_space<vmem>>) target(%dma_start3A_228 : memref<10000x64xf32, #tpu.memory_space<vmem_shared>>) offsets(%dma_start3A_225 : memref<128xi32, #tpu.memory_space<vmem>>) semaphore(%arg12 : memref<!tpu.dma_semaphore, #tpu.memory_space<semaphore_mem>>) {add = true}
      %add3A_229 = arith.constant 128 : i32
      %add3A_230 = arith.addi %multiple_of3A_147, %add3A_229 : i32
      %dma_start3A_231 = arith.constant 1 : i32
      %dma_start3A_232 = arith.constant 0 : i32
      %dma_start3A_233 = arith.constant 0 : i32
      %dma_start3A_234 = tpu.memref_slice %arg9[%dma_start3A_231, %dma_start3A_232, %dma_start3A_233] : memref<6x128x64xf32, #tpu.memory_space<vmem>> -> memref<1x128x64xf32, #tpu.memory_space<vmem>>
      %dma_start3A_235 = tpu.memref_squeeze %dma_start3A_234 : memref<1x128x64xf32, #tpu.memory_space<vmem>> -> memref<128x64xf32, #tpu.memory_space<vmem>>
      %dma_start3A_236 = tpu.memref_slice %arg8[%add3A_230] : memref<20000xi32, #tpu.memory_space<vmem>> -> memref<128xi32, #tpu.memory_space<vmem>>
      %dma_start3A_237 = arith.constant 0 : i32
      %dma_start3A_238 = arith.constant 0 : i32
      %dma_start3A_239 = tpu.memref_slice %arg10[%dma_start3A_237, %dma_start3A_238] : memref<10000x64xf32, #tpu.memory_space<vmem_shared>> -> memref<10000x64xf32, #tpu.memory_space<vmem_shared>>
      tpu.enqueue_indirect_dma source(%dma_start3A_235 : memref<128x64xf32, #tpu.memory_space<vmem>>) target(%dma_start3A_239 : memref<10000x64xf32, #tpu.memory_space<vmem_shared>>) offsets(%dma_start3A_236 : memref<128xi32, #tpu.memory_space<vmem>>) semaphore(%arg12 : memref<!tpu.dma_semaphore, #tpu.memory_space<semaphore_mem>>) {add = true}
      %add3A_240 = arith.constant 256 : i32
      %add3A_241 = arith.addi %multiple_of3A_147, %add3A_240 : i32
      %dma_start3A_242 = arith.constant 2 : i32
      %dma_start3A_243 = arith.constant 0 : i32
      %dma_start3A_244 = arith.constant 0 : i32
      %dma_start3A_245 = tpu.memref_slice %arg9[%dma_start3A_242, %dma_start3A_243, %dma_start3A_244] : memref<6x128x64xf32, #tpu.memory_space<vmem>> -> memref<1x128x64xf32, #tpu.memory_space<vmem>>
      %dma_start3A_246 = tpu.memref_squeeze %dma_start3A_245 : memref<1x128x64xf32, #tpu.memory_space<vmem>> -> memref<128x64xf32, #tpu.memory_space<vmem>>
      %dma_start3A_247 = tpu.memref_slice %arg8[%add3A_241] : memref<20000xi32, #tpu.memory_space<vmem>> -> memref<128xi32, #tpu.memory_space<vmem>>
      %dma_start3A_248 = arith.constant 0 : i32
      %dma_start3A_249 = arith.constant 0 : i32
      %dma_start3A_250 = tpu.memref_slice %arg10[%dma_start3A_248, %dma_start3A_249] : memref<10000x64xf32, #tpu.memory_space<vmem_shared>> -> memref<10000x64xf32, #tpu.memory_space<vmem_shared>>
      tpu.enqueue_indirect_dma source(%dma_start3A_246 : memref<128x64xf32, #tpu.memory_space<vmem>>) target(%dma_start3A_250 : memref<10000x64xf32, #tpu.memory_space<vmem_shared>>) offsets(%dma_start3A_247 : memref<128xi32, #tpu.memory_space<vmem>>) semaphore(%arg12 : memref<!tpu.dma_semaphore, #tpu.memory_space<semaphore_mem>>) {add = true}
      %add3A_251 = arith.constant 384 : i32
      %add3A_252 = arith.addi %multiple_of3A_147, %add3A_251 : i32
      %dma_start3A_253 = arith.constant 3 : i32
      %dma_start3A_254 = arith.constant 0 : i32
      %dma_start3A_255 = arith.constant 0 : i32
      %dma_start3A_256 = tpu.memref_slice %arg9[%dma_start3A_253, %dma_start3A_254, %dma_start3A_255] : memref<6x128x64xf32, #tpu.memory_space<vmem>> -> memref<1x128x64xf32, #tpu.memory_space<vmem>>
      %dma_start3A_257 = tpu.memref_squeeze %dma_start3A_256 : memref<1x128x64xf32, #tpu.memory_space<vmem>> -> memref<128x64xf32, #tpu.memory_space<vmem>>
      %dma_start3A_258 = tpu.memref_slice %arg7[%add3A_252] : memref<20000xi32, #tpu.memory_space<vmem>> -> memref<128xi32, #tpu.memory_space<vmem>>
      %dma_start3A_259 = arith.constant 0 : i32
      %dma_start3A_260 = arith.constant 0 : i32
      %dma_start3A_261 = tpu.memref_slice %arg2[%dma_start3A_259, %dma_start3A_260] : memref<20000x64xf32, #tpu.memory_space<hbm>> -> memref<20000x64xf32, #tpu.memory_space<hbm>>
      tpu.enqueue_indirect_dma source(%dma_start3A_261 : memref<20000x64xf32, #tpu.memory_space<hbm>>) target(%dma_start3A_257 : memref<128x64xf32, #tpu.memory_space<vmem>>) offsets(%dma_start3A_258 : memref<128xi32, #tpu.memory_space<vmem>>) semaphore(%arg11 : memref<!tpu.dma_semaphore, #tpu.memory_space<semaphore_mem>>)
      %add3A_262 = arith.constant 512 : i32
      %add3A_263 = arith.addi %multiple_of3A_147, %add3A_262 : i32
      %dma_start3A_264 = arith.constant 4 : i32
      %dma_start3A_265 = arith.constant 0 : i32
      %dma_start3A_266 = arith.constant 0 : i32
      %dma_start3A_267 = tpu.memref_slice %arg9[%dma_start3A_264, %dma_start3A_265, %dma_start3A_266] : memref<6x128x64xf32, #tpu.memory_space<vmem>> -> memref<1x128x64xf32, #tpu.memory_space<vmem>>
      %dma_start3A_268 = tpu.memref_squeeze %dma_start3A_267 : memref<1x128x64xf32, #tpu.memory_space<vmem>> -> memref<128x64xf32, #tpu.memory_space<vmem>>
      %dma_start3A_269 = tpu.memref_slice %arg7[%add3A_263] : memref<20000xi32, #tpu.memory_space<vmem>> -> memref<128xi32, #tpu.memory_space<vmem>>
      %dma_start3A_270 = arith.constant 0 : i32
      %dma_start3A_271 = arith.constant 0 : i32
      %dma_start3A_272 = tpu.memref_slice %arg2[%dma_start3A_270, %dma_start3A_271] : memref<20000x64xf32, #tpu.memory_space<hbm>> -> memref<20000x64xf32, #tpu.memory_space<hbm>>
      tpu.enqueue_indirect_dma source(%dma_start3A_272 : memref<20000x64xf32, #tpu.memory_space<hbm>>) target(%dma_start3A_268 : memref<128x64xf32, #tpu.memory_space<vmem>>) offsets(%dma_start3A_269 : memref<128xi32, #tpu.memory_space<vmem>>) semaphore(%arg11 : memref<!tpu.dma_semaphore, #tpu.memory_space<semaphore_mem>>)
      %add3A_273 = arith.constant 640 : i32
      %add3A_274 = arith.addi %multiple_of3A_147, %add3A_273 : i32
      %dma_start3A_275 = arith.constant 5 : i32
      %dma_start3A_276 = arith.constant 0 : i32
      %dma_start3A_277 = arith.constant 0 : i32
      %dma_start3A_278 = tpu.memref_slice %arg9[%dma_start3A_275, %dma_start3A_276, %dma_start3A_277] : memref<6x128x64xf32, #tpu.memory_space<vmem>> -> memref<1x128x64xf32, #tpu.memory_space<vmem>>
      %dma_start3A_279 = tpu.memref_squeeze %dma_start3A_278 : memref<1x128x64xf32, #tpu.memory_space<vmem>> -> memref<128x64xf32, #tpu.memory_space<vmem>>
      %dma_start3A_280 = tpu.memref_slice %arg7[%add3A_274] : memref<20000xi32, #tpu.memory_space<vmem>> -> memref<128xi32, #tpu.memory_space<vmem>>
      %dma_start3A_281 = arith.constant 0 : i32
      %dma_start3A_282 = arith.constant 0 : i32
      %dma_start3A_283 = tpu.memref_slice %arg2[%dma_start3A_281, %dma_start3A_282] : memref<20000x64xf32, #tpu.memory_space<hbm>> -> memref<20000x64xf32, #tpu.memory_space<hbm>>
      tpu.enqueue_indirect_dma source(%dma_start3A_283 : memref<20000x64xf32, #tpu.memory_space<hbm>>) target(%dma_start3A_279 : memref<128x64xf32, #tpu.memory_space<vmem>>) offsets(%dma_start3A_280 : memref<128xi32, #tpu.memory_space<vmem>>) semaphore(%arg11 : memref<!tpu.dma_semaphore, #tpu.memory_space<semaphore_mem>>)
      %dma_wait3A_284 = arith.constant 3 : i32
      %dma_wait3A_285 = arith.constant 0 : i32
      %dma_wait3A_286 = arith.constant 0 : i32
      %dma_wait3A_287 = tpu.memref_slice %arg9[%dma_wait3A_284, %dma_wait3A_285, %dma_wait3A_286] : memref<6x128x64xf32, #tpu.memory_space<vmem>> -> memref<1x128x64xf32, #tpu.memory_space<vmem>>
      %dma_wait3A_288 = tpu.memref_squeeze %dma_wait3A_287 : memref<1x128x64xf32, #tpu.memory_space<vmem>> -> memref<128x64xf32, #tpu.memory_space<vmem>>
      %dma_wait3A_289 = tpu.memref_slice %arg7[%add3A_252] : memref<20000xi32, #tpu.memory_space<vmem>> -> memref<128xi32, #tpu.memory_space<vmem>>
      %dma_wait3A_290 = arith.constant 0 : i32
      %dma_wait3A_291 = arith.constant 0 : i32
      %dma_wait3A_292 = tpu.memref_slice %arg2[%dma_wait3A_290, %dma_wait3A_291] : memref<20000x64xf32, #tpu.memory_space<hbm>> -> memref<20000x64xf32, #tpu.memory_space<hbm>>
      tpu.wait_indirect_dma semaphore(%arg11 : memref<!tpu.dma_semaphore, #tpu.memory_space<semaphore_mem>>) src(%dma_wait3A_292 : memref<20000x64xf32, #tpu.memory_space<hbm>>) dst(%dma_wait3A_288 : memref<128x64xf32, #tpu.memory_space<vmem>>)
      %dma_wait3A_293 = arith.constant 4 : i32
      %dma_wait3A_294 = arith.constant 0 : i32
      %dma_wait3A_295 = arith.constant 0 : i32
      %dma_wait3A_296 = tpu.memref_slice %arg9[%dma_wait3A_293, %dma_wait3A_294, %dma_wait3A_295] : memref<6x128x64xf32, #tpu.memory_space<vmem>> -> memref<1x128x64xf32, #tpu.memory_space<vmem>>
      %dma_wait3A_297 = tpu.memref_squeeze %dma_wait3A_296 : memref<1x128x64xf32, #tpu.memory_space<vmem>> -> memref<128x64xf32, #tpu.memory_space<vmem>>
      %dma_wait3A_298 = tpu.memref_slice %arg7[%add3A_263] : memref<20000xi32, #tpu.memory_space<vmem>> -> memref<128xi32, #tpu.memory_space<vmem>>
      %dma_wait3A_299 = arith.constant 0 : i32
      %dma_wait3A_300 = arith.constant 0 : i32
      %dma_wait3A_301 = tpu.memref_slice %arg2[%dma_wait3A_299, %dma_wait3A_300] : memref<20000x64xf32, #tpu.memory_space<hbm>> -> memref<20000x64xf32, #tpu.memory_space<hbm>>
      tpu.wait_indirect_dma semaphore(%arg11 : memref<!tpu.dma_semaphore, #tpu.memory_space<semaphore_mem>>) src(%dma_wait3A_301 : memref<20000x64xf32, #tpu.memory_space<hbm>>) dst(%dma_wait3A_297 : memref<128x64xf32, #tpu.memory_space<vmem>>)
      %dma_wait3A_302 = arith.constant 5 : i32
      %dma_wait3A_303 = arith.constant 0 : i32
      %dma_wait3A_304 = arith.constant 0 : i32
      %dma_wait3A_305 = tpu.memref_slice %arg9[%dma_wait3A_302, %dma_wait3A_303, %dma_wait3A_304] : memref<6x128x64xf32, #tpu.memory_space<vmem>> -> memref<1x128x64xf32, #tpu.memory_space<vmem>>
      %dma_wait3A_306 = tpu.memref_squeeze %dma_wait3A_305 : memref<1x128x64xf32, #tpu.memory_space<vmem>> -> memref<128x64xf32, #tpu.memory_space<vmem>>
      %dma_wait3A_307 = tpu.memref_slice %arg7[%add3A_274] : memref<20000xi32, #tpu.memory_space<vmem>> -> memref<128xi32, #tpu.memory_space<vmem>>
      %dma_wait3A_308 = arith.constant 0 : i32
      %dma_wait3A_309 = arith.constant 0 : i32
      %dma_wait3A_310 = tpu.memref_slice %arg2[%dma_wait3A_308, %dma_wait3A_309] : memref<20000x64xf32, #tpu.memory_space<hbm>> -> memref<20000x64xf32, #tpu.memory_space<hbm>>
      tpu.wait_indirect_dma semaphore(%arg11 : memref<!tpu.dma_semaphore, #tpu.memory_space<semaphore_mem>>) src(%dma_wait3A_310 : memref<20000x64xf32, #tpu.memory_space<hbm>>) dst(%dma_wait3A_306 : memref<128x64xf32, #tpu.memory_space<vmem>>)
      %add3A_311 = arith.constant 384 : i32
      %add3A_312 = arith.addi %multiple_of3A_147, %add3A_311 : i32
      %dma_start3A_313 = arith.constant 3 : i32
      %dma_start3A_314 = arith.constant 0 : i32
      %dma_start3A_315 = arith.constant 0 : i32
      %dma_start3A_316 = tpu.memref_slice %arg9[%dma_start3A_313, %dma_start3A_314, %dma_start3A_315] : memref<6x128x64xf32, #tpu.memory_space<vmem>> -> memref<1x128x64xf32, #tpu.memory_space<vmem>>
      %dma_start3A_317 = tpu.memref_squeeze %dma_start3A_316 : memref<1x128x64xf32, #tpu.memory_space<vmem>> -> memref<128x64xf32, #tpu.memory_space<vmem>>
      %dma_start3A_318 = tpu.memref_slice %arg8[%add3A_312] : memref<20000xi32, #tpu.memory_space<vmem>> -> memref<128xi32, #tpu.memory_space<vmem>>
      %dma_start3A_319 = arith.constant 0 : i32
      %dma_start3A_320 = arith.constant 0 : i32
      %dma_start3A_321 = tpu.memref_slice %arg10[%dma_start3A_319, %dma_start3A_320] : memref<10000x64xf32, #tpu.memory_space<vmem_shared>> -> memref<10000x64xf32, #tpu.memory_space<vmem_shared>>
      tpu.enqueue_indirect_dma source(%dma_start3A_317 : memref<128x64xf32, #tpu.memory_space<vmem>>) target(%dma_start3A_321 : memref<10000x64xf32, #tpu.memory_space<vmem_shared>>) offsets(%dma_start3A_318 : memref<128xi32, #tpu.memory_space<vmem>>) semaphore(%arg12 : memref<!tpu.dma_semaphore, #tpu.memory_space<semaphore_mem>>) {add = true}
      %add3A_322 = arith.constant 512 : i32
      %add3A_323 = arith.addi %multiple_of3A_147, %add3A_322 : i32
      %dma_start3A_324 = arith.constant 4 : i32
      %dma_start3A_325 = arith.constant 0 : i32
      %dma_start3A_326 = arith.constant 0 : i32
      %dma_start3A_327 = tpu.memref_slice %arg9[%dma_start3A_324, %dma_start3A_325, %dma_start3A_326] : memref<6x128x64xf32, #tpu.memory_space<vmem>> -> memref<1x128x64xf32, #tpu.memory_space<vmem>>
      %dma_start3A_328 = tpu.memref_squeeze %dma_start3A_327 : memref<1x128x64xf32, #tpu.memory_space<vmem>> -> memref<128x64xf32, #tpu.memory_space<vmem>>
      %dma_start3A_329 = tpu.memref_slice %arg8[%add3A_323] : memref<20000xi32, #tpu.memory_space<vmem>> -> memref<128xi32, #tpu.memory_space<vmem>>
      %dma_start3A_330 = arith.constant 0 : i32
      %dma_start3A_331 = arith.constant 0 : i32
      %dma_start3A_332 = tpu.memref_slice %arg10[%dma_start3A_330, %dma_start3A_331] : memref<10000x64xf32, #tpu.memory_space<vmem_shared>> -> memref<10000x64xf32, #tpu.memory_space<vmem_shared>>
      tpu.enqueue_indirect_dma source(%dma_start3A_328 : memref<128x64xf32, #tpu.memory_space<vmem>>) target(%dma_start3A_332 : memref<10000x64xf32, #tpu.memory_space<vmem_shared>>) offsets(%dma_start3A_329 : memref<128xi32, #tpu.memory_space<vmem>>) semaphore(%arg12 : memref<!tpu.dma_semaphore, #tpu.memory_space<semaphore_mem>>) {add = true}
      %add3A_333 = arith.constant 640 : i32
      %add3A_334 = arith.addi %multiple_of3A_147, %add3A_333 : i32
      %dma_start3A_335 = arith.constant 5 : i32
      %dma_start3A_336 = arith.constant 0 : i32
      %dma_start3A_337 = arith.constant 0 : i32
      %dma_start3A_338 = tpu.memref_slice %arg9[%dma_start3A_335, %dma_start3A_336, %dma_start3A_337] : memref<6x128x64xf32, #tpu.memory_space<vmem>> -> memref<1x128x64xf32, #tpu.memory_space<vmem>>
      %dma_start3A_339 = tpu.memref_squeeze %dma_start3A_338 : memref<1x128x64xf32, #tpu.memory_space<vmem>> -> memref<128x64xf32, #tpu.memory_space<vmem>>
      %dma_start3A_340 = tpu.memref_slice %arg8[%add3A_334] : memref<20000xi32, #tpu.memory_space<vmem>> -> memref<128xi32, #tpu.memory_space<vmem>>
      %dma_start3A_341 = arith.constant 0 : i32
      %dma_start3A_342 = arith.constant 0 : i32
      %dma_start3A_343 = tpu.memref_slice %arg10[%dma_start3A_341, %dma_start3A_342] : memref<10000x64xf32, #tpu.memory_space<vmem_shared>> -> memref<10000x64xf32, #tpu.memory_space<vmem_shared>>
      tpu.enqueue_indirect_dma source(%dma_start3A_339 : memref<128x64xf32, #tpu.memory_space<vmem>>) target(%dma_start3A_343 : memref<10000x64xf32, #tpu.memory_space<vmem_shared>>) offsets(%dma_start3A_340 : memref<128xi32, #tpu.memory_space<vmem>>) semaphore(%arg12 : memref<!tpu.dma_semaphore, #tpu.memory_space<semaphore_mem>>) {add = true}
      %scan3A_344 = arith.constant 0 : i32
      scf.yield %scan3A_344 : i32
    }
    %scan3A_32 = arith.constant 26 : i32
    %dma_wait3A_33 = arith.constant 0 : i32
    %dma_wait3A_34 = arith.constant 0 : i32
    %dma_wait3A_35 = arith.constant 0 : i32
    %dma_wait3A_36 = tpu.memref_slice %arg9[%dma_wait3A_33, %dma_wait3A_34, %dma_wait3A_35] : memref<6x128x64xf32, #tpu.memory_space<vmem>> -> memref<1x128x64xf32, #tpu.memory_space<vmem>>
    %dma_wait3A_37 = tpu.memref_squeeze %dma_wait3A_36 : memref<1x128x64xf32, #tpu.memory_space<vmem>> -> memref<128x64xf32, #tpu.memory_space<vmem>>
    %dma_wait3A_38 = arith.constant 19200 : i32
    %dma_wait3A_39 = tpu.memref_slice %arg8[%dma_wait3A_38] : memref<20000xi32, #tpu.memory_space<vmem>> -> memref<128xi32, #tpu.memory_space<vmem>>
    %dma_wait3A_40 = arith.constant 0 : i32
    %dma_wait3A_41 = arith.constant 0 : i32
    %dma_wait3A_42 = tpu.memref_slice %arg10[%dma_wait3A_40, %dma_wait3A_41] : memref<10000x64xf32, #tpu.memory_space<vmem_shared>> -> memref<10000x64xf32, #tpu.memory_space<vmem_shared>>
    tpu.wait_indirect_dma semaphore(%arg12 : memref<!tpu.dma_semaphore, #tpu.memory_space<semaphore_mem>>) src(%dma_wait3A_37 : memref<128x64xf32, #tpu.memory_space<vmem>>) dst(%dma_wait3A_42 : memref<10000x64xf32, #tpu.memory_space<vmem_shared>>)
    %dma_wait3A_43 = arith.constant 1 : i32
    %dma_wait3A_44 = arith.constant 0 : i32
    %dma_wait3A_45 = arith.constant 0 : i32
    %dma_wait3A_46 = tpu.memref_slice %arg9[%dma_wait3A_43, %dma_wait3A_44, %dma_wait3A_45] : memref<6x128x64xf32, #tpu.memory_space<vmem>> -> memref<1x128x64xf32, #tpu.memory_space<vmem>>
    %dma_wait3A_47 = tpu.memref_squeeze %dma_wait3A_46 : memref<1x128x64xf32, #tpu.memory_space<vmem>> -> memref<128x64xf32, #tpu.memory_space<vmem>>
    %dma_wait3A_48 = arith.constant 19328 : i32
    %dma_wait3A_49 = tpu.memref_slice %arg8[%dma_wait3A_48] : memref<20000xi32, #tpu.memory_space<vmem>> -> memref<128xi32, #tpu.memory_space<vmem>>
    %dma_wait3A_50 = arith.constant 0 : i32
    %dma_wait3A_51 = arith.constant 0 : i32
    %dma_wait3A_52 = tpu.memref_slice %arg10[%dma_wait3A_50, %dma_wait3A_51] : memref<10000x64xf32, #tpu.memory_space<vmem_shared>> -> memref<10000x64xf32, #tpu.memory_space<vmem_shared>>
    tpu.wait_indirect_dma semaphore(%arg12 : memref<!tpu.dma_semaphore, #tpu.memory_space<semaphore_mem>>) src(%dma_wait3A_47 : memref<128x64xf32, #tpu.memory_space<vmem>>) dst(%dma_wait3A_52 : memref<10000x64xf32, #tpu.memory_space<vmem_shared>>)
    %dma_wait3A_53 = arith.constant 2 : i32
    %dma_wait3A_54 = arith.constant 0 : i32
    %dma_wait3A_55 = arith.constant 0 : i32
    %dma_wait3A_56 = tpu.memref_slice %arg9[%dma_wait3A_53, %dma_wait3A_54, %dma_wait3A_55] : memref<6x128x64xf32, #tpu.memory_space<vmem>> -> memref<1x128x64xf32, #tpu.memory_space<vmem>>
    %dma_wait3A_57 = tpu.memref_squeeze %dma_wait3A_56 : memref<1x128x64xf32, #tpu.memory_space<vmem>> -> memref<128x64xf32, #tpu.memory_space<vmem>>
    %dma_wait3A_58 = arith.constant 19456 : i32
    %dma_wait3A_59 = tpu.memref_slice %arg8[%dma_wait3A_58] : memref<20000xi32, #tpu.memory_space<vmem>> -> memref<128xi32, #tpu.memory_space<vmem>>
    %dma_wait3A_60 = arith.constant 0 : i32
    %dma_wait3A_61 = arith.constant 0 : i32
    %dma_wait3A_62 = tpu.memref_slice %arg10[%dma_wait3A_60, %dma_wait3A_61] : memref<10000x64xf32, #tpu.memory_space<vmem_shared>> -> memref<10000x64xf32, #tpu.memory_space<vmem_shared>>
    tpu.wait_indirect_dma semaphore(%arg12 : memref<!tpu.dma_semaphore, #tpu.memory_space<semaphore_mem>>) src(%dma_wait3A_57 : memref<128x64xf32, #tpu.memory_space<vmem>>) dst(%dma_wait3A_62 : memref<10000x64xf32, #tpu.memory_space<vmem_shared>>)
    %dma_wait3A_63 = arith.constant 3 : i32
    %dma_wait3A_64 = arith.constant 0 : i32
    %dma_wait3A_65 = arith.constant 0 : i32
    %dma_wait3A_66 = tpu.memref_slice %arg9[%dma_wait3A_63, %dma_wait3A_64, %dma_wait3A_65] : memref<6x128x64xf32, #tpu.memory_space<vmem>> -> memref<1x128x64xf32, #tpu.memory_space<vmem>>
    %dma_wait3A_67 = tpu.memref_squeeze %dma_wait3A_66 : memref<1x128x64xf32, #tpu.memory_space<vmem>> -> memref<128x64xf32, #tpu.memory_space<vmem>>
    %dma_wait3A_68 = arith.constant 19584 : i32
    %dma_wait3A_69 = tpu.memref_slice %arg8[%dma_wait3A_68] : memref<20000xi32, #tpu.memory_space<vmem>> -> memref<128xi32, #tpu.memory_space<vmem>>
    %dma_wait3A_70 = arith.constant 0 : i32
    %dma_wait3A_71 = arith.constant 0 : i32
    %dma_wait3A_72 = tpu.memref_slice %arg10[%dma_wait3A_70, %dma_wait3A_71] : memref<10000x64xf32, #tpu.memory_space<vmem_shared>> -> memref<10000x64xf32, #tpu.memory_space<vmem_shared>>
    tpu.wait_indirect_dma semaphore(%arg12 : memref<!tpu.dma_semaphore, #tpu.memory_space<semaphore_mem>>) src(%dma_wait3A_67 : memref<128x64xf32, #tpu.memory_space<vmem>>) dst(%dma_wait3A_72 : memref<10000x64xf32, #tpu.memory_space<vmem_shared>>)
    %dma_wait3A_73 = arith.constant 4 : i32
    %dma_wait3A_74 = arith.constant 0 : i32
    %dma_wait3A_75 = arith.constant 0 : i32
    %dma_wait3A_76 = tpu.memref_slice %arg9[%dma_wait3A_73, %dma_wait3A_74, %dma_wait3A_75] : memref<6x128x64xf32, #tpu.memory_space<vmem>> -> memref<1x128x64xf32, #tpu.memory_space<vmem>>
    %dma_wait3A_77 = tpu.memref_squeeze %dma_wait3A_76 : memref<1x128x64xf32, #tpu.memory_space<vmem>> -> memref<128x64xf32, #tpu.memory_space<vmem>>
    %dma_wait3A_78 = arith.constant 19712 : i32
    %dma_wait3A_79 = tpu.memref_slice %arg8[%dma_wait3A_78] : memref<20000xi32, #tpu.memory_space<vmem>> -> memref<128xi32, #tpu.memory_space<vmem>>
    %dma_wait3A_80 = arith.constant 0 : i32
    %dma_wait3A_81 = arith.constant 0 : i32
    %dma_wait3A_82 = tpu.memref_slice %arg10[%dma_wait3A_80, %dma_wait3A_81] : memref<10000x64xf32, #tpu.memory_space<vmem_shared>> -> memref<10000x64xf32, #tpu.memory_space<vmem_shared>>
    tpu.wait_indirect_dma semaphore(%arg12 : memref<!tpu.dma_semaphore, #tpu.memory_space<semaphore_mem>>) src(%dma_wait3A_77 : memref<128x64xf32, #tpu.memory_space<vmem>>) dst(%dma_wait3A_82 : memref<10000x64xf32, #tpu.memory_space<vmem_shared>>)
    %dma_wait3A_83 = arith.constant 5 : i32
    %dma_wait3A_84 = arith.constant 0 : i32
    %dma_wait3A_85 = arith.constant 0 : i32
    %dma_wait3A_86 = tpu.memref_slice %arg9[%dma_wait3A_83, %dma_wait3A_84, %dma_wait3A_85] : memref<6x128x64xf32, #tpu.memory_space<vmem>> -> memref<1x128x64xf32, #tpu.memory_space<vmem>>
    %dma_wait3A_87 = tpu.memref_squeeze %dma_wait3A_86 : memref<1x128x64xf32, #tpu.memory_space<vmem>> -> memref<128x64xf32, #tpu.memory_space<vmem>>
    %dma_wait3A_88 = arith.constant 19840 : i32
    %dma_wait3A_89 = tpu.memref_slice %arg8[%dma_wait3A_88] : memref<20000xi32, #tpu.memory_space<vmem>> -> memref<128xi32, #tpu.memory_space<vmem>>
    %dma_wait3A_90 = arith.constant 0 : i32
    %dma_wait3A_91 = arith.constant 0 : i32
    %dma_wait3A_92 = tpu.memref_slice %arg10[%dma_wait3A_90, %dma_wait3A_91] : memref<10000x64xf32, #tpu.memory_space<vmem_shared>> -> memref<10000x64xf32, #tpu.memory_space<vmem_shared>>
    tpu.wait_indirect_dma semaphore(%arg12 : memref<!tpu.dma_semaphore, #tpu.memory_space<semaphore_mem>>) src(%dma_wait3A_87 : memref<128x64xf32, #tpu.memory_space<vmem>>) dst(%dma_wait3A_92 : memref<10000x64xf32, #tpu.memory_space<vmem_shared>>)
    %dma_start3A_93 = arith.constant 0 : i32
    %dma_start3A_94 = arith.constant 0 : i32
    %dma_start3A_95 = arith.constant 0 : i32
    %dma_start3A_96 = tpu.memref_slice %arg9[%dma_start3A_93, %dma_start3A_94, %dma_start3A_95] : memref<6x128x64xf32, #tpu.memory_space<vmem>> -> memref<1x32x64xf32, #tpu.memory_space<vmem>>
    %dma_start3A_97 = tpu.memref_squeeze %dma_start3A_96 : memref<1x32x64xf32, #tpu.memory_space<vmem>> -> memref<32x64xf32, #tpu.memory_space<vmem>>
    %dma_start3A_98 = arith.constant 19968 : i32
    %dma_start3A_99 = tpu.memref_slice %arg7[%dma_start3A_98] : memref<20000xi32, #tpu.memory_space<vmem>> -> memref<32xi32, #tpu.memory_space<vmem>>
    %dma_start3A_100 = arith.constant 0 : i32
    %dma_start3A_101 = arith.constant 0 : i32
    %dma_start3A_102 = tpu.memref_slice %arg2[%dma_start3A_100, %dma_start3A_101] : memref<20000x64xf32, #tpu.memory_space<hbm>> -> memref<20000x64xf32, #tpu.memory_space<hbm>>
    tpu.enqueue_indirect_dma source(%dma_start3A_102 : memref<20000x64xf32, #tpu.memory_space<hbm>>) target(%dma_start3A_97 : memref<32x64xf32, #tpu.memory_space<vmem>>) offsets(%dma_start3A_99 : memref<32xi32, #tpu.memory_space<vmem>>) semaphore(%arg11 : memref<!tpu.dma_semaphore, #tpu.memory_space<semaphore_mem>>)
    %dma_wait3A_103 = arith.constant 0 : i32
    %dma_wait3A_104 = arith.constant 0 : i32
    %dma_wait3A_105 = arith.constant 0 : i32
    %dma_wait3A_106 = tpu.memref_slice %arg9[%dma_wait3A_103, %dma_wait3A_104, %dma_wait3A_105] : memref<6x128x64xf32, #tpu.memory_space<vmem>> -> memref<1x32x64xf32, #tpu.memory_space<vmem>>
    %dma_wait3A_107 = tpu.memref_squeeze %dma_wait3A_106 : memref<1x32x64xf32, #tpu.memory_space<vmem>> -> memref<32x64xf32, #tpu.memory_space<vmem>>
    %dma_wait3A_108 = arith.constant 19968 : i32
    %dma_wait3A_109 = tpu.memref_slice %arg7[%dma_wait3A_108] : memref<20000xi32, #tpu.memory_space<vmem>> -> memref<32xi32, #tpu.memory_space<vmem>>
    %dma_wait3A_110 = arith.constant 0 : i32
    %dma_wait3A_111 = arith.constant 0 : i32
    %dma_wait3A_112 = tpu.memref_slice %arg2[%dma_wait3A_110, %dma_wait3A_111] : memref<20000x64xf32, #tpu.memory_space<hbm>> -> memref<20000x64xf32, #tpu.memory_space<hbm>>
    tpu.wait_indirect_dma semaphore(%arg11 : memref<!tpu.dma_semaphore, #tpu.memory_space<semaphore_mem>>) src(%dma_wait3A_112 : memref<20000x64xf32, #tpu.memory_space<hbm>>) dst(%dma_wait3A_107 : memref<32x64xf32, #tpu.memory_space<vmem>>)
    %dma_start3A_113 = arith.constant 0 : i32
    %dma_start3A_114 = arith.constant 0 : i32
    %dma_start3A_115 = arith.constant 0 : i32
    %dma_start3A_116 = tpu.memref_slice %arg9[%dma_start3A_113, %dma_start3A_114, %dma_start3A_115] : memref<6x128x64xf32, #tpu.memory_space<vmem>> -> memref<1x32x64xf32, #tpu.memory_space<vmem>>
    %dma_start3A_117 = tpu.memref_squeeze %dma_start3A_116 : memref<1x32x64xf32, #tpu.memory_space<vmem>> -> memref<32x64xf32, #tpu.memory_space<vmem>>
    %dma_start3A_118 = arith.constant 19968 : i32
    %dma_start3A_119 = tpu.memref_slice %arg8[%dma_start3A_118] : memref<20000xi32, #tpu.memory_space<vmem>> -> memref<32xi32, #tpu.memory_space<vmem>>
    %dma_start3A_120 = arith.constant 0 : i32
    %dma_start3A_121 = arith.constant 0 : i32
    %dma_start3A_122 = tpu.memref_slice %arg10[%dma_start3A_120, %dma_start3A_121] : memref<10000x64xf32, #tpu.memory_space<vmem_shared>> -> memref<10000x64xf32, #tpu.memory_space<vmem_shared>>
    tpu.enqueue_indirect_dma source(%dma_start3A_117 : memref<32x64xf32, #tpu.memory_space<vmem>>) target(%dma_start3A_122 : memref<10000x64xf32, #tpu.memory_space<vmem_shared>>) offsets(%dma_start3A_119 : memref<32xi32, #tpu.memory_space<vmem>>) semaphore(%arg12 : memref<!tpu.dma_semaphore, #tpu.memory_space<semaphore_mem>>) {add = true}
    %dma_wait3A_123 = arith.constant 0 : i32
    %dma_wait3A_124 = arith.constant 0 : i32
    %dma_wait3A_125 = arith.constant 0 : i32
    %dma_wait3A_126 = tpu.memref_slice %arg9[%dma_wait3A_123, %dma_wait3A_124, %dma_wait3A_125] : memref<6x128x64xf32, #tpu.memory_space<vmem>> -> memref<1x32x64xf32, #tpu.memory_space<vmem>>
    %dma_wait3A_127 = tpu.memref_squeeze %dma_wait3A_126 : memref<1x32x64xf32, #tpu.memory_space<vmem>> -> memref<32x64xf32, #tpu.memory_space<vmem>>
    %dma_wait3A_128 = arith.constant 19968 : i32
    %dma_wait3A_129 = tpu.memref_slice %arg8[%dma_wait3A_128] : memref<20000xi32, #tpu.memory_space<vmem>> -> memref<32xi32, #tpu.memory_space<vmem>>
    %dma_wait3A_130 = arith.constant 0 : i32
    %dma_wait3A_131 = arith.constant 0 : i32
    %dma_wait3A_132 = tpu.memref_slice %arg10[%dma_wait3A_130, %dma_wait3A_131] : memref<10000x64xf32, #tpu.memory_space<vmem_shared>> -> memref<10000x64xf32, #tpu.memory_space<vmem_shared>>
    tpu.wait_indirect_dma semaphore(%arg12 : memref<!tpu.dma_semaphore, #tpu.memory_space<semaphore_mem>>) src(%dma_wait3A_127 : memref<32x64xf32, #tpu.memory_space<vmem>>) dst(%dma_wait3A_132 : memref<10000x64xf32, #tpu.memory_space<vmem_shared>>)
    %barrier3A_133 = arith.constant 0 : index
    tpu.barrier barrier_id(%barrier3A_133)
    %mul3A_134 = arith.constant 624 : i32
    %mul3A_135 = arith.muli %arg1, %mul3A_134 : i32
    %mul3A_136 = arith.constant 624 : i32
    %mul3A_137 = arith.muli %arg1, %mul3A_136 : i32
    "tpu.region"() ({
      %run_scoped3A = tpu.sem_alloc : memref<!tpu.dma_semaphore, #tpu.memory_space<semaphore_mem>>
      %dma_start3A_143 = tpu.memref_slice %arg6[%mul3A_137, %multiple_of3A] : memref<10000x128xf32, #tpu.memory_space<hbm>> -> memref<624x64xf32, #tpu.memory_space<hbm>>
      %dma_start3A_144 = arith.constant 0 : i32
      %dma_start3A_145 = tpu.memref_slice %arg10[%mul3A_135, %dma_start3A_144] : memref<10000x64xf32, #tpu.memory_space<vmem_shared>> -> memref<624x64xf32, #tpu.memory_space<vmem_shared>>
      tpu.enqueue_dma source(%dma_start3A_145 : memref<624x64xf32, #tpu.memory_space<vmem_shared>>) target(%dma_start3A_143 : memref<624x64xf32, #tpu.memory_space<hbm>>) target_semaphore(%run_scoped3A : memref<!tpu.dma_semaphore, #tpu.memory_space<semaphore_mem>>)
      %dma_wait3A_146 = tpu.memref_slice %arg6[%mul3A_137, %multiple_of3A] : memref<10000x128xf32, #tpu.memory_space<hbm>> -> memref<624x64xf32, #tpu.memory_space<hbm>>
      %dma_wait3A_147 = arith.constant 0 : i32
      %dma_wait3A_148 = tpu.memref_slice %arg10[%mul3A_135, %dma_wait3A_147] : memref<10000x64xf32, #tpu.memory_space<vmem_shared>> -> memref<624x64xf32, #tpu.memory_space<vmem_shared>>
      tpu.wait_dma2 semaphore(%run_scoped3A : memref<!tpu.dma_semaphore, #tpu.memory_space<semaphore_mem>>) src(%dma_wait3A_148 : memref<624x64xf32, #tpu.memory_space<vmem_shared>>) dst(%dma_wait3A_146 : memref<624x64xf32, #tpu.memory_space<hbm>>)
      tpu.yield
    }) : () -> ()
    %eq3A_138 = arith.constant 0 : i32
    %eq3A_139 = arith.cmpi eq, %arg1, %eq3A_138 : i32
    %convert_element_type3A_140 = arith.extui %eq3A_139 : i1 to i32
    %cond3A_141 = arith.constant 0 : i32
    %cond3A_142 = arith.cmpi ne, %convert_element_type3A_140, %cond3A_141 : i32
    scf.if %cond3A_142 {
      "tpu.region"() ({
        %run_scoped3A = tpu.sem_alloc : memref<!tpu.dma_semaphore, #tpu.memory_space<semaphore_mem>>
        %dma_start3A_143 = arith.constant 9984 : i32
        %dma_start3A_144 = tpu.memref_slice %arg6[%dma_start3A_143, %multiple_of3A] : memref<10000x128xf32, #tpu.memory_space<hbm>> -> memref<16x64xf32, #tpu.memory_space<hbm>>
        %dma_start3A_145 = arith.constant 9984 : i32
        %dma_start3A_146 = arith.constant 0 : i32
        %dma_start3A_147 = tpu.memref_slice %arg10[%dma_start3A_145, %dma_start3A_146] : memref<10000x64xf32, #tpu.memory_space<vmem_shared>> -> memref<16x64xf32, #tpu.memory_space<vmem_shared>>
        tpu.enqueue_dma source(%dma_start3A_147 : memref<16x64xf32, #tpu.memory_space<vmem_shared>>) target(%dma_start3A_144 : memref<16x64xf32, #tpu.memory_space<hbm>>) target_semaphore(%run_scoped3A : memref<!tpu.dma_semaphore, #tpu.memory_space<semaphore_mem>>)
        %dma_wait3A_148 = arith.constant 9984 : i32
        %dma_wait3A_149 = tpu.memref_slice %arg6[%dma_wait3A_148, %multiple_of3A] : memref<10000x128xf32, #tpu.memory_space<hbm>> -> memref<16x64xf32, #tpu.memory_space<hbm>>
        %dma_wait3A_150 = arith.constant 9984 : i32
        %dma_wait3A_151 = arith.constant 0 : i32
        %dma_wait3A_152 = tpu.memref_slice %arg10[%dma_wait3A_150, %dma_wait3A_151] : memref<10000x64xf32, #tpu.memory_space<vmem_shared>> -> memref<16x64xf32, #tpu.memory_space<vmem_shared>>
        tpu.wait_dma2 semaphore(%run_scoped3A : memref<!tpu.dma_semaphore, #tpu.memory_space<semaphore_mem>>) src(%dma_wait3A_152 : memref<16x64xf32, #tpu.memory_space<vmem_shared>>) dst(%dma_wait3A_149 : memref<16x64xf32, #tpu.memory_space<hbm>>)
        tpu.yield
      }) : () -> ()
    } else {
    }
    return
  }
}

#map = affine_map<(d0, d1) -> (0, 0)>
#map1 = affine_map<(d0, d1) -> (0)>
module attributes {stable_mosaic.version = 14 : i64} {
  func.func @_sc_agg_body(%arg0: i32, %arg1: i32, %arg2: memref<20000x64xf32, #tpu.memory_space<hbm>>, %arg3: memref<640000xi32, #tpu.memory_space<hbm>>, %arg4: memref<320000xi32, #tpu.memory_space<hbm>>, %arg5: memref<10000x128xf32, #tpu.memory_space<hbm>>, %arg6: memref<10000x128xf32, #tpu.memory_space<hbm>>, %arg7: memref<20000xi32, #tpu.memory_space<vmem>>, %arg8: memref<20000xi32, #tpu.memory_space<vmem>>, %arg9: memref<6x128x64xf32, #tpu.memory_space<vmem>>, %arg10: memref<10000x64xf32, #tpu.memory_space<vmem_shared>>, %arg11: memref<!tpu.dma_semaphore, #tpu.memory_space<semaphore_mem>>, %arg12: memref<!tpu.dma_semaphore, #tpu.memory_space<semaphore_mem>>) attributes {dimension_semantics = [#tpu.dimension_semantics<core_parallel>, #tpu.dimension_semantics<subcore_parallel>], iteration_bounds = array<i64: 2, 16>, scalar_prefetch = 0 : i64, scratch_operands = 6 : i64, tpu.core_type = #tpu.core_type<sc_vector_subcore>, window_params = [{transform_indices = #map}, {transform_indices = #map1}, {transform_indices = #map1}, {transform_indices = #map}, {transform_indices = #map}]} {
    %mul3A = arith.constant 64 : i32
    %mul3A_0 = arith.muli %arg0, %mul3A : i32
    %multiple_of3A = tpu.assume_multiple %mul3A_0, 64 : i32
    %mul3A_1 = arith.constant 624 : i32
    %mul3A_2 = arith.muli %arg1, %mul3A_1 : i32
    %mul3A_3 = arith.constant 624 : i32
    %mul3A_4 = arith.muli %arg1, %mul3A_3 : i32
    %dma_start3A = arith.constant 0 : i32
    %dma_start3A_5 = tpu.memref_slice %arg10[%mul3A_4, %dma_start3A] : memref<10000x64xf32, #tpu.memory_space<vmem_shared>> -> memref<624x64xf32, #tpu.memory_space<vmem_shared>>
    %dma_start3A_6 = arith.constant 0 : i32
    %dma_start3A_7 = tpu.memref_slice %arg5[%mul3A_2, %dma_start3A_6] : memref<10000x128xf32, #tpu.memory_space<hbm>> -> memref<624x64xf32, #tpu.memory_space<hbm>>
    tpu.enqueue_dma source(%dma_start3A_7 : memref<624x64xf32, #tpu.memory_space<hbm>>) target(%dma_start3A_5 : memref<624x64xf32, #tpu.memory_space<vmem_shared>>) target_semaphore(%arg11 : memref<!tpu.dma_semaphore, #tpu.memory_space<semaphore_mem>>)
    %mul3A_8 = arith.constant 320000 : i32
    %mul3A_9 = arith.muli %arg0, %mul3A_8 : i32
    %mul3A_10 = arith.constant 20000 : i32
    %mul3A_11 = arith.muli %arg1, %mul3A_10 : i32
    %add3A = arith.addi %mul3A_9, %mul3A_11 : i32
    %dma_start3A_12 = tpu.memref_slice %arg3[%add3A] : memref<640000xi32, #tpu.memory_space<hbm>> -> memref<20000xi32, #tpu.memory_space<hbm>>
    %dma_start3A_13 = tpu.memref_slice %arg3[%add3A] : memref<640000xi32, #tpu.memory_space<hbm>> -> memref<20000xi32, #tpu.memory_space<hbm>>
    tpu.enqueue_dma source(%dma_start3A_13 : memref<20000xi32, #tpu.memory_space<hbm>>) target(%arg7 : memref<20000xi32, #tpu.memory_space<vmem>>) target_semaphore(%arg12 : memref<!tpu.dma_semaphore, #tpu.memory_space<semaphore_mem>>)
    %mul3A_14 = arith.constant 20000 : i32
    %mul3A_15 = arith.muli %arg1, %mul3A_14 : i32
    %dma_start3A_16 = tpu.memref_slice %arg4[%mul3A_15] : memref<320000xi32, #tpu.memory_space<hbm>> -> memref<20000xi32, #tpu.memory_space<hbm>>
    %dma_start3A_17 = tpu.memref_slice %arg4[%mul3A_15] : memref<320000xi32, #tpu.memory_space<hbm>> -> memref<20000xi32, #tpu.memory_space<hbm>>
    tpu.enqueue_dma source(%dma_start3A_17 : memref<20000xi32, #tpu.memory_space<hbm>>) target(%arg8 : memref<20000xi32, #tpu.memory_space<vmem>>) target_semaphore(%arg12 : memref<!tpu.dma_semaphore, #tpu.memory_space<semaphore_mem>>)
    %eq3A = arith.constant 0 : i32
    %eq3A_18 = arith.cmpi eq, %arg1, %eq3A : i32
    %convert_element_type3A = arith.extui %eq3A_18 : i1 to i32
    %cond3A = arith.constant 0 : i32
    %cond3A_19 = arith.cmpi ne, %convert_element_type3A, %cond3A : i32
    scf.if %cond3A_19 {
      "tpu.region"() ({
        %run_scoped3A = tpu.sem_alloc : memref<!tpu.dma_semaphore, #tpu.memory_space<semaphore_mem>>
        %dma_start3A_143 = arith.constant 9984 : i32
        %dma_start3A_144 = arith.constant 0 : i32
        %dma_start3A_145 = tpu.memref_slice %arg10[%dma_start3A_143, %dma_start3A_144] : memref<10000x64xf32, #tpu.memory_space<vmem_shared>> -> memref<16x64xf32, #tpu.memory_space<vmem_shared>>
        %dma_start3A_146 = arith.constant 9984 : i32
        %dma_start3A_147 = arith.constant 0 : i32
        %dma_start3A_148 = tpu.memref_slice %arg5[%dma_start3A_146, %dma_start3A_147] : memref<10000x128xf32, #tpu.memory_space<hbm>> -> memref<16x64xf32, #tpu.memory_space<hbm>>
        tpu.enqueue_dma source(%dma_start3A_148 : memref<16x64xf32, #tpu.memory_space<hbm>>) target(%dma_start3A_145 : memref<16x64xf32, #tpu.memory_space<vmem_shared>>) target_semaphore(%run_scoped3A : memref<!tpu.dma_semaphore, #tpu.memory_space<semaphore_mem>>)
        %dma_wait3A_149 = arith.constant 9984 : i32
        %dma_wait3A_150 = arith.constant 0 : i32
        %dma_wait3A_151 = tpu.memref_slice %arg10[%dma_wait3A_149, %dma_wait3A_150] : memref<10000x64xf32, #tpu.memory_space<vmem_shared>> -> memref<16x64xf32, #tpu.memory_space<vmem_shared>>
        %dma_wait3A_152 = arith.constant 9984 : i32
        %dma_wait3A_153 = arith.constant 0 : i32
        %dma_wait3A_154 = tpu.memref_slice %arg5[%dma_wait3A_152, %dma_wait3A_153] : memref<10000x128xf32, #tpu.memory_space<hbm>> -> memref<16x64xf32, #tpu.memory_space<hbm>>
        tpu.wait_dma2 semaphore(%run_scoped3A : memref<!tpu.dma_semaphore, #tpu.memory_space<semaphore_mem>>) src(%dma_wait3A_154 : memref<16x64xf32, #tpu.memory_space<hbm>>) dst(%dma_wait3A_151 : memref<16x64xf32, #tpu.memory_space<vmem_shared>>)
        tpu.yield
      }) : () -> ()
    } else {
    }
    %dma_wait3A = arith.constant 0 : i32
    %dma_wait3A_20 = tpu.memref_slice %arg10[%mul3A_4, %dma_wait3A] : memref<10000x64xf32, #tpu.memory_space<vmem_shared>> -> memref<624x64xf32, #tpu.memory_space<vmem_shared>>
    %dma_wait3A_21 = arith.constant 0 : i32
    %dma_wait3A_22 = tpu.memref_slice %arg5[%mul3A_2, %dma_wait3A_21] : memref<10000x128xf32, #tpu.memory_space<hbm>> -> memref<624x64xf32, #tpu.memory_space<hbm>>
    tpu.wait_dma2 semaphore(%arg11 : memref<!tpu.dma_semaphore, #tpu.memory_space<semaphore_mem>>) src(%dma_wait3A_22 : memref<624x64xf32, #tpu.memory_space<hbm>>) dst(%dma_wait3A_20 : memref<624x64xf32, #tpu.memory_space<vmem_shared>>)
    %dma_wait3A_23 = tpu.memref_slice %arg3[%add3A] : memref<640000xi32, #tpu.memory_space<hbm>> -> memref<20000xi32, #tpu.memory_space<hbm>>
    %dma_wait3A_24 = tpu.memref_slice %arg3[%add3A] : memref<640000xi32, #tpu.memory_space<hbm>> -> memref<20000xi32, #tpu.memory_space<hbm>>
    tpu.wait_dma2 semaphore(%arg12 : memref<!tpu.dma_semaphore, #tpu.memory_space<semaphore_mem>>) src(%dma_wait3A_24 : memref<20000xi32, #tpu.memory_space<hbm>>) dst(%arg7 : memref<20000xi32, #tpu.memory_space<vmem>>)
    %dma_wait3A_25 = tpu.memref_slice %arg4[%mul3A_15] : memref<320000xi32, #tpu.memory_space<hbm>> -> memref<20000xi32, #tpu.memory_space<hbm>>
    %dma_wait3A_26 = tpu.memref_slice %arg4[%mul3A_15] : memref<320000xi32, #tpu.memory_space<hbm>> -> memref<20000xi32, #tpu.memory_space<hbm>>
    tpu.wait_dma2 semaphore(%arg12 : memref<!tpu.dma_semaphore, #tpu.memory_space<semaphore_mem>>) src(%dma_wait3A_26 : memref<20000xi32, #tpu.memory_space<hbm>>) dst(%arg8 : memref<20000xi32, #tpu.memory_space<vmem>>)
    %barrier3A = arith.constant 0 : index
    tpu.barrier barrier_id(%barrier3A)
    %scan3A = arith.constant 0 : i32
    %scan3A_27 = arith.constant 0 : i32
    %scan3A_28 = arith.constant 26 : i32
    %scan3A_29 = arith.addi %scan3A_27, %scan3A_28 : i32
    %scan3A_30 = arith.constant 1 : i32
    %scan3A_31 = scf.for %scan3A_143 = %scan3A_27 to %scan3A_29 step %scan3A_30 iter_args(%scan3A_144 = %scan3A) -> (i32)  : i32 {
      %mul3A_145 = arith.constant 768 : i32
      %mul3A_146 = arith.muli %scan3A_143, %mul3A_145 : i32
      %multiple_of3A_147 = tpu.assume_multiple %mul3A_146, 768 : i32
      %sub3A = arith.constant 768 : i32
      %sub3A_148 = arith.subi %multiple_of3A_147, %sub3A : i32
      %gt3A = arith.constant 0 : i32
      %gt3A_149 = arith.cmpi sgt, %scan3A_143, %gt3A : i32
      %convert_element_type3A_150 = arith.extui %gt3A_149 : i1 to i32
      %cond3A_151 = arith.constant 0 : i32
      %cond3A_152 = arith.cmpi ne, %convert_element_type3A_150, %cond3A_151 : i32
      scf.if %cond3A_152 {
        %add3A_345 = arith.constant 0 : i32
        %add3A_346 = arith.addi %sub3A_148, %add3A_345 : i32
        %dma_wait3A_347 = arith.constant 0 : i32
        %dma_wait3A_348 = arith.constant 0 : i32
        %dma_wait3A_349 = arith.constant 0 : i32
        %dma_wait3A_350 = tpu.memref_slice %arg9[%dma_wait3A_347, %dma_wait3A_348, %dma_wait3A_349] : memref<6x128x64xf32, #tpu.memory_space<vmem>> -> memref<1x128x64xf32, #tpu.memory_space<vmem>>
        %dma_wait3A_351 = tpu.memref_squeeze %dma_wait3A_350 : memref<1x128x64xf32, #tpu.memory_space<vmem>> -> memref<128x64xf32, #tpu.memory_space<vmem>>
        %dma_wait3A_352 = tpu.memref_slice %arg8[%add3A_346] : memref<20000xi32, #tpu.memory_space<vmem>> -> memref<128xi32, #tpu.memory_space<vmem>>
        %dma_wait3A_353 = arith.constant 0 : i32
        %dma_wait3A_354 = arith.constant 0 : i32
        %dma_wait3A_355 = tpu.memref_slice %arg10[%dma_wait3A_353, %dma_wait3A_354] : memref<10000x64xf32, #tpu.memory_space<vmem_shared>> -> memref<10000x64xf32, #tpu.memory_space<vmem_shared>>
        tpu.wait_indirect_dma semaphore(%arg12 : memref<!tpu.dma_semaphore, #tpu.memory_space<semaphore_mem>>) src(%dma_wait3A_351 : memref<128x64xf32, #tpu.memory_space<vmem>>) dst(%dma_wait3A_355 : memref<10000x64xf32, #tpu.memory_space<vmem_shared>>)
        %add3A_356 = arith.constant 128 : i32
        %add3A_357 = arith.addi %sub3A_148, %add3A_356 : i32
        %dma_wait3A_358 = arith.constant 1 : i32
        %dma_wait3A_359 = arith.constant 0 : i32
        %dma_wait3A_360 = arith.constant 0 : i32
        %dma_wait3A_361 = tpu.memref_slice %arg9[%dma_wait3A_358, %dma_wait3A_359, %dma_wait3A_360] : memref<6x128x64xf32, #tpu.memory_space<vmem>> -> memref<1x128x64xf32, #tpu.memory_space<vmem>>
        %dma_wait3A_362 = tpu.memref_squeeze %dma_wait3A_361 : memref<1x128x64xf32, #tpu.memory_space<vmem>> -> memref<128x64xf32, #tpu.memory_space<vmem>>
        %dma_wait3A_363 = tpu.memref_slice %arg8[%add3A_357] : memref<20000xi32, #tpu.memory_space<vmem>> -> memref<128xi32, #tpu.memory_space<vmem>>
        %dma_wait3A_364 = arith.constant 0 : i32
        %dma_wait3A_365 = arith.constant 0 : i32
        %dma_wait3A_366 = tpu.memref_slice %arg10[%dma_wait3A_364, %dma_wait3A_365] : memref<10000x64xf32, #tpu.memory_space<vmem_shared>> -> memref<10000x64xf32, #tpu.memory_space<vmem_shared>>
        tpu.wait_indirect_dma semaphore(%arg12 : memref<!tpu.dma_semaphore, #tpu.memory_space<semaphore_mem>>) src(%dma_wait3A_362 : memref<128x64xf32, #tpu.memory_space<vmem>>) dst(%dma_wait3A_366 : memref<10000x64xf32, #tpu.memory_space<vmem_shared>>)
        %add3A_367 = arith.constant 256 : i32
        %add3A_368 = arith.addi %sub3A_148, %add3A_367 : i32
        %dma_wait3A_369 = arith.constant 2 : i32
        %dma_wait3A_370 = arith.constant 0 : i32
        %dma_wait3A_371 = arith.constant 0 : i32
        %dma_wait3A_372 = tpu.memref_slice %arg9[%dma_wait3A_369, %dma_wait3A_370, %dma_wait3A_371] : memref<6x128x64xf32, #tpu.memory_space<vmem>> -> memref<1x128x64xf32, #tpu.memory_space<vmem>>
        %dma_wait3A_373 = tpu.memref_squeeze %dma_wait3A_372 : memref<1x128x64xf32, #tpu.memory_space<vmem>> -> memref<128x64xf32, #tpu.memory_space<vmem>>
        %dma_wait3A_374 = tpu.memref_slice %arg8[%add3A_368] : memref<20000xi32, #tpu.memory_space<vmem>> -> memref<128xi32, #tpu.memory_space<vmem>>
        %dma_wait3A_375 = arith.constant 0 : i32
        %dma_wait3A_376 = arith.constant 0 : i32
        %dma_wait3A_377 = tpu.memref_slice %arg10[%dma_wait3A_375, %dma_wait3A_376] : memref<10000x64xf32, #tpu.memory_space<vmem_shared>> -> memref<10000x64xf32, #tpu.memory_space<vmem_shared>>
        tpu.wait_indirect_dma semaphore(%arg12 : memref<!tpu.dma_semaphore, #tpu.memory_space<semaphore_mem>>) src(%dma_wait3A_373 : memref<128x64xf32, #tpu.memory_space<vmem>>) dst(%dma_wait3A_377 : memref<10000x64xf32, #tpu.memory_space<vmem_shared>>)
      } else {
      }
      %add3A_153 = arith.constant 0 : i32
      %add3A_154 = arith.addi %multiple_of3A_147, %add3A_153 : i32
      %dma_start3A_155 = arith.constant 0 : i32
      %dma_start3A_156 = arith.constant 0 : i32
      %dma_start3A_157 = arith.constant 0 : i32
      %dma_start3A_158 = tpu.memref_slice %arg9[%dma_start3A_155, %dma_start3A_156, %dma_start3A_157] : memref<6x128x64xf32, #tpu.memory_space<vmem>> -> memref<1x128x64xf32, #tpu.memory_space<vmem>>
      %dma_start3A_159 = tpu.memref_squeeze %dma_start3A_158 : memref<1x128x64xf32, #tpu.memory_space<vmem>> -> memref<128x64xf32, #tpu.memory_space<vmem>>
      %dma_start3A_160 = tpu.memref_slice %arg7[%add3A_154] : memref<20000xi32, #tpu.memory_space<vmem>> -> memref<128xi32, #tpu.memory_space<vmem>>
      %dma_start3A_161 = arith.constant 0 : i32
      %dma_start3A_162 = arith.constant 0 : i32
      %dma_start3A_163 = tpu.memref_slice %arg2[%dma_start3A_161, %dma_start3A_162] : memref<20000x64xf32, #tpu.memory_space<hbm>> -> memref<20000x64xf32, #tpu.memory_space<hbm>>
      tpu.enqueue_indirect_dma source(%dma_start3A_163 : memref<20000x64xf32, #tpu.memory_space<hbm>>) target(%dma_start3A_159 : memref<128x64xf32, #tpu.memory_space<vmem>>) offsets(%dma_start3A_160 : memref<128xi32, #tpu.memory_space<vmem>>) semaphore(%arg11 : memref<!tpu.dma_semaphore, #tpu.memory_space<semaphore_mem>>)
      %add3A_164 = arith.constant 128 : i32
      %add3A_165 = arith.addi %multiple_of3A_147, %add3A_164 : i32
      %dma_start3A_166 = arith.constant 1 : i32
      %dma_start3A_167 = arith.constant 0 : i32
      %dma_start3A_168 = arith.constant 0 : i32
      %dma_start3A_169 = tpu.memref_slice %arg9[%dma_start3A_166, %dma_start3A_167, %dma_start3A_168] : memref<6x128x64xf32, #tpu.memory_space<vmem>> -> memref<1x128x64xf32, #tpu.memory_space<vmem>>
      %dma_start3A_170 = tpu.memref_squeeze %dma_start3A_169 : memref<1x128x64xf32, #tpu.memory_space<vmem>> -> memref<128x64xf32, #tpu.memory_space<vmem>>
      %dma_start3A_171 = tpu.memref_slice %arg7[%add3A_165] : memref<20000xi32, #tpu.memory_space<vmem>> -> memref<128xi32, #tpu.memory_space<vmem>>
      %dma_start3A_172 = arith.constant 0 : i32
      %dma_start3A_173 = arith.constant 0 : i32
      %dma_start3A_174 = tpu.memref_slice %arg2[%dma_start3A_172, %dma_start3A_173] : memref<20000x64xf32, #tpu.memory_space<hbm>> -> memref<20000x64xf32, #tpu.memory_space<hbm>>
      tpu.enqueue_indirect_dma source(%dma_start3A_174 : memref<20000x64xf32, #tpu.memory_space<hbm>>) target(%dma_start3A_170 : memref<128x64xf32, #tpu.memory_space<vmem>>) offsets(%dma_start3A_171 : memref<128xi32, #tpu.memory_space<vmem>>) semaphore(%arg11 : memref<!tpu.dma_semaphore, #tpu.memory_space<semaphore_mem>>)
      %add3A_175 = arith.constant 256 : i32
      %add3A_176 = arith.addi %multiple_of3A_147, %add3A_175 : i32
      %dma_start3A_177 = arith.constant 2 : i32
      %dma_start3A_178 = arith.constant 0 : i32
      %dma_start3A_179 = arith.constant 0 : i32
      %dma_start3A_180 = tpu.memref_slice %arg9[%dma_start3A_177, %dma_start3A_178, %dma_start3A_179] : memref<6x128x64xf32, #tpu.memory_space<vmem>> -> memref<1x128x64xf32, #tpu.memory_space<vmem>>
      %dma_start3A_181 = tpu.memref_squeeze %dma_start3A_180 : memref<1x128x64xf32, #tpu.memory_space<vmem>> -> memref<128x64xf32, #tpu.memory_space<vmem>>
      %dma_start3A_182 = tpu.memref_slice %arg7[%add3A_176] : memref<20000xi32, #tpu.memory_space<vmem>> -> memref<128xi32, #tpu.memory_space<vmem>>
      %dma_start3A_183 = arith.constant 0 : i32
      %dma_start3A_184 = arith.constant 0 : i32
      %dma_start3A_185 = tpu.memref_slice %arg2[%dma_start3A_183, %dma_start3A_184] : memref<20000x64xf32, #tpu.memory_space<hbm>> -> memref<20000x64xf32, #tpu.memory_space<hbm>>
      tpu.enqueue_indirect_dma source(%dma_start3A_185 : memref<20000x64xf32, #tpu.memory_space<hbm>>) target(%dma_start3A_181 : memref<128x64xf32, #tpu.memory_space<vmem>>) offsets(%dma_start3A_182 : memref<128xi32, #tpu.memory_space<vmem>>) semaphore(%arg11 : memref<!tpu.dma_semaphore, #tpu.memory_space<semaphore_mem>>)
      %dma_wait3A_186 = arith.constant 0 : i32
      %dma_wait3A_187 = arith.constant 0 : i32
      %dma_wait3A_188 = arith.constant 0 : i32
      %dma_wait3A_189 = tpu.memref_slice %arg9[%dma_wait3A_186, %dma_wait3A_187, %dma_wait3A_188] : memref<6x128x64xf32, #tpu.memory_space<vmem>> -> memref<1x128x64xf32, #tpu.memory_space<vmem>>
      %dma_wait3A_190 = tpu.memref_squeeze %dma_wait3A_189 : memref<1x128x64xf32, #tpu.memory_space<vmem>> -> memref<128x64xf32, #tpu.memory_space<vmem>>
      %dma_wait3A_191 = tpu.memref_slice %arg7[%add3A_154] : memref<20000xi32, #tpu.memory_space<vmem>> -> memref<128xi32, #tpu.memory_space<vmem>>
      %dma_wait3A_192 = arith.constant 0 : i32
      %dma_wait3A_193 = arith.constant 0 : i32
      %dma_wait3A_194 = tpu.memref_slice %arg2[%dma_wait3A_192, %dma_wait3A_193] : memref<20000x64xf32, #tpu.memory_space<hbm>> -> memref<20000x64xf32, #tpu.memory_space<hbm>>
      tpu.wait_indirect_dma semaphore(%arg11 : memref<!tpu.dma_semaphore, #tpu.memory_space<semaphore_mem>>) src(%dma_wait3A_194 : memref<20000x64xf32, #tpu.memory_space<hbm>>) dst(%dma_wait3A_190 : memref<128x64xf32, #tpu.memory_space<vmem>>)
      %dma_wait3A_195 = arith.constant 1 : i32
      %dma_wait3A_196 = arith.constant 0 : i32
      %dma_wait3A_197 = arith.constant 0 : i32
      %dma_wait3A_198 = tpu.memref_slice %arg9[%dma_wait3A_195, %dma_wait3A_196, %dma_wait3A_197] : memref<6x128x64xf32, #tpu.memory_space<vmem>> -> memref<1x128x64xf32, #tpu.memory_space<vmem>>
      %dma_wait3A_199 = tpu.memref_squeeze %dma_wait3A_198 : memref<1x128x64xf32, #tpu.memory_space<vmem>> -> memref<128x64xf32, #tpu.memory_space<vmem>>
      %dma_wait3A_200 = tpu.memref_slice %arg7[%add3A_165] : memref<20000xi32, #tpu.memory_space<vmem>> -> memref<128xi32, #tpu.memory_space<vmem>>
      %dma_wait3A_201 = arith.constant 0 : i32
      %dma_wait3A_202 = arith.constant 0 : i32
      %dma_wait3A_203 = tpu.memref_slice %arg2[%dma_wait3A_201, %dma_wait3A_202] : memref<20000x64xf32, #tpu.memory_space<hbm>> -> memref<20000x64xf32, #tpu.memory_space<hbm>>
      tpu.wait_indirect_dma semaphore(%arg11 : memref<!tpu.dma_semaphore, #tpu.memory_space<semaphore_mem>>) src(%dma_wait3A_203 : memref<20000x64xf32, #tpu.memory_space<hbm>>) dst(%dma_wait3A_199 : memref<128x64xf32, #tpu.memory_space<vmem>>)
      %dma_wait3A_204 = arith.constant 2 : i32
      %dma_wait3A_205 = arith.constant 0 : i32
      %dma_wait3A_206 = arith.constant 0 : i32
      %dma_wait3A_207 = tpu.memref_slice %arg9[%dma_wait3A_204, %dma_wait3A_205, %dma_wait3A_206] : memref<6x128x64xf32, #tpu.memory_space<vmem>> -> memref<1x128x64xf32, #tpu.memory_space<vmem>>
      %dma_wait3A_208 = tpu.memref_squeeze %dma_wait3A_207 : memref<1x128x64xf32, #tpu.memory_space<vmem>> -> memref<128x64xf32, #tpu.memory_space<vmem>>
      %dma_wait3A_209 = tpu.memref_slice %arg7[%add3A_176] : memref<20000xi32, #tpu.memory_space<vmem>> -> memref<128xi32, #tpu.memory_space<vmem>>
      %dma_wait3A_210 = arith.constant 0 : i32
      %dma_wait3A_211 = arith.constant 0 : i32
      %dma_wait3A_212 = tpu.memref_slice %arg2[%dma_wait3A_210, %dma_wait3A_211] : memref<20000x64xf32, #tpu.memory_space<hbm>> -> memref<20000x64xf32, #tpu.memory_space<hbm>>
      tpu.wait_indirect_dma semaphore(%arg11 : memref<!tpu.dma_semaphore, #tpu.memory_space<semaphore_mem>>) src(%dma_wait3A_212 : memref<20000x64xf32, #tpu.memory_space<hbm>>) dst(%dma_wait3A_208 : memref<128x64xf32, #tpu.memory_space<vmem>>)
      %gt3A_213 = arith.constant 0 : i32
      %gt3A_214 = arith.cmpi sgt, %scan3A_143, %gt3A_213 : i32
      %convert_element_type3A_215 = arith.extui %gt3A_214 : i1 to i32
      %cond3A_216 = arith.constant 0 : i32
      %cond3A_217 = arith.cmpi ne, %convert_element_type3A_215, %cond3A_216 : i32
      scf.if %cond3A_217 {
        %add3A_345 = arith.constant 384 : i32
        %add3A_346 = arith.addi %sub3A_148, %add3A_345 : i32
        %dma_wait3A_347 = arith.constant 3 : i32
        %dma_wait3A_348 = arith.constant 0 : i32
        %dma_wait3A_349 = arith.constant 0 : i32
        %dma_wait3A_350 = tpu.memref_slice %arg9[%dma_wait3A_347, %dma_wait3A_348, %dma_wait3A_349] : memref<6x128x64xf32, #tpu.memory_space<vmem>> -> memref<1x128x64xf32, #tpu.memory_space<vmem>>
        %dma_wait3A_351 = tpu.memref_squeeze %dma_wait3A_350 : memref<1x128x64xf32, #tpu.memory_space<vmem>> -> memref<128x64xf32, #tpu.memory_space<vmem>>
        %dma_wait3A_352 = tpu.memref_slice %arg8[%add3A_346] : memref<20000xi32, #tpu.memory_space<vmem>> -> memref<128xi32, #tpu.memory_space<vmem>>
        %dma_wait3A_353 = arith.constant 0 : i32
        %dma_wait3A_354 = arith.constant 0 : i32
        %dma_wait3A_355 = tpu.memref_slice %arg10[%dma_wait3A_353, %dma_wait3A_354] : memref<10000x64xf32, #tpu.memory_space<vmem_shared>> -> memref<10000x64xf32, #tpu.memory_space<vmem_shared>>
        tpu.wait_indirect_dma semaphore(%arg12 : memref<!tpu.dma_semaphore, #tpu.memory_space<semaphore_mem>>) src(%dma_wait3A_351 : memref<128x64xf32, #tpu.memory_space<vmem>>) dst(%dma_wait3A_355 : memref<10000x64xf32, #tpu.memory_space<vmem_shared>>)
        %add3A_356 = arith.constant 512 : i32
        %add3A_357 = arith.addi %sub3A_148, %add3A_356 : i32
        %dma_wait3A_358 = arith.constant 4 : i32
        %dma_wait3A_359 = arith.constant 0 : i32
        %dma_wait3A_360 = arith.constant 0 : i32
        %dma_wait3A_361 = tpu.memref_slice %arg9[%dma_wait3A_358, %dma_wait3A_359, %dma_wait3A_360] : memref<6x128x64xf32, #tpu.memory_space<vmem>> -> memref<1x128x64xf32, #tpu.memory_space<vmem>>
        %dma_wait3A_362 = tpu.memref_squeeze %dma_wait3A_361 : memref<1x128x64xf32, #tpu.memory_space<vmem>> -> memref<128x64xf32, #tpu.memory_space<vmem>>
        %dma_wait3A_363 = tpu.memref_slice %arg8[%add3A_357] : memref<20000xi32, #tpu.memory_space<vmem>> -> memref<128xi32, #tpu.memory_space<vmem>>
        %dma_wait3A_364 = arith.constant 0 : i32
        %dma_wait3A_365 = arith.constant 0 : i32
        %dma_wait3A_366 = tpu.memref_slice %arg10[%dma_wait3A_364, %dma_wait3A_365] : memref<10000x64xf32, #tpu.memory_space<vmem_shared>> -> memref<10000x64xf32, #tpu.memory_space<vmem_shared>>
        tpu.wait_indirect_dma semaphore(%arg12 : memref<!tpu.dma_semaphore, #tpu.memory_space<semaphore_mem>>) src(%dma_wait3A_362 : memref<128x64xf32, #tpu.memory_space<vmem>>) dst(%dma_wait3A_366 : memref<10000x64xf32, #tpu.memory_space<vmem_shared>>)
        %add3A_367 = arith.constant 640 : i32
        %add3A_368 = arith.addi %sub3A_148, %add3A_367 : i32
        %dma_wait3A_369 = arith.constant 5 : i32
        %dma_wait3A_370 = arith.constant 0 : i32
        %dma_wait3A_371 = arith.constant 0 : i32
        %dma_wait3A_372 = tpu.memref_slice %arg9[%dma_wait3A_369, %dma_wait3A_370, %dma_wait3A_371] : memref<6x128x64xf32, #tpu.memory_space<vmem>> -> memref<1x128x64xf32, #tpu.memory_space<vmem>>
        %dma_wait3A_373 = tpu.memref_squeeze %dma_wait3A_372 : memref<1x128x64xf32, #tpu.memory_space<vmem>> -> memref<128x64xf32, #tpu.memory_space<vmem>>
        %dma_wait3A_374 = tpu.memref_slice %arg8[%add3A_368] : memref<20000xi32, #tpu.memory_space<vmem>> -> memref<128xi32, #tpu.memory_space<vmem>>
        %dma_wait3A_375 = arith.constant 0 : i32
        %dma_wait3A_376 = arith.constant 0 : i32
        %dma_wait3A_377 = tpu.memref_slice %arg10[%dma_wait3A_375, %dma_wait3A_376] : memref<10000x64xf32, #tpu.memory_space<vmem_shared>> -> memref<10000x64xf32, #tpu.memory_space<vmem_shared>>
        tpu.wait_indirect_dma semaphore(%arg12 : memref<!tpu.dma_semaphore, #tpu.memory_space<semaphore_mem>>) src(%dma_wait3A_373 : memref<128x64xf32, #tpu.memory_space<vmem>>) dst(%dma_wait3A_377 : memref<10000x64xf32, #tpu.memory_space<vmem_shared>>)
      } else {
      }
      %add3A_218 = arith.constant 0 : i32
      %add3A_219 = arith.addi %multiple_of3A_147, %add3A_218 : i32
      %dma_start3A_220 = arith.constant 0 : i32
      %dma_start3A_221 = arith.constant 0 : i32
      %dma_start3A_222 = arith.constant 0 : i32
      %dma_start3A_223 = tpu.memref_slice %arg9[%dma_start3A_220, %dma_start3A_221, %dma_start3A_222] : memref<6x128x64xf32, #tpu.memory_space<vmem>> -> memref<1x128x64xf32, #tpu.memory_space<vmem>>
      %dma_start3A_224 = tpu.memref_squeeze %dma_start3A_223 : memref<1x128x64xf32, #tpu.memory_space<vmem>> -> memref<128x64xf32, #tpu.memory_space<vmem>>
      %dma_start3A_225 = tpu.memref_slice %arg8[%add3A_219] : memref<20000xi32, #tpu.memory_space<vmem>> -> memref<128xi32, #tpu.memory_space<vmem>>
      %dma_start3A_226 = arith.constant 0 : i32
      %dma_start3A_227 = arith.constant 0 : i32
      %dma_start3A_228 = tpu.memref_slice %arg10[%dma_start3A_226, %dma_start3A_227] : memref<10000x64xf32, #tpu.memory_space<vmem_shared>> -> memref<10000x64xf32, #tpu.memory_space<vmem_shared>>
      tpu.enqueue_indirect_dma source(%dma_start3A_224 : memref<128x64xf32, #tpu.memory_space<vmem>>) target(%dma_start3A_228 : memref<10000x64xf32, #tpu.memory_space<vmem_shared>>) offsets(%dma_start3A_225 : memref<128xi32, #tpu.memory_space<vmem>>) semaphore(%arg12 : memref<!tpu.dma_semaphore, #tpu.memory_space<semaphore_mem>>) {add = true}
      %add3A_229 = arith.constant 128 : i32
      %add3A_230 = arith.addi %multiple_of3A_147, %add3A_229 : i32
      %dma_start3A_231 = arith.constant 1 : i32
      %dma_start3A_232 = arith.constant 0 : i32
      %dma_start3A_233 = arith.constant 0 : i32
      %dma_start3A_234 = tpu.memref_slice %arg9[%dma_start3A_231, %dma_start3A_232, %dma_start3A_233] : memref<6x128x64xf32, #tpu.memory_space<vmem>> -> memref<1x128x64xf32, #tpu.memory_space<vmem>>
      %dma_start3A_235 = tpu.memref_squeeze %dma_start3A_234 : memref<1x128x64xf32, #tpu.memory_space<vmem>> -> memref<128x64xf32, #tpu.memory_space<vmem>>
      %dma_start3A_236 = tpu.memref_slice %arg8[%add3A_230] : memref<20000xi32, #tpu.memory_space<vmem>> -> memref<128xi32, #tpu.memory_space<vmem>>
      %dma_start3A_237 = arith.constant 0 : i32
      %dma_start3A_238 = arith.constant 0 : i32
      %dma_start3A_239 = tpu.memref_slice %arg10[%dma_start3A_237, %dma_start3A_238] : memref<10000x64xf32, #tpu.memory_space<vmem_shared>> -> memref<10000x64xf32, #tpu.memory_space<vmem_shared>>
      tpu.enqueue_indirect_dma source(%dma_start3A_235 : memref<128x64xf32, #tpu.memory_space<vmem>>) target(%dma_start3A_239 : memref<10000x64xf32, #tpu.memory_space<vmem_shared>>) offsets(%dma_start3A_236 : memref<128xi32, #tpu.memory_space<vmem>>) semaphore(%arg12 : memref<!tpu.dma_semaphore, #tpu.memory_space<semaphore_mem>>) {add = true}
      %add3A_240 = arith.constant 256 : i32
      %add3A_241 = arith.addi %multiple_of3A_147, %add3A_240 : i32
      %dma_start3A_242 = arith.constant 2 : i32
      %dma_start3A_243 = arith.constant 0 : i32
      %dma_start3A_244 = arith.constant 0 : i32
      %dma_start3A_245 = tpu.memref_slice %arg9[%dma_start3A_242, %dma_start3A_243, %dma_start3A_244] : memref<6x128x64xf32, #tpu.memory_space<vmem>> -> memref<1x128x64xf32, #tpu.memory_space<vmem>>
      %dma_start3A_246 = tpu.memref_squeeze %dma_start3A_245 : memref<1x128x64xf32, #tpu.memory_space<vmem>> -> memref<128x64xf32, #tpu.memory_space<vmem>>
      %dma_start3A_247 = tpu.memref_slice %arg8[%add3A_241] : memref<20000xi32, #tpu.memory_space<vmem>> -> memref<128xi32, #tpu.memory_space<vmem>>
      %dma_start3A_248 = arith.constant 0 : i32
      %dma_start3A_249 = arith.constant 0 : i32
      %dma_start3A_250 = tpu.memref_slice %arg10[%dma_start3A_248, %dma_start3A_249] : memref<10000x64xf32, #tpu.memory_space<vmem_shared>> -> memref<10000x64xf32, #tpu.memory_space<vmem_shared>>
      tpu.enqueue_indirect_dma source(%dma_start3A_246 : memref<128x64xf32, #tpu.memory_space<vmem>>) target(%dma_start3A_250 : memref<10000x64xf32, #tpu.memory_space<vmem_shared>>) offsets(%dma_start3A_247 : memref<128xi32, #tpu.memory_space<vmem>>) semaphore(%arg12 : memref<!tpu.dma_semaphore, #tpu.memory_space<semaphore_mem>>) {add = true}
      %add3A_251 = arith.constant 384 : i32
      %add3A_252 = arith.addi %multiple_of3A_147, %add3A_251 : i32
      %dma_start3A_253 = arith.constant 3 : i32
      %dma_start3A_254 = arith.constant 0 : i32
      %dma_start3A_255 = arith.constant 0 : i32
      %dma_start3A_256 = tpu.memref_slice %arg9[%dma_start3A_253, %dma_start3A_254, %dma_start3A_255] : memref<6x128x64xf32, #tpu.memory_space<vmem>> -> memref<1x128x64xf32, #tpu.memory_space<vmem>>
      %dma_start3A_257 = tpu.memref_squeeze %dma_start3A_256 : memref<1x128x64xf32, #tpu.memory_space<vmem>> -> memref<128x64xf32, #tpu.memory_space<vmem>>
      %dma_start3A_258 = tpu.memref_slice %arg7[%add3A_252] : memref<20000xi32, #tpu.memory_space<vmem>> -> memref<128xi32, #tpu.memory_space<vmem>>
      %dma_start3A_259 = arith.constant 0 : i32
      %dma_start3A_260 = arith.constant 0 : i32
      %dma_start3A_261 = tpu.memref_slice %arg2[%dma_start3A_259, %dma_start3A_260] : memref<20000x64xf32, #tpu.memory_space<hbm>> -> memref<20000x64xf32, #tpu.memory_space<hbm>>
      tpu.enqueue_indirect_dma source(%dma_start3A_261 : memref<20000x64xf32, #tpu.memory_space<hbm>>) target(%dma_start3A_257 : memref<128x64xf32, #tpu.memory_space<vmem>>) offsets(%dma_start3A_258 : memref<128xi32, #tpu.memory_space<vmem>>) semaphore(%arg11 : memref<!tpu.dma_semaphore, #tpu.memory_space<semaphore_mem>>)
      %add3A_262 = arith.constant 512 : i32
      %add3A_263 = arith.addi %multiple_of3A_147, %add3A_262 : i32
      %dma_start3A_264 = arith.constant 4 : i32
      %dma_start3A_265 = arith.constant 0 : i32
      %dma_start3A_266 = arith.constant 0 : i32
      %dma_start3A_267 = tpu.memref_slice %arg9[%dma_start3A_264, %dma_start3A_265, %dma_start3A_266] : memref<6x128x64xf32, #tpu.memory_space<vmem>> -> memref<1x128x64xf32, #tpu.memory_space<vmem>>
      %dma_start3A_268 = tpu.memref_squeeze %dma_start3A_267 : memref<1x128x64xf32, #tpu.memory_space<vmem>> -> memref<128x64xf32, #tpu.memory_space<vmem>>
      %dma_start3A_269 = tpu.memref_slice %arg7[%add3A_263] : memref<20000xi32, #tpu.memory_space<vmem>> -> memref<128xi32, #tpu.memory_space<vmem>>
      %dma_start3A_270 = arith.constant 0 : i32
      %dma_start3A_271 = arith.constant 0 : i32
      %dma_start3A_272 = tpu.memref_slice %arg2[%dma_start3A_270, %dma_start3A_271] : memref<20000x64xf32, #tpu.memory_space<hbm>> -> memref<20000x64xf32, #tpu.memory_space<hbm>>
      tpu.enqueue_indirect_dma source(%dma_start3A_272 : memref<20000x64xf32, #tpu.memory_space<hbm>>) target(%dma_start3A_268 : memref<128x64xf32, #tpu.memory_space<vmem>>) offsets(%dma_start3A_269 : memref<128xi32, #tpu.memory_space<vmem>>) semaphore(%arg11 : memref<!tpu.dma_semaphore, #tpu.memory_space<semaphore_mem>>)
      %add3A_273 = arith.constant 640 : i32
      %add3A_274 = arith.addi %multiple_of3A_147, %add3A_273 : i32
      %dma_start3A_275 = arith.constant 5 : i32
      %dma_start3A_276 = arith.constant 0 : i32
      %dma_start3A_277 = arith.constant 0 : i32
      %dma_start3A_278 = tpu.memref_slice %arg9[%dma_start3A_275, %dma_start3A_276, %dma_start3A_277] : memref<6x128x64xf32, #tpu.memory_space<vmem>> -> memref<1x128x64xf32, #tpu.memory_space<vmem>>
      %dma_start3A_279 = tpu.memref_squeeze %dma_start3A_278 : memref<1x128x64xf32, #tpu.memory_space<vmem>> -> memref<128x64xf32, #tpu.memory_space<vmem>>
      %dma_start3A_280 = tpu.memref_slice %arg7[%add3A_274] : memref<20000xi32, #tpu.memory_space<vmem>> -> memref<128xi32, #tpu.memory_space<vmem>>
      %dma_start3A_281 = arith.constant 0 : i32
      %dma_start3A_282 = arith.constant 0 : i32
      %dma_start3A_283 = tpu.memref_slice %arg2[%dma_start3A_281, %dma_start3A_282] : memref<20000x64xf32, #tpu.memory_space<hbm>> -> memref<20000x64xf32, #tpu.memory_space<hbm>>
      tpu.enqueue_indirect_dma source(%dma_start3A_283 : memref<20000x64xf32, #tpu.memory_space<hbm>>) target(%dma_start3A_279 : memref<128x64xf32, #tpu.memory_space<vmem>>) offsets(%dma_start3A_280 : memref<128xi32, #tpu.memory_space<vmem>>) semaphore(%arg11 : memref<!tpu.dma_semaphore, #tpu.memory_space<semaphore_mem>>)
      %dma_wait3A_284 = arith.constant 3 : i32
      %dma_wait3A_285 = arith.constant 0 : i32
      %dma_wait3A_286 = arith.constant 0 : i32
      %dma_wait3A_287 = tpu.memref_slice %arg9[%dma_wait3A_284, %dma_wait3A_285, %dma_wait3A_286] : memref<6x128x64xf32, #tpu.memory_space<vmem>> -> memref<1x128x64xf32, #tpu.memory_space<vmem>>
      %dma_wait3A_288 = tpu.memref_squeeze %dma_wait3A_287 : memref<1x128x64xf32, #tpu.memory_space<vmem>> -> memref<128x64xf32, #tpu.memory_space<vmem>>
      %dma_wait3A_289 = tpu.memref_slice %arg7[%add3A_252] : memref<20000xi32, #tpu.memory_space<vmem>> -> memref<128xi32, #tpu.memory_space<vmem>>
      %dma_wait3A_290 = arith.constant 0 : i32
      %dma_wait3A_291 = arith.constant 0 : i32
      %dma_wait3A_292 = tpu.memref_slice %arg2[%dma_wait3A_290, %dma_wait3A_291] : memref<20000x64xf32, #tpu.memory_space<hbm>> -> memref<20000x64xf32, #tpu.memory_space<hbm>>
      tpu.wait_indirect_dma semaphore(%arg11 : memref<!tpu.dma_semaphore, #tpu.memory_space<semaphore_mem>>) src(%dma_wait3A_292 : memref<20000x64xf32, #tpu.memory_space<hbm>>) dst(%dma_wait3A_288 : memref<128x64xf32, #tpu.memory_space<vmem>>)
      %dma_wait3A_293 = arith.constant 4 : i32
      %dma_wait3A_294 = arith.constant 0 : i32
      %dma_wait3A_295 = arith.constant 0 : i32
      %dma_wait3A_296 = tpu.memref_slice %arg9[%dma_wait3A_293, %dma_wait3A_294, %dma_wait3A_295] : memref<6x128x64xf32, #tpu.memory_space<vmem>> -> memref<1x128x64xf32, #tpu.memory_space<vmem>>
      %dma_wait3A_297 = tpu.memref_squeeze %dma_wait3A_296 : memref<1x128x64xf32, #tpu.memory_space<vmem>> -> memref<128x64xf32, #tpu.memory_space<vmem>>
      %dma_wait3A_298 = tpu.memref_slice %arg7[%add3A_263] : memref<20000xi32, #tpu.memory_space<vmem>> -> memref<128xi32, #tpu.memory_space<vmem>>
      %dma_wait3A_299 = arith.constant 0 : i32
      %dma_wait3A_300 = arith.constant 0 : i32
      %dma_wait3A_301 = tpu.memref_slice %arg2[%dma_wait3A_299, %dma_wait3A_300] : memref<20000x64xf32, #tpu.memory_space<hbm>> -> memref<20000x64xf32, #tpu.memory_space<hbm>>
      tpu.wait_indirect_dma semaphore(%arg11 : memref<!tpu.dma_semaphore, #tpu.memory_space<semaphore_mem>>) src(%dma_wait3A_301 : memref<20000x64xf32, #tpu.memory_space<hbm>>) dst(%dma_wait3A_297 : memref<128x64xf32, #tpu.memory_space<vmem>>)
      %dma_wait3A_302 = arith.constant 5 : i32
      %dma_wait3A_303 = arith.constant 0 : i32
      %dma_wait3A_304 = arith.constant 0 : i32
      %dma_wait3A_305 = tpu.memref_slice %arg9[%dma_wait3A_302, %dma_wait3A_303, %dma_wait3A_304] : memref<6x128x64xf32, #tpu.memory_space<vmem>> -> memref<1x128x64xf32, #tpu.memory_space<vmem>>
      %dma_wait3A_306 = tpu.memref_squeeze %dma_wait3A_305 : memref<1x128x64xf32, #tpu.memory_space<vmem>> -> memref<128x64xf32, #tpu.memory_space<vmem>>
      %dma_wait3A_307 = tpu.memref_slice %arg7[%add3A_274] : memref<20000xi32, #tpu.memory_space<vmem>> -> memref<128xi32, #tpu.memory_space<vmem>>
      %dma_wait3A_308 = arith.constant 0 : i32
      %dma_wait3A_309 = arith.constant 0 : i32
      %dma_wait3A_310 = tpu.memref_slice %arg2[%dma_wait3A_308, %dma_wait3A_309] : memref<20000x64xf32, #tpu.memory_space<hbm>> -> memref<20000x64xf32, #tpu.memory_space<hbm>>
      tpu.wait_indirect_dma semaphore(%arg11 : memref<!tpu.dma_semaphore, #tpu.memory_space<semaphore_mem>>) src(%dma_wait3A_310 : memref<20000x64xf32, #tpu.memory_space<hbm>>) dst(%dma_wait3A_306 : memref<128x64xf32, #tpu.memory_space<vmem>>)
      %add3A_311 = arith.constant 384 : i32
      %add3A_312 = arith.addi %multiple_of3A_147, %add3A_311 : i32
      %dma_start3A_313 = arith.constant 3 : i32
      %dma_start3A_314 = arith.constant 0 : i32
      %dma_start3A_315 = arith.constant 0 : i32
      %dma_start3A_316 = tpu.memref_slice %arg9[%dma_start3A_313, %dma_start3A_314, %dma_start3A_315] : memref<6x128x64xf32, #tpu.memory_space<vmem>> -> memref<1x128x64xf32, #tpu.memory_space<vmem>>
      %dma_start3A_317 = tpu.memref_squeeze %dma_start3A_316 : memref<1x128x64xf32, #tpu.memory_space<vmem>> -> memref<128x64xf32, #tpu.memory_space<vmem>>
      %dma_start3A_318 = tpu.memref_slice %arg8[%add3A_312] : memref<20000xi32, #tpu.memory_space<vmem>> -> memref<128xi32, #tpu.memory_space<vmem>>
      %dma_start3A_319 = arith.constant 0 : i32
      %dma_start3A_320 = arith.constant 0 : i32
      %dma_start3A_321 = tpu.memref_slice %arg10[%dma_start3A_319, %dma_start3A_320] : memref<10000x64xf32, #tpu.memory_space<vmem_shared>> -> memref<10000x64xf32, #tpu.memory_space<vmem_shared>>
      tpu.enqueue_indirect_dma source(%dma_start3A_317 : memref<128x64xf32, #tpu.memory_space<vmem>>) target(%dma_start3A_321 : memref<10000x64xf32, #tpu.memory_space<vmem_shared>>) offsets(%dma_start3A_318 : memref<128xi32, #tpu.memory_space<vmem>>) semaphore(%arg12 : memref<!tpu.dma_semaphore, #tpu.memory_space<semaphore_mem>>) {add = true}
      %add3A_322 = arith.constant 512 : i32
      %add3A_323 = arith.addi %multiple_of3A_147, %add3A_322 : i32
      %dma_start3A_324 = arith.constant 4 : i32
      %dma_start3A_325 = arith.constant 0 : i32
      %dma_start3A_326 = arith.constant 0 : i32
      %dma_start3A_327 = tpu.memref_slice %arg9[%dma_start3A_324, %dma_start3A_325, %dma_start3A_326] : memref<6x128x64xf32, #tpu.memory_space<vmem>> -> memref<1x128x64xf32, #tpu.memory_space<vmem>>
      %dma_start3A_328 = tpu.memref_squeeze %dma_start3A_327 : memref<1x128x64xf32, #tpu.memory_space<vmem>> -> memref<128x64xf32, #tpu.memory_space<vmem>>
      %dma_start3A_329 = tpu.memref_slice %arg8[%add3A_323] : memref<20000xi32, #tpu.memory_space<vmem>> -> memref<128xi32, #tpu.memory_space<vmem>>
      %dma_start3A_330 = arith.constant 0 : i32
      %dma_start3A_331 = arith.constant 0 : i32
      %dma_start3A_332 = tpu.memref_slice %arg10[%dma_start3A_330, %dma_start3A_331] : memref<10000x64xf32, #tpu.memory_space<vmem_shared>> -> memref<10000x64xf32, #tpu.memory_space<vmem_shared>>
      tpu.enqueue_indirect_dma source(%dma_start3A_328 : memref<128x64xf32, #tpu.memory_space<vmem>>) target(%dma_start3A_332 : memref<10000x64xf32, #tpu.memory_space<vmem_shared>>) offsets(%dma_start3A_329 : memref<128xi32, #tpu.memory_space<vmem>>) semaphore(%arg12 : memref<!tpu.dma_semaphore, #tpu.memory_space<semaphore_mem>>) {add = true}
      %add3A_333 = arith.constant 640 : i32
      %add3A_334 = arith.addi %multiple_of3A_147, %add3A_333 : i32
      %dma_start3A_335 = arith.constant 5 : i32
      %dma_start3A_336 = arith.constant 0 : i32
      %dma_start3A_337 = arith.constant 0 : i32
      %dma_start3A_338 = tpu.memref_slice %arg9[%dma_start3A_335, %dma_start3A_336, %dma_start3A_337] : memref<6x128x64xf32, #tpu.memory_space<vmem>> -> memref<1x128x64xf32, #tpu.memory_space<vmem>>
      %dma_start3A_339 = tpu.memref_squeeze %dma_start3A_338 : memref<1x128x64xf32, #tpu.memory_space<vmem>> -> memref<128x64xf32, #tpu.memory_space<vmem>>
      %dma_start3A_340 = tpu.memref_slice %arg8[%add3A_334] : memref<20000xi32, #tpu.memory_space<vmem>> -> memref<128xi32, #tpu.memory_space<vmem>>
      %dma_start3A_341 = arith.constant 0 : i32
      %dma_start3A_342 = arith.constant 0 : i32
      %dma_start3A_343 = tpu.memref_slice %arg10[%dma_start3A_341, %dma_start3A_342] : memref<10000x64xf32, #tpu.memory_space<vmem_shared>> -> memref<10000x64xf32, #tpu.memory_space<vmem_shared>>
      tpu.enqueue_indirect_dma source(%dma_start3A_339 : memref<128x64xf32, #tpu.memory_space<vmem>>) target(%dma_start3A_343 : memref<10000x64xf32, #tpu.memory_space<vmem_shared>>) offsets(%dma_start3A_340 : memref<128xi32, #tpu.memory_space<vmem>>) semaphore(%arg12 : memref<!tpu.dma_semaphore, #tpu.memory_space<semaphore_mem>>) {add = true}
      %scan3A_344 = arith.constant 0 : i32
      scf.yield %scan3A_344 : i32
    }
    %scan3A_32 = arith.constant 26 : i32
    %dma_wait3A_33 = arith.constant 0 : i32
    %dma_wait3A_34 = arith.constant 0 : i32
    %dma_wait3A_35 = arith.constant 0 : i32
    %dma_wait3A_36 = tpu.memref_slice %arg9[%dma_wait3A_33, %dma_wait3A_34, %dma_wait3A_35] : memref<6x128x64xf32, #tpu.memory_space<vmem>> -> memref<1x128x64xf32, #tpu.memory_space<vmem>>
    %dma_wait3A_37 = tpu.memref_squeeze %dma_wait3A_36 : memref<1x128x64xf32, #tpu.memory_space<vmem>> -> memref<128x64xf32, #tpu.memory_space<vmem>>
    %dma_wait3A_38 = arith.constant 19200 : i32
    %dma_wait3A_39 = tpu.memref_slice %arg8[%dma_wait3A_38] : memref<20000xi32, #tpu.memory_space<vmem>> -> memref<128xi32, #tpu.memory_space<vmem>>
    %dma_wait3A_40 = arith.constant 0 : i32
    %dma_wait3A_41 = arith.constant 0 : i32
    %dma_wait3A_42 = tpu.memref_slice %arg10[%dma_wait3A_40, %dma_wait3A_41] : memref<10000x64xf32, #tpu.memory_space<vmem_shared>> -> memref<10000x64xf32, #tpu.memory_space<vmem_shared>>
    tpu.wait_indirect_dma semaphore(%arg12 : memref<!tpu.dma_semaphore, #tpu.memory_space<semaphore_mem>>) src(%dma_wait3A_37 : memref<128x64xf32, #tpu.memory_space<vmem>>) dst(%dma_wait3A_42 : memref<10000x64xf32, #tpu.memory_space<vmem_shared>>)
    %dma_wait3A_43 = arith.constant 1 : i32
    %dma_wait3A_44 = arith.constant 0 : i32
    %dma_wait3A_45 = arith.constant 0 : i32
    %dma_wait3A_46 = tpu.memref_slice %arg9[%dma_wait3A_43, %dma_wait3A_44, %dma_wait3A_45] : memref<6x128x64xf32, #tpu.memory_space<vmem>> -> memref<1x128x64xf32, #tpu.memory_space<vmem>>
    %dma_wait3A_47 = tpu.memref_squeeze %dma_wait3A_46 : memref<1x128x64xf32, #tpu.memory_space<vmem>> -> memref<128x64xf32, #tpu.memory_space<vmem>>
    %dma_wait3A_48 = arith.constant 19328 : i32
    %dma_wait3A_49 = tpu.memref_slice %arg8[%dma_wait3A_48] : memref<20000xi32, #tpu.memory_space<vmem>> -> memref<128xi32, #tpu.memory_space<vmem>>
    %dma_wait3A_50 = arith.constant 0 : i32
    %dma_wait3A_51 = arith.constant 0 : i32
    %dma_wait3A_52 = tpu.memref_slice %arg10[%dma_wait3A_50, %dma_wait3A_51] : memref<10000x64xf32, #tpu.memory_space<vmem_shared>> -> memref<10000x64xf32, #tpu.memory_space<vmem_shared>>
    tpu.wait_indirect_dma semaphore(%arg12 : memref<!tpu.dma_semaphore, #tpu.memory_space<semaphore_mem>>) src(%dma_wait3A_47 : memref<128x64xf32, #tpu.memory_space<vmem>>) dst(%dma_wait3A_52 : memref<10000x64xf32, #tpu.memory_space<vmem_shared>>)
    %dma_wait3A_53 = arith.constant 2 : i32
    %dma_wait3A_54 = arith.constant 0 : i32
    %dma_wait3A_55 = arith.constant 0 : i32
    %dma_wait3A_56 = tpu.memref_slice %arg9[%dma_wait3A_53, %dma_wait3A_54, %dma_wait3A_55] : memref<6x128x64xf32, #tpu.memory_space<vmem>> -> memref<1x128x64xf32, #tpu.memory_space<vmem>>
    %dma_wait3A_57 = tpu.memref_squeeze %dma_wait3A_56 : memref<1x128x64xf32, #tpu.memory_space<vmem>> -> memref<128x64xf32, #tpu.memory_space<vmem>>
    %dma_wait3A_58 = arith.constant 19456 : i32
    %dma_wait3A_59 = tpu.memref_slice %arg8[%dma_wait3A_58] : memref<20000xi32, #tpu.memory_space<vmem>> -> memref<128xi32, #tpu.memory_space<vmem>>
    %dma_wait3A_60 = arith.constant 0 : i32
    %dma_wait3A_61 = arith.constant 0 : i32
    %dma_wait3A_62 = tpu.memref_slice %arg10[%dma_wait3A_60, %dma_wait3A_61] : memref<10000x64xf32, #tpu.memory_space<vmem_shared>> -> memref<10000x64xf32, #tpu.memory_space<vmem_shared>>
    tpu.wait_indirect_dma semaphore(%arg12 : memref<!tpu.dma_semaphore, #tpu.memory_space<semaphore_mem>>) src(%dma_wait3A_57 : memref<128x64xf32, #tpu.memory_space<vmem>>) dst(%dma_wait3A_62 : memref<10000x64xf32, #tpu.memory_space<vmem_shared>>)
    %dma_wait3A_63 = arith.constant 3 : i32
    %dma_wait3A_64 = arith.constant 0 : i32
    %dma_wait3A_65 = arith.constant 0 : i32
    %dma_wait3A_66 = tpu.memref_slice %arg9[%dma_wait3A_63, %dma_wait3A_64, %dma_wait3A_65] : memref<6x128x64xf32, #tpu.memory_space<vmem>> -> memref<1x128x64xf32, #tpu.memory_space<vmem>>
    %dma_wait3A_67 = tpu.memref_squeeze %dma_wait3A_66 : memref<1x128x64xf32, #tpu.memory_space<vmem>> -> memref<128x64xf32, #tpu.memory_space<vmem>>
    %dma_wait3A_68 = arith.constant 19584 : i32
    %dma_wait3A_69 = tpu.memref_slice %arg8[%dma_wait3A_68] : memref<20000xi32, #tpu.memory_space<vmem>> -> memref<128xi32, #tpu.memory_space<vmem>>
    %dma_wait3A_70 = arith.constant 0 : i32
    %dma_wait3A_71 = arith.constant 0 : i32
    %dma_wait3A_72 = tpu.memref_slice %arg10[%dma_wait3A_70, %dma_wait3A_71] : memref<10000x64xf32, #tpu.memory_space<vmem_shared>> -> memref<10000x64xf32, #tpu.memory_space<vmem_shared>>
    tpu.wait_indirect_dma semaphore(%arg12 : memref<!tpu.dma_semaphore, #tpu.memory_space<semaphore_mem>>) src(%dma_wait3A_67 : memref<128x64xf32, #tpu.memory_space<vmem>>) dst(%dma_wait3A_72 : memref<10000x64xf32, #tpu.memory_space<vmem_shared>>)
    %dma_wait3A_73 = arith.constant 4 : i32
    %dma_wait3A_74 = arith.constant 0 : i32
    %dma_wait3A_75 = arith.constant 0 : i32
    %dma_wait3A_76 = tpu.memref_slice %arg9[%dma_wait3A_73, %dma_wait3A_74, %dma_wait3A_75] : memref<6x128x64xf32, #tpu.memory_space<vmem>> -> memref<1x128x64xf32, #tpu.memory_space<vmem>>
    %dma_wait3A_77 = tpu.memref_squeeze %dma_wait3A_76 : memref<1x128x64xf32, #tpu.memory_space<vmem>> -> memref<128x64xf32, #tpu.memory_space<vmem>>
    %dma_wait3A_78 = arith.constant 19712 : i32
    %dma_wait3A_79 = tpu.memref_slice %arg8[%dma_wait3A_78] : memref<20000xi32, #tpu.memory_space<vmem>> -> memref<128xi32, #tpu.memory_space<vmem>>
    %dma_wait3A_80 = arith.constant 0 : i32
    %dma_wait3A_81 = arith.constant 0 : i32
    %dma_wait3A_82 = tpu.memref_slice %arg10[%dma_wait3A_80, %dma_wait3A_81] : memref<10000x64xf32, #tpu.memory_space<vmem_shared>> -> memref<10000x64xf32, #tpu.memory_space<vmem_shared>>
    tpu.wait_indirect_dma semaphore(%arg12 : memref<!tpu.dma_semaphore, #tpu.memory_space<semaphore_mem>>) src(%dma_wait3A_77 : memref<128x64xf32, #tpu.memory_space<vmem>>) dst(%dma_wait3A_82 : memref<10000x64xf32, #tpu.memory_space<vmem_shared>>)
    %dma_wait3A_83 = arith.constant 5 : i32
    %dma_wait3A_84 = arith.constant 0 : i32
    %dma_wait3A_85 = arith.constant 0 : i32
    %dma_wait3A_86 = tpu.memref_slice %arg9[%dma_wait3A_83, %dma_wait3A_84, %dma_wait3A_85] : memref<6x128x64xf32, #tpu.memory_space<vmem>> -> memref<1x128x64xf32, #tpu.memory_space<vmem>>
    %dma_wait3A_87 = tpu.memref_squeeze %dma_wait3A_86 : memref<1x128x64xf32, #tpu.memory_space<vmem>> -> memref<128x64xf32, #tpu.memory_space<vmem>>
    %dma_wait3A_88 = arith.constant 19840 : i32
    %dma_wait3A_89 = tpu.memref_slice %arg8[%dma_wait3A_88] : memref<20000xi32, #tpu.memory_space<vmem>> -> memref<128xi32, #tpu.memory_space<vmem>>
    %dma_wait3A_90 = arith.constant 0 : i32
    %dma_wait3A_91 = arith.constant 0 : i32
    %dma_wait3A_92 = tpu.memref_slice %arg10[%dma_wait3A_90, %dma_wait3A_91] : memref<10000x64xf32, #tpu.memory_space<vmem_shared>> -> memref<10000x64xf32, #tpu.memory_space<vmem_shared>>
    tpu.wait_indirect_dma semaphore(%arg12 : memref<!tpu.dma_semaphore, #tpu.memory_space<semaphore_mem>>) src(%dma_wait3A_87 : memref<128x64xf32, #tpu.memory_space<vmem>>) dst(%dma_wait3A_92 : memref<10000x64xf32, #tpu.memory_space<vmem_shared>>)
    %dma_start3A_93 = arith.constant 0 : i32
    %dma_start3A_94 = arith.constant 0 : i32
    %dma_start3A_95 = arith.constant 0 : i32
    %dma_start3A_96 = tpu.memref_slice %arg9[%dma_start3A_93, %dma_start3A_94, %dma_start3A_95] : memref<6x128x64xf32, #tpu.memory_space<vmem>> -> memref<1x32x64xf32, #tpu.memory_space<vmem>>
    %dma_start3A_97 = tpu.memref_squeeze %dma_start3A_96 : memref<1x32x64xf32, #tpu.memory_space<vmem>> -> memref<32x64xf32, #tpu.memory_space<vmem>>
    %dma_start3A_98 = arith.constant 19968 : i32
    %dma_start3A_99 = tpu.memref_slice %arg7[%dma_start3A_98] : memref<20000xi32, #tpu.memory_space<vmem>> -> memref<32xi32, #tpu.memory_space<vmem>>
    %dma_start3A_100 = arith.constant 0 : i32
    %dma_start3A_101 = arith.constant 0 : i32
    %dma_start3A_102 = tpu.memref_slice %arg2[%dma_start3A_100, %dma_start3A_101] : memref<20000x64xf32, #tpu.memory_space<hbm>> -> memref<20000x64xf32, #tpu.memory_space<hbm>>
    tpu.enqueue_indirect_dma source(%dma_start3A_102 : memref<20000x64xf32, #tpu.memory_space<hbm>>) target(%dma_start3A_97 : memref<32x64xf32, #tpu.memory_space<vmem>>) offsets(%dma_start3A_99 : memref<32xi32, #tpu.memory_space<vmem>>) semaphore(%arg11 : memref<!tpu.dma_semaphore, #tpu.memory_space<semaphore_mem>>)
    %dma_wait3A_103 = arith.constant 0 : i32
    %dma_wait3A_104 = arith.constant 0 : i32
    %dma_wait3A_105 = arith.constant 0 : i32
    %dma_wait3A_106 = tpu.memref_slice %arg9[%dma_wait3A_103, %dma_wait3A_104, %dma_wait3A_105] : memref<6x128x64xf32, #tpu.memory_space<vmem>> -> memref<1x32x64xf32, #tpu.memory_space<vmem>>
    %dma_wait3A_107 = tpu.memref_squeeze %dma_wait3A_106 : memref<1x32x64xf32, #tpu.memory_space<vmem>> -> memref<32x64xf32, #tpu.memory_space<vmem>>
    %dma_wait3A_108 = arith.constant 19968 : i32
    %dma_wait3A_109 = tpu.memref_slice %arg7[%dma_wait3A_108] : memref<20000xi32, #tpu.memory_space<vmem>> -> memref<32xi32, #tpu.memory_space<vmem>>
    %dma_wait3A_110 = arith.constant 0 : i32
    %dma_wait3A_111 = arith.constant 0 : i32
    %dma_wait3A_112 = tpu.memref_slice %arg2[%dma_wait3A_110, %dma_wait3A_111] : memref<20000x64xf32, #tpu.memory_space<hbm>> -> memref<20000x64xf32, #tpu.memory_space<hbm>>
    tpu.wait_indirect_dma semaphore(%arg11 : memref<!tpu.dma_semaphore, #tpu.memory_space<semaphore_mem>>) src(%dma_wait3A_112 : memref<20000x64xf32, #tpu.memory_space<hbm>>) dst(%dma_wait3A_107 : memref<32x64xf32, #tpu.memory_space<vmem>>)
    %dma_start3A_113 = arith.constant 0 : i32
    %dma_start3A_114 = arith.constant 0 : i32
    %dma_start3A_115 = arith.constant 0 : i32
    %dma_start3A_116 = tpu.memref_slice %arg9[%dma_start3A_113, %dma_start3A_114, %dma_start3A_115] : memref<6x128x64xf32, #tpu.memory_space<vmem>> -> memref<1x32x64xf32, #tpu.memory_space<vmem>>
    %dma_start3A_117 = tpu.memref_squeeze %dma_start3A_116 : memref<1x32x64xf32, #tpu.memory_space<vmem>> -> memref<32x64xf32, #tpu.memory_space<vmem>>
    %dma_start3A_118 = arith.constant 19968 : i32
    %dma_start3A_119 = tpu.memref_slice %arg8[%dma_start3A_118] : memref<20000xi32, #tpu.memory_space<vmem>> -> memref<32xi32, #tpu.memory_space<vmem>>
    %dma_start3A_120 = arith.constant 0 : i32
    %dma_start3A_121 = arith.constant 0 : i32
    %dma_start3A_122 = tpu.memref_slice %arg10[%dma_start3A_120, %dma_start3A_121] : memref<10000x64xf32, #tpu.memory_space<vmem_shared>> -> memref<10000x64xf32, #tpu.memory_space<vmem_shared>>
    tpu.enqueue_indirect_dma source(%dma_start3A_117 : memref<32x64xf32, #tpu.memory_space<vmem>>) target(%dma_start3A_122 : memref<10000x64xf32, #tpu.memory_space<vmem_shared>>) offsets(%dma_start3A_119 : memref<32xi32, #tpu.memory_space<vmem>>) semaphore(%arg12 : memref<!tpu.dma_semaphore, #tpu.memory_space<semaphore_mem>>) {add = true}
    %dma_wait3A_123 = arith.constant 0 : i32
    %dma_wait3A_124 = arith.constant 0 : i32
    %dma_wait3A_125 = arith.constant 0 : i32
    %dma_wait3A_126 = tpu.memref_slice %arg9[%dma_wait3A_123, %dma_wait3A_124, %dma_wait3A_125] : memref<6x128x64xf32, #tpu.memory_space<vmem>> -> memref<1x32x64xf32, #tpu.memory_space<vmem>>
    %dma_wait3A_127 = tpu.memref_squeeze %dma_wait3A_126 : memref<1x32x64xf32, #tpu.memory_space<vmem>> -> memref<32x64xf32, #tpu.memory_space<vmem>>
    %dma_wait3A_128 = arith.constant 19968 : i32
    %dma_wait3A_129 = tpu.memref_slice %arg8[%dma_wait3A_128] : memref<20000xi32, #tpu.memory_space<vmem>> -> memref<32xi32, #tpu.memory_space<vmem>>
    %dma_wait3A_130 = arith.constant 0 : i32
    %dma_wait3A_131 = arith.constant 0 : i32
    %dma_wait3A_132 = tpu.memref_slice %arg10[%dma_wait3A_130, %dma_wait3A_131] : memref<10000x64xf32, #tpu.memory_space<vmem_shared>> -> memref<10000x64xf32, #tpu.memory_space<vmem_shared>>
    tpu.wait_indirect_dma semaphore(%arg12 : memref<!tpu.dma_semaphore, #tpu.memory_space<semaphore_mem>>) src(%dma_wait3A_127 : memref<32x64xf32, #tpu.memory_space<vmem>>) dst(%dma_wait3A_132 : memref<10000x64xf32, #tpu.memory_space<vmem_shared>>)
    %barrier3A_133 = arith.constant 0 : index
    tpu.barrier barrier_id(%barrier3A_133)
    %mul3A_134 = arith.constant 624 : i32
    %mul3A_135 = arith.muli %arg1, %mul3A_134 : i32
    %mul3A_136 = arith.constant 624 : i32
    %mul3A_137 = arith.muli %arg1, %mul3A_136 : i32
    "tpu.region"() ({
      %run_scoped3A = tpu.sem_alloc : memref<!tpu.dma_semaphore, #tpu.memory_space<semaphore_mem>>
      %dma_start3A_143 = tpu.memref_slice %arg6[%mul3A_137, %multiple_of3A] : memref<10000x128xf32, #tpu.memory_space<hbm>> -> memref<624x64xf32, #tpu.memory_space<hbm>>
      %dma_start3A_144 = arith.constant 0 : i32
      %dma_start3A_145 = tpu.memref_slice %arg10[%mul3A_135, %dma_start3A_144] : memref<10000x64xf32, #tpu.memory_space<vmem_shared>> -> memref<624x64xf32, #tpu.memory_space<vmem_shared>>
      tpu.enqueue_dma source(%dma_start3A_145 : memref<624x64xf32, #tpu.memory_space<vmem_shared>>) target(%dma_start3A_143 : memref<624x64xf32, #tpu.memory_space<hbm>>) target_semaphore(%run_scoped3A : memref<!tpu.dma_semaphore, #tpu.memory_space<semaphore_mem>>)
      %dma_wait3A_146 = tpu.memref_slice %arg6[%mul3A_137, %multiple_of3A] : memref<10000x128xf32, #tpu.memory_space<hbm>> -> memref<624x64xf32, #tpu.memory_space<hbm>>
      %dma_wait3A_147 = arith.constant 0 : i32
      %dma_wait3A_148 = tpu.memref_slice %arg10[%mul3A_135, %dma_wait3A_147] : memref<10000x64xf32, #tpu.memory_space<vmem_shared>> -> memref<624x64xf32, #tpu.memory_space<vmem_shared>>
      tpu.wait_dma2 semaphore(%run_scoped3A : memref<!tpu.dma_semaphore, #tpu.memory_space<semaphore_mem>>) src(%dma_wait3A_148 : memref<624x64xf32, #tpu.memory_space<vmem_shared>>) dst(%dma_wait3A_146 : memref<624x64xf32, #tpu.memory_space<hbm>>)
      tpu.yield
    }) : () -> ()
    %eq3A_138 = arith.constant 0 : i32
    %eq3A_139 = arith.cmpi eq, %arg1, %eq3A_138 : i32
    %convert_element_type3A_140 = arith.extui %eq3A_139 : i1 to i32
    %cond3A_141 = arith.constant 0 : i32
    %cond3A_142 = arith.cmpi ne, %convert_element_type3A_140, %cond3A_141 : i32
    scf.if %cond3A_142 {
      "tpu.region"() ({
        %run_scoped3A = tpu.sem_alloc : memref<!tpu.dma_semaphore, #tpu.memory_space<semaphore_mem>>
        %dma_start3A_143 = arith.constant 9984 : i32
        %dma_start3A_144 = tpu.memref_slice %arg6[%dma_start3A_143, %multiple_of3A] : memref<10000x128xf32, #tpu.memory_space<hbm>> -> memref<16x64xf32, #tpu.memory_space<hbm>>
        %dma_start3A_145 = arith.constant 9984 : i32
        %dma_start3A_146 = arith.constant 0 : i32
        %dma_start3A_147 = tpu.memref_slice %arg10[%dma_start3A_145, %dma_start3A_146] : memref<10000x64xf32, #tpu.memory_space<vmem_shared>> -> memref<16x64xf32, #tpu.memory_space<vmem_shared>>
        tpu.enqueue_dma source(%dma_start3A_147 : memref<16x64xf32, #tpu.memory_space<vmem_shared>>) target(%dma_start3A_144 : memref<16x64xf32, #tpu.memory_space<hbm>>) target_semaphore(%run_scoped3A : memref<!tpu.dma_semaphore, #tpu.memory_space<semaphore_mem>>)
        %dma_wait3A_148 = arith.constant 9984 : i32
        %dma_wait3A_149 = tpu.memref_slice %arg6[%dma_wait3A_148, %multiple_of3A] : memref<10000x128xf32, #tpu.memory_space<hbm>> -> memref<16x64xf32, #tpu.memory_space<hbm>>
        %dma_wait3A_150 = arith.constant 9984 : i32
        %dma_wait3A_151 = arith.constant 0 : i32
        %dma_wait3A_152 = tpu.memref_slice %arg10[%dma_wait3A_150, %dma_wait3A_151] : memref<10000x64xf32, #tpu.memory_space<vmem_shared>> -> memref<16x64xf32, #tpu.memory_space<vmem_shared>>
        tpu.wait_dma2 semaphore(%run_scoped3A : memref<!tpu.dma_semaphore, #tpu.memory_space<semaphore_mem>>) src(%dma_wait3A_152 : memref<16x64xf32, #tpu.memory_space<vmem_shared>>) dst(%dma_wait3A_149 : memref<16x64xf32, #tpu.memory_space<hbm>>)
        tpu.yield
      }) : () -> ()
    } else {
    }
    return
  }
}

module attributes {stable_mosaic.version = 14 : i64} {
  func.func @_mlp_bn_body(%arg0: memref<20000x64xf32, #tpu.memory_space<vmem>>, %arg1: memref<10000x128xf32, #tpu.memory_space<vmem>>, %arg2: memref<128x128xf32, #tpu.memory_space<vmem>>, %arg3: memref<1x128xf32, #tpu.memory_space<vmem>>, %arg4: memref<128x128xf32, #tpu.memory_space<vmem>>, %arg5: memref<1x128xf32, #tpu.memory_space<vmem>>, %arg6: memref<1x128xf32, #tpu.memory_space<vmem>>, %arg7: memref<1x128xf32, #tpu.memory_space<vmem>>, %arg8: memref<20000x64xf32, #tpu.memory_space<vmem>>) attributes {dimension_semantics = [], scalar_prefetch = 0 : i64, scratch_operands = 0 : i64, tpu.core_type = #tpu.core_type<tc>} {
    %get3A = arith.constant 0 : index
    %get3A_0 = arith.constant 0 : index
    %get3A_1 = vector.load %arg0[%get3A, %get3A_0] : memref<20000x64xf32, #tpu.memory_space<vmem>>, vector<20000x64xf32>
    %slice3A = vector.extract_strided_slice %get3A_1 {offsets = [0, 0], sizes = [10000, 64], strides = [1, 1]} : vector<20000x64xf32> to vector<10000x64xf32>
    %slice3A_2 = vector.extract_strided_slice %get3A_1 {offsets = [10000, 0], sizes = [10000, 64], strides = [1, 1]} : vector<20000x64xf32> to vector<10000x64xf32>
    %concatenate3A = tpu.concatenate %slice3A, %slice3A_2 in 1 : vector<10000x64xf32>, vector<10000x64xf32> -> vector<10000x128xf32>
    %mul3A = arith.constant 1.000000e+00 : f32
    %mul3A_3 = vector.broadcast %mul3A : f32 to vector<10000x128xf32>
    %mul3A_4 = arith.mulf %concatenate3A, %mul3A_3 : vector<10000x128xf32>
    %get3A_5 = arith.constant 0 : index
    %get3A_6 = arith.constant 0 : index
    %get3A_7 = vector.load %arg1[%get3A_5, %get3A_6] : memref<10000x128xf32, #tpu.memory_space<vmem>>, vector<10000x128xf32>
    %add3A = arith.addf %mul3A_4, %get3A_7 : vector<10000x128xf32>
    %get3A_8 = arith.constant 0 : index
    %get3A_9 = arith.constant 0 : index
    %get3A_10 = vector.load %arg2[%get3A_8, %get3A_9] : memref<128x128xf32, #tpu.memory_space<vmem>>, vector<128x128xf32>
    %dot_general3A = arith.constant dense<0.000000e+00> : vector<10000x128xf32>
    %dot_general3A_11 = tpu.matmul %add3A, %get3A_10, %dot_general3A {dimension_numbers = #tpu.dot_dimension_numbers<[1], [0], [0], [1], [0, 0, 1, 1], [], []>, transpose_lhs_hint = false} : vector<10000x128xf32>, vector<128x128xf32>, vector<10000x128xf32> -> vector<10000x128xf32>
    %get3A_12 = arith.constant 0 : index
    %get3A_13 = arith.constant 0 : index
    %get3A_14 = vector.load %arg3[%get3A_12, %get3A_13] : memref<1x128xf32, #tpu.memory_space<vmem>>, vector<1x128xf32>
    %add3A_15 = vector.broadcast %get3A_14 : vector<1x128xf32> to vector<10000x128xf32>
    %add3A_16 = arith.addf %dot_general3A_11, %add3A_15 : vector<10000x128xf32>
    %max3A = arith.constant 0.000000e+00 : f32
    %max3A_17 = vector.broadcast %max3A : f32 to vector<10000x128xf32>
    %max3A_18 = arith.maximumf %add3A_16, %max3A_17 : vector<10000x128xf32>
    %get3A_19 = arith.constant 0 : index
    %get3A_20 = arith.constant 0 : index
    %get3A_21 = vector.load %arg4[%get3A_19, %get3A_20] : memref<128x128xf32, #tpu.memory_space<vmem>>, vector<128x128xf32>
    %dot_general3A_22 = arith.constant dense<0.000000e+00> : vector<10000x128xf32>
    %dot_general3A_23 = tpu.matmul %max3A_18, %get3A_21, %dot_general3A_22 {dimension_numbers = #tpu.dot_dimension_numbers<[1], [0], [0], [1], [0, 0, 1, 1], [], []>, transpose_lhs_hint = false} : vector<10000x128xf32>, vector<128x128xf32>, vector<10000x128xf32> -> vector<10000x128xf32>
    %get3A_24 = arith.constant 0 : index
    %get3A_25 = arith.constant 0 : index
    %get3A_26 = vector.load %arg5[%get3A_24, %get3A_25] : memref<1x128xf32, #tpu.memory_space<vmem>>, vector<1x128xf32>
    %add3A_27 = vector.broadcast %get3A_26 : vector<1x128xf32> to vector<10000x128xf32>
    %add3A_28 = arith.addf %dot_general3A_23, %add3A_27 : vector<10000x128xf32>
    %reduce_sum3A = arith.constant dense<0.000000e+00> : vector<128xf32>
    %reduce_sum3A_29 = vector.multi_reduction <add>, %add3A_28, %reduce_sum3A [0] : vector<10000x128xf32> to vector<128xf32>
    %broadcast_in_dim3A = vector.shape_cast %reduce_sum3A_29 : vector<128xf32> to vector<1x128xf32>
    %div3A = arith.constant 1.000000e+04 : f32
    %div3A_30 = vector.broadcast %div3A : f32 to vector<1x128xf32>
    %div3A_31 = arith.divf %broadcast_in_dim3A, %div3A_30 : vector<1x128xf32>
    %sub3A = vector.broadcast %div3A_31 : vector<1x128xf32> to vector<10000x128xf32>
    %sub3A_32 = arith.subf %add3A_28, %sub3A : vector<10000x128xf32>
    %integer_pow3A = arith.mulf %sub3A_32, %sub3A_32 : vector<10000x128xf32>
    %reduce_sum3A_33 = arith.constant dense<0.000000e+00> : vector<128xf32>
    %reduce_sum3A_34 = vector.multi_reduction <add>, %integer_pow3A, %reduce_sum3A_33 [0] : vector<10000x128xf32> to vector<128xf32>
    %broadcast_in_dim3A_35 = vector.shape_cast %reduce_sum3A_34 : vector<128xf32> to vector<1x128xf32>
    %div3A_36 = arith.constant 1.000000e+04 : f32
    %div3A_37 = vector.broadcast %div3A_36 : f32 to vector<1x128xf32>
    %div3A_38 = arith.divf %broadcast_in_dim3A_35, %div3A_37 : vector<1x128xf32>
    %get3A_39 = arith.constant 0 : index
    %get3A_40 = arith.constant 0 : index
    %get3A_41 = vector.load %arg6[%get3A_39, %get3A_40] : memref<1x128xf32, #tpu.memory_space<vmem>>, vector<1x128xf32>
    %sub3A_42 = vector.broadcast %div3A_31 : vector<1x128xf32> to vector<10000x128xf32>
    %sub3A_43 = arith.subf %add3A_28, %sub3A_42 : vector<10000x128xf32>
    %mul3A_44 = vector.broadcast %get3A_41 : vector<1x128xf32> to vector<10000x128xf32>
    %mul3A_45 = arith.mulf %mul3A_44, %sub3A_43 : vector<10000x128xf32>
    %add3A_46 = arith.constant 9.99999974E-6 : f32
    %add3A_47 = vector.broadcast %add3A_46 : f32 to vector<1x128xf32>
    %add3A_48 = arith.addf %div3A_38, %add3A_47 : vector<1x128xf32>
    %rsqrt3A = math.rsqrt %add3A_48 : vector<1x128xf32>
    %mul3A_49 = vector.broadcast %rsqrt3A : vector<1x128xf32> to vector<10000x128xf32>
    %mul3A_50 = arith.mulf %mul3A_45, %mul3A_49 : vector<10000x128xf32>
    %get3A_51 = arith.constant 0 : index
    %get3A_52 = arith.constant 0 : index
    %get3A_53 = vector.load %arg7[%get3A_51, %get3A_52] : memref<1x128xf32, #tpu.memory_space<vmem>>, vector<1x128xf32>
    %add3A_54 = vector.broadcast %get3A_53 : vector<1x128xf32> to vector<10000x128xf32>
    %add3A_55 = arith.addf %mul3A_50, %add3A_54 : vector<10000x128xf32>
    %max3A_56 = arith.constant 0.000000e+00 : f32
    %max3A_57 = vector.broadcast %max3A_56 : f32 to vector<10000x128xf32>
    %max3A_58 = arith.maximumf %add3A_55, %max3A_57 : vector<10000x128xf32>
    %slice3A_59 = vector.extract_strided_slice %max3A_58 {offsets = [0, 0], sizes = [10000, 64], strides = [1, 1]} : vector<10000x128xf32> to vector<10000x64xf32>
    %slice3A_60 = vector.extract_strided_slice %max3A_58 {offsets = [0, 64], sizes = [10000, 64], strides = [1, 1]} : vector<10000x128xf32> to vector<10000x64xf32>
    %concatenate3A_61 = tpu.concatenate %slice3A_59, %slice3A_60 in 0 : vector<10000x64xf32>, vector<10000x64xf32> -> vector<20000x64xf32>
    %swap3A = arith.constant 0 : index
    %swap3A_62 = arith.constant 0 : index
    %swap3A_63 = vector.load %arg8[%swap3A, %swap3A_62] : memref<20000x64xf32, #tpu.memory_space<vmem>>, vector<20000x64xf32>
    tpu.vector_store %arg8[%swap3A, %swap3A_62], %concatenate3A_61 {strides = array<i32>} : memref<20000x64xf32, #tpu.memory_space<vmem>>, vector<20000x64xf32>,
    return
  }
}

module attributes {stable_mosaic.version = 14 : i64} {
  func.func @_mlp_final_body(%arg0: memref<20000x64xf32, #tpu.memory_space<vmem>>, %arg1: memref<10000x128xf32, #tpu.memory_space<vmem>>, %arg2: memref<128x128xf32, #tpu.memory_space<vmem>>, %arg3: memref<1x128xf32, #tpu.memory_space<vmem>>, %arg4: memref<128x128xf32, #tpu.memory_space<vmem>>, %arg5: memref<1x128xf32, #tpu.memory_space<vmem>>, %arg6: memref<10000x128xf32, #tpu.memory_space<vmem>>) attributes {dimension_semantics = [], scalar_prefetch = 0 : i64, scratch_operands = 0 : i64, tpu.core_type = #tpu.core_type<tc>} {
    %get3A = arith.constant 0 : index
    %get3A_0 = arith.constant 0 : index
    %get3A_1 = vector.load %arg0[%get3A, %get3A_0] : memref<20000x64xf32, #tpu.memory_space<vmem>>, vector<20000x64xf32>
    %slice3A = vector.extract_strided_slice %get3A_1 {offsets = [0, 0], sizes = [10000, 64], strides = [1, 1]} : vector<20000x64xf32> to vector<10000x64xf32>
    %slice3A_2 = vector.extract_strided_slice %get3A_1 {offsets = [10000, 0], sizes = [10000, 64], strides = [1, 1]} : vector<20000x64xf32> to vector<10000x64xf32>
    %concatenate3A = tpu.concatenate %slice3A, %slice3A_2 in 1 : vector<10000x64xf32>, vector<10000x64xf32> -> vector<10000x128xf32>
    %mul3A = arith.constant 1.000000e+00 : f32
    %mul3A_3 = vector.broadcast %mul3A : f32 to vector<10000x128xf32>
    %mul3A_4 = arith.mulf %concatenate3A, %mul3A_3 : vector<10000x128xf32>
    %get3A_5 = arith.constant 0 : index
    %get3A_6 = arith.constant 0 : index
    %get3A_7 = vector.load %arg1[%get3A_5, %get3A_6] : memref<10000x128xf32, #tpu.memory_space<vmem>>, vector<10000x128xf32>
    %add3A = arith.addf %mul3A_4, %get3A_7 : vector<10000x128xf32>
    %get3A_8 = arith.constant 0 : index
    %get3A_9 = arith.constant 0 : index
    %get3A_10 = vector.load %arg2[%get3A_8, %get3A_9] : memref<128x128xf32, #tpu.memory_space<vmem>>, vector<128x128xf32>
    %dot_general3A = arith.constant dense<0.000000e+00> : vector<10000x128xf32>
    %dot_general3A_11 = tpu.matmul %add3A, %get3A_10, %dot_general3A {dimension_numbers = #tpu.dot_dimension_numbers<[1], [0], [0], [1], [0, 0, 1, 1], [], []>, transpose_lhs_hint = false} : vector<10000x128xf32>, vector<128x128xf32>, vector<10000x128xf32> -> vector<10000x128xf32>
    %get3A_12 = arith.constant 0 : index
    %get3A_13 = arith.constant 0 : index
    %get3A_14 = vector.load %arg3[%get3A_12, %get3A_13] : memref<1x128xf32, #tpu.memory_space<vmem>>, vector<1x128xf32>
    %add3A_15 = vector.broadcast %get3A_14 : vector<1x128xf32> to vector<10000x128xf32>
    %add3A_16 = arith.addf %dot_general3A_11, %add3A_15 : vector<10000x128xf32>
    %max3A = arith.constant 0.000000e+00 : f32
    %max3A_17 = vector.broadcast %max3A : f32 to vector<10000x128xf32>
    %max3A_18 = arith.maximumf %add3A_16, %max3A_17 : vector<10000x128xf32>
    %get3A_19 = arith.constant 0 : index
    %get3A_20 = arith.constant 0 : index
    %get3A_21 = vector.load %arg4[%get3A_19, %get3A_20] : memref<128x128xf32, #tpu.memory_space<vmem>>, vector<128x128xf32>
    %dot_general3A_22 = arith.constant dense<0.000000e+00> : vector<10000x128xf32>
    %dot_general3A_23 = tpu.matmul %max3A_18, %get3A_21, %dot_general3A_22 {dimension_numbers = #tpu.dot_dimension_numbers<[1], [0], [0], [1], [0, 0, 1, 1], [], []>, transpose_lhs_hint = false} : vector<10000x128xf32>, vector<128x128xf32>, vector<10000x128xf32> -> vector<10000x128xf32>
    %get3A_24 = arith.constant 0 : index
    %get3A_25 = arith.constant 0 : index
    %get3A_26 = vector.load %arg5[%get3A_24, %get3A_25] : memref<1x128xf32, #tpu.memory_space<vmem>>, vector<1x128xf32>
    %add3A_27 = vector.broadcast %get3A_26 : vector<1x128xf32> to vector<10000x128xf32>
    %add3A_28 = arith.addf %dot_general3A_23, %add3A_27 : vector<10000x128xf32>
    %swap3A = arith.constant 0 : index
    %swap3A_29 = arith.constant 0 : index
    %swap3A_30 = vector.load %arg6[%swap3A, %swap3A_29] : memref<10000x128xf32, #tpu.memory_space<vmem>>, vector<10000x128xf32>
    tpu.vector_store %arg6[%swap3A, %swap3A_29], %add3A_28 {strides = array<i32>} : memref<10000x128xf32, #tpu.memory_space<vmem>>, vector<10000x128xf32>,
    return
  }
}

</mosaic_0001>

<sc_bundles>
// kernel: kernel.12.cloned.1.call-start
scs
__scs_entry_jumppad:
0x0: {  	(pc) =	sbr.rel $0x88, $3  }
0x1: {  	(tag) =	ssettag $0x0;
	lr =	simm.s32 $0x1  }
0x2: {  	[smem:$0x3F83] =	sst lr;
	_ =	strace $0xD0000000  }
0x3: {  	_ = 	snop  }
0x4: {  	_ = 	snop  }
0x5: {  	_ = 	snop  }
0x6: {  	_ = 	snop  }
0x7: {  	_ = 	snop  }
__scs_overlays_trampoline_lowered:
0x8: {  	[smem:$0x3F92] =	sst s0  }
0x9: {  	[smem:$0x3F93] =	sst s1  }
0xa: {  	[smem:$0x3F94] =	sst s2  }
0xb: {  	[smem:$0x3F95] =	sst s3  }
0xc: {  	[smem:$0x3F96] =	sst s4  }
0xd: {  	[smem:$0x3F97] =	sst s5  }
0xe: {  	[smem:$0x3F98] =	sst s6  }
0xf: {  	[smem:$0x3F99] =	sst s7  }
0x10: {  	[smem:$0x3F9A] =	sst s8  }
0x11: {  	[smem:$0x3F9B] =	sst s9;
	s0 =	simm.s32 @!p0 $0x0  }
0x12: {  	s1 =	sld [smem:$0x3F81];
	s0 =	simm.s32 @p0 $0x1  }
0x13: {  	[smem:$0x3F9C] =	sst s0;
	s0 =	simm.s32 @!p1 $0x0  }
0x14: {  	s2 =	sld [smem:$0x3F80];
	s0 =	simm.s32 @p1 $0x1  }
0x15: {  	[smem:$0x3F9D] =	sst s0;
	s0 =	simm.s32 @!p2 $0x0  }
0x16: {  	s3 =	sld [smem:$0x3FDB];
	s0 =	simm.s32 @p2 $0x1  }
0x17: {  	s4 =	simm.s32 $0x1BF5;
	[smem:$0x3F9F] =	sst s0  }
0x18: {  	s0 =	sld [smem:$0x3F82];
	_ =	swait.ge [sflag:s4], $0x0  }
0x19: {  	s7 =	sld [smem:$0x3F83]  }
0x1a: {  	s8 =	sadd.s32 $0xFFFFE003, lr  }
0x1b: {  	s9 =	sadd.s32 $0xFFFFFEF7, lr;
	s5 =	simm.s32 $0xFFFFFFFF;
	p2 =	slt.u32 s8, $0xFFFFF086  }
0x1c: {  	p1 =	slt.u32 s9, $0xF7A;
	s5 =	simm.s32 @!p2 $0x0  }
0x1d: {  	s5 =	simm.s32 @p1 $0x1;
	p0 =	seq.s32 s7, s2  }
0x1e: {  	s7 =	smul.u32 @!p0 $0xF7A, s2;
	p2 =	seq.s32 @!p0 s5, $0x0  }
0x1f: {  	s9 =	smul.u32 $0xF7A, s1;
	s8 =	simm.s32 @!p0 $0x1BF5;
	p2 =	por !p2, p0  }
0x20: {  	[sflag:s8] =	ssyncset.s32 @!p0 $0xFFFFF086;
	s6 =	sadd.s32 @!p0 s3, s7;
	s7 =	simm.s32 @!p0 $0x108  }
0x21: {  	s3 =	sadd.s32 s3, s9;
	s6 =	sadd.s32 @!p0 $0x88, s6;
	s7 =	simm.s32 @p2 $0x1082  }
0x22: {  	[simem:s7], [sflag:s8] =	dma.local @!p0 [hbm:s6], $0xF7A  }
0x23: {  	s9 =	sor.u32 $0xD0000000, s2;
	s6 =	simm.s32 $0x108;
	_ =	swait.ge @!p0 [sflag:s8], $0x0  }
0x24: {  	s3 =	sadd.s32 $0x88, s3;
	s6 =	simm.s32 @!p1 $0x1082;
	[sflag:s4] =	ssyncset.s32 $0xFFFFF086  }
0x25: {  	[simem:s6], [sflag:s4] =	dma.local [hbm:s3], $0xF7A  }
0x26: {  	[smem:$0x3F83] =	sst s1;
	(tag) =	ssettag s2;
	_ =	strace s9  }
0x27: {  	s1 =	sld [smem:$0x3F93]  }
0x28: {  	s2 =	sld [smem:$0x3F94]  }
0x29: {  	s4 =	sld [smem:$0x3F96]  }
0x2a: {  	p0 =	seq.s32 s5, $0x0;
	s5 =	sld [smem:$0x3F97]  }
0x2b: {  	s6 =	sld [smem:$0x3F98]  }
0x2c: {  	s7 =	sld [smem:$0x3F99]  }
0x2d: {  	s3 =	simm.s32 $0x108;
	s8 =	sld [smem:$0x3F9A]  }
0x2e: {  	s3 =	simm.s32 @!p0 $0x1082;
	s9 =	sld [smem:$0x3F9B]  }
0x2f: {  	lr =	sadd.s32 s0, s3;
	s0 =	sld [smem:$0x3F92]  }
0x30: {  	s3 =	sld [smem:$0x3F95]  }
0x31: {  	[smem:$0x3F9E] =	sst s10  }
0x32: {  	s10 =	sld [smem:$0x3F9C];
	_ =	sdelay $0x3  }
0x33: {  	p0 =	seq.s32 s10, $0x1;
	s10 =	sld [smem:$0x3F9E];
	_ =	sdelay $0x3  }
0x34: {  	[smem:$0x3F9E] =	sst s10  }
0x35: {  	s10 =	sld [smem:$0x3F9D];
	_ =	sdelay $0x3  }
0x36: {  	p1 =	seq.s32 s10, $0x1;
	s10 =	sld [smem:$0x3F9E];
	_ =	sdelay $0x3  }
0x37: {  	[smem:$0x3F9E] =	sst s10  }
0x38: {  	s10 =	sld [smem:$0x3F9F]  }
0x39: {  	_ = 	snop;
	(pc) =	sbr.ind lr, $3  }
0x3a: {  	_ = 	snop  }
0x3b: {  	_ = 	snop  }
0x3c: {  	p2 =	seq.s32 s10, $0x1;
	s10 =	sld [smem:$0x3F9E]  }
0x3d: {  	_ =	shalt  }
0x3e: {  	_ =	shalt  }
0x3f: {  	_ =	shalt  }
0x40: {  	_ =	shalt  }
0x41: {  	_ =	shalt  }
0x42: {  	_ =	shalt  }
0x43: {  	_ =	shalt  }
0x44: {  	_ =	shalt  }
0x45: {  	_ =	shalt  }
0x46: {  	_ =	shalt  }
0x47: {  	_ =	shalt  }
0x48: {  	_ =	shalt  }
0x49: {  	_ =	shalt  }
0x4a: {  	_ =	shalt  }
0x4b: {  	_ =	shalt  }
0x4c: {  	_ =	shalt  }
0x4d: {  	_ =	shalt  }
0x4e: {  	_ =	shalt  }
0x4f: {  	_ =	shalt  }
0x50: {  	_ =	shalt  }
0x51: {  	_ =	shalt  }
0x52: {  	_ =	shalt  }
0x53: {  	_ =	shalt  }
0x54: {  	_ =	shalt  }
0x55: {  	_ =	shalt  }
0x56: {  	_ =	shalt  }
0x57: {  	_ =	shalt  }
0x58: {  	_ =	shalt  }
0x59: {  	_ =	shalt  }
0x5a: {  	_ =	shalt  }
0x5b: {  	_ =	shalt  }
0x5c: {  	_ =	shalt  }
0x5d: {  	_ =	shalt  }
0x5e: {  	_ =	shalt  }
0x5f: {  	_ =	shalt  }
0x60: {  	_ =	shalt  }
0x61: {  	_ =	shalt  }
0x62: {  	_ =	shalt  }
0x63: {  	_ =	shalt  }
0x64: {  	_ =	shalt  }
0x65: {  	_ =	shalt  }
0x66: {  	_ =	shalt  }
0x67: {  	_ =	shalt  }
0x68: {  	_ =	shalt  }
0x69: {  	_ =	shalt  }
0x6a: {  	_ =	shalt  }
0x6b: {  	_ =	shalt  }
0x6c: {  	_ =	shalt  }
0x6d: {  	_ =	shalt  }
0x6e: {  	_ =	shalt  }
0x6f: {  	_ =	shalt  }
0x70: {  	_ =	shalt  }
0x71: {  	_ =	shalt  }
0x72: {  	_ =	shalt  }
0x73: {  	_ =	shalt  }
0x74: {  	_ =	shalt  }
0x75: {  	_ =	shalt  }
0x76: {  	_ =	shalt  }
0x77: {  	_ =	shalt  }
0x78: {  	_ =	shalt  }
0x79: {  	_ =	shalt  }
0x7a: {  	_ =	shalt  }
0x7b: {  	_ =	shalt  }
0x7c: {  	_ =	shalt  }
0x7d: {  	_ =	shalt  }
0x7e: {  	_ =	shalt  }
0x7f: {  	_ =	shalt  }
0x80: {  	_ =	shalt  }
0x81: {  	_ =	shalt  }
0x82: {  	_ =	shalt  }
0x83: {  	_ =	shalt  }
0x84: {  	_ =	shalt  }
0x85: {  	_ =	shalt  }
0x86: {  	_ =	shalt  }
0x87: {  	_ =	shalt  }
.Lfunc_end0:
.L_simem_size_0:
called_computation_lowered:
.L_overlay_start_0:
0x88: {  	s2 =	sld [smem:$0x3FD9]  }
0x89: {  	s3 =	sld [smem:$0x3FFE];
	_ =	sdelay $0x1  }
0x8a: {  	s1 =	srdreg.scid  }
0x8b: {  	s0 =	sand.u32 $0x1, s1  }
0x8c: {  	s17 =	sshll.u32 s0, $0xA;
	s2 =	sadd.s32 s3, s2  }
0x8d: {  	s2 =	sadd.s32 s2, s17  }
0x8e: {  	[smem:$0x3FAA] =	sst s2  }
0x8f: {  	_ = 	snop  }
0x90: {  	s2 =	sld [smem:$0x3FD0];
	(tm) =	ssettm $0x1  }
0x91: {  	s18 =	sld [smem:$0x3FFB];
	_ =	sdelay $0x3  }
0x92: {  	_ =	strace s18  }
0x93: {  	s3 =	sld [smem:$0x3FFC];
	_ =	sdelay $0x3  }
0x94: {  	_ =	strace s3  }
0x95: {  	s3 =	sld [smem:$0x3FFD];
	_ =	sdelay $0x3  }
0x96: {  	_ =	strace s3  }
0x97: {  	_ =	strace $0x8FFFFFFF  }
0x98: {  	s19 =	sld [smem:$0x3FDB];
	_ =	sdelay $0x1  }
0x99: {  	s4 =	simm.s32 $_scs_section_size  }
0x9a: {  	s5 =	simm.s32 $_size__tile_overlayer_lowered;
	s6 =	simm.s32 $_tile_overlayer_lowered  }
0x9b: {  	s22 =	simm.s32 $0x1BFF;
	s21 =	sshll.u32 s6, $0x1;
	s3 =	sadd.s32 s4, s19  }
0x9c: {  	s7 =	simm.s32 $0x0;
	s20 =	sshll.u32 s5, $0x1;
	s5 =	sadd.s32 s21, s3  }
0x9d: {  	[timem:s7], [sflag:s22] =	dma.local [hbm:s5], s20  }
0x9e: {  	_ =	swait.ge [sflag:s22], s20  }
0x9f: {  	s4 =	ssub.s32 $0x0, s20;
	[sflag:s22] =	ssyncset.done $0x0  }
0xa0: {  	[sflag:s22] =	ssyncadd.s32 s4;
	_ =	sdelay $0x1  }
0xa1: {  	s23 =	simm.s32 $0x1B8B  }
0xa2: {  	_ =	swait.ge [sflag:s23], $0x1  }
0xa3: {  	[sflag:s23] =	ssyncset.done $0x0  }
0xa4: {  	s25 =	simm.s32 $0x1B8E;
	s24 =	sld [smem:$0x3FFE];
	[sflag:s23] =	ssyncadd.s32 $0xFFFFFFFF  }
0xa5: {  	s26 =	simm.s32 $execute0_lowered;
	[smem:$0x3FD2] =	sst s25  }
0xa6: {  	s5 =	sshll.u32 s26, $0x1;
	_ =	strace $0x80000046;
	[dreg:$0x1] =	wrdreg $0xFFFFFFFF  }
0xa7: {  	s28 =	simm.s32 $_size_execute0_lowered;
	s3 =	sadd.s32 s3, s5;
	[dreg:$0x0] =	wrdreg $0x0  }
0xa8: {  	s5 =	sshll.u32 s28, $0x1;
	[dreg:$0x2] =	wrdreg s3  }
0xa9: {  	[dreg:$0x3] =	wrdreg s5  }
0xaa: {  	[dreg:$0x4] =	wrdreg $0xC0  }
0xab: {  	_ =	task [dreg:s7], $0x5FFFF  }
0xac: {  	[dreg:$0x1] =	wrdreg $0xFFFFFFFF  }
0xad: {  	[dreg:$0x0] =	wrdreg $0x60  }
0xae: {  	[dreg:$0x2] =	wrdreg s2  }
0xaf: {  	[dreg:$0x3] =	wrdreg s24  }
0xb0: {  	[dreg:$0x4] =	wrdreg $0x15C400  }
0xb1: {  	[dreg:$0x5] =	wrdreg $0x9  }
0xb2: {  	_ =	task.clear_ibuf [dreg:s7], $0x6FFFF;
	_ =	strace $0x90000046  }
0xb3: {  	s29 =	simm.s32 $0x9;
	_ =	strace $0x80000048  }
0xb4: {  	_ =	swait.ge [sflag:s29], $0x1  }
0xb5: {  	[sflag:s29] =	ssyncadd.s32 $0xFFFFFFFF  }
0xb6: {  	_ =	strace $0x90000048  }
0xb7: {  	_ =	sfence  }
0xb8: {  	s30 =	sld [smem:$0x0];
	_ =	sdelay $0x2  }
0xb9: {  	s31 =	sshll.u32 s1, $0xD;
	s1 =	sshrl.u32 s1, $0x2  }
0xba: {  	s3 =	sand.u32 $0x4000, s31;
	s1 =	sadd.s32 s1, s30  }
0xbb: {  	s0 =	sor.u32 s3, s0;
	s1 =	sshll.u32 s1, $0x11  }
0xbc: {  	s0 =	sor.u32 s1, s0  }
0xbd: {  	s0 =	sadd.s32 $0x8F2B, s0  }
0xbe: {  	[sflag:s0] =	ssyncadd.remote.s32 $0x1  }
0xbf: {  	_ =	sfence.sel $0xFFFF  }
0xc0: {  	[dreg:$0x0] =	wrdreg $0xFFFFFFFF;
	(pc) =	sbr.abs _section_cstart, $3  }
0xc1: {  	[dreg:$0x1] =	wrdreg $0xFFFFFFFF  }
0xc2: {  	_ =	task.clear_ibuf [dreg:s7], $0x2FFFF;
	_ =	strace $0x9FFFFFFF  }
0xc3: {  	(tm) =	ssettm $0x7FFFFFFF  }
tec
execute0_lowered:
.L_overlay_start_1:
0x0: {  	(tag) =	ssettag $0x1  }
0x1: {  	s1 =	srdreg.scid;
	s0 =	rddreg [dreg:$0x0]  }
0x2: {  	s13 =	stileid.u32;
	s9 =	rddreg [dreg:$0x1]  }
0x3: {  	s2 =	rddreg [dreg:$0x2];
	s3 =	simm.s32 $0x0;
	s17 =	simm.s32 $0x4E20  }
0x4: {  	s19 =	simm.s32 $0x2;
	s20 =	simm.s32 $0x80;
	s21 =	simm.s32 $0x9C40  }
0x5: {  	s29 =	simm.s32 $0xFC40;
	s31 =	simm.s32 $0x11C40;
	s4 =	smul.u32 $0x4E20, s13  }
0x6: {  	s30 =	simm.s32 $0x20;
	s28 =	simm.s32 $0x0;
	s10 =	smul.u32 $0x13800, s13  }
0x7: {  	s1 =	sand.u32 $0x1, s1;
	[smem:$0x7FF] =	sst s3;
	s8 =	smul.u32 $0x27000, s13  }
0x8: {  	s12 =	sadd.s32 $0x98C00, s9;
	s18 =	sadd.s32 $0x9C000, s2;
	p0 =	sne.s32 s13, $0x0  }
0x9: {  	s5 =	smul.u32 $0x4E200, s1;
	_ =	strace $0x80000047;
	s6 =	ssub.s32 $0x2, s1  }
0xa: {  	s16 =	sshll.u32 s1, $0x6;
	s1 =	sshll.u32 s1, $0x3;
	s18 =	sshrl.u32 @!p0 s18, $0x3  }
0xb: {  	s22 =	sshrl.u32 s10, $0x3;
	s24 =	sshrl.u32 s6, $0x1;
	s25 =	sshrl.u32 s8, $0x2  }
0xc: {  	s10 =	sor.u32 s16, s10;
	s1 =	sadd.s32 s1, s12;
	s16 =	simm.s32 $0x10  }
0xd: {  	s5 =	sadd.s32 s4, s5;
	s4 =	sshrl.u32 s4, $0x3;
	s23 =	sadd.s32 s22, s9  }
0xe: {  	s14 =	ssub.s32 s6, s24;
	s15 =	sadd.s32 s25, s2;
	s10 =	sshrl.u32 s10, $0x3  }
0xf: {  	s22 =	simm.s32 $0xBC40;
	s24 =	simm.s32 $0xDC40;
	s5 =	sshrl.u32 s5, $0x3  }
0x10: {  	s11 =	sadd.s32 s4, s9;
	s4 =	sadd.s32 $0x71A00, s23;
	s10 =	sadd.s32 s12, s10  }
0x11: {  	s12 =	smax.u32 s14, $0x1;
	s14 =	simm.s32 $0x1;
	s23 =	simm.s32 $0x13C40  }
0x12: {  	s7 =	sadd.s32 s5, s9;
	[dreg:$0x4] =	wrdreg s4;
	s5 =	sshll.u32 s13, $0x6  }
0x13: {  	s8 =	sadd.s32 $0x6000, s11;
	s9 =	sadd.s32 $0x98A00, s9;
	s11 =	sadd.s32 $0x27000, s1  }
0x14: {  	s13 =	sshrl.u32 s15, $0x3;
	s15 =	simm.s32 $0x8;
	s26 =	sor.u32 $0x1C01, s5  }
0x15: {  	s7 =	sadd.s32 $0xFE00, s7;
	[dreg:$0x5] =	wrdreg s26;
	s26 =	simm.s32 $0x3  }
.LBB2_1:
0x16: {  	s1 =	rddreg [dreg:$0x4]  }
0x17: {  	s4 =	rddreg [dreg:$0x5];
	s25 =	simm.s32 @!p0 $0x8  }
0x18: {  	[spmem:s13@s15], [sflag:s4] =	dma.strided [hbm:s1@s16], $0x1380, s14, $0x8   }
0x19: {  	[tilespmem:s3], [sflag:$0x2] =	stream.linear.gather [hbm4b:s7+s3], $0x4E20, $0x38;
	[tilespmem:$0x1F880] =	vst v63  }
0x1a: {  	s6 =	simm.s32 @!p0 $0x1C03;
	s1 =	simm.s32 @!p0 $0x1;
	s4 =	simm.s32 @!p0 $0x10  }
0x1b: {  	[tilespmem:s17], [sflag:$0x2] =	stream.linear.gather [hbm4b:s8+s3], $0x4E20, $0x38;
	[tilespmem:$0x1F880] =	vst v63  }
0x1c: {  	[spmem:s18@s25], [sflag:s6] =	dma.strided @!p0 [hbm:s9@s4], $0x80, s1, $0x8   }
0x1d: {  	s1 =	simm.s32 @!p0 $0x3  }
0x1e: {  	_ =	swait.ge @!p0 [sflag:s1], $0x80  }
0x1f: {  	[sflag:s1] =	ssyncset.done @!p0 $0x0  }
0x20: {  	[sflag:s1] =	ssyncadd.s32 @!p0 $0xFFFFFF80  }
0x21: {  	_ =	swait.ge [sflag:s14], $0x1380  }
0x22: {  	[sflag:s14] =	ssyncset.done $0x0  }
0x23: {  	[sflag:s14] =	ssyncadd.s32 $0xFFFFEC80  }
0x24: {  	_ =	swait.ge [sflag:s19], $0x4E20  }
0x25: {  	[sflag:s19] =	ssyncset.done $0x0  }
0x26: {  	[sflag:s19] =	ssyncadd.s32 $0xFFFFB1E0  }
0x27: {  	_ =	swait.ge [sflag:s19], $0x4E20  }
0x28: {  	[sflag:s19] =	ssyncset.done $0x0  }
0x29: {  	[sflag:s19] =	ssyncadd.s32 $0xFFFFB1E0  }
0x2a: {  	[bflag:$0x0] =	sbarrier.arrive $0xFFFF  }
0x2b: {  	[tilespmem:s21], [sflag:$0x1] =	stream.indirect.gather [hbm4b:s0+s20], $0x40, s3, s20, $0xb8;
	[tilespmem:$0x1F880] =	vst v63  }
0x2c: {  	_ = 	snop  }
0x2d: {  	[tilespmem:s22], [sflag:$0x1] =	stream.indirect.gather [hbm4b:s0+s20], $0x40, s20, s20, $0xb8;
	[tilespmem:$0x1F880] =	vst v63  }
0x2e: {  	s6 =	simm.s32 $0x100  }
0x2f: {  	[tilespmem:s24], [sflag:$0x1] =	stream.indirect.gather [hbm4b:s0+s20], $0x40, s6, s20, $0xb8;
	[tilespmem:$0x1F880] =	vst v63  }
0x30: {  	_ =	swait.ge [sflag:s14], $0x2000  }
0x31: {  	[sflag:s14] =	ssyncset.done $0x0  }
0x32: {  	[sflag:s14] =	ssyncadd.s32 $0xFFFFE000  }
0x33: {  	_ =	swait.ge [sflag:s14], $0x2000  }
0x34: {  	[sflag:s14] =	ssyncset.done $0x0  }
0x35: {  	[sflag:s14] =	ssyncadd.s32 $0xFFFFE000  }
0x36: {  	_ =	swait.ge [sflag:s14], $0x2000  }
0x37: {  	[sflag:s14] =	ssyncset.done $0x0  }
0x38: {  	[sflag:s14] =	ssyncadd.s32 $0xFFFFE000  }
0x39: {  	[spmem:s2] =	stream.indirect.scatter.add.f32 [tilespmem:s21], [sflag:$0x2], $0x40, s17, s20, $0xb8;
	[tilespmem:$0x1F880] =	vst v63  }
0x3a: {  	s25 =	simm.s32 $0x4EA0  }
0x3b: {  	[spmem:s2] =	stream.indirect.scatter.add.f32 [tilespmem:s22], [sflag:$0x2], $0x40, s25, s20, $0xb8;
	[tilespmem:$0x1F880] =	vst v63  }
0x3c: {  	s4 =	simm.s32 $0x4F20  }
0x3d: {  	[spmem:s2] =	stream.indirect.scatter.add.f32 [tilespmem:s24], [sflag:$0x2], $0x40, s4, s20, $0xb8;
	[tilespmem:$0x1F880] =	vst v63  }
0x3e: {  	s6 =	simm.s32 $0x180  }
0x3f: {  	[tilespmem:s29], [sflag:$0x1] =	stream.indirect.gather [hbm4b:s0+s20], $0x40, s6, s20, $0xb8;
	[tilespmem:$0x1F880] =	vst v63  }
0x40: {  	s25 =	simm.s32 $0x200  }
0x41: {  	[tilespmem:s31], [sflag:$0x1] =	stream.indirect.gather [hbm4b:s0+s20], $0x40, s25, s20, $0xb8;
	[tilespmem:$0x1F880] =	vst v63  }
0x42: {  	s4 =	simm.s32 $0x280  }
0x43: {  	[tilespmem:s23], [sflag:$0x1] =	stream.indirect.gather [hbm4b:s0+s20], $0x40, s4, s20, $0xb8;
	[tilespmem:$0x1F880] =	vst v63  }
0x44: {  	_ =	swait.ge [sflag:s14], $0x2000  }
0x45: {  	[sflag:s14] =	ssyncset.done $0x0  }
0x46: {  	[sflag:s14] =	ssyncadd.s32 $0xFFFFE000  }
0x47: {  	_ =	swait.ge [sflag:s14], $0x2000  }
0x48: {  	[sflag:s14] =	ssyncset.done $0x0  }
0x49: {  	[sflag:s14] =	ssyncadd.s32 $0xFFFFE000  }
0x4a: {  	_ =	swait.ge [sflag:s14], $0x2000  }
0x4b: {  	[sflag:s14] =	ssyncset.done $0x0  }
0x4c: {  	s6 =	simm.s32 $0x4FA0;
	[sflag:s14] =	ssyncadd.s32 $0xFFFFE000  }
0x4d: {  	[spmem:s2] =	stream.indirect.scatter.add.f32 [tilespmem:s29], [sflag:$0x2], $0x40, s6, s20, $0xb8;
	[tilespmem:$0x1F880] =	vst v63  }
0x4e: {  	s25 =	simm.s32 $0x5020  }
0x4f: {  	[spmem:s2] =	stream.indirect.scatter.add.f32 [tilespmem:s31], [sflag:$0x2], $0x40, s25, s20, $0xb8;
	[tilespmem:$0x1F880] =	vst v63  }
0x50: {  	s4 =	simm.s32 $0x50A0  }
0x51: {  	[spmem:s2] =	stream.indirect.scatter.add.f32 [tilespmem:s23], [sflag:$0x2], $0x40, s4, s20, $0xb8;
	[tilespmem:$0x1F880] =	vst v63  }
0x52: {  	_ =	swait.ge [sflag:s19], $0x2000  }
0x53: {  	[sflag:s19] =	ssyncset.done $0x0  }
0x54: {  	[sflag:s19] =	ssyncadd.s32 $0xFFFFE000  }
0x55: {  	_ =	swait.ge [sflag:s19], $0x2000  }
0x56: {  	[sflag:s19] =	ssyncset.done $0x0  }
0x57: {  	[sflag:s19] =	ssyncadd.s32 $0xFFFFE000  }
0x58: {  	_ =	swait.ge [sflag:s19], $0x2000  }
0x59: {  	[sflag:s19] =	ssyncset.done $0x0  }
0x5a: {  	s6 =	simm.s32 $0x300;
	[sflag:s19] =	ssyncadd.s32 $0xFFFFE000  }
0x5b: {  	[tilespmem:s21], [sflag:$0x1] =	stream.indirect.gather [hbm4b:s0+s20], $0x40, s6, s20, $0xb8;
	[tilespmem:$0x1F880] =	vst v63  }
0x5c: {  	s25 =	simm.s32 $0x380  }
0x5d: {  	[tilespmem:s22], [sflag:$0x1] =	stream.indirect.gather [hbm4b:s0+s20], $0x40, s25, s20, $0xb8;
	[tilespmem:$0x1F880] =	vst v63  }
0x5e: {  	s4 =	simm.s32 $0x400  }
0x5f: {  	[tilespmem:s24], [sflag:$0x1] =	stream.indirect.gather [hbm4b:s0+s20], $0x40, s4, s20, $0xb8;
	[tilespmem:$0x1F880] =	vst v63  }
0x60: {  	_ =	swait.ge [sflag:s14], $0x2000  }
0x61: {  	[sflag:s14] =	ssyncset.done $0x0  }
0x62: {  	[sflag:s14] =	ssyncadd.s32 $0xFFFFE000  }
0x63: {  	_ =	swait.ge [sflag:s14], $0x2000  }
0x64: {  	[sflag:s14] =	ssyncset.done $0x0  }
0x65: {  	[sflag:s14] =	ssyncadd.s32 $0xFFFFE000  }
0x66: {  	_ =	swait.ge [sflag:s14], $0x2000  }
0x67: {  	[sflag:s14] =	ssyncset.done $0x0  }
0x68: {  	[sflag:s14] =	ssyncadd.s32 $0xFFFFE000  }
0x69: {  	_ =	swait.ge [sflag:s19], $0x2000  }
0x6a: {  	[sflag:s19] =	ssyncset.done $0x0  }
0x6b: {  	[sflag:s19] =	ssyncadd.s32 $0xFFFFE000  }
0x6c: {  	_ =	swait.ge [sflag:s19], $0x2000  }
0x6d: {  	[sflag:s19] =	ssyncset.done $0x0  }
0x6e: {  	[sflag:s19] =	ssyncadd.s32 $0xFFFFE000  }
0x6f: {  	_ =	swait.ge [sflag:s19], $0x2000  }
0x70: {  	[sflag:s19] =	ssyncset.done $0x0  }
0x71: {  	s6 =	simm.s32 $0x5120;
	[sflag:s19] =	ssyncadd.s32 $0xFFFFE000  }
0x72: {  	[spmem:s2] =	stream.indirect.scatter.add.f32 [tilespmem:s21], [sflag:$0x2], $0x40, s6, s20, $0xb8;
	[tilespmem:$0x1F880] =	vst v63  }
0x73: {  	s25 =	simm.s32 $0x51A0  }
0x74: {  	[spmem:s2] =	stream.indirect.scatter.add.f32 [tilespmem:s22], [sflag:$0x2], $0x40, s25, s20, $0xb8;
	[tilespmem:$0x1F880] =	vst v63  }
0x75: {  	s4 =	simm.s32 $0x5220  }
0x76: {  	[spmem:s2] =	stream.indirect.scatter.add.f32 [tilespmem:s24], [sflag:$0x2], $0x40, s4, s20, $0xb8;
	[tilespmem:$0x1F880] =	vst v63  }
0x77: {  	s6 =	simm.s32 $0x480  }
0x78: {  	[tilespmem:s29], [sflag:$0x1] =	stream.indirect.gather [hbm4b:s0+s20], $0x40, s6, s20, $0xb8;
	[tilespmem:$0x1F880] =	vst v63  }
0x79: {  	s25 =	simm.s32 $0x500  }
0x7a: {  	[tilespmem:s31], [sflag:$0x1] =	stream.indirect.gather [hbm4b:s0+s20], $0x40, s25, s20, $0xb8;
	[tilespmem:$0x1F880] =	vst v63  }
0x7b: {  	s4 =	simm.s32 $0x580  }
0x7c: {  	[tilespmem:s23], [sflag:$0x1] =	stream.indirect.gather [hbm4b:s0+s20], $0x40, s4, s20, $0xb8;
	[tilespmem:$0x1F880] =	vst v63  }
0x7d: {  	_ =	swait.ge [sflag:s14], $0x2000  }
0x7e: {  	[sflag:s14] =	ssyncset.done $0x0  }
0x7f: {  	[sflag:s14] =	ssyncadd.s32 $0xFFFFE000  }
0x80: {  	_ =	swait.ge [sflag:s14], $0x2000  }
0x81: {  	[sflag:s14] =	ssyncset.done $0x0  }
0x82: {  	[sflag:s14] =	ssyncadd.s32 $0xFFFFE000  }
0x83: {  	_ =	swait.ge [sflag:s14], $0x2000  }
0x84: {  	[sflag:s14] =	ssyncset.done $0x0  }
0x85: {  	s6 =	simm.s32 $0x52A0;
	[sflag:s14] =	ssyncadd.s32 $0xFFFFE000  }
0x86: {  	[spmem:s2] =	stream.indirect.scatter.add.f32 [tilespmem:s29], [sflag:$0x2], $0x40, s6, s20, $0xb8;
	[tilespmem:$0x1F880] =	vst v63  }
0x87: {  	s25 =	simm.s32 $0x5320  }
0x88: {  	[spmem:s2] =	stream.indirect.scatter.add.f32 [tilespmem:s31], [sflag:$0x2], $0x40, s25, s20, $0xb8;
	[tilespmem:$0x1F880] =	vst v63  }
0x89: {  	s1 =	simm.s32 $0xC00;
	s25 =	simm.s32 $0x53A0  }
.LBB2_2:
0x8a: {  	[spmem:s2] =	stream.indirect.scatter.add.f32 [tilespmem:s23], [sflag:$0x2], $0x40, s25, s20, $0xb8;
	[tilespmem:$0x1F880] =	vst v63  }
0x8b: {  	s4 =	smov.u32 s1  }
0x8c: {  	p1 =	sne.s32 s1, $0x12000;
	s1 =	sadd.s32 $0xC00, s1;
	_ =	swait.ge [sflag:s19], $0x2000  }
0x8d: {  	[sflag:s19] =	ssyncset.done $0x0  }
0x8e: {  	[sflag:s19] =	ssyncadd.s32 $0xFFFFE000  }
0x8f: {  	_ =	swait.ge [sflag:s19], $0x2000  }
0x90: {  	[sflag:s19] =	ssyncset.done $0x0  }
0x91: {  	[sflag:s19] =	ssyncadd.s32 $0xFFFFE000  }
0x92: {  	_ =	swait.ge [sflag:s19], $0x2000  }
0x93: {  	s25 =	sshra.s32 s4, $0x2;
	[sflag:s19] =	ssyncset.done $0x0  }
0x94: {  	s4 =	sadd.s32 $0x300, s25;
	[sflag:s19] =	ssyncadd.s32 $0xFFFFE000  }
0x95: {  	[tilespmem:s21], [sflag:$0x1] =	stream.indirect.gather [hbm4b:s0+s20], $0x40, s4, s20, $0xb8;
	[tilespmem:$0x1F880] =	vst v63  }
0x96: {  	s4 =	sadd.s32 $0x380, s25  }
0x97: {  	[tilespmem:s22], [sflag:$0x1] =	stream.indirect.gather [hbm4b:s0+s20], $0x40, s4, s20, $0xb8;
	[tilespmem:$0x1F880] =	vst v63  }
0x98: {  	s4 =	sadd.s32 $0x400, s25  }
0x99: {  	[tilespmem:s24], [sflag:$0x1] =	stream.indirect.gather [hbm4b:s0+s20], $0x40, s4, s20, $0xb8;
	[tilespmem:$0x1F880] =	vst v63  }
0x9a: {  	_ =	swait.ge [sflag:s14], $0x2000  }
0x9b: {  	[sflag:s14] =	ssyncset.done $0x0  }
0x9c: {  	[sflag:s14] =	ssyncadd.s32 $0xFFFFE000  }
0x9d: {  	_ =	swait.ge [sflag:s14], $0x2000  }
0x9e: {  	[sflag:s14] =	ssyncset.done $0x0  }
0x9f: {  	[sflag:s14] =	ssyncadd.s32 $0xFFFFE000  }
0xa0: {  	_ =	swait.ge [sflag:s14], $0x2000  }
0xa1: {  	[sflag:s14] =	ssyncset.done $0x0  }
0xa2: {  	[sflag:s14] =	ssyncadd.s32 $0xFFFFE000  }
0xa3: {  	_ =	swait.ge [sflag:s19], $0x2000  }
0xa4: {  	[sflag:s19] =	ssyncset.done $0x0  }
0xa5: {  	[sflag:s19] =	ssyncadd.s32 $0xFFFFE000  }
0xa6: {  	_ =	swait.ge [sflag:s19], $0x2000  }
0xa7: {  	[sflag:s19] =	ssyncset.done $0x0  }
0xa8: {  	[sflag:s19] =	ssyncadd.s32 $0xFFFFE000  }
0xa9: {  	_ =	swait.ge [sflag:s19], $0x2000  }
0xaa: {  	[sflag:s19] =	ssyncset.done $0x0  }
0xab: {  	s4 =	sadd.s32 $0x5120, s25;
	[sflag:s19] =	ssyncadd.s32 $0xFFFFE000  }
0xac: {  	[spmem:s2] =	stream.indirect.scatter.add.f32 [tilespmem:s21], [sflag:$0x2], $0x40, s4, s20, $0xb8;
	[tilespmem:$0x1F880] =	vst v63  }
0xad: {  	s4 =	sadd.s32 $0x51A0, s25  }
0xae: {  	[spmem:s2] =	stream.indirect.scatter.add.f32 [tilespmem:s22], [sflag:$0x2], $0x40, s4, s20, $0xb8;
	[tilespmem:$0x1F880] =	vst v63  }
0xaf: {  	s4 =	sadd.s32 $0x5220, s25  }
0xb0: {  	[spmem:s2] =	stream.indirect.scatter.add.f32 [tilespmem:s24], [sflag:$0x2], $0x40, s4, s20, $0xb8;
	[tilespmem:$0x1F880] =	vst v63  }
0xb1: {  	s4 =	sadd.s32 $0x480, s25  }
0xb2: {  	[tilespmem:s29], [sflag:$0x1] =	stream.indirect.gather [hbm4b:s0+s20], $0x40, s4, s20, $0xb8;
	[tilespmem:$0x1F880] =	vst v63  }
0xb3: {  	s4 =	sadd.s32 $0x500, s25  }
0xb4: {  	[tilespmem:s31], [sflag:$0x1] =	stream.indirect.gather [hbm4b:s0+s20], $0x40, s4, s20, $0xb8;
	[tilespmem:$0x1F880] =	vst v63  }
0xb5: {  	s4 =	sadd.s32 $0x580, s25  }
0xb6: {  	[tilespmem:s23], [sflag:$0x1] =	stream.indirect.gather [hbm4b:s0+s20], $0x40, s4, s20, $0xb8;
	[tilespmem:$0x1F880] =	vst v63  }
0xb7: {  	_ =	swait.ge [sflag:s14], $0x2000  }
0xb8: {  	[sflag:s14] =	ssyncset.done $0x0  }
0xb9: {  	[sflag:s14] =	ssyncadd.s32 $0xFFFFE000  }
0xba: {  	_ =	swait.ge [sflag:s14], $0x2000  }
0xbb: {  	[sflag:s14] =	ssyncset.done $0x0  }
0xbc: {  	[sflag:s14] =	ssyncadd.s32 $0xFFFFE000  }
0xbd: {  	_ =	swait.ge [sflag:s14], $0x2000  }
0xbe: {  	[sflag:s14] =	ssyncset.done $0x0  }
.Ltmp0:
0xbf: {  	s4 =	sadd.s32 $0x52A0, s25;
	[sflag:s14] =	ssyncadd.s32 $0xFFFFE000;
	(pc) =	sbr.rel @p1 .LBB2_2-.Ltmp0, $4  }
0xc0: {  	[spmem:s2] =	stream.indirect.scatter.add.f32 [tilespmem:s29], [sflag:$0x2], $0x40, s4, s20, $0xb8;
	[tilespmem:$0x1F880] =	vst v63  }
0xc1: {  	s4 =	sadd.s32 $0x5320, s25  }
0xc2: {  	[spmem:s2] =	stream.indirect.scatter.add.f32 [tilespmem:s31], [sflag:$0x2], $0x40, s4, s20, $0xb8;
	[tilespmem:$0x1F880] =	vst v63  }
0xc3: {  	s25 =	sadd.s32 $0x53A0, s25  }
0xc4: {  	[spmem:s2] =	stream.indirect.scatter.add.f32 [tilespmem:s23], [sflag:$0x2], $0x40, s25, s20, $0xb8;
	[tilespmem:$0x1F880] =	vst v63  }
0xc5: {  	_ =	swait.ge [sflag:s19], $0x2000  }
0xc6: {  	[sflag:s19] =	ssyncset.done $0x0  }
0xc7: {  	[sflag:s19] =	ssyncadd.s32 $0xFFFFE000  }
0xc8: {  	_ =	swait.ge [sflag:s19], $0x2000  }
0xc9: {  	[sflag:s19] =	ssyncset.done $0x0  }
0xca: {  	[sflag:s19] =	ssyncadd.s32 $0xFFFFE000  }
0xcb: {  	_ =	swait.ge [sflag:s19], $0x2000  }
0xcc: {  	[sflag:s19] =	ssyncset.done $0x0  }
0xcd: {  	[sflag:s19] =	ssyncadd.s32 $0xFFFFE000  }
0xce: {  	_ =	swait.ge [sflag:s19], $0x2000  }
0xcf: {  	[sflag:s19] =	ssyncset.done $0x0  }
0xd0: {  	[sflag:s19] =	ssyncadd.s32 $0xFFFFE000  }
0xd1: {  	_ =	swait.ge [sflag:s19], $0x2000  }
0xd2: {  	[sflag:s19] =	ssyncset.done $0x0  }
0xd3: {  	[sflag:s19] =	ssyncadd.s32 $0xFFFFE000  }
0xd4: {  	_ =	swait.ge [sflag:s19], $0x2000  }
0xd5: {  	[sflag:s19] =	ssyncset.done $0x0  }
0xd6: {  	s1 =	simm.s32 $0x4E00;
	[sflag:s19] =	ssyncadd.s32 $0xFFFFE000  }
0xd7: {  	[tilespmem:s21], [sflag:$0x1] =	stream.indirect.gather [hbm4b:s0+s30], $0x40, s1, s30, $0xb8;
	[tilespmem:$0x1F880] =	vst v63  }
0xd8: {  	_ =	swait.ge [sflag:s14], $0x800  }
0xd9: {  	[sflag:s14] =	ssyncset.done $0x0  }
0xda: {  	s25 =	simm.s32 $0x9C20;
	[sflag:s14] =	ssyncadd.s32 $0xFFFFF800  }
0xdb: {  	[spmem:s2] =	stream.indirect.scatter.add.f32 [tilespmem:s21], [sflag:$0x2], $0x40, s25, s30, $0xb8;
	[tilespmem:$0x1F880] =	vst v63  }
0xdc: {  	_ =	swait.ge [sflag:s19], $0x800  }
0xdd: {  	[sflag:s19] =	ssyncset.done $0x0  }
0xde: {  	[sflag:s19] =	ssyncadd.s32 $0xFFFFF800  }
0xdf: {  	s1 =	sor.u32 $0x1C03, s5;
	[bflag:$0x0] =	sbarrier.arrive $0xFFFF  }
0xe0: {  	[hbm:s10@s16], [sflag:s1] =	dma.strided [spmem:s13@s15], $0x1380, s14, $0x8   }
0xe1: {  	s4 =	simm.s32 @!p0 $0x1;
	_ =	swait.ge [sflag:s26], $0x1380  }
0xe2: {  	s6 =	simm.s32 @!p0 $0x10;
	s28 =	sadd.s32 $0x1, s28;
	[sflag:s26] =	ssyncset.done $0x0  }
0xe3: {  	p1 =	sne.s32 s28, s12;
	s25 =	simm.s32 @!p0 $0x8;
	[sflag:s26] =	ssyncadd.s32 $0xFFFFEC80  }
0xe4: {  	[hbm:s11@s6], [sflag:s1] =	dma.strided @!p0 [spmem:s18@s25], $0x80, s4, $0x8   }
.Ltmp1:
0xe5: {  	_ = 	snop;
	(pc) =	sbr.rel @p1 .LBB2_1-.Ltmp1, $4  }
0xe6: {  	s1 =	simm.s32 @!p0 $0x3  }
0xe7: {  	_ =	swait.ge @!p0 [sflag:s1], $0x80  }
0xe8: {  	[sflag:s1] =	ssyncset.done @!p0 $0x0  }
0xe9: {  	[sflag:s1] =	ssyncadd.s32 @!p0 $0xFFFFFF80  }
0xea: {  	_ =	sfence.sel $0x180000  }
0xeb: {  	[bflag:$0x0] =	sbarrier.arrive $0xFFFF  }
0xec: {  	_ =	strace $0x90000047  }
0xed: {  	[bflag:$0x2] =	sbarrier.arrive $0xFFFF  }
0xee: {  	s0 =	rddreg [dreg:$0x3]  }
0xef: {  	s0 =	sadd.s32 @!p0 $0x100000, s0  }
0xf0: {  	[sflag:s0] =	ssyncadd.tile.s32 @!p0 $0x1;
	_ =	shalt  }
.Lfunc_end2:
_tile_overlayer_lowered:
.L_overlay_start_2:
0xf1: {  	(tag) =	ssettag $0x2  }
0xf2: {  	s0 =	rddreg [dreg:$0x0];
	s2 =	stileid.u32  }
0xf3: {  	s1 =	rddreg [dreg:$0x1];
	p0 =	sne.s32 s2, $0x0  }
0xf4: {  	s3 =	rddreg [dreg:$0x2];
	[bflag:$0x3] =	sbarrier.arrive $0xFFFF;
	s2 =	simm.s32 @!p0 $0x1C03  }
0xf5: {  	[timem:s3], [sflag:s2] =	dma.local @!p0 [hbm:s0], s1  }
0xf6: {  	s0 =	simm.s32 @!p0 $0x3  }
0xf7: {  	_ =	swait.ge @!p0 [sflag:s0], s1  }
0xf8: {  	s1 =	ssub.s32 @!p0 $0x0, s1;
	[sflag:s0] =	ssyncset.done @!p0 $0x0  }
0xf9: {  	[sflag:s0] =	ssyncadd.s32 @!p0 s1  }
0xfa: {  	[bflag:$0x3] =	sbarrier.arrive $0xFFFF  }
0xfb: {  	_ =	shalt  }

// kernel: kernel.15.cloned.1.call-start
scs
__scs_entry_jumppad:
0x0: {  	(pc) =	sbr.rel $0x88, $3  }
0x1: {  	(tag) =	ssettag $0x0;
	lr =	simm.s32 $0x1  }
0x2: {  	[smem:$0x3F83] =	sst lr;
	_ =	strace $0xD0000000  }
0x3: {  	_ = 	snop  }
0x4: {  	_ = 	snop  }
0x5: {  	_ = 	snop  }
0x6: {  	_ = 	snop  }
0x7: {  	_ = 	snop  }
__scs_overlays_trampoline_lowered:
0x8: {  	[smem:$0x3F92] =	sst s0  }
0x9: {  	[smem:$0x3F93] =	sst s1  }
0xa: {  	[smem:$0x3F94] =	sst s2  }
0xb: {  	[smem:$0x3F95] =	sst s3  }
0xc: {  	[smem:$0x3F96] =	sst s4  }
0xd: {  	[smem:$0x3F97] =	sst s5  }
0xe: {  	[smem:$0x3F98] =	sst s6  }
0xf: {  	[smem:$0x3F99] =	sst s7  }
0x10: {  	[smem:$0x3F9A] =	sst s8  }
0x11: {  	[smem:$0x3F9B] =	sst s9;
	s0 =	simm.s32 @!p0 $0x0  }
0x12: {  	s1 =	sld [smem:$0x3F81];
	s0 =	simm.s32 @p0 $0x1  }
0x13: {  	[smem:$0x3F9C] =	sst s0;
	s0 =	simm.s32 @!p1 $0x0  }
0x14: {  	s2 =	sld [smem:$0x3F80];
	s0 =	simm.s32 @p1 $0x1  }
0x15: {  	[smem:$0x3F9D] =	sst s0;
	s0 =	simm.s32 @!p2 $0x0  }
0x16: {  	s3 =	sld [smem:$0x3FDB];
	s0 =	simm.s32 @p2 $0x1  }
0x17: {  	s4 =	simm.s32 $0x1BF5;
	[smem:$0x3F9F] =	sst s0  }
0x18: {  	s0 =	sld [smem:$0x3F82];
	_ =	swait.ge [sflag:s4], $0x0  }
0x19: {  	s7 =	sld [smem:$0x3F83]  }
0x1a: {  	s8 =	sadd.s32 $0xFFFFE003, lr  }
0x1b: {  	s9 =	sadd.s32 $0xFFFFFEF7, lr;
	s5 =	simm.s32 $0xFFFFFFFF;
	p2 =	slt.u32 s8, $0xFFFFF086  }
0x1c: {  	p1 =	slt.u32 s9, $0xF7A;
	s5 =	simm.s32 @!p2 $0x0  }
0x1d: {  	s5 =	simm.s32 @p1 $0x1;
	p0 =	seq.s32 s7, s2  }
0x1e: {  	s7 =	smul.u32 @!p0 $0xF7A, s2;
	p2 =	seq.s32 @!p0 s5, $0x0  }
0x1f: {  	s9 =	smul.u32 $0xF7A, s1;
	s8 =	simm.s32 @!p0 $0x1BF5;
	p2 =	por !p2, p0  }
0x20: {  	[sflag:s8] =	ssyncset.s32 @!p0 $0xFFFFF086;
	s6 =	sadd.s32 @!p0 s3, s7;
	s7 =	simm.s32 @!p0 $0x108  }
0x21: {  	s3 =	sadd.s32 s3, s9;
	s6 =	sadd.s32 @!p0 $0x88, s6;
	s7 =	simm.s32 @p2 $0x1082  }
0x22: {  	[simem:s7], [sflag:s8] =	dma.local @!p0 [hbm:s6], $0xF7A  }
0x23: {  	s9 =	sor.u32 $0xD0000000, s2;
	s6 =	simm.s32 $0x108;
	_ =	swait.ge @!p0 [sflag:s8], $0x0  }
0x24: {  	s3 =	sadd.s32 $0x88, s3;
	s6 =	simm.s32 @!p1 $0x1082;
	[sflag:s4] =	ssyncset.s32 $0xFFFFF086  }
0x25: {  	[simem:s6], [sflag:s4] =	dma.local [hbm:s3], $0xF7A  }
0x26: {  	[smem:$0x3F83] =	sst s1;
	(tag) =	ssettag s2;
	_ =	strace s9  }
0x27: {  	s1 =	sld [smem:$0x3F93]  }
0x28: {  	s2 =	sld [smem:$0x3F94]  }
0x29: {  	s4 =	sld [smem:$0x3F96]  }
0x2a: {  	p0 =	seq.s32 s5, $0x0;
	s5 =	sld [smem:$0x3F97]  }
0x2b: {  	s6 =	sld [smem:$0x3F98]  }
0x2c: {  	s7 =	sld [smem:$0x3F99]  }
0x2d: {  	s3 =	simm.s32 $0x108;
	s8 =	sld [smem:$0x3F9A]  }
0x2e: {  	s3 =	simm.s32 @!p0 $0x1082;
	s9 =	sld [smem:$0x3F9B]  }
0x2f: {  	lr =	sadd.s32 s0, s3;
	s0 =	sld [smem:$0x3F92]  }
0x30: {  	s3 =	sld [smem:$0x3F95]  }
0x31: {  	[smem:$0x3F9E] =	sst s10  }
0x32: {  	s10 =	sld [smem:$0x3F9C];
	_ =	sdelay $0x3  }
0x33: {  	p0 =	seq.s32 s10, $0x1;
	s10 =	sld [smem:$0x3F9E];
	_ =	sdelay $0x3  }
0x34: {  	[smem:$0x3F9E] =	sst s10  }
0x35: {  	s10 =	sld [smem:$0x3F9D];
	_ =	sdelay $0x3  }
0x36: {  	p1 =	seq.s32 s10, $0x1;
	s10 =	sld [smem:$0x3F9E];
	_ =	sdelay $0x3  }
0x37: {  	[smem:$0x3F9E] =	sst s10  }
0x38: {  	s10 =	sld [smem:$0x3F9F]  }
0x39: {  	_ = 	snop;
	(pc) =	sbr.ind lr, $3  }
0x3a: {  	_ = 	snop  }
0x3b: {  	_ = 	snop  }
0x3c: {  	p2 =	seq.s32 s10, $0x1;
	s10 =	sld [smem:$0x3F9E]  }
0x3d: {  	_ =	shalt  }
0x3e: {  	_ =	shalt  }
0x3f: {  	_ =	shalt  }
0x40: {  	_ =	shalt  }
0x41: {  	_ =	shalt  }
0x42: {  	_ =	shalt  }
0x43: {  	_ =	shalt  }
0x44: {  	_ =	shalt  }
0x45: {  	_ =	shalt  }
0x46: {  	_ =	shalt  }
0x47: {  	_ =	shalt  }
0x48: {  	_ =	shalt  }
0x49: {  	_ =	shalt  }
0x4a: {  	_ =	shalt  }
0x4b: {  	_ =	shalt  }
0x4c: {  	_ =	shalt  }
0x4d: {  	_ =	shalt  }
0x4e: {  	_ =	shalt  }
0x4f: {  	_ =	shalt  }
0x50: {  	_ =	shalt  }
0x51: {  	_ =	shalt  }
0x52: {  	_ =	shalt  }
0x53: {  	_ =	shalt  }
0x54: {  	_ =	shalt  }
0x55: {  	_ =	shalt  }
0x56: {  	_ =	shalt  }
0x57: {  	_ =	shalt  }
0x58: {  	_ =	shalt  }
0x59: {  	_ =	shalt  }
0x5a: {  	_ =	shalt  }
0x5b: {  	_ =	shalt  }
0x5c: {  	_ =	shalt  }
0x5d: {  	_ =	shalt  }
0x5e: {  	_ =	shalt  }
0x5f: {  	_ =	shalt  }
0x60: {  	_ =	shalt  }
0x61: {  	_ =	shalt  }
0x62: {  	_ =	shalt  }
0x63: {  	_ =	shalt  }
0x64: {  	_ =	shalt  }
0x65: {  	_ =	shalt  }
0x66: {  	_ =	shalt  }
0x67: {  	_ =	shalt  }
0x68: {  	_ =	shalt  }
0x69: {  	_ =	shalt  }
0x6a: {  	_ =	shalt  }
0x6b: {  	_ =	shalt  }
0x6c: {  	_ =	shalt  }
0x6d: {  	_ =	shalt  }
0x6e: {  	_ =	shalt  }
0x6f: {  	_ =	shalt  }
0x70: {  	_ =	shalt  }
0x71: {  	_ =	shalt  }
0x72: {  	_ =	shalt  }
0x73: {  	_ =	shalt  }
0x74: {  	_ =	shalt  }
0x75: {  	_ =	shalt  }
0x76: {  	_ =	shalt  }
0x77: {  	_ =	shalt  }
0x78: {  	_ =	shalt  }
0x79: {  	_ =	shalt  }
0x7a: {  	_ =	shalt  }
0x7b: {  	_ =	shalt  }
0x7c: {  	_ =	shalt  }
0x7d: {  	_ =	shalt  }
0x7e: {  	_ =	shalt  }
0x7f: {  	_ =	shalt  }
0x80: {  	_ =	shalt  }
0x81: {  	_ =	shalt  }
0x82: {  	_ =	shalt  }
0x83: {  	_ =	shalt  }
0x84: {  	_ =	shalt  }
0x85: {  	_ =	shalt  }
0x86: {  	_ =	shalt  }
0x87: {  	_ =	shalt  }
.Lfunc_end0:
.L_simem_size_0:
called_computation.1_lowered:
.L_overlay_start_0:
0x88: {  	s2 =	sld [smem:$0x3FD9]  }
0x89: {  	s3 =	sld [smem:$0x3FFE];
	_ =	sdelay $0x1  }
0x8a: {  	s1 =	srdreg.scid  }
0x8b: {  	s0 =	sand.u32 $0x1, s1  }
0x8c: {  	s17 =	sshll.u32 s0, $0xA;
	s2 =	sadd.s32 s3, s2  }
0x8d: {  	s2 =	sadd.s32 s2, s17  }
0x8e: {  	[smem:$0x3FAA] =	sst s2  }
0x8f: {  	_ = 	snop  }
0x90: {  	s2 =	sld [smem:$0x3FD0];
	(tm) =	ssettm $0x1  }
0x91: {  	s18 =	sld [smem:$0x3FFB];
	_ =	sdelay $0x3  }
0x92: {  	_ =	strace s18  }
0x93: {  	s3 =	sld [smem:$0x3FFC];
	_ =	sdelay $0x3  }
0x94: {  	_ =	strace s3  }
0x95: {  	s3 =	sld [smem:$0x3FFD];
	_ =	sdelay $0x3  }
0x96: {  	_ =	strace s3  }
0x97: {  	_ =	strace $0x8FFFFFFF  }
0x98: {  	s19 =	sld [smem:$0x3FDB];
	_ =	sdelay $0x1  }
0x99: {  	s4 =	simm.s32 $_scs_section_size  }
0x9a: {  	s5 =	simm.s32 $_size__tile_overlayer_lowered;
	s6 =	simm.s32 $_tile_overlayer_lowered  }
0x9b: {  	s22 =	simm.s32 $0x1BFF;
	s21 =	sshll.u32 s6, $0x1;
	s3 =	sadd.s32 s4, s19  }
0x9c: {  	s7 =	simm.s32 $0x0;
	s20 =	sshll.u32 s5, $0x1;
	s5 =	sadd.s32 s21, s3  }
0x9d: {  	[timem:s7], [sflag:s22] =	dma.local [hbm:s5], s20  }
0x9e: {  	_ =	swait.ge [sflag:s22], s20  }
0x9f: {  	s4 =	ssub.s32 $0x0, s20;
	[sflag:s22] =	ssyncset.done $0x0  }
0xa0: {  	[sflag:s22] =	ssyncadd.s32 s4;
	_ =	sdelay $0x1  }
0xa1: {  	s23 =	simm.s32 $0x1B8B  }
0xa2: {  	_ =	swait.ge [sflag:s23], $0x1  }
0xa3: {  	[sflag:s23] =	ssyncset.done $0x0  }
0xa4: {  	s25 =	simm.s32 $0x1B8E;
	s24 =	sld [smem:$0x3FFE];
	[sflag:s23] =	ssyncadd.s32 $0xFFFFFFFF  }
0xa5: {  	s26 =	simm.s32 $execute0_lowered;
	[smem:$0x3FD2] =	sst s25  }
0xa6: {  	s5 =	sshll.u32 s26, $0x1;
	_ =	strace $0x80000049;
	[dreg:$0x1] =	wrdreg $0xFFFFFFFF  }
0xa7: {  	s28 =	simm.s32 $_size_execute0_lowered;
	s3 =	sadd.s32 s3, s5;
	[dreg:$0x0] =	wrdreg $0x0  }
0xa8: {  	s5 =	sshll.u32 s28, $0x1;
	[dreg:$0x2] =	wrdreg s3  }
0xa9: {  	[dreg:$0x3] =	wrdreg s5  }
0xaa: {  	[dreg:$0x4] =	wrdreg $0xC0  }
0xab: {  	_ =	task [dreg:s7], $0x5FFFF  }
0xac: {  	[dreg:$0x1] =	wrdreg $0xFFFFFFFF  }
0xad: {  	[dreg:$0x0] =	wrdreg $0x60  }
0xae: {  	[dreg:$0x2] =	wrdreg s2  }
0xaf: {  	[dreg:$0x3] =	wrdreg s24  }
0xb0: {  	[dreg:$0x4] =	wrdreg $0x15C400  }
0xb1: {  	[dreg:$0x5] =	wrdreg $0x9  }
0xb2: {  	_ =	task.clear_ibuf [dreg:s7], $0x6FFFF;
	_ =	strace $0x90000049  }
0xb3: {  	s29 =	simm.s32 $0x9;
	_ =	strace $0x8000004B  }
0xb4: {  	_ =	swait.ge [sflag:s29], $0x1  }
0xb5: {  	[sflag:s29] =	ssyncadd.s32 $0xFFFFFFFF  }
0xb6: {  	_ =	strace $0x9000004B  }
0xb7: {  	_ =	sfence  }
0xb8: {  	s30 =	sld [smem:$0x0];
	_ =	sdelay $0x2  }
0xb9: {  	s31 =	sshll.u32 s1, $0xD;
	s1 =	sshrl.u32 s1, $0x2  }
0xba: {  	s3 =	sand.u32 $0x4000, s31;
	s1 =	sadd.s32 s1, s30  }
0xbb: {  	s0 =	sor.u32 s3, s0;
	s1 =	sshll.u32 s1, $0x11  }
0xbc: {  	s0 =	sor.u32 s1, s0  }
0xbd: {  	s0 =	sadd.s32 $0x8F2B, s0  }
0xbe: {  	[sflag:s0] =	ssyncadd.remote.s32 $0x1  }
0xbf: {  	_ =	sfence.sel $0xFFFF  }
0xc0: {  	[dreg:$0x0] =	wrdreg $0xFFFFFFFF;
	(pc) =	sbr.abs _section_cstart, $3  }
0xc1: {  	[dreg:$0x1] =	wrdreg $0xFFFFFFFF  }
0xc2: {  	_ =	task.clear_ibuf [dreg:s7], $0x2FFFF;
	_ =	strace $0x9FFFFFFF  }
0xc3: {  	(tm) =	ssettm $0x7FFFFFFF  }
tec
execute0_lowered:
.L_overlay_start_1:
0x0: {  	(tag) =	ssettag $0x1  }
0x1: {  	s1 =	srdreg.scid;
	s0 =	rddreg [dreg:$0x0]  }
0x2: {  	s13 =	stileid.u32;
	s9 =	rddreg [dreg:$0x1]  }
0x3: {  	s2 =	rddreg [dreg:$0x2];
	s3 =	simm.s32 $0x0;
	s17 =	simm.s32 $0x4E20  }
0x4: {  	s19 =	simm.s32 $0x2;
	s20 =	simm.s32 $0x80;
	s21 =	simm.s32 $0x9C40  }
0x5: {  	s29 =	simm.s32 $0xFC40;
	s31 =	simm.s32 $0x11C40;
	s4 =	smul.u32 $0x4E20, s13  }
0x6: {  	s30 =	simm.s32 $0x20;
	s28 =	simm.s32 $0x0;
	s10 =	smul.u32 $0x13800, s13  }
0x7: {  	s1 =	sand.u32 $0x1, s1;
	[smem:$0x7FF] =	sst s3;
	s8 =	smul.u32 $0x27000, s13  }
0x8: {  	s12 =	sadd.s32 $0x98C00, s9;
	s18 =	sadd.s32 $0x9C000, s2;
	p0 =	sne.s32 s13, $0x0  }
0x9: {  	s5 =	smul.u32 $0x4E200, s1;
	_ =	strace $0x8000004A;
	s6 =	ssub.s32 $0x2, s1  }
0xa: {  	s16 =	sshll.u32 s1, $0x6;
	s1 =	sshll.u32 s1, $0x3;
	s18 =	sshrl.u32 @!p0 s18, $0x3  }
0xb: {  	s22 =	sshrl.u32 s10, $0x3;
	s24 =	sshrl.u32 s6, $0x1;
	s25 =	sshrl.u32 s8, $0x2  }
0xc: {  	s10 =	sor.u32 s16, s10;
	s1 =	sadd.s32 s1, s12;
	s16 =	simm.s32 $0x10  }
0xd: {  	s5 =	sadd.s32 s4, s5;
	s4 =	sshrl.u32 s4, $0x3;
	s23 =	sadd.s32 s22, s9  }
0xe: {  	s14 =	ssub.s32 s6, s24;
	s15 =	sadd.s32 s25, s2;
	s10 =	sshrl.u32 s10, $0x3  }
0xf: {  	s22 =	simm.s32 $0xBC40;
	s24 =	simm.s32 $0xDC40;
	s5 =	sshrl.u32 s5, $0x3  }
0x10: {  	s11 =	sadd.s32 s4, s9;
	s4 =	sadd.s32 $0x71A00, s23;
	s10 =	sadd.s32 s12, s10  }
0x11: {  	s12 =	smax.u32 s14, $0x1;
	s14 =	simm.s32 $0x1;
	s23 =	simm.s32 $0x13C40  }
0x12: {  	s7 =	sadd.s32 s5, s9;
	[dreg:$0x4] =	wrdreg s4;
	s5 =	sshll.u32 s13, $0x6  }
0x13: {  	s8 =	sadd.s32 $0x6000, s11;
	s9 =	sadd.s32 $0x98A00, s9;
	s11 =	sadd.s32 $0x27000, s1  }
0x14: {  	s13 =	sshrl.u32 s15, $0x3;
	s15 =	simm.s32 $0x8;
	s26 =	sor.u32 $0x1C01, s5  }
0x15: {  	s7 =	sadd.s32 $0xFE00, s7;
	[dreg:$0x5] =	wrdreg s26;
	s26 =	simm.s32 $0x3  }
.LBB2_1:
0x16: {  	s1 =	rddreg [dreg:$0x4]  }
0x17: {  	s4 =	rddreg [dreg:$0x5];
	s25 =	simm.s32 @!p0 $0x8  }
0x18: {  	[spmem:s13@s15], [sflag:s4] =	dma.strided [hbm:s1@s16], $0x1380, s14, $0x8   }
0x19: {  	[tilespmem:s3], [sflag:$0x2] =	stream.linear.gather [hbm4b:s7+s3], $0x4E20, $0x38;
	[tilespmem:$0x1F880] =	vst v63  }
0x1a: {  	s6 =	simm.s32 @!p0 $0x1C03;
	s1 =	simm.s32 @!p0 $0x1;
	s4 =	simm.s32 @!p0 $0x10  }
0x1b: {  	[tilespmem:s17], [sflag:$0x2] =	stream.linear.gather [hbm4b:s8+s3], $0x4E20, $0x38;
	[tilespmem:$0x1F880] =	vst v63  }
0x1c: {  	[spmem:s18@s25], [sflag:s6] =	dma.strided @!p0 [hbm:s9@s4], $0x80, s1, $0x8   }
0x1d: {  	s1 =	simm.s32 @!p0 $0x3  }
0x1e: {  	_ =	swait.ge @!p0 [sflag:s1], $0x80  }
0x1f: {  	[sflag:s1] =	ssyncset.done @!p0 $0x0  }
0x20: {  	[sflag:s1] =	ssyncadd.s32 @!p0 $0xFFFFFF80  }
0x21: {  	_ =	swait.ge [sflag:s14], $0x1380  }
0x22: {  	[sflag:s14] =	ssyncset.done $0x0  }
0x23: {  	[sflag:s14] =	ssyncadd.s32 $0xFFFFEC80  }
0x24: {  	_ =	swait.ge [sflag:s19], $0x4E20  }
0x25: {  	[sflag:s19] =	ssyncset.done $0x0  }
0x26: {  	[sflag:s19] =	ssyncadd.s32 $0xFFFFB1E0  }
0x27: {  	_ =	swait.ge [sflag:s19], $0x4E20  }
0x28: {  	[sflag:s19] =	ssyncset.done $0x0  }
0x29: {  	[sflag:s19] =	ssyncadd.s32 $0xFFFFB1E0  }
0x2a: {  	[bflag:$0x0] =	sbarrier.arrive $0xFFFF  }
0x2b: {  	[tilespmem:s21], [sflag:$0x1] =	stream.indirect.gather [hbm4b:s0+s20], $0x40, s3, s20, $0xb8;
	[tilespmem:$0x1F880] =	vst v63  }
0x2c: {  	_ = 	snop  }
0x2d: {  	[tilespmem:s22], [sflag:$0x1] =	stream.indirect.gather [hbm4b:s0+s20], $0x40, s20, s20, $0xb8;
	[tilespmem:$0x1F880] =	vst v63  }
0x2e: {  	s6 =	simm.s32 $0x100  }
0x2f: {  	[tilespmem:s24], [sflag:$0x1] =	stream.indirect.gather [hbm4b:s0+s20], $0x40, s6, s20, $0xb8;
	[tilespmem:$0x1F880] =	vst v63  }
0x30: {  	_ =	swait.ge [sflag:s14], $0x2000  }
0x31: {  	[sflag:s14] =	ssyncset.done $0x0  }
0x32: {  	[sflag:s14] =	ssyncadd.s32 $0xFFFFE000  }
0x33: {  	_ =	swait.ge [sflag:s14], $0x2000  }
0x34: {  	[sflag:s14] =	ssyncset.done $0x0  }
0x35: {  	[sflag:s14] =	ssyncadd.s32 $0xFFFFE000  }
0x36: {  	_ =	swait.ge [sflag:s14], $0x2000  }
0x37: {  	[sflag:s14] =	ssyncset.done $0x0  }
0x38: {  	[sflag:s14] =	ssyncadd.s32 $0xFFFFE000  }
0x39: {  	[spmem:s2] =	stream.indirect.scatter.add.f32 [tilespmem:s21], [sflag:$0x2], $0x40, s17, s20, $0xb8;
	[tilespmem:$0x1F880] =	vst v63  }
0x3a: {  	s25 =	simm.s32 $0x4EA0  }
0x3b: {  	[spmem:s2] =	stream.indirect.scatter.add.f32 [tilespmem:s22], [sflag:$0x2], $0x40, s25, s20, $0xb8;
	[tilespmem:$0x1F880] =	vst v63  }
0x3c: {  	s4 =	simm.s32 $0x4F20  }
0x3d: {  	[spmem:s2] =	stream.indirect.scatter.add.f32 [tilespmem:s24], [sflag:$0x2], $0x40, s4, s20, $0xb8;
	[tilespmem:$0x1F880] =	vst v63  }
0x3e: {  	s6 =	simm.s32 $0x180  }
0x3f: {  	[tilespmem:s29], [sflag:$0x1] =	stream.indirect.gather [hbm4b:s0+s20], $0x40, s6, s20, $0xb8;
	[tilespmem:$0x1F880] =	vst v63  }
0x40: {  	s25 =	simm.s32 $0x200  }
0x41: {  	[tilespmem:s31], [sflag:$0x1] =	stream.indirect.gather [hbm4b:s0+s20], $0x40, s25, s20, $0xb8;
	[tilespmem:$0x1F880] =	vst v63  }
0x42: {  	s4 =	simm.s32 $0x280  }
0x43: {  	[tilespmem:s23], [sflag:$0x1] =	stream.indirect.gather [hbm4b:s0+s20], $0x40, s4, s20, $0xb8;
	[tilespmem:$0x1F880] =	vst v63  }
0x44: {  	_ =	swait.ge [sflag:s14], $0x2000  }
0x45: {  	[sflag:s14] =	ssyncset.done $0x0  }
0x46: {  	[sflag:s14] =	ssyncadd.s32 $0xFFFFE000  }
0x47: {  	_ =	swait.ge [sflag:s14], $0x2000  }
0x48: {  	[sflag:s14] =	ssyncset.done $0x0  }
0x49: {  	[sflag:s14] =	ssyncadd.s32 $0xFFFFE000  }
0x4a: {  	_ =	swait.ge [sflag:s14], $0x2000  }
0x4b: {  	[sflag:s14] =	ssyncset.done $0x0  }
0x4c: {  	s6 =	simm.s32 $0x4FA0;
	[sflag:s14] =	ssyncadd.s32 $0xFFFFE000  }
0x4d: {  	[spmem:s2] =	stream.indirect.scatter.add.f32 [tilespmem:s29], [sflag:$0x2], $0x40, s6, s20, $0xb8;
	[tilespmem:$0x1F880] =	vst v63  }
0x4e: {  	s25 =	simm.s32 $0x5020  }
0x4f: {  	[spmem:s2] =	stream.indirect.scatter.add.f32 [tilespmem:s31], [sflag:$0x2], $0x40, s25, s20, $0xb8;
	[tilespmem:$0x1F880] =	vst v63  }
0x50: {  	s4 =	simm.s32 $0x50A0  }
0x51: {  	[spmem:s2] =	stream.indirect.scatter.add.f32 [tilespmem:s23], [sflag:$0x2], $0x40, s4, s20, $0xb8;
	[tilespmem:$0x1F880] =	vst v63  }
0x52: {  	_ =	swait.ge [sflag:s19], $0x2000  }
0x53: {  	[sflag:s19] =	ssyncset.done $0x0  }
0x54: {  	[sflag:s19] =	ssyncadd.s32 $0xFFFFE000  }
0x55: {  	_ =	swait.ge [sflag:s19], $0x2000  }
0x56: {  	[sflag:s19] =	ssyncset.done $0x0  }
0x57: {  	[sflag:s19] =	ssyncadd.s32 $0xFFFFE000  }
0x58: {  	_ =	swait.ge [sflag:s19], $0x2000  }
0x59: {  	[sflag:s19] =	ssyncset.done $0x0  }
0x5a: {  	s6 =	simm.s32 $0x300;
	[sflag:s19] =	ssyncadd.s32 $0xFFFFE000  }
0x5b: {  	[tilespmem:s21], [sflag:$0x1] =	stream.indirect.gather [hbm4b:s0+s20], $0x40, s6, s20, $0xb8;
	[tilespmem:$0x1F880] =	vst v63  }
0x5c: {  	s25 =	simm.s32 $0x380  }
0x5d: {  	[tilespmem:s22], [sflag:$0x1] =	stream.indirect.gather [hbm4b:s0+s20], $0x40, s25, s20, $0xb8;
	[tilespmem:$0x1F880] =	vst v63  }
0x5e: {  	s4 =	simm.s32 $0x400  }
0x5f: {  	[tilespmem:s24], [sflag:$0x1] =	stream.indirect.gather [hbm4b:s0+s20], $0x40, s4, s20, $0xb8;
	[tilespmem:$0x1F880] =	vst v63  }
0x60: {  	_ =	swait.ge [sflag:s14], $0x2000  }
0x61: {  	[sflag:s14] =	ssyncset.done $0x0  }
0x62: {  	[sflag:s14] =	ssyncadd.s32 $0xFFFFE000  }
0x63: {  	_ =	swait.ge [sflag:s14], $0x2000  }
0x64: {  	[sflag:s14] =	ssyncset.done $0x0  }
0x65: {  	[sflag:s14] =	ssyncadd.s32 $0xFFFFE000  }
0x66: {  	_ =	swait.ge [sflag:s14], $0x2000  }
0x67: {  	[sflag:s14] =	ssyncset.done $0x0  }
0x68: {  	[sflag:s14] =	ssyncadd.s32 $0xFFFFE000  }
0x69: {  	_ =	swait.ge [sflag:s19], $0x2000  }
0x6a: {  	[sflag:s19] =	ssyncset.done $0x0  }
0x6b: {  	[sflag:s19] =	ssyncadd.s32 $0xFFFFE000  }
0x6c: {  	_ =	swait.ge [sflag:s19], $0x2000  }
0x6d: {  	[sflag:s19] =	ssyncset.done $0x0  }
0x6e: {  	[sflag:s19] =	ssyncadd.s32 $0xFFFFE000  }
0x6f: {  	_ =	swait.ge [sflag:s19], $0x2000  }
0x70: {  	[sflag:s19] =	ssyncset.done $0x0  }
0x71: {  	s6 =	simm.s32 $0x5120;
	[sflag:s19] =	ssyncadd.s32 $0xFFFFE000  }
0x72: {  	[spmem:s2] =	stream.indirect.scatter.add.f32 [tilespmem:s21], [sflag:$0x2], $0x40, s6, s20, $0xb8;
	[tilespmem:$0x1F880] =	vst v63  }
0x73: {  	s25 =	simm.s32 $0x51A0  }
0x74: {  	[spmem:s2] =	stream.indirect.scatter.add.f32 [tilespmem:s22], [sflag:$0x2], $0x40, s25, s20, $0xb8;
	[tilespmem:$0x1F880] =	vst v63  }
0x75: {  	s4 =	simm.s32 $0x5220  }
0x76: {  	[spmem:s2] =	stream.indirect.scatter.add.f32 [tilespmem:s24], [sflag:$0x2], $0x40, s4, s20, $0xb8;
	[tilespmem:$0x1F880] =	vst v63  }
0x77: {  	s6 =	simm.s32 $0x480  }
0x78: {  	[tilespmem:s29], [sflag:$0x1] =	stream.indirect.gather [hbm4b:s0+s20], $0x40, s6, s20, $0xb8;
	[tilespmem:$0x1F880] =	vst v63  }
0x79: {  	s25 =	simm.s32 $0x500  }
0x7a: {  	[tilespmem:s31], [sflag:$0x1] =	stream.indirect.gather [hbm4b:s0+s20], $0x40, s25, s20, $0xb8;
	[tilespmem:$0x1F880] =	vst v63  }
0x7b: {  	s4 =	simm.s32 $0x580  }
0x7c: {  	[tilespmem:s23], [sflag:$0x1] =	stream.indirect.gather [hbm4b:s0+s20], $0x40, s4, s20, $0xb8;
	[tilespmem:$0x1F880] =	vst v63  }
0x7d: {  	_ =	swait.ge [sflag:s14], $0x2000  }
0x7e: {  	[sflag:s14] =	ssyncset.done $0x0  }
0x7f: {  	[sflag:s14] =	ssyncadd.s32 $0xFFFFE000  }
0x80: {  	_ =	swait.ge [sflag:s14], $0x2000  }
0x81: {  	[sflag:s14] =	ssyncset.done $0x0  }
0x82: {  	[sflag:s14] =	ssyncadd.s32 $0xFFFFE000  }
0x83: {  	_ =	swait.ge [sflag:s14], $0x2000  }
0x84: {  	[sflag:s14] =	ssyncset.done $0x0  }
0x85: {  	s6 =	simm.s32 $0x52A0;
	[sflag:s14] =	ssyncadd.s32 $0xFFFFE000  }
0x86: {  	[spmem:s2] =	stream.indirect.scatter.add.f32 [tilespmem:s29], [sflag:$0x2], $0x40, s6, s20, $0xb8;
	[tilespmem:$0x1F880] =	vst v63  }
0x87: {  	s25 =	simm.s32 $0x5320  }
0x88: {  	[spmem:s2] =	stream.indirect.scatter.add.f32 [tilespmem:s31], [sflag:$0x2], $0x40, s25, s20, $0xb8;
	[tilespmem:$0x1F880] =	vst v63  }
0x89: {  	s1 =	simm.s32 $0xC00;
	s25 =	simm.s32 $0x53A0  }
.LBB2_2:
0x8a: {  	[spmem:s2] =	stream.indirect.scatter.add.f32 [tilespmem:s23], [sflag:$0x2], $0x40, s25, s20, $0xb8;
	[tilespmem:$0x1F880] =	vst v63  }
0x8b: {  	s4 =	smov.u32 s1  }
0x8c: {  	p1 =	sne.s32 s1, $0x12000;
	s1 =	sadd.s32 $0xC00, s1;
	_ =	swait.ge [sflag:s19], $0x2000  }
0x8d: {  	[sflag:s19] =	ssyncset.done $0x0  }
0x8e: {  	[sflag:s19] =	ssyncadd.s32 $0xFFFFE000  }
0x8f: {  	_ =	swait.ge [sflag:s19], $0x2000  }
0x90: {  	[sflag:s19] =	ssyncset.done $0x0  }
0x91: {  	[sflag:s19] =	ssyncadd.s32 $0xFFFFE000  }
0x92: {  	_ =	swait.ge [sflag:s19], $0x2000  }
0x93: {  	s25 =	sshra.s32 s4, $0x2;
	[sflag:s19] =	ssyncset.done $0x0  }
0x94: {  	s4 =	sadd.s32 $0x300, s25;
	[sflag:s19] =	ssyncadd.s32 $0xFFFFE000  }
0x95: {  	[tilespmem:s21], [sflag:$0x1] =	stream.indirect.gather [hbm4b:s0+s20], $0x40, s4, s20, $0xb8;
	[tilespmem:$0x1F880] =	vst v63  }
0x96: {  	s4 =	sadd.s32 $0x380, s25  }
0x97: {  	[tilespmem:s22], [sflag:$0x1] =	stream.indirect.gather [hbm4b:s0+s20], $0x40, s4, s20, $0xb8;
	[tilespmem:$0x1F880] =	vst v63  }
0x98: {  	s4 =	sadd.s32 $0x400, s25  }
0x99: {  	[tilespmem:s24], [sflag:$0x1] =	stream.indirect.gather [hbm4b:s0+s20], $0x40, s4, s20, $0xb8;
	[tilespmem:$0x1F880] =	vst v63  }
0x9a: {  	_ =	swait.ge [sflag:s14], $0x2000  }
0x9b: {  	[sflag:s14] =	ssyncset.done $0x0  }
0x9c: {  	[sflag:s14] =	ssyncadd.s32 $0xFFFFE000  }
0x9d: {  	_ =	swait.ge [sflag:s14], $0x2000  }
0x9e: {  	[sflag:s14] =	ssyncset.done $0x0  }
0x9f: {  	[sflag:s14] =	ssyncadd.s32 $0xFFFFE000  }
0xa0: {  	_ =	swait.ge [sflag:s14], $0x2000  }
0xa1: {  	[sflag:s14] =	ssyncset.done $0x0  }
0xa2: {  	[sflag:s14] =	ssyncadd.s32 $0xFFFFE000  }
0xa3: {  	_ =	swait.ge [sflag:s19], $0x2000  }
0xa4: {  	[sflag:s19] =	ssyncset.done $0x0  }
0xa5: {  	[sflag:s19] =	ssyncadd.s32 $0xFFFFE000  }
0xa6: {  	_ =	swait.ge [sflag:s19], $0x2000  }
0xa7: {  	[sflag:s19] =	ssyncset.done $0x0  }
0xa8: {  	[sflag:s19] =	ssyncadd.s32 $0xFFFFE000  }
0xa9: {  	_ =	swait.ge [sflag:s19], $0x2000  }
0xaa: {  	[sflag:s19] =	ssyncset.done $0x0  }
0xab: {  	s4 =	sadd.s32 $0x5120, s25;
	[sflag:s19] =	ssyncadd.s32 $0xFFFFE000  }
0xac: {  	[spmem:s2] =	stream.indirect.scatter.add.f32 [tilespmem:s21], [sflag:$0x2], $0x40, s4, s20, $0xb8;
	[tilespmem:$0x1F880] =	vst v63  }
0xad: {  	s4 =	sadd.s32 $0x51A0, s25  }
0xae: {  	[spmem:s2] =	stream.indirect.scatter.add.f32 [tilespmem:s22], [sflag:$0x2], $0x40, s4, s20, $0xb8;
	[tilespmem:$0x1F880] =	vst v63  }
0xaf: {  	s4 =	sadd.s32 $0x5220, s25  }
0xb0: {  	[spmem:s2] =	stream.indirect.scatter.add.f32 [tilespmem:s24], [sflag:$0x2], $0x40, s4, s20, $0xb8;
	[tilespmem:$0x1F880] =	vst v63  }
0xb1: {  	s4 =	sadd.s32 $0x480, s25  }
0xb2: {  	[tilespmem:s29], [sflag:$0x1] =	stream.indirect.gather [hbm4b:s0+s20], $0x40, s4, s20, $0xb8;
	[tilespmem:$0x1F880] =	vst v63  }
0xb3: {  	s4 =	sadd.s32 $0x500, s25  }
0xb4: {  	[tilespmem:s31], [sflag:$0x1] =	stream.indirect.gather [hbm4b:s0+s20], $0x40, s4, s20, $0xb8;
	[tilespmem:$0x1F880] =	vst v63  }
0xb5: {  	s4 =	sadd.s32 $0x580, s25  }
0xb6: {  	[tilespmem:s23], [sflag:$0x1] =	stream.indirect.gather [hbm4b:s0+s20], $0x40, s4, s20, $0xb8;
	[tilespmem:$0x1F880] =	vst v63  }
0xb7: {  	_ =	swait.ge [sflag:s14], $0x2000  }
0xb8: {  	[sflag:s14] =	ssyncset.done $0x0  }
0xb9: {  	[sflag:s14] =	ssyncadd.s32 $0xFFFFE000  }
0xba: {  	_ =	swait.ge [sflag:s14], $0x2000  }
0xbb: {  	[sflag:s14] =	ssyncset.done $0x0  }
0xbc: {  	[sflag:s14] =	ssyncadd.s32 $0xFFFFE000  }
0xbd: {  	_ =	swait.ge [sflag:s14], $0x2000  }
0xbe: {  	[sflag:s14] =	ssyncset.done $0x0  }
.Ltmp0:
0xbf: {  	s4 =	sadd.s32 $0x52A0, s25;
	[sflag:s14] =	ssyncadd.s32 $0xFFFFE000;
	(pc) =	sbr.rel @p1 .LBB2_2-.Ltmp0, $4  }
0xc0: {  	[spmem:s2] =	stream.indirect.scatter.add.f32 [tilespmem:s29], [sflag:$0x2], $0x40, s4, s20, $0xb8;
	[tilespmem:$0x1F880] =	vst v63  }
0xc1: {  	s4 =	sadd.s32 $0x5320, s25  }
0xc2: {  	[spmem:s2] =	stream.indirect.scatter.add.f32 [tilespmem:s31], [sflag:$0x2], $0x40, s4, s20, $0xb8;
	[tilespmem:$0x1F880] =	vst v63  }
0xc3: {  	s25 =	sadd.s32 $0x53A0, s25  }
0xc4: {  	[spmem:s2] =	stream.indirect.scatter.add.f32 [tilespmem:s23], [sflag:$0x2], $0x40, s25, s20, $0xb8;
	[tilespmem:$0x1F880] =	vst v63  }
0xc5: {  	_ =	swait.ge [sflag:s19], $0x2000  }
0xc6: {  	[sflag:s19] =	ssyncset.done $0x0  }
0xc7: {  	[sflag:s19] =	ssyncadd.s32 $0xFFFFE000  }
0xc8: {  	_ =	swait.ge [sflag:s19], $0x2000  }
0xc9: {  	[sflag:s19] =	ssyncset.done $0x0  }
0xca: {  	[sflag:s19] =	ssyncadd.s32 $0xFFFFE000  }
0xcb: {  	_ =	swait.ge [sflag:s19], $0x2000  }
0xcc: {  	[sflag:s19] =	ssyncset.done $0x0  }
0xcd: {  	[sflag:s19] =	ssyncadd.s32 $0xFFFFE000  }
0xce: {  	_ =	swait.ge [sflag:s19], $0x2000  }
0xcf: {  	[sflag:s19] =	ssyncset.done $0x0  }
0xd0: {  	[sflag:s19] =	ssyncadd.s32 $0xFFFFE000  }
0xd1: {  	_ =	swait.ge [sflag:s19], $0x2000  }
0xd2: {  	[sflag:s19] =	ssyncset.done $0x0  }
0xd3: {  	[sflag:s19] =	ssyncadd.s32 $0xFFFFE000  }
0xd4: {  	_ =	swait.ge [sflag:s19], $0x2000  }
0xd5: {  	[sflag:s19] =	ssyncset.done $0x0  }
0xd6: {  	s1 =	simm.s32 $0x4E00;
	[sflag:s19] =	ssyncadd.s32 $0xFFFFE000  }
0xd7: {  	[tilespmem:s21], [sflag:$0x1] =	stream.indirect.gather [hbm4b:s0+s30], $0x40, s1, s30, $0xb8;
	[tilespmem:$0x1F880] =	vst v63  }
0xd8: {  	_ =	swait.ge [sflag:s14], $0x800  }
0xd9: {  	[sflag:s14] =	ssyncset.done $0x0  }
0xda: {  	s25 =	simm.s32 $0x9C20;
	[sflag:s14] =	ssyncadd.s32 $0xFFFFF800  }
0xdb: {  	[spmem:s2] =	stream.indirect.scatter.add.f32 [tilespmem:s21], [sflag:$0x2], $0x40, s25, s30, $0xb8;
	[tilespmem:$0x1F880] =	vst v63  }
0xdc: {  	_ =	swait.ge [sflag:s19], $0x800  }
0xdd: {  	[sflag:s19] =	ssyncset.done $0x0  }
0xde: {  	[sflag:s19] =	ssyncadd.s32 $0xFFFFF800  }
0xdf: {  	s1 =	sor.u32 $0x1C03, s5;
	[bflag:$0x0] =	sbarrier.arrive $0xFFFF  }
0xe0: {  	[hbm:s10@s16], [sflag:s1] =	dma.strided [spmem:s13@s15], $0x1380, s14, $0x8   }
0xe1: {  	s4 =	simm.s32 @!p0 $0x1;
	_ =	swait.ge [sflag:s26], $0x1380  }
0xe2: {  	s6 =	simm.s32 @!p0 $0x10;
	s28 =	sadd.s32 $0x1, s28;
	[sflag:s26] =	ssyncset.done $0x0  }
0xe3: {  	p1 =	sne.s32 s28, s12;
	s25 =	simm.s32 @!p0 $0x8;
	[sflag:s26] =	ssyncadd.s32 $0xFFFFEC80  }
0xe4: {  	[hbm:s11@s6], [sflag:s1] =	dma.strided @!p0 [spmem:s18@s25], $0x80, s4, $0x8   }
.Ltmp1:
0xe5: {  	_ = 	snop;
	(pc) =	sbr.rel @p1 .LBB2_1-.Ltmp1, $4  }
0xe6: {  	s1 =	simm.s32 @!p0 $0x3  }
0xe7: {  	_ =	swait.ge @!p0 [sflag:s1], $0x80  }
0xe8: {  	[sflag:s1] =	ssyncset.done @!p0 $0x0  }
0xe9: {  	[sflag:s1] =	ssyncadd.s32 @!p0 $0xFFFFFF80  }
0xea: {  	_ =	sfence.sel $0x180000  }
0xeb: {  	[bflag:$0x0] =	sbarrier.arrive $0xFFFF  }
0xec: {  	_ =	strace $0x9000004A  }
0xed: {  	[bflag:$0x2] =	sbarrier.arrive $0xFFFF  }
0xee: {  	s0 =	rddreg [dreg:$0x3]  }
0xef: {  	s0 =	sadd.s32 @!p0 $0x100000, s0  }
0xf0: {  	[sflag:s0] =	ssyncadd.tile.s32 @!p0 $0x1;
	_ =	shalt  }
.Lfunc_end2:
_tile_overlayer_lowered:
.L_overlay_start_2:
0xf1: {  	(tag) =	ssettag $0x2  }
0xf2: {  	s0 =	rddreg [dreg:$0x0];
	s2 =	stileid.u32  }
0xf3: {  	s1 =	rddreg [dreg:$0x1];
	p0 =	sne.s32 s2, $0x0  }
0xf4: {  	s3 =	rddreg [dreg:$0x2];
	[bflag:$0x3] =	sbarrier.arrive $0xFFFF;
	s2 =	simm.s32 @!p0 $0x1C03  }
0xf5: {  	[timem:s3], [sflag:s2] =	dma.local @!p0 [hbm:s0], s1  }
0xf6: {  	s0 =	simm.s32 @!p0 $0x3  }
0xf7: {  	_ =	swait.ge @!p0 [sflag:s0], s1  }
0xf8: {  	s1 =	ssub.s32 @!p0 $0x0, s1;
	[sflag:s0] =	ssyncset.done @!p0 $0x0  }
0xf9: {  	[sflag:s0] =	ssyncadd.s32 @!p0 s1  }
0xfa: {  	[bflag:$0x3] =	sbarrier.arrive $0xFFFF  }
0xfb: {  	_ =	shalt  }

// kernel: kernel.18.cloned.1.call-start
scs
__scs_entry_jumppad:
0x0: {  	(pc) =	sbr.rel $0x88, $3  }
0x1: {  	(tag) =	ssettag $0x0;
	lr =	simm.s32 $0x1  }
0x2: {  	[smem:$0x3F83] =	sst lr;
	_ =	strace $0xD0000000  }
0x3: {  	_ = 	snop  }
0x4: {  	_ = 	snop  }
0x5: {  	_ = 	snop  }
0x6: {  	_ = 	snop  }
0x7: {  	_ = 	snop  }
__scs_overlays_trampoline_lowered:
0x8: {  	[smem:$0x3F92] =	sst s0  }
0x9: {  	[smem:$0x3F93] =	sst s1  }
0xa: {  	[smem:$0x3F94] =	sst s2  }
0xb: {  	[smem:$0x3F95] =	sst s3  }
0xc: {  	[smem:$0x3F96] =	sst s4  }
0xd: {  	[smem:$0x3F97] =	sst s5  }
0xe: {  	[smem:$0x3F98] =	sst s6  }
0xf: {  	[smem:$0x3F99] =	sst s7  }
0x10: {  	[smem:$0x3F9A] =	sst s8  }
0x11: {  	[smem:$0x3F9B] =	sst s9;
	s0 =	simm.s32 @!p0 $0x0  }
0x12: {  	s1 =	sld [smem:$0x3F81];
	s0 =	simm.s32 @p0 $0x1  }
0x13: {  	[smem:$0x3F9C] =	sst s0;
	s0 =	simm.s32 @!p1 $0x0  }
0x14: {  	s2 =	sld [smem:$0x3F80];
	s0 =	simm.s32 @p1 $0x1  }
0x15: {  	[smem:$0x3F9D] =	sst s0;
	s0 =	simm.s32 @!p2 $0x0  }
0x16: {  	s3 =	sld [smem:$0x3FDB];
	s0 =	simm.s32 @p2 $0x1  }
0x17: {  	s4 =	simm.s32 $0x1BF5;
	[smem:$0x3F9F] =	sst s0  }
0x18: {  	s0 =	sld [smem:$0x3F82];
	_ =	swait.ge [sflag:s4], $0x0  }
0x19: {  	s7 =	sld [smem:$0x3F83]  }
0x1a: {  	s8 =	sadd.s32 $0xFFFFE003, lr  }
0x1b: {  	s9 =	sadd.s32 $0xFFFFFEF7, lr;
	s5 =	simm.s32 $0xFFFFFFFF;
	p2 =	slt.u32 s8, $0xFFFFF086  }
0x1c: {  	p1 =	slt.u32 s9, $0xF7A;
	s5 =	simm.s32 @!p2 $0x0  }
0x1d: {  	s5 =	simm.s32 @p1 $0x1;
	p0 =	seq.s32 s7, s2  }
0x1e: {  	s7 =	smul.u32 @!p0 $0xF7A, s2;
	p2 =	seq.s32 @!p0 s5, $0x0  }
0x1f: {  	s9 =	smul.u32 $0xF7A, s1;
	s8 =	simm.s32 @!p0 $0x1BF5;
	p2 =	por !p2, p0  }
0x20: {  	[sflag:s8] =	ssyncset.s32 @!p0 $0xFFFFF086;
	s6 =	sadd.s32 @!p0 s3, s7;
	s7 =	simm.s32 @!p0 $0x108  }
0x21: {  	s3 =	sadd.s32 s3, s9;
	s6 =	sadd.s32 @!p0 $0x88, s6;
	s7 =	simm.s32 @p2 $0x1082  }
0x22: {  	[simem:s7], [sflag:s8] =	dma.local @!p0 [hbm:s6], $0xF7A  }
0x23: {  	s9 =	sor.u32 $0xD0000000, s2;
	s6 =	simm.s32 $0x108;
	_ =	swait.ge @!p0 [sflag:s8], $0x0  }
0x24: {  	s3 =	sadd.s32 $0x88, s3;
	s6 =	simm.s32 @!p1 $0x1082;
	[sflag:s4] =	ssyncset.s32 $0xFFFFF086  }
0x25: {  	[simem:s6], [sflag:s4] =	dma.local [hbm:s3], $0xF7A  }
0x26: {  	[smem:$0x3F83] =	sst s1;
	(tag) =	ssettag s2;
	_ =	strace s9  }
0x27: {  	s1 =	sld [smem:$0x3F93]  }
0x28: {  	s2 =	sld [smem:$0x3F94]  }
0x29: {  	s4 =	sld [smem:$0x3F96]  }
0x2a: {  	p0 =	seq.s32 s5, $0x0;
	s5 =	sld [smem:$0x3F97]  }
0x2b: {  	s6 =	sld [smem:$0x3F98]  }
0x2c: {  	s7 =	sld [smem:$0x3F99]  }
0x2d: {  	s3 =	simm.s32 $0x108;
	s8 =	sld [smem:$0x3F9A]  }
0x2e: {  	s3 =	simm.s32 @!p0 $0x1082;
	s9 =	sld [smem:$0x3F9B]  }
0x2f: {  	lr =	sadd.s32 s0, s3;
	s0 =	sld [smem:$0x3F92]  }
0x30: {  	s3 =	sld [smem:$0x3F95]  }
0x31: {  	[smem:$0x3F9E] =	sst s10  }
0x32: {  	s10 =	sld [smem:$0x3F9C];
	_ =	sdelay $0x3  }
0x33: {  	p0 =	seq.s32 s10, $0x1;
	s10 =	sld [smem:$0x3F9E];
	_ =	sdelay $0x3  }
0x34: {  	[smem:$0x3F9E] =	sst s10  }
0x35: {  	s10 =	sld [smem:$0x3F9D];
	_ =	sdelay $0x3  }
0x36: {  	p1 =	seq.s32 s10, $0x1;
	s10 =	sld [smem:$0x3F9E];
	_ =	sdelay $0x3  }
0x37: {  	[smem:$0x3F9E] =	sst s10  }
0x38: {  	s10 =	sld [smem:$0x3F9F]  }
0x39: {  	_ = 	snop;
	(pc) =	sbr.ind lr, $3  }
0x3a: {  	_ = 	snop  }
0x3b: {  	_ = 	snop  }
0x3c: {  	p2 =	seq.s32 s10, $0x1;
	s10 =	sld [smem:$0x3F9E]  }
0x3d: {  	_ =	shalt  }
0x3e: {  	_ =	shalt  }
0x3f: {  	_ =	shalt  }
0x40: {  	_ =	shalt  }
0x41: {  	_ =	shalt  }
0x42: {  	_ =	shalt  }
0x43: {  	_ =	shalt  }
0x44: {  	_ =	shalt  }
0x45: {  	_ =	shalt  }
0x46: {  	_ =	shalt  }
0x47: {  	_ =	shalt  }
0x48: {  	_ =	shalt  }
0x49: {  	_ =	shalt  }
0x4a: {  	_ =	shalt  }
0x4b: {  	_ =	shalt  }
0x4c: {  	_ =	shalt  }
0x4d: {  	_ =	shalt  }
0x4e: {  	_ =	shalt  }
0x4f: {  	_ =	shalt  }
0x50: {  	_ =	shalt  }
0x51: {  	_ =	shalt  }
0x52: {  	_ =	shalt  }
0x53: {  	_ =	shalt  }
0x54: {  	_ =	shalt  }
0x55: {  	_ =	shalt  }
0x56: {  	_ =	shalt  }
0x57: {  	_ =	shalt  }
0x58: {  	_ =	shalt  }
0x59: {  	_ =	shalt  }
0x5a: {  	_ =	shalt  }
0x5b: {  	_ =	shalt  }
0x5c: {  	_ =	shalt  }
0x5d: {  	_ =	shalt  }
0x5e: {  	_ =	shalt  }
0x5f: {  	_ =	shalt  }
0x60: {  	_ =	shalt  }
0x61: {  	_ =	shalt  }
0x62: {  	_ =	shalt  }
0x63: {  	_ =	shalt  }
0x64: {  	_ =	shalt  }
0x65: {  	_ =	shalt  }
0x66: {  	_ =	shalt  }
0x67: {  	_ =	shalt  }
0x68: {  	_ =	shalt  }
0x69: {  	_ =	shalt  }
0x6a: {  	_ =	shalt  }
0x6b: {  	_ =	shalt  }
0x6c: {  	_ =	shalt  }
0x6d: {  	_ =	shalt  }
0x6e: {  	_ =	shalt  }
0x6f: {  	_ =	shalt  }
0x70: {  	_ =	shalt  }
0x71: {  	_ =	shalt  }
0x72: {  	_ =	shalt  }
0x73: {  	_ =	shalt  }
0x74: {  	_ =	shalt  }
0x75: {  	_ =	shalt  }
0x76: {  	_ =	shalt  }
0x77: {  	_ =	shalt  }
0x78: {  	_ =	shalt  }
0x79: {  	_ =	shalt  }
0x7a: {  	_ =	shalt  }
0x7b: {  	_ =	shalt  }
0x7c: {  	_ =	shalt  }
0x7d: {  	_ =	shalt  }
0x7e: {  	_ =	shalt  }
0x7f: {  	_ =	shalt  }
0x80: {  	_ =	shalt  }
0x81: {  	_ =	shalt  }
0x82: {  	_ =	shalt  }
0x83: {  	_ =	shalt  }
0x84: {  	_ =	shalt  }
0x85: {  	_ =	shalt  }
0x86: {  	_ =	shalt  }
0x87: {  	_ =	shalt  }
.Lfunc_end0:
.L_simem_size_0:
called_computation.2_lowered:
.L_overlay_start_0:
0x88: {  	s2 =	sld [smem:$0x3FD9]  }
0x89: {  	s3 =	sld [smem:$0x3FFE];
	_ =	sdelay $0x1  }
0x8a: {  	s1 =	srdreg.scid  }
0x8b: {  	s0 =	sand.u32 $0x1, s1  }
0x8c: {  	s17 =	sshll.u32 s0, $0xA;
	s2 =	sadd.s32 s3, s2  }
0x8d: {  	s2 =	sadd.s32 s2, s17  }
0x8e: {  	[smem:$0x3FAA] =	sst s2  }
0x8f: {  	_ = 	snop  }
0x90: {  	s2 =	sld [smem:$0x3FD0];
	(tm) =	ssettm $0x1  }
0x91: {  	s18 =	sld [smem:$0x3FFB];
	_ =	sdelay $0x3  }
0x92: {  	_ =	strace s18  }
0x93: {  	s3 =	sld [smem:$0x3FFC];
	_ =	sdelay $0x3  }
0x94: {  	_ =	strace s3  }
0x95: {  	s3 =	sld [smem:$0x3FFD];
	_ =	sdelay $0x3  }
0x96: {  	_ =	strace s3  }
0x97: {  	_ =	strace $0x8FFFFFFF  }
0x98: {  	s19 =	sld [smem:$0x3FDB];
	_ =	sdelay $0x1  }
0x99: {  	s4 =	simm.s32 $_scs_section_size  }
0x9a: {  	s5 =	simm.s32 $_size__tile_overlayer_lowered;
	s6 =	simm.s32 $_tile_overlayer_lowered  }
0x9b: {  	s22 =	simm.s32 $0x1BFF;
	s21 =	sshll.u32 s6, $0x1;
	s3 =	sadd.s32 s4, s19  }
0x9c: {  	s7 =	simm.s32 $0x0;
	s20 =	sshll.u32 s5, $0x1;
	s5 =	sadd.s32 s21, s3  }
0x9d: {  	[timem:s7], [sflag:s22] =	dma.local [hbm:s5], s20  }
0x9e: {  	_ =	swait.ge [sflag:s22], s20  }
0x9f: {  	s4 =	ssub.s32 $0x0, s20;
	[sflag:s22] =	ssyncset.done $0x0  }
0xa0: {  	[sflag:s22] =	ssyncadd.s32 s4;
	_ =	sdelay $0x1  }
0xa1: {  	s23 =	simm.s32 $0x1B8B  }
0xa2: {  	_ =	swait.ge [sflag:s23], $0x1  }
0xa3: {  	[sflag:s23] =	ssyncset.done $0x0  }
0xa4: {  	s25 =	simm.s32 $0x1B8E;
	s24 =	sld [smem:$0x3FFE];
	[sflag:s23] =	ssyncadd.s32 $0xFFFFFFFF  }
0xa5: {  	s26 =	simm.s32 $execute0_lowered;
	[smem:$0x3FD2] =	sst s25  }
0xa6: {  	s5 =	sshll.u32 s26, $0x1;
	_ =	strace $0x8000004C;
	[dreg:$0x1] =	wrdreg $0xFFFFFFFF  }
0xa7: {  	s28 =	simm.s32 $_size_execute0_lowered;
	s3 =	sadd.s32 s3, s5;
	[dreg:$0x0] =	wrdreg $0x0  }
0xa8: {  	s5 =	sshll.u32 s28, $0x1;
	[dreg:$0x2] =	wrdreg s3  }
0xa9: {  	[dreg:$0x3] =	wrdreg s5  }
0xaa: {  	[dreg:$0x4] =	wrdreg $0xC0  }
0xab: {  	_ =	task [dreg:s7], $0x5FFFF  }
0xac: {  	[dreg:$0x1] =	wrdreg $0xFFFFFFFF  }
0xad: {  	[dreg:$0x0] =	wrdreg $0x60  }
0xae: {  	[dreg:$0x2] =	wrdreg s2  }
0xaf: {  	[dreg:$0x3] =	wrdreg s24  }
0xb0: {  	[dreg:$0x4] =	wrdreg $0x15C400  }
0xb1: {  	[dreg:$0x5] =	wrdreg $0x9  }
0xb2: {  	_ =	task.clear_ibuf [dreg:s7], $0x6FFFF;
	_ =	strace $0x9000004C  }
0xb3: {  	s29 =	simm.s32 $0x9;
	_ =	strace $0x8000004E  }
0xb4: {  	_ =	swait.ge [sflag:s29], $0x1  }
0xb5: {  	[sflag:s29] =	ssyncadd.s32 $0xFFFFFFFF  }
0xb6: {  	_ =	strace $0x9000004E  }
0xb7: {  	_ =	sfence  }
0xb8: {  	s30 =	sld [smem:$0x0];
	_ =	sdelay $0x2  }
0xb9: {  	s31 =	sshll.u32 s1, $0xD;
	s1 =	sshrl.u32 s1, $0x2  }
0xba: {  	s3 =	sand.u32 $0x4000, s31;
	s1 =	sadd.s32 s1, s30  }
0xbb: {  	s0 =	sor.u32 s3, s0;
	s1 =	sshll.u32 s1, $0x11  }
0xbc: {  	s0 =	sor.u32 s1, s0  }
0xbd: {  	s0 =	sadd.s32 $0x8F2B, s0  }
0xbe: {  	[sflag:s0] =	ssyncadd.remote.s32 $0x1  }
0xbf: {  	_ =	sfence.sel $0xFFFF  }
0xc0: {  	[dreg:$0x0] =	wrdreg $0xFFFFFFFF;
	(pc) =	sbr.abs _section_cstart, $3  }
0xc1: {  	[dreg:$0x1] =	wrdreg $0xFFFFFFFF  }
0xc2: {  	_ =	task.clear_ibuf [dreg:s7], $0x2FFFF;
	_ =	strace $0x9FFFFFFF  }
0xc3: {  	(tm) =	ssettm $0x7FFFFFFF  }
tec
execute0_lowered:
.L_overlay_start_1:
0x0: {  	(tag) =	ssettag $0x1  }
0x1: {  	s1 =	srdreg.scid;
	s0 =	rddreg [dreg:$0x0]  }
0x2: {  	s13 =	stileid.u32;
	s9 =	rddreg [dreg:$0x1]  }
0x3: {  	s2 =	rddreg [dreg:$0x2];
	s3 =	simm.s32 $0x0;
	s17 =	simm.s32 $0x4E20  }
0x4: {  	s19 =	simm.s32 $0x2;
	s20 =	simm.s32 $0x80;
	s21 =	simm.s32 $0x9C40  }
0x5: {  	s29 =	simm.s32 $0xFC40;
	s31 =	simm.s32 $0x11C40;
	s4 =	smul.u32 $0x4E20, s13  }
0x6: {  	s30 =	simm.s32 $0x20;
	s28 =	simm.s32 $0x0;
	s10 =	smul.u32 $0x13800, s13  }
0x7: {  	s1 =	sand.u32 $0x1, s1;
	[smem:$0x7FF] =	sst s3;
	s8 =	smul.u32 $0x27000, s13  }
0x8: {  	s12 =	sadd.s32 $0x98C00, s9;
	s18 =	sadd.s32 $0x9C000, s2;
	p0 =	sne.s32 s13, $0x0  }
0x9: {  	s5 =	smul.u32 $0x4E200, s1;
	_ =	strace $0x8000004D;
	s6 =	ssub.s32 $0x2, s1  }
0xa: {  	s16 =	sshll.u32 s1, $0x6;
	s1 =	sshll.u32 s1, $0x3;
	s18 =	sshrl.u32 @!p0 s18, $0x3  }
0xb: {  	s22 =	sshrl.u32 s10, $0x3;
	s24 =	sshrl.u32 s6, $0x1;
	s25 =	sshrl.u32 s8, $0x2  }
0xc: {  	s10 =	sor.u32 s16, s10;
	s1 =	sadd.s32 s1, s12;
	s16 =	simm.s32 $0x10  }
0xd: {  	s5 =	sadd.s32 s4, s5;
	s4 =	sshrl.u32 s4, $0x3;
	s23 =	sadd.s32 s22, s9  }
0xe: {  	s14 =	ssub.s32 s6, s24;
	s15 =	sadd.s32 s25, s2;
	s10 =	sshrl.u32 s10, $0x3  }
0xf: {  	s22 =	simm.s32 $0xBC40;
	s24 =	simm.s32 $0xDC40;
	s5 =	sshrl.u32 s5, $0x3  }
0x10: {  	s11 =	sadd.s32 s4, s9;
	s4 =	sadd.s32 $0x71A00, s23;
	s10 =	sadd.s32 s12, s10  }
0x11: {  	s12 =	smax.u32 s14, $0x1;
	s14 =	simm.s32 $0x1;
	s23 =	simm.s32 $0x13C40  }
0x12: {  	s7 =	sadd.s32 s5, s9;
	[dreg:$0x4] =	wrdreg s4;
	s5 =	sshll.u32 s13, $0x6  }
0x13: {  	s8 =	sadd.s32 $0x6000, s11;
	s9 =	sadd.s32 $0x98A00, s9;
	s11 =	sadd.s32 $0x27000, s1  }
0x14: {  	s13 =	sshrl.u32 s15, $0x3;
	s15 =	simm.s32 $0x8;
	s26 =	sor.u32 $0x1C01, s5  }
0x15: {  	s7 =	sadd.s32 $0xFE00, s7;
	[dreg:$0x5] =	wrdreg s26;
	s26 =	simm.s32 $0x3  }
.LBB2_1:
0x16: {  	s1 =	rddreg [dreg:$0x4]  }
0x17: {  	s4 =	rddreg [dreg:$0x5];
	s25 =	simm.s32 @!p0 $0x8  }
0x18: {  	[spmem:s13@s15], [sflag:s4] =	dma.strided [hbm:s1@s16], $0x1380, s14, $0x8   }
0x19: {  	[tilespmem:s3], [sflag:$0x2] =	stream.linear.gather [hbm4b:s7+s3], $0x4E20, $0x38;
	[tilespmem:$0x1F880] =	vst v63  }
0x1a: {  	s6 =	simm.s32 @!p0 $0x1C03;
	s1 =	simm.s32 @!p0 $0x1;
	s4 =	simm.s32 @!p0 $0x10  }
0x1b: {  	[tilespmem:s17], [sflag:$0x2] =	stream.linear.gather [hbm4b:s8+s3], $0x4E20, $0x38;
	[tilespmem:$0x1F880] =	vst v63  }
0x1c: {  	[spmem:s18@s25], [sflag:s6] =	dma.strided @!p0 [hbm:s9@s4], $0x80, s1, $0x8   }
0x1d: {  	s1 =	simm.s32 @!p0 $0x3  }
0x1e: {  	_ =	swait.ge @!p0 [sflag:s1], $0x80  }
0x1f: {  	[sflag:s1] =	ssyncset.done @!p0 $0x0  }
0x20: {  	[sflag:s1] =	ssyncadd.s32 @!p0 $0xFFFFFF80  }
0x21: {  	_ =	swait.ge [sflag:s14], $0x1380  }
0x22: {  	[sflag:s14] =	ssyncset.done $0x0  }
0x23: {  	[sflag:s14] =	ssyncadd.s32 $0xFFFFEC80  }
0x24: {  	_ =	swait.ge [sflag:s19], $0x4E20  }
0x25: {  	[sflag:s19] =	ssyncset.done $0x0  }
0x26: {  	[sflag:s19] =	ssyncadd.s32 $0xFFFFB1E0  }
0x27: {  	_ =	swait.ge [sflag:s19], $0x4E20  }
0x28: {  	[sflag:s19] =	ssyncset.done $0x0  }
0x29: {  	[sflag:s19] =	ssyncadd.s32 $0xFFFFB1E0  }
0x2a: {  	[bflag:$0x0] =	sbarrier.arrive $0xFFFF  }
0x2b: {  	[tilespmem:s21], [sflag:$0x1] =	stream.indirect.gather [hbm4b:s0+s20], $0x40, s3, s20, $0xb8;
	[tilespmem:$0x1F880] =	vst v63  }
0x2c: {  	_ = 	snop  }
0x2d: {  	[tilespmem:s22], [sflag:$0x1] =	stream.indirect.gather [hbm4b:s0+s20], $0x40, s20, s20, $0xb8;
	[tilespmem:$0x1F880] =	vst v63  }
0x2e: {  	s6 =	simm.s32 $0x100  }
0x2f: {  	[tilespmem:s24], [sflag:$0x1] =	stream.indirect.gather [hbm4b:s0+s20], $0x40, s6, s20, $0xb8;
	[tilespmem:$0x1F880] =	vst v63  }
0x30: {  	_ =	swait.ge [sflag:s14], $0x2000  }
0x31: {  	[sflag:s14] =	ssyncset.done $0x0  }
0x32: {  	[sflag:s14] =	ssyncadd.s32 $0xFFFFE000  }
0x33: {  	_ =	swait.ge [sflag:s14], $0x2000  }
0x34: {  	[sflag:s14] =	ssyncset.done $0x0  }
0x35: {  	[sflag:s14] =	ssyncadd.s32 $0xFFFFE000  }
0x36: {  	_ =	swait.ge [sflag:s14], $0x2000  }
0x37: {  	[sflag:s14] =	ssyncset.done $0x0  }
0x38: {  	[sflag:s14] =	ssyncadd.s32 $0xFFFFE000  }
0x39: {  	[spmem:s2] =	stream.indirect.scatter.add.f32 [tilespmem:s21], [sflag:$0x2], $0x40, s17, s20, $0xb8;
	[tilespmem:$0x1F880] =	vst v63  }
0x3a: {  	s25 =	simm.s32 $0x4EA0  }
0x3b: {  	[spmem:s2] =	stream.indirect.scatter.add.f32 [tilespmem:s22], [sflag:$0x2], $0x40, s25, s20, $0xb8;
	[tilespmem:$0x1F880] =	vst v63  }
0x3c: {  	s4 =	simm.s32 $0x4F20  }
0x3d: {  	[spmem:s2] =	stream.indirect.scatter.add.f32 [tilespmem:s24], [sflag:$0x2], $0x40, s4, s20, $0xb8;
	[tilespmem:$0x1F880] =	vst v63  }
0x3e: {  	s6 =	simm.s32 $0x180  }
0x3f: {  	[tilespmem:s29], [sflag:$0x1] =	stream.indirect.gather [hbm4b:s0+s20], $0x40, s6, s20, $0xb8;
	[tilespmem:$0x1F880] =	vst v63  }
0x40: {  	s25 =	simm.s32 $0x200  }
0x41: {  	[tilespmem:s31], [sflag:$0x1] =	stream.indirect.gather [hbm4b:s0+s20], $0x40, s25, s20, $0xb8;
	[tilespmem:$0x1F880] =	vst v63  }
0x42: {  	s4 =	simm.s32 $0x280  }
0x43: {  	[tilespmem:s23], [sflag:$0x1] =	stream.indirect.gather [hbm4b:s0+s20], $0x40, s4, s20, $0xb8;
	[tilespmem:$0x1F880] =	vst v63  }
0x44: {  	_ =	swait.ge [sflag:s14], $0x2000  }
0x45: {  	[sflag:s14] =	ssyncset.done $0x0  }
0x46: {  	[sflag:s14] =	ssyncadd.s32 $0xFFFFE000  }
0x47: {  	_ =	swait.ge [sflag:s14], $0x2000  }
0x48: {  	[sflag:s14] =	ssyncset.done $0x0  }
0x49: {  	[sflag:s14] =	ssyncadd.s32 $0xFFFFE000  }
0x4a: {  	_ =	swait.ge [sflag:s14], $0x2000  }
0x4b: {  	[sflag:s14] =	ssyncset.done $0x0  }
0x4c: {  	s6 =	simm.s32 $0x4FA0;
	[sflag:s14] =	ssyncadd.s32 $0xFFFFE000  }
0x4d: {  	[spmem:s2] =	stream.indirect.scatter.add.f32 [tilespmem:s29], [sflag:$0x2], $0x40, s6, s20, $0xb8;
	[tilespmem:$0x1F880] =	vst v63  }
0x4e: {  	s25 =	simm.s32 $0x5020  }
0x4f: {  	[spmem:s2] =	stream.indirect.scatter.add.f32 [tilespmem:s31], [sflag:$0x2], $0x40, s25, s20, $0xb8;
	[tilespmem:$0x1F880] =	vst v63  }
0x50: {  	s4 =	simm.s32 $0x50A0  }
0x51: {  	[spmem:s2] =	stream.indirect.scatter.add.f32 [tilespmem:s23], [sflag:$0x2], $0x40, s4, s20, $0xb8;
	[tilespmem:$0x1F880] =	vst v63  }
0x52: {  	_ =	swait.ge [sflag:s19], $0x2000  }
0x53: {  	[sflag:s19] =	ssyncset.done $0x0  }
0x54: {  	[sflag:s19] =	ssyncadd.s32 $0xFFFFE000  }
0x55: {  	_ =	swait.ge [sflag:s19], $0x2000  }
0x56: {  	[sflag:s19] =	ssyncset.done $0x0  }
0x57: {  	[sflag:s19] =	ssyncadd.s32 $0xFFFFE000  }
0x58: {  	_ =	swait.ge [sflag:s19], $0x2000  }
0x59: {  	[sflag:s19] =	ssyncset.done $0x0  }
0x5a: {  	s6 =	simm.s32 $0x300;
	[sflag:s19] =	ssyncadd.s32 $0xFFFFE000  }
0x5b: {  	[tilespmem:s21], [sflag:$0x1] =	stream.indirect.gather [hbm4b:s0+s20], $0x40, s6, s20, $0xb8;
	[tilespmem:$0x1F880] =	vst v63  }
0x5c: {  	s25 =	simm.s32 $0x380  }
0x5d: {  	[tilespmem:s22], [sflag:$0x1] =	stream.indirect.gather [hbm4b:s0+s20], $0x40, s25, s20, $0xb8;
	[tilespmem:$0x1F880] =	vst v63  }
0x5e: {  	s4 =	simm.s32 $0x400  }
0x5f: {  	[tilespmem:s24], [sflag:$0x1] =	stream.indirect.gather [hbm4b:s0+s20], $0x40, s4, s20, $0xb8;
	[tilespmem:$0x1F880] =	vst v63  }
0x60: {  	_ =	swait.ge [sflag:s14], $0x2000  }
0x61: {  	[sflag:s14] =	ssyncset.done $0x0  }
0x62: {  	[sflag:s14] =	ssyncadd.s32 $0xFFFFE000  }
0x63: {  	_ =	swait.ge [sflag:s14], $0x2000  }
0x64: {  	[sflag:s14] =	ssyncset.done $0x0  }
0x65: {  	[sflag:s14] =	ssyncadd.s32 $0xFFFFE000  }
0x66: {  	_ =	swait.ge [sflag:s14], $0x2000  }
0x67: {  	[sflag:s14] =	ssyncset.done $0x0  }
0x68: {  	[sflag:s14] =	ssyncadd.s32 $0xFFFFE000  }
0x69: {  	_ =	swait.ge [sflag:s19], $0x2000  }
0x6a: {  	[sflag:s19] =	ssyncset.done $0x0  }
0x6b: {  	[sflag:s19] =	ssyncadd.s32 $0xFFFFE000  }
0x6c: {  	_ =	swait.ge [sflag:s19], $0x2000  }
0x6d: {  	[sflag:s19] =	ssyncset.done $0x0  }
0x6e: {  	[sflag:s19] =	ssyncadd.s32 $0xFFFFE000  }
0x6f: {  	_ =	swait.ge [sflag:s19], $0x2000  }
0x70: {  	[sflag:s19] =	ssyncset.done $0x0  }
0x71: {  	s6 =	simm.s32 $0x5120;
	[sflag:s19] =	ssyncadd.s32 $0xFFFFE000  }
0x72: {  	[spmem:s2] =	stream.indirect.scatter.add.f32 [tilespmem:s21], [sflag:$0x2], $0x40, s6, s20, $0xb8;
	[tilespmem:$0x1F880] =	vst v63  }
0x73: {  	s25 =	simm.s32 $0x51A0  }
0x74: {  	[spmem:s2] =	stream.indirect.scatter.add.f32 [tilespmem:s22], [sflag:$0x2], $0x40, s25, s20, $0xb8;
	[tilespmem:$0x1F880] =	vst v63  }
0x75: {  	s4 =	simm.s32 $0x5220  }
0x76: {  	[spmem:s2] =	stream.indirect.scatter.add.f32 [tilespmem:s24], [sflag:$0x2], $0x40, s4, s20, $0xb8;
	[tilespmem:$0x1F880] =	vst v63  }
0x77: {  	s6 =	simm.s32 $0x480  }
0x78: {  	[tilespmem:s29], [sflag:$0x1] =	stream.indirect.gather [hbm4b:s0+s20], $0x40, s6, s20, $0xb8;
	[tilespmem:$0x1F880] =	vst v63  }
0x79: {  	s25 =	simm.s32 $0x500  }
0x7a: {  	[tilespmem:s31], [sflag:$0x1] =	stream.indirect.gather [hbm4b:s0+s20], $0x40, s25, s20, $0xb8;
	[tilespmem:$0x1F880] =	vst v63  }
0x7b: {  	s4 =	simm.s32 $0x580  }
0x7c: {  	[tilespmem:s23], [sflag:$0x1] =	stream.indirect.gather [hbm4b:s0+s20], $0x40, s4, s20, $0xb8;
	[tilespmem:$0x1F880] =	vst v63  }
0x7d: {  	_ =	swait.ge [sflag:s14], $0x2000  }
0x7e: {  	[sflag:s14] =	ssyncset.done $0x0  }
0x7f: {  	[sflag:s14] =	ssyncadd.s32 $0xFFFFE000  }
0x80: {  	_ =	swait.ge [sflag:s14], $0x2000  }
0x81: {  	[sflag:s14] =	ssyncset.done $0x0  }
0x82: {  	[sflag:s14] =	ssyncadd.s32 $0xFFFFE000  }
0x83: {  	_ =	swait.ge [sflag:s14], $0x2000  }
0x84: {  	[sflag:s14] =	ssyncset.done $0x0  }
0x85: {  	s6 =	simm.s32 $0x52A0;
	[sflag:s14] =	ssyncadd.s32 $0xFFFFE000  }
0x86: {  	[spmem:s2] =	stream.indirect.scatter.add.f32 [tilespmem:s29], [sflag:$0x2], $0x40, s6, s20, $0xb8;
	[tilespmem:$0x1F880] =	vst v63  }
0x87: {  	s25 =	simm.s32 $0x5320  }
0x88: {  	[spmem:s2] =	stream.indirect.scatter.add.f32 [tilespmem:s31], [sflag:$0x2], $0x40, s25, s20, $0xb8;
	[tilespmem:$0x1F880] =	vst v63  }
0x89: {  	s1 =	simm.s32 $0xC00;
	s25 =	simm.s32 $0x53A0  }
.LBB2_2:
0x8a: {  	[spmem:s2] =	stream.indirect.scatter.add.f32 [tilespmem:s23], [sflag:$0x2], $0x40, s25, s20, $0xb8;
	[tilespmem:$0x1F880] =	vst v63  }
0x8b: {  	s4 =	smov.u32 s1  }
0x8c: {  	p1 =	sne.s32 s1, $0x12000;
	s1 =	sadd.s32 $0xC00, s1;
	_ =	swait.ge [sflag:s19], $0x2000  }
0x8d: {  	[sflag:s19] =	ssyncset.done $0x0  }
0x8e: {  	[sflag:s19] =	ssyncadd.s32 $0xFFFFE000  }
0x8f: {  	_ =	swait.ge [sflag:s19], $0x2000  }
0x90: {  	[sflag:s19] =	ssyncset.done $0x0  }
0x91: {  	[sflag:s19] =	ssyncadd.s32 $0xFFFFE000  }
0x92: {  	_ =	swait.ge [sflag:s19], $0x2000  }
0x93: {  	s25 =	sshra.s32 s4, $0x2;
	[sflag:s19] =	ssyncset.done $0x0  }
0x94: {  	s4 =	sadd.s32 $0x300, s25;
	[sflag:s19] =	ssyncadd.s32 $0xFFFFE000  }
0x95: {  	[tilespmem:s21], [sflag:$0x1] =	stream.indirect.gather [hbm4b:s0+s20], $0x40, s4, s20, $0xb8;
	[tilespmem:$0x1F880] =	vst v63  }
0x96: {  	s4 =	sadd.s32 $0x380, s25  }
0x97: {  	[tilespmem:s22], [sflag:$0x1] =	stream.indirect.gather [hbm4b:s0+s20], $0x40, s4, s20, $0xb8;
	[tilespmem:$0x1F880] =	vst v63  }
0x98: {  	s4 =	sadd.s32 $0x400, s25  }
0x99: {  	[tilespmem:s24], [sflag:$0x1] =	stream.indirect.gather [hbm4b:s0+s20], $0x40, s4, s20, $0xb8;
	[tilespmem:$0x1F880] =	vst v63  }
0x9a: {  	_ =	swait.ge [sflag:s14], $0x2000  }
0x9b: {  	[sflag:s14] =	ssyncset.done $0x0  }
0x9c: {  	[sflag:s14] =	ssyncadd.s32 $0xFFFFE000  }
0x9d: {  	_ =	swait.ge [sflag:s14], $0x2000  }
0x9e: {  	[sflag:s14] =	ssyncset.done $0x0  }
0x9f: {  	[sflag:s14] =	ssyncadd.s32 $0xFFFFE000  }
0xa0: {  	_ =	swait.ge [sflag:s14], $0x2000  }
0xa1: {  	[sflag:s14] =	ssyncset.done $0x0  }
0xa2: {  	[sflag:s14] =	ssyncadd.s32 $0xFFFFE000  }
0xa3: {  	_ =	swait.ge [sflag:s19], $0x2000  }
0xa4: {  	[sflag:s19] =	ssyncset.done $0x0  }
0xa5: {  	[sflag:s19] =	ssyncadd.s32 $0xFFFFE000  }
0xa6: {  	_ =	swait.ge [sflag:s19], $0x2000  }
0xa7: {  	[sflag:s19] =	ssyncset.done $0x0  }
0xa8: {  	[sflag:s19] =	ssyncadd.s32 $0xFFFFE000  }
0xa9: {  	_ =	swait.ge [sflag:s19], $0x2000  }
0xaa: {  	[sflag:s19] =	ssyncset.done $0x0  }
0xab: {  	s4 =	sadd.s32 $0x5120, s25;
	[sflag:s19] =	ssyncadd.s32 $0xFFFFE000  }
0xac: {  	[spmem:s2] =	stream.indirect.scatter.add.f32 [tilespmem:s21], [sflag:$0x2], $0x40, s4, s20, $0xb8;
	[tilespmem:$0x1F880] =	vst v63  }
0xad: {  	s4 =	sadd.s32 $0x51A0, s25  }
0xae: {  	[spmem:s2] =	stream.indirect.scatter.add.f32 [tilespmem:s22], [sflag:$0x2], $0x40, s4, s20, $0xb8;
	[tilespmem:$0x1F880] =	vst v63  }
0xaf: {  	s4 =	sadd.s32 $0x5220, s25  }
0xb0: {  	[spmem:s2] =	stream.indirect.scatter.add.f32 [tilespmem:s24], [sflag:$0x2], $0x40, s4, s20, $0xb8;
	[tilespmem:$0x1F880] =	vst v63  }
0xb1: {  	s4 =	sadd.s32 $0x480, s25  }
0xb2: {  	[tilespmem:s29], [sflag:$0x1] =	stream.indirect.gather [hbm4b:s0+s20], $0x40, s4, s20, $0xb8;
	[tilespmem:$0x1F880] =	vst v63  }
0xb3: {  	s4 =	sadd.s32 $0x500, s25  }
0xb4: {  	[tilespmem:s31], [sflag:$0x1] =	stream.indirect.gather [hbm4b:s0+s20], $0x40, s4, s20, $0xb8;
	[tilespmem:$0x1F880] =	vst v63  }
0xb5: {  	s4 =	sadd.s32 $0x580, s25  }
0xb6: {  	[tilespmem:s23], [sflag:$0x1] =	stream.indirect.gather [hbm4b:s0+s20], $0x40, s4, s20, $0xb8;
	[tilespmem:$0x1F880] =	vst v63  }
0xb7: {  	_ =	swait.ge [sflag:s14], $0x2000  }
0xb8: {  	[sflag:s14] =	ssyncset.done $0x0  }
0xb9: {  	[sflag:s14] =	ssyncadd.s32 $0xFFFFE000  }
0xba: {  	_ =	swait.ge [sflag:s14], $0x2000  }
0xbb: {  	[sflag:s14] =	ssyncset.done $0x0  }
0xbc: {  	[sflag:s14] =	ssyncadd.s32 $0xFFFFE000  }
0xbd: {  	_ =	swait.ge [sflag:s14], $0x2000  }
0xbe: {  	[sflag:s14] =	ssyncset.done $0x0  }
.Ltmp0:
0xbf: {  	s4 =	sadd.s32 $0x52A0, s25;
	[sflag:s14] =	ssyncadd.s32 $0xFFFFE000;
	(pc) =	sbr.rel @p1 .LBB2_2-.Ltmp0, $4  }
0xc0: {  	[spmem:s2] =	stream.indirect.scatter.add.f32 [tilespmem:s29], [sflag:$0x2], $0x40, s4, s20, $0xb8;
	[tilespmem:$0x1F880] =	vst v63  }
0xc1: {  	s4 =	sadd.s32 $0x5320, s25  }
0xc2: {  	[spmem:s2] =	stream.indirect.scatter.add.f32 [tilespmem:s31], [sflag:$0x2], $0x40, s4, s20, $0xb8;
	[tilespmem:$0x1F880] =	vst v63  }
0xc3: {  	s25 =	sadd.s32 $0x53A0, s25  }
0xc4: {  	[spmem:s2] =	stream.indirect.scatter.add.f32 [tilespmem:s23], [sflag:$0x2], $0x40, s25, s20, $0xb8;
	[tilespmem:$0x1F880] =	vst v63  }
0xc5: {  	_ =	swait.ge [sflag:s19], $0x2000  }
0xc6: {  	[sflag:s19] =	ssyncset.done $0x0  }
0xc7: {  	[sflag:s19] =	ssyncadd.s32 $0xFFFFE000  }
0xc8: {  	_ =	swait.ge [sflag:s19], $0x2000  }
0xc9: {  	[sflag:s19] =	ssyncset.done $0x0  }
0xca: {  	[sflag:s19] =	ssyncadd.s32 $0xFFFFE000  }
0xcb: {  	_ =	swait.ge [sflag:s19], $0x2000  }
0xcc: {  	[sflag:s19] =	ssyncset.done $0x0  }
0xcd: {  	[sflag:s19] =	ssyncadd.s32 $0xFFFFE000  }
0xce: {  	_ =	swait.ge [sflag:s19], $0x2000  }
0xcf: {  	[sflag:s19] =	ssyncset.done $0x0  }
0xd0: {  	[sflag:s19] =	ssyncadd.s32 $0xFFFFE000  }
0xd1: {  	_ =	swait.ge [sflag:s19], $0x2000  }
0xd2: {  	[sflag:s19] =	ssyncset.done $0x0  }
0xd3: {  	[sflag:s19] =	ssyncadd.s32 $0xFFFFE000  }
0xd4: {  	_ =	swait.ge [sflag:s19], $0x2000  }
0xd5: {  	[sflag:s19] =	ssyncset.done $0x0  }
0xd6: {  	s1 =	simm.s32 $0x4E00;
	[sflag:s19] =	ssyncadd.s32 $0xFFFFE000  }
0xd7: {  	[tilespmem:s21], [sflag:$0x1] =	stream.indirect.gather [hbm4b:s0+s30], $0x40, s1, s30, $0xb8;
	[tilespmem:$0x1F880] =	vst v63  }
0xd8: {  	_ =	swait.ge [sflag:s14], $0x800  }
0xd9: {  	[sflag:s14] =	ssyncset.done $0x0  }
0xda: {  	s25 =	simm.s32 $0x9C20;
	[sflag:s14] =	ssyncadd.s32 $0xFFFFF800  }
0xdb: {  	[spmem:s2] =	stream.indirect.scatter.add.f32 [tilespmem:s21], [sflag:$0x2], $0x40, s25, s30, $0xb8;
	[tilespmem:$0x1F880] =	vst v63  }
0xdc: {  	_ =	swait.ge [sflag:s19], $0x800  }
0xdd: {  	[sflag:s19] =	ssyncset.done $0x0  }
0xde: {  	[sflag:s19] =	ssyncadd.s32 $0xFFFFF800  }
0xdf: {  	s1 =	sor.u32 $0x1C03, s5;
	[bflag:$0x0] =	sbarrier.arrive $0xFFFF  }
0xe0: {  	[hbm:s10@s16], [sflag:s1] =	dma.strided [spmem:s13@s15], $0x1380, s14, $0x8   }
0xe1: {  	s4 =	simm.s32 @!p0 $0x1;
	_ =	swait.ge [sflag:s26], $0x1380  }
0xe2: {  	s6 =	simm.s32 @!p0 $0x10;
	s28 =	sadd.s32 $0x1, s28;
	[sflag:s26] =	ssyncset.done $0x0  }
0xe3: {  	p1 =	sne.s32 s28, s12;
	s25 =	simm.s32 @!p0 $0x8;
	[sflag:s26] =	ssyncadd.s32 $0xFFFFEC80  }
0xe4: {  	[hbm:s11@s6], [sflag:s1] =	dma.strided @!p0 [spmem:s18@s25], $0x80, s4, $0x8   }
.Ltmp1:
0xe5: {  	_ = 	snop;
	(pc) =	sbr.rel @p1 .LBB2_1-.Ltmp1, $4  }
0xe6: {  	s1 =	simm.s32 @!p0 $0x3  }
0xe7: {  	_ =	swait.ge @!p0 [sflag:s1], $0x80  }
0xe8: {  	[sflag:s1] =	ssyncset.done @!p0 $0x0  }
0xe9: {  	[sflag:s1] =	ssyncadd.s32 @!p0 $0xFFFFFF80  }
0xea: {  	_ =	sfence.sel $0x180000  }
0xeb: {  	[bflag:$0x0] =	sbarrier.arrive $0xFFFF  }
0xec: {  	_ =	strace $0x9000004D  }
0xed: {  	[bflag:$0x2] =	sbarrier.arrive $0xFFFF  }
0xee: {  	s0 =	rddreg [dreg:$0x3]  }
0xef: {  	s0 =	sadd.s32 @!p0 $0x100000, s0  }
0xf0: {  	[sflag:s0] =	ssyncadd.tile.s32 @!p0 $0x1;
	_ =	shalt  }
.Lfunc_end2:
_tile_overlayer_lowered:
.L_overlay_start_2:
0xf1: {  	(tag) =	ssettag $0x2  }
0xf2: {  	s0 =	rddreg [dreg:$0x0];
	s2 =	stileid.u32  }
0xf3: {  	s1 =	rddreg [dreg:$0x1];
	p0 =	sne.s32 s2, $0x0  }
0xf4: {  	s3 =	rddreg [dreg:$0x2];
	[bflag:$0x3] =	sbarrier.arrive $0xFFFF;
	s2 =	simm.s32 @!p0 $0x1C03  }
0xf5: {  	[timem:s3], [sflag:s2] =	dma.local @!p0 [hbm:s0], s1  }
0xf6: {  	s0 =	simm.s32 @!p0 $0x3  }
0xf7: {  	_ =	swait.ge @!p0 [sflag:s0], s1  }
0xf8: {  	s1 =	ssub.s32 @!p0 $0x0, s1;
	[sflag:s0] =	ssyncset.done @!p0 $0x0  }
0xf9: {  	[sflag:s0] =	ssyncadd.s32 @!p0 s1  }
0xfa: {  	[bflag:$0x3] =	sbarrier.arrive $0xFFFF  }
0xfb: {  	_ =	shalt  }

// kernel: kernel.21.cloned.1.call-start
scs
__scs_entry_jumppad:
0x0: {  	(pc) =	sbr.rel $0x88, $3  }
0x1: {  	(tag) =	ssettag $0x0;
	lr =	simm.s32 $0x1  }
0x2: {  	[smem:$0x3F83] =	sst lr;
	_ =	strace $0xD0000000  }
0x3: {  	_ = 	snop  }
0x4: {  	_ = 	snop  }
0x5: {  	_ = 	snop  }
0x6: {  	_ = 	snop  }
0x7: {  	_ = 	snop  }
__scs_overlays_trampoline_lowered:
0x8: {  	[smem:$0x3F92] =	sst s0  }
0x9: {  	[smem:$0x3F93] =	sst s1  }
0xa: {  	[smem:$0x3F94] =	sst s2  }
0xb: {  	[smem:$0x3F95] =	sst s3  }
0xc: {  	[smem:$0x3F96] =	sst s4  }
0xd: {  	[smem:$0x3F97] =	sst s5  }
0xe: {  	[smem:$0x3F98] =	sst s6  }
0xf: {  	[smem:$0x3F99] =	sst s7  }
0x10: {  	[smem:$0x3F9A] =	sst s8  }
0x11: {  	[smem:$0x3F9B] =	sst s9;
	s0 =	simm.s32 @!p0 $0x0  }
0x12: {  	s1 =	sld [smem:$0x3F81];
	s0 =	simm.s32 @p0 $0x1  }
0x13: {  	[smem:$0x3F9C] =	sst s0;
	s0 =	simm.s32 @!p1 $0x0  }
0x14: {  	s2 =	sld [smem:$0x3F80];
	s0 =	simm.s32 @p1 $0x1  }
0x15: {  	[smem:$0x3F9D] =	sst s0;
	s0 =	simm.s32 @!p2 $0x0  }
0x16: {  	s3 =	sld [smem:$0x3FDB];
	s0 =	simm.s32 @p2 $0x1  }
0x17: {  	s4 =	simm.s32 $0x1BF5;
	[smem:$0x3F9F] =	sst s0  }
0x18: {  	s0 =	sld [smem:$0x3F82];
	_ =	swait.ge [sflag:s4], $0x0  }
0x19: {  	s7 =	sld [smem:$0x3F83]  }
0x1a: {  	s8 =	sadd.s32 $0xFFFFE003, lr  }
0x1b: {  	s9 =	sadd.s32 $0xFFFFFEF7, lr;
	s5 =	simm.s32 $0xFFFFFFFF;
	p2 =	slt.u32 s8, $0xFFFFF086  }
0x1c: {  	p1 =	slt.u32 s9, $0xF7A;
	s5 =	simm.s32 @!p2 $0x0  }
0x1d: {  	s5 =	simm.s32 @p1 $0x1;
	p0 =	seq.s32 s7, s2  }
0x1e: {  	s7 =	smul.u32 @!p0 $0xF7A, s2;
	p2 =	seq.s32 @!p0 s5, $0x0  }
0x1f: {  	s9 =	smul.u32 $0xF7A, s1;
	s8 =	simm.s32 @!p0 $0x1BF5;
	p2 =	por !p2, p0  }
0x20: {  	[sflag:s8] =	ssyncset.s32 @!p0 $0xFFFFF086;
	s6 =	sadd.s32 @!p0 s3, s7;
	s7 =	simm.s32 @!p0 $0x108  }
0x21: {  	s3 =	sadd.s32 s3, s9;
	s6 =	sadd.s32 @!p0 $0x88, s6;
	s7 =	simm.s32 @p2 $0x1082  }
0x22: {  	[simem:s7], [sflag:s8] =	dma.local @!p0 [hbm:s6], $0xF7A  }
0x23: {  	s9 =	sor.u32 $0xD0000000, s2;
	s6 =	simm.s32 $0x108;
	_ =	swait.ge @!p0 [sflag:s8], $0x0  }
0x24: {  	s3 =	sadd.s32 $0x88, s3;
	s6 =	simm.s32 @!p1 $0x1082;
	[sflag:s4] =	ssyncset.s32 $0xFFFFF086  }
0x25: {  	[simem:s6], [sflag:s4] =	dma.local [hbm:s3], $0xF7A  }
0x26: {  	[smem:$0x3F83] =	sst s1;
	(tag) =	ssettag s2;
	_ =	strace s9  }
0x27: {  	s1 =	sld [smem:$0x3F93]  }
0x28: {  	s2 =	sld [smem:$0x3F94]  }
0x29: {  	s4 =	sld [smem:$0x3F96]  }
0x2a: {  	p0 =	seq.s32 s5, $0x0;
	s5 =	sld [smem:$0x3F97]  }
0x2b: {  	s6 =	sld [smem:$0x3F98]  }
0x2c: {  	s7 =	sld [smem:$0x3F99]  }
0x2d: {  	s3 =	simm.s32 $0x108;
	s8 =	sld [smem:$0x3F9A]  }
0x2e: {  	s3 =	simm.s32 @!p0 $0x1082;
	s9 =	sld [smem:$0x3F9B]  }
0x2f: {  	lr =	sadd.s32 s0, s3;
	s0 =	sld [smem:$0x3F92]  }
0x30: {  	s3 =	sld [smem:$0x3F95]  }
0x31: {  	[smem:$0x3F9E] =	sst s10  }
0x32: {  	s10 =	sld [smem:$0x3F9C];
	_ =	sdelay $0x3  }
0x33: {  	p0 =	seq.s32 s10, $0x1;
	s10 =	sld [smem:$0x3F9E];
	_ =	sdelay $0x3  }
0x34: {  	[smem:$0x3F9E] =	sst s10  }
0x35: {  	s10 =	sld [smem:$0x3F9D];
	_ =	sdelay $0x3  }
0x36: {  	p1 =	seq.s32 s10, $0x1;
	s10 =	sld [smem:$0x3F9E];
	_ =	sdelay $0x3  }
0x37: {  	[smem:$0x3F9E] =	sst s10  }
0x38: {  	s10 =	sld [smem:$0x3F9F]  }
0x39: {  	_ = 	snop;
	(pc) =	sbr.ind lr, $3  }
0x3a: {  	_ = 	snop  }
0x3b: {  	_ = 	snop  }
0x3c: {  	p2 =	seq.s32 s10, $0x1;
	s10 =	sld [smem:$0x3F9E]  }
0x3d: {  	_ =	shalt  }
0x3e: {  	_ =	shalt  }
0x3f: {  	_ =	shalt  }
0x40: {  	_ =	shalt  }
0x41: {  	_ =	shalt  }
0x42: {  	_ =	shalt  }
0x43: {  	_ =	shalt  }
0x44: {  	_ =	shalt  }
0x45: {  	_ =	shalt  }
0x46: {  	_ =	shalt  }
0x47: {  	_ =	shalt  }
0x48: {  	_ =	shalt  }
0x49: {  	_ =	shalt  }
0x4a: {  	_ =	shalt  }
0x4b: {  	_ =	shalt  }
0x4c: {  	_ =	shalt  }
0x4d: {  	_ =	shalt  }
0x4e: {  	_ =	shalt  }
0x4f: {  	_ =	shalt  }
0x50: {  	_ =	shalt  }
0x51: {  	_ =	shalt  }
0x52: {  	_ =	shalt  }
0x53: {  	_ =	shalt  }
0x54: {  	_ =	shalt  }
0x55: {  	_ =	shalt  }
0x56: {  	_ =	shalt  }
0x57: {  	_ =	shalt  }
0x58: {  	_ =	shalt  }
0x59: {  	_ =	shalt  }
0x5a: {  	_ =	shalt  }
0x5b: {  	_ =	shalt  }
0x5c: {  	_ =	shalt  }
0x5d: {  	_ =	shalt  }
0x5e: {  	_ =	shalt  }
0x5f: {  	_ =	shalt  }
0x60: {  	_ =	shalt  }
0x61: {  	_ =	shalt  }
0x62: {  	_ =	shalt  }
0x63: {  	_ =	shalt  }
0x64: {  	_ =	shalt  }
0x65: {  	_ =	shalt  }
0x66: {  	_ =	shalt  }
0x67: {  	_ =	shalt  }
0x68: {  	_ =	shalt  }
0x69: {  	_ =	shalt  }
0x6a: {  	_ =	shalt  }
0x6b: {  	_ =	shalt  }
0x6c: {  	_ =	shalt  }
0x6d: {  	_ =	shalt  }
0x6e: {  	_ =	shalt  }
0x6f: {  	_ =	shalt  }
0x70: {  	_ =	shalt  }
0x71: {  	_ =	shalt  }
0x72: {  	_ =	shalt  }
0x73: {  	_ =	shalt  }
0x74: {  	_ =	shalt  }
0x75: {  	_ =	shalt  }
0x76: {  	_ =	shalt  }
0x77: {  	_ =	shalt  }
0x78: {  	_ =	shalt  }
0x79: {  	_ =	shalt  }
0x7a: {  	_ =	shalt  }
0x7b: {  	_ =	shalt  }
0x7c: {  	_ =	shalt  }
0x7d: {  	_ =	shalt  }
0x7e: {  	_ =	shalt  }
0x7f: {  	_ =	shalt  }
0x80: {  	_ =	shalt  }
0x81: {  	_ =	shalt  }
0x82: {  	_ =	shalt  }
0x83: {  	_ =	shalt  }
0x84: {  	_ =	shalt  }
0x85: {  	_ =	shalt  }
0x86: {  	_ =	shalt  }
0x87: {  	_ =	shalt  }
.Lfunc_end0:
.L_simem_size_0:
called_computation.3_lowered:
.L_overlay_start_0:
0x88: {  	s2 =	sld [smem:$0x3FD9]  }
0x89: {  	s3 =	sld [smem:$0x3FFE];
	_ =	sdelay $0x1  }
0x8a: {  	s1 =	srdreg.scid  }
0x8b: {  	s0 =	sand.u32 $0x1, s1  }
0x8c: {  	s17 =	sshll.u32 s0, $0xA;
	s2 =	sadd.s32 s3, s2  }
0x8d: {  	s2 =	sadd.s32 s2, s17  }
0x8e: {  	[smem:$0x3FAA] =	sst s2  }
0x8f: {  	_ = 	snop  }
0x90: {  	s2 =	sld [smem:$0x3FD0];
	(tm) =	ssettm $0x1  }
0x91: {  	s18 =	sld [smem:$0x3FFB];
	_ =	sdelay $0x3  }
0x92: {  	_ =	strace s18  }
0x93: {  	s3 =	sld [smem:$0x3FFC];
	_ =	sdelay $0x3  }
0x94: {  	_ =	strace s3  }
0x95: {  	s3 =	sld [smem:$0x3FFD];
	_ =	sdelay $0x3  }
0x96: {  	_ =	strace s3  }
0x97: {  	_ =	strace $0x8FFFFFFF  }
0x98: {  	s19 =	sld [smem:$0x3FDB];
	_ =	sdelay $0x1  }
0x99: {  	s4 =	simm.s32 $_scs_section_size  }
0x9a: {  	s5 =	simm.s32 $_size__tile_overlayer_lowered;
	s6 =	simm.s32 $_tile_overlayer_lowered  }
0x9b: {  	s22 =	simm.s32 $0x1BFF;
	s21 =	sshll.u32 s6, $0x1;
	s3 =	sadd.s32 s4, s19  }
0x9c: {  	s7 =	simm.s32 $0x0;
	s20 =	sshll.u32 s5, $0x1;
	s5 =	sadd.s32 s21, s3  }
0x9d: {  	[timem:s7], [sflag:s22] =	dma.local [hbm:s5], s20  }
0x9e: {  	_ =	swait.ge [sflag:s22], s20  }
0x9f: {  	s4 =	ssub.s32 $0x0, s20;
	[sflag:s22] =	ssyncset.done $0x0  }
0xa0: {  	[sflag:s22] =	ssyncadd.s32 s4;
	_ =	sdelay $0x1  }
0xa1: {  	s23 =	simm.s32 $0x1B8B  }
0xa2: {  	_ =	swait.ge [sflag:s23], $0x1  }
0xa3: {  	[sflag:s23] =	ssyncset.done $0x0  }
0xa4: {  	s25 =	simm.s32 $0x1B8E;
	s24 =	sld [smem:$0x3FFE];
	[sflag:s23] =	ssyncadd.s32 $0xFFFFFFFF  }
0xa5: {  	s26 =	simm.s32 $execute0_lowered;
	[smem:$0x3FD2] =	sst s25  }
0xa6: {  	s5 =	sshll.u32 s26, $0x1;
	_ =	strace $0x8000004F;
	[dreg:$0x1] =	wrdreg $0xFFFFFFFF  }
0xa7: {  	s28 =	simm.s32 $_size_execute0_lowered;
	s3 =	sadd.s32 s3, s5;
	[dreg:$0x0] =	wrdreg $0x0  }
0xa8: {  	s5 =	sshll.u32 s28, $0x1;
	[dreg:$0x2] =	wrdreg s3  }
0xa9: {  	[dreg:$0x3] =	wrdreg s5  }
0xaa: {  	[dreg:$0x4] =	wrdreg $0xC0  }
0xab: {  	_ =	task [dreg:s7], $0x5FFFF  }
0xac: {  	[dreg:$0x1] =	wrdreg $0xFFFFFFFF  }
0xad: {  	[dreg:$0x0] =	wrdreg $0x60  }
0xae: {  	[dreg:$0x2] =	wrdreg s2  }
0xaf: {  	[dreg:$0x3] =	wrdreg s24  }
0xb0: {  	[dreg:$0x4] =	wrdreg $0x15C400  }
0xb1: {  	[dreg:$0x5] =	wrdreg $0x9  }
0xb2: {  	_ =	task.clear_ibuf [dreg:s7], $0x6FFFF;
	_ =	strace $0x9000004F  }
0xb3: {  	s29 =	simm.s32 $0x9;
	_ =	strace $0x80000051  }
0xb4: {  	_ =	swait.ge [sflag:s29], $0x1  }
0xb5: {  	[sflag:s29] =	ssyncadd.s32 $0xFFFFFFFF  }
0xb6: {  	_ =	strace $0x90000051  }
0xb7: {  	_ =	sfence  }
0xb8: {  	s30 =	sld [smem:$0x0];
	_ =	sdelay $0x2  }
0xb9: {  	s31 =	sshll.u32 s1, $0xD;
	s1 =	sshrl.u32 s1, $0x2  }
0xba: {  	s3 =	sand.u32 $0x4000, s31;
	s1 =	sadd.s32 s1, s30  }
0xbb: {  	s0 =	sor.u32 s3, s0;
	s1 =	sshll.u32 s1, $0x11  }
0xbc: {  	s0 =	sor.u32 s1, s0  }
0xbd: {  	s0 =	sadd.s32 $0x8F2B, s0  }
0xbe: {  	[sflag:s0] =	ssyncadd.remote.s32 $0x1  }
0xbf: {  	_ =	sfence.sel $0xFFFF  }
0xc0: {  	[dreg:$0x0] =	wrdreg $0xFFFFFFFF;
	(pc) =	sbr.abs _section_cstart, $3  }
0xc1: {  	[dreg:$0x1] =	wrdreg $0xFFFFFFFF  }
0xc2: {  	_ =	task.clear_ibuf [dreg:s7], $0x2FFFF;
	_ =	strace $0x9FFFFFFF  }
0xc3: {  	(tm) =	ssettm $0x7FFFFFFF  }
tec
execute0_lowered:
.L_overlay_start_1:
0x0: {  	(tag) =	ssettag $0x1  }
0x1: {  	s1 =	srdreg.scid;
	s0 =	rddreg [dreg:$0x0]  }
0x2: {  	s13 =	stileid.u32;
	s9 =	rddreg [dreg:$0x1]  }
0x3: {  	s2 =	rddreg [dreg:$0x2];
	s3 =	simm.s32 $0x0;
	s17 =	simm.s32 $0x4E20  }
0x4: {  	s19 =	simm.s32 $0x2;
	s20 =	simm.s32 $0x80;
	s21 =	simm.s32 $0x9C40  }
0x5: {  	s29 =	simm.s32 $0xFC40;
	s31 =	simm.s32 $0x11C40;
	s4 =	smul.u32 $0x4E20, s13  }
0x6: {  	s30 =	simm.s32 $0x20;
	s28 =	simm.s32 $0x0;
	s10 =	smul.u32 $0x13800, s13  }
0x7: {  	s1 =	sand.u32 $0x1, s1;
	[smem:$0x7FF] =	sst s3;
	s8 =	smul.u32 $0x27000, s13  }
0x8: {  	s12 =	sadd.s32 $0x98C00, s9;
	s18 =	sadd.s32 $0x9C000, s2;
	p0 =	sne.s32 s13, $0x0  }
0x9: {  	s5 =	smul.u32 $0x4E200, s1;
	_ =	strace $0x80000050;
	s6 =	ssub.s32 $0x2, s1  }
0xa: {  	s16 =	sshll.u32 s1, $0x6;
	s1 =	sshll.u32 s1, $0x3;
	s18 =	sshrl.u32 @!p0 s18, $0x3  }
0xb: {  	s22 =	sshrl.u32 s10, $0x3;
	s24 =	sshrl.u32 s6, $0x1;
	s25 =	sshrl.u32 s8, $0x2  }
0xc: {  	s10 =	sor.u32 s16, s10;
	s1 =	sadd.s32 s1, s12;
	s16 =	simm.s32 $0x10  }
0xd: {  	s5 =	sadd.s32 s4, s5;
	s4 =	sshrl.u32 s4, $0x3;
	s23 =	sadd.s32 s22, s9  }
0xe: {  	s14 =	ssub.s32 s6, s24;
	s15 =	sadd.s32 s25, s2;
	s10 =	sshrl.u32 s10, $0x3  }
0xf: {  	s22 =	simm.s32 $0xBC40;
	s24 =	simm.s32 $0xDC40;
	s5 =	sshrl.u32 s5, $0x3  }
0x10: {  	s11 =	sadd.s32 s4, s9;
	s4 =	sadd.s32 $0x71A00, s23;
	s10 =	sadd.s32 s12, s10  }
0x11: {  	s12 =	smax.u32 s14, $0x1;
	s14 =	simm.s32 $0x1;
	s23 =	simm.s32 $0x13C40  }
0x12: {  	s7 =	sadd.s32 s5, s9;
	[dreg:$0x4] =	wrdreg s4;
	s5 =	sshll.u32 s13, $0x6  }
0x13: {  	s8 =	sadd.s32 $0x6000, s11;
	s9 =	sadd.s32 $0x98A00, s9;
	s11 =	sadd.s32 $0x27000, s1  }
0x14: {  	s13 =	sshrl.u32 s15, $0x3;
	s15 =	simm.s32 $0x8;
	s26 =	sor.u32 $0x1C01, s5  }
0x15: {  	s7 =	sadd.s32 $0xFE00, s7;
	[dreg:$0x5] =	wrdreg s26;
	s26 =	simm.s32 $0x3  }
.LBB2_1:
0x16: {  	s1 =	rddreg [dreg:$0x4]  }
0x17: {  	s4 =	rddreg [dreg:$0x5];
	s25 =	simm.s32 @!p0 $0x8  }
0x18: {  	[spmem:s13@s15], [sflag:s4] =	dma.strided [hbm:s1@s16], $0x1380, s14, $0x8   }
0x19: {  	[tilespmem:s3], [sflag:$0x2] =	stream.linear.gather [hbm4b:s7+s3], $0x4E20, $0x38;
	[tilespmem:$0x1F880] =	vst v63  }
0x1a: {  	s6 =	simm.s32 @!p0 $0x1C03;
	s1 =	simm.s32 @!p0 $0x1;
	s4 =	simm.s32 @!p0 $0x10  }
0x1b: {  	[tilespmem:s17], [sflag:$0x2] =	stream.linear.gather [hbm4b:s8+s3], $0x4E20, $0x38;
	[tilespmem:$0x1F880] =	vst v63  }
0x1c: {  	[spmem:s18@s25], [sflag:s6] =	dma.strided @!p0 [hbm:s9@s4], $0x80, s1, $0x8   }
0x1d: {  	s1 =	simm.s32 @!p0 $0x3  }
0x1e: {  	_ =	swait.ge @!p0 [sflag:s1], $0x80  }
0x1f: {  	[sflag:s1] =	ssyncset.done @!p0 $0x0  }
0x20: {  	[sflag:s1] =	ssyncadd.s32 @!p0 $0xFFFFFF80  }
0x21: {  	_ =	swait.ge [sflag:s14], $0x1380  }
0x22: {  	[sflag:s14] =	ssyncset.done $0x0  }
0x23: {  	[sflag:s14] =	ssyncadd.s32 $0xFFFFEC80  }
0x24: {  	_ =	swait.ge [sflag:s19], $0x4E20  }
0x25: {  	[sflag:s19] =	ssyncset.done $0x0  }
0x26: {  	[sflag:s19] =	ssyncadd.s32 $0xFFFFB1E0  }
0x27: {  	_ =	swait.ge [sflag:s19], $0x4E20  }
0x28: {  	[sflag:s19] =	ssyncset.done $0x0  }
0x29: {  	[sflag:s19] =	ssyncadd.s32 $0xFFFFB1E0  }
0x2a: {  	[bflag:$0x0] =	sbarrier.arrive $0xFFFF  }
0x2b: {  	[tilespmem:s21], [sflag:$0x1] =	stream.indirect.gather [hbm4b:s0+s20], $0x40, s3, s20, $0xb8;
	[tilespmem:$0x1F880] =	vst v63  }
0x2c: {  	_ = 	snop  }
0x2d: {  	[tilespmem:s22], [sflag:$0x1] =	stream.indirect.gather [hbm4b:s0+s20], $0x40, s20, s20, $0xb8;
	[tilespmem:$0x1F880] =	vst v63  }
0x2e: {  	s6 =	simm.s32 $0x100  }
0x2f: {  	[tilespmem:s24], [sflag:$0x1] =	stream.indirect.gather [hbm4b:s0+s20], $0x40, s6, s20, $0xb8;
	[tilespmem:$0x1F880] =	vst v63  }
0x30: {  	_ =	swait.ge [sflag:s14], $0x2000  }
0x31: {  	[sflag:s14] =	ssyncset.done $0x0  }
0x32: {  	[sflag:s14] =	ssyncadd.s32 $0xFFFFE000  }
0x33: {  	_ =	swait.ge [sflag:s14], $0x2000  }
0x34: {  	[sflag:s14] =	ssyncset.done $0x0  }
0x35: {  	[sflag:s14] =	ssyncadd.s32 $0xFFFFE000  }
0x36: {  	_ =	swait.ge [sflag:s14], $0x2000  }
0x37: {  	[sflag:s14] =	ssyncset.done $0x0  }
0x38: {  	[sflag:s14] =	ssyncadd.s32 $0xFFFFE000  }
0x39: {  	[spmem:s2] =	stream.indirect.scatter.add.f32 [tilespmem:s21], [sflag:$0x2], $0x40, s17, s20, $0xb8;
	[tilespmem:$0x1F880] =	vst v63  }
0x3a: {  	s25 =	simm.s32 $0x4EA0  }
0x3b: {  	[spmem:s2] =	stream.indirect.scatter.add.f32 [tilespmem:s22], [sflag:$0x2], $0x40, s25, s20, $0xb8;
	[tilespmem:$0x1F880] =	vst v63  }
0x3c: {  	s4 =	simm.s32 $0x4F20  }
0x3d: {  	[spmem:s2] =	stream.indirect.scatter.add.f32 [tilespmem:s24], [sflag:$0x2], $0x40, s4, s20, $0xb8;
	[tilespmem:$0x1F880] =	vst v63  }
0x3e: {  	s6 =	simm.s32 $0x180  }
0x3f: {  	[tilespmem:s29], [sflag:$0x1] =	stream.indirect.gather [hbm4b:s0+s20], $0x40, s6, s20, $0xb8;
	[tilespmem:$0x1F880] =	vst v63  }
0x40: {  	s25 =	simm.s32 $0x200  }
0x41: {  	[tilespmem:s31], [sflag:$0x1] =	stream.indirect.gather [hbm4b:s0+s20], $0x40, s25, s20, $0xb8;
	[tilespmem:$0x1F880] =	vst v63  }
0x42: {  	s4 =	simm.s32 $0x280  }
0x43: {  	[tilespmem:s23], [sflag:$0x1] =	stream.indirect.gather [hbm4b:s0+s20], $0x40, s4, s20, $0xb8;
	[tilespmem:$0x1F880] =	vst v63  }
0x44: {  	_ =	swait.ge [sflag:s14], $0x2000  }
0x45: {  	[sflag:s14] =	ssyncset.done $0x0  }
0x46: {  	[sflag:s14] =	ssyncadd.s32 $0xFFFFE000  }
0x47: {  	_ =	swait.ge [sflag:s14], $0x2000  }
0x48: {  	[sflag:s14] =	ssyncset.done $0x0  }
0x49: {  	[sflag:s14] =	ssyncadd.s32 $0xFFFFE000  }
0x4a: {  	_ =	swait.ge [sflag:s14], $0x2000  }
0x4b: {  	[sflag:s14] =	ssyncset.done $0x0  }
0x4c: {  	s6 =	simm.s32 $0x4FA0;
	[sflag:s14] =	ssyncadd.s32 $0xFFFFE000  }
0x4d: {  	[spmem:s2] =	stream.indirect.scatter.add.f32 [tilespmem:s29], [sflag:$0x2], $0x40, s6, s20, $0xb8;
	[tilespmem:$0x1F880] =	vst v63  }
0x4e: {  	s25 =	simm.s32 $0x5020  }
0x4f: {  	[spmem:s2] =	stream.indirect.scatter.add.f32 [tilespmem:s31], [sflag:$0x2], $0x40, s25, s20, $0xb8;
	[tilespmem:$0x1F880] =	vst v63  }
0x50: {  	s4 =	simm.s32 $0x50A0  }
0x51: {  	[spmem:s2] =	stream.indirect.scatter.add.f32 [tilespmem:s23], [sflag:$0x2], $0x40, s4, s20, $0xb8;
	[tilespmem:$0x1F880] =	vst v63  }
0x52: {  	_ =	swait.ge [sflag:s19], $0x2000  }
0x53: {  	[sflag:s19] =	ssyncset.done $0x0  }
0x54: {  	[sflag:s19] =	ssyncadd.s32 $0xFFFFE000  }
0x55: {  	_ =	swait.ge [sflag:s19], $0x2000  }
0x56: {  	[sflag:s19] =	ssyncset.done $0x0  }
0x57: {  	[sflag:s19] =	ssyncadd.s32 $0xFFFFE000  }
0x58: {  	_ =	swait.ge [sflag:s19], $0x2000  }
0x59: {  	[sflag:s19] =	ssyncset.done $0x0  }
0x5a: {  	s6 =	simm.s32 $0x300;
	[sflag:s19] =	ssyncadd.s32 $0xFFFFE000  }
0x5b: {  	[tilespmem:s21], [sflag:$0x1] =	stream.indirect.gather [hbm4b:s0+s20], $0x40, s6, s20, $0xb8;
	[tilespmem:$0x1F880] =	vst v63  }
0x5c: {  	s25 =	simm.s32 $0x380  }
0x5d: {  	[tilespmem:s22], [sflag:$0x1] =	stream.indirect.gather [hbm4b:s0+s20], $0x40, s25, s20, $0xb8;
	[tilespmem:$0x1F880] =	vst v63  }
0x5e: {  	s4 =	simm.s32 $0x400  }
0x5f: {  	[tilespmem:s24], [sflag:$0x1] =	stream.indirect.gather [hbm4b:s0+s20], $0x40, s4, s20, $0xb8;
	[tilespmem:$0x1F880] =	vst v63  }
0x60: {  	_ =	swait.ge [sflag:s14], $0x2000  }
0x61: {  	[sflag:s14] =	ssyncset.done $0x0  }
0x62: {  	[sflag:s14] =	ssyncadd.s32 $0xFFFFE000  }
0x63: {  	_ =	swait.ge [sflag:s14], $0x2000  }
0x64: {  	[sflag:s14] =	ssyncset.done $0x0  }
0x65: {  	[sflag:s14] =	ssyncadd.s32 $0xFFFFE000  }
0x66: {  	_ =	swait.ge [sflag:s14], $0x2000  }
0x67: {  	[sflag:s14] =	ssyncset.done $0x0  }
0x68: {  	[sflag:s14] =	ssyncadd.s32 $0xFFFFE000  }
0x69: {  	_ =	swait.ge [sflag:s19], $0x2000  }
0x6a: {  	[sflag:s19] =	ssyncset.done $0x0  }
0x6b: {  	[sflag:s19] =	ssyncadd.s32 $0xFFFFE000  }
0x6c: {  	_ =	swait.ge [sflag:s19], $0x2000  }
0x6d: {  	[sflag:s19] =	ssyncset.done $0x0  }
0x6e: {  	[sflag:s19] =	ssyncadd.s32 $0xFFFFE000  }
0x6f: {  	_ =	swait.ge [sflag:s19], $0x2000  }
0x70: {  	[sflag:s19] =	ssyncset.done $0x0  }
0x71: {  	s6 =	simm.s32 $0x5120;
	[sflag:s19] =	ssyncadd.s32 $0xFFFFE000  }
0x72: {  	[spmem:s2] =	stream.indirect.scatter.add.f32 [tilespmem:s21], [sflag:$0x2], $0x40, s6, s20, $0xb8;
	[tilespmem:$0x1F880] =	vst v63  }
0x73: {  	s25 =	simm.s32 $0x51A0  }
0x74: {  	[spmem:s2] =	stream.indirect.scatter.add.f32 [tilespmem:s22], [sflag:$0x2], $0x40, s25, s20, $0xb8;
	[tilespmem:$0x1F880] =	vst v63  }
0x75: {  	s4 =	simm.s32 $0x5220  }
0x76: {  	[spmem:s2] =	stream.indirect.scatter.add.f32 [tilespmem:s24], [sflag:$0x2], $0x40, s4, s20, $0xb8;
	[tilespmem:$0x1F880] =	vst v63  }
0x77: {  	s6 =	simm.s32 $0x480  }
0x78: {  	[tilespmem:s29], [sflag:$0x1] =	stream.indirect.gather [hbm4b:s0+s20], $0x40, s6, s20, $0xb8;
	[tilespmem:$0x1F880] =	vst v63  }
0x79: {  	s25 =	simm.s32 $0x500  }
0x7a: {  	[tilespmem:s31], [sflag:$0x1] =	stream.indirect.gather [hbm4b:s0+s20], $0x40, s25, s20, $0xb8;
	[tilespmem:$0x1F880] =	vst v63  }
0x7b: {  	s4 =	simm.s32 $0x580  }
0x7c: {  	[tilespmem:s23], [sflag:$0x1] =	stream.indirect.gather [hbm4b:s0+s20], $0x40, s4, s20, $0xb8;
	[tilespmem:$0x1F880] =	vst v63  }
0x7d: {  	_ =	swait.ge [sflag:s14], $0x2000  }
0x7e: {  	[sflag:s14] =	ssyncset.done $0x0  }
0x7f: {  	[sflag:s14] =	ssyncadd.s32 $0xFFFFE000  }
0x80: {  	_ =	swait.ge [sflag:s14], $0x2000  }
0x81: {  	[sflag:s14] =	ssyncset.done $0x0  }
0x82: {  	[sflag:s14] =	ssyncadd.s32 $0xFFFFE000  }
0x83: {  	_ =	swait.ge [sflag:s14], $0x2000  }
0x84: {  	[sflag:s14] =	ssyncset.done $0x0  }
0x85: {  	s6 =	simm.s32 $0x52A0;
	[sflag:s14] =	ssyncadd.s32 $0xFFFFE000  }
0x86: {  	[spmem:s2] =	stream.indirect.scatter.add.f32 [tilespmem:s29], [sflag:$0x2], $0x40, s6, s20, $0xb8;
	[tilespmem:$0x1F880] =	vst v63  }
0x87: {  	s25 =	simm.s32 $0x5320  }
0x88: {  	[spmem:s2] =	stream.indirect.scatter.add.f32 [tilespmem:s31], [sflag:$0x2], $0x40, s25, s20, $0xb8;
	[tilespmem:$0x1F880] =	vst v63  }
0x89: {  	s1 =	simm.s32 $0xC00;
	s25 =	simm.s32 $0x53A0  }
.LBB2_2:
0x8a: {  	[spmem:s2] =	stream.indirect.scatter.add.f32 [tilespmem:s23], [sflag:$0x2], $0x40, s25, s20, $0xb8;
	[tilespmem:$0x1F880] =	vst v63  }
0x8b: {  	s4 =	smov.u32 s1  }
0x8c: {  	p1 =	sne.s32 s1, $0x12000;
	s1 =	sadd.s32 $0xC00, s1;
	_ =	swait.ge [sflag:s19], $0x2000  }
0x8d: {  	[sflag:s19] =	ssyncset.done $0x0  }
0x8e: {  	[sflag:s19] =	ssyncadd.s32 $0xFFFFE000  }
0x8f: {  	_ =	swait.ge [sflag:s19], $0x2000  }
0x90: {  	[sflag:s19] =	ssyncset.done $0x0  }
0x91: {  	[sflag:s19] =	ssyncadd.s32 $0xFFFFE000  }
0x92: {  	_ =	swait.ge [sflag:s19], $0x2000  }
0x93: {  	s25 =	sshra.s32 s4, $0x2;
	[sflag:s19] =	ssyncset.done $0x0  }
0x94: {  	s4 =	sadd.s32 $0x300, s25;
	[sflag:s19] =	ssyncadd.s32 $0xFFFFE000  }
0x95: {  	[tilespmem:s21], [sflag:$0x1] =	stream.indirect.gather [hbm4b:s0+s20], $0x40, s4, s20, $0xb8;
	[tilespmem:$0x1F880] =	vst v63  }
0x96: {  	s4 =	sadd.s32 $0x380, s25  }
0x97: {  	[tilespmem:s22], [sflag:$0x1] =	stream.indirect.gather [hbm4b:s0+s20], $0x40, s4, s20, $0xb8;
	[tilespmem:$0x1F880] =	vst v63  }
0x98: {  	s4 =	sadd.s32 $0x400, s25  }
0x99: {  	[tilespmem:s24], [sflag:$0x1] =	stream.indirect.gather [hbm4b:s0+s20], $0x40, s4, s20, $0xb8;
	[tilespmem:$0x1F880] =	vst v63  }
0x9a: {  	_ =	swait.ge [sflag:s14], $0x2000  }
0x9b: {  	[sflag:s14] =	ssyncset.done $0x0  }
0x9c: {  	[sflag:s14] =	ssyncadd.s32 $0xFFFFE000  }
0x9d: {  	_ =	swait.ge [sflag:s14], $0x2000  }
0x9e: {  	[sflag:s14] =	ssyncset.done $0x0  }
0x9f: {  	[sflag:s14] =	ssyncadd.s32 $0xFFFFE000  }
0xa0: {  	_ =	swait.ge [sflag:s14], $0x2000  }
0xa1: {  	[sflag:s14] =	ssyncset.done $0x0  }
0xa2: {  	[sflag:s14] =	ssyncadd.s32 $0xFFFFE000  }
0xa3: {  	_ =	swait.ge [sflag:s19], $0x2000  }
0xa4: {  	[sflag:s19] =	ssyncset.done $0x0  }
0xa5: {  	[sflag:s19] =	ssyncadd.s32 $0xFFFFE000  }
0xa6: {  	_ =	swait.ge [sflag:s19], $0x2000  }
0xa7: {  	[sflag:s19] =	ssyncset.done $0x0  }
0xa8: {  	[sflag:s19] =	ssyncadd.s32 $0xFFFFE000  }
0xa9: {  	_ =	swait.ge [sflag:s19], $0x2000  }
0xaa: {  	[sflag:s19] =	ssyncset.done $0x0  }
0xab: {  	s4 =	sadd.s32 $0x5120, s25;
	[sflag:s19] =	ssyncadd.s32 $0xFFFFE000  }
0xac: {  	[spmem:s2] =	stream.indirect.scatter.add.f32 [tilespmem:s21], [sflag:$0x2], $0x40, s4, s20, $0xb8;
	[tilespmem:$0x1F880] =	vst v63  }
0xad: {  	s4 =	sadd.s32 $0x51A0, s25  }
0xae: {  	[spmem:s2] =	stream.indirect.scatter.add.f32 [tilespmem:s22], [sflag:$0x2], $0x40, s4, s20, $0xb8;
	[tilespmem:$0x1F880] =	vst v63  }
0xaf: {  	s4 =	sadd.s32 $0x5220, s25  }
0xb0: {  	[spmem:s2] =	stream.indirect.scatter.add.f32 [tilespmem:s24], [sflag:$0x2], $0x40, s4, s20, $0xb8;
	[tilespmem:$0x1F880] =	vst v63  }
0xb1: {  	s4 =	sadd.s32 $0x480, s25  }
0xb2: {  	[tilespmem:s29], [sflag:$0x1] =	stream.indirect.gather [hbm4b:s0+s20], $0x40, s4, s20, $0xb8;
	[tilespmem:$0x1F880] =	vst v63  }
0xb3: {  	s4 =	sadd.s32 $0x500, s25  }
0xb4: {  	[tilespmem:s31], [sflag:$0x1] =	stream.indirect.gather [hbm4b:s0+s20], $0x40, s4, s20, $0xb8;
	[tilespmem:$0x1F880] =	vst v63  }
0xb5: {  	s4 =	sadd.s32 $0x580, s25  }
0xb6: {  	[tilespmem:s23], [sflag:$0x1] =	stream.indirect.gather [hbm4b:s0+s20], $0x40, s4, s20, $0xb8;
	[tilespmem:$0x1F880] =	vst v63  }
0xb7: {  	_ =	swait.ge [sflag:s14], $0x2000  }
0xb8: {  	[sflag:s14] =	ssyncset.done $0x0  }
0xb9: {  	[sflag:s14] =	ssyncadd.s32 $0xFFFFE000  }
0xba: {  	_ =	swait.ge [sflag:s14], $0x2000  }
0xbb: {  	[sflag:s14] =	ssyncset.done $0x0  }
0xbc: {  	[sflag:s14] =	ssyncadd.s32 $0xFFFFE000  }
0xbd: {  	_ =	swait.ge [sflag:s14], $0x2000  }
0xbe: {  	[sflag:s14] =	ssyncset.done $0x0  }
.Ltmp0:
0xbf: {  	s4 =	sadd.s32 $0x52A0, s25;
	[sflag:s14] =	ssyncadd.s32 $0xFFFFE000;
	(pc) =	sbr.rel @p1 .LBB2_2-.Ltmp0, $4  }
0xc0: {  	[spmem:s2] =	stream.indirect.scatter.add.f32 [tilespmem:s29], [sflag:$0x2], $0x40, s4, s20, $0xb8;
	[tilespmem:$0x1F880] =	vst v63  }
0xc1: {  	s4 =	sadd.s32 $0x5320, s25  }
0xc2: {  	[spmem:s2] =	stream.indirect.scatter.add.f32 [tilespmem:s31], [sflag:$0x2], $0x40, s4, s20, $0xb8;
	[tilespmem:$0x1F880] =	vst v63  }
0xc3: {  	s25 =	sadd.s32 $0x53A0, s25  }
0xc4: {  	[spmem:s2] =	stream.indirect.scatter.add.f32 [tilespmem:s23], [sflag:$0x2], $0x40, s25, s20, $0xb8;
	[tilespmem:$0x1F880] =	vst v63  }
0xc5: {  	_ =	swait.ge [sflag:s19], $0x2000  }
0xc6: {  	[sflag:s19] =	ssyncset.done $0x0  }
0xc7: {  	[sflag:s19] =	ssyncadd.s32 $0xFFFFE000  }
0xc8: {  	_ =	swait.ge [sflag:s19], $0x2000  }
0xc9: {  	[sflag:s19] =	ssyncset.done $0x0  }
0xca: {  	[sflag:s19] =	ssyncadd.s32 $0xFFFFE000  }
0xcb: {  	_ =	swait.ge [sflag:s19], $0x2000  }
0xcc: {  	[sflag:s19] =	ssyncset.done $0x0  }
0xcd: {  	[sflag:s19] =	ssyncadd.s32 $0xFFFFE000  }
0xce: {  	_ =	swait.ge [sflag:s19], $0x2000  }
0xcf: {  	[sflag:s19] =	ssyncset.done $0x0  }
0xd0: {  	[sflag:s19] =	ssyncadd.s32 $0xFFFFE000  }
0xd1: {  	_ =	swait.ge [sflag:s19], $0x2000  }
0xd2: {  	[sflag:s19] =	ssyncset.done $0x0  }
0xd3: {  	[sflag:s19] =	ssyncadd.s32 $0xFFFFE000  }
0xd4: {  	_ =	swait.ge [sflag:s19], $0x2000  }
0xd5: {  	[sflag:s19] =	ssyncset.done $0x0  }
0xd6: {  	s1 =	simm.s32 $0x4E00;
	[sflag:s19] =	ssyncadd.s32 $0xFFFFE000  }
0xd7: {  	[tilespmem:s21], [sflag:$0x1] =	stream.indirect.gather [hbm4b:s0+s30], $0x40, s1, s30, $0xb8;
	[tilespmem:$0x1F880] =	vst v63  }
0xd8: {  	_ =	swait.ge [sflag:s14], $0x800  }
0xd9: {  	[sflag:s14] =	ssyncset.done $0x0  }
0xda: {  	s25 =	simm.s32 $0x9C20;
	[sflag:s14] =	ssyncadd.s32 $0xFFFFF800  }
0xdb: {  	[spmem:s2] =	stream.indirect.scatter.add.f32 [tilespmem:s21], [sflag:$0x2], $0x40, s25, s30, $0xb8;
	[tilespmem:$0x1F880] =	vst v63  }
0xdc: {  	_ =	swait.ge [sflag:s19], $0x800  }
0xdd: {  	[sflag:s19] =	ssyncset.done $0x0  }
0xde: {  	[sflag:s19] =	ssyncadd.s32 $0xFFFFF800  }
0xdf: {  	s1 =	sor.u32 $0x1C03, s5;
	[bflag:$0x0] =	sbarrier.arrive $0xFFFF  }
0xe0: {  	[hbm:s10@s16], [sflag:s1] =	dma.strided [spmem:s13@s15], $0x1380, s14, $0x8   }
0xe1: {  	s4 =	simm.s32 @!p0 $0x1;
	_ =	swait.ge [sflag:s26], $0x1380  }
0xe2: {  	s6 =	simm.s32 @!p0 $0x10;
	s28 =	sadd.s32 $0x1, s28;
	[sflag:s26] =	ssyncset.done $0x0  }
0xe3: {  	p1 =	sne.s32 s28, s12;
	s25 =	simm.s32 @!p0 $0x8;
	[sflag:s26] =	ssyncadd.s32 $0xFFFFEC80  }
0xe4: {  	[hbm:s11@s6], [sflag:s1] =	dma.strided @!p0 [spmem:s18@s25], $0x80, s4, $0x8   }
.Ltmp1:
0xe5: {  	_ = 	snop;
	(pc) =	sbr.rel @p1 .LBB2_1-.Ltmp1, $4  }
0xe6: {  	s1 =	simm.s32 @!p0 $0x3  }
0xe7: {  	_ =	swait.ge @!p0 [sflag:s1], $0x80  }
0xe8: {  	[sflag:s1] =	ssyncset.done @!p0 $0x0  }
0xe9: {  	[sflag:s1] =	ssyncadd.s32 @!p0 $0xFFFFFF80  }
0xea: {  	_ =	sfence.sel $0x180000  }
0xeb: {  	[bflag:$0x0] =	sbarrier.arrive $0xFFFF  }
0xec: {  	_ =	strace $0x90000050  }
0xed: {  	[bflag:$0x2] =	sbarrier.arrive $0xFFFF  }
0xee: {  	s0 =	rddreg [dreg:$0x3]  }
0xef: {  	s0 =	sadd.s32 @!p0 $0x100000, s0  }
0xf0: {  	[sflag:s0] =	ssyncadd.tile.s32 @!p0 $0x1;
	_ =	shalt  }
.Lfunc_end2:
_tile_overlayer_lowered:
.L_overlay_start_2:
0xf1: {  	(tag) =	ssettag $0x2  }
0xf2: {  	s0 =	rddreg [dreg:$0x0];
	s2 =	stileid.u32  }
0xf3: {  	s1 =	rddreg [dreg:$0x1];
	p0 =	sne.s32 s2, $0x0  }
0xf4: {  	s3 =	rddreg [dreg:$0x2];
	[bflag:$0x3] =	sbarrier.arrive $0xFFFF;
	s2 =	simm.s32 @!p0 $0x1C03  }
0xf5: {  	[timem:s3], [sflag:s2] =	dma.local @!p0 [hbm:s0], s1  }
0xf6: {  	s0 =	simm.s32 @!p0 $0x3  }
0xf7: {  	_ =	swait.ge @!p0 [sflag:s0], s1  }
0xf8: {  	s1 =	ssub.s32 @!p0 $0x0, s1;
	[sflag:s0] =	ssyncset.done @!p0 $0x0  }
0xf9: {  	[sflag:s0] =	ssyncadd.s32 @!p0 s1  }
0xfa: {  	[bflag:$0x3] =	sbarrier.arrive $0xFFFF  }
0xfb: {  	_ =	shalt  }

// kernel: kernel.24.cloned.1.call-start
scs
__scs_entry_jumppad:
0x0: {  	(pc) =	sbr.rel $0x88, $3  }
0x1: {  	(tag) =	ssettag $0x0;
	lr =	simm.s32 $0x1  }
0x2: {  	[smem:$0x3F83] =	sst lr;
	_ =	strace $0xD0000000  }
0x3: {  	_ = 	snop  }
0x4: {  	_ = 	snop  }
0x5: {  	_ = 	snop  }
0x6: {  	_ = 	snop  }
0x7: {  	_ = 	snop  }
__scs_overlays_trampoline_lowered:
0x8: {  	[smem:$0x3F92] =	sst s0  }
0x9: {  	[smem:$0x3F93] =	sst s1  }
0xa: {  	[smem:$0x3F94] =	sst s2  }
0xb: {  	[smem:$0x3F95] =	sst s3  }
0xc: {  	[smem:$0x3F96] =	sst s4  }
0xd: {  	[smem:$0x3F97] =	sst s5  }
0xe: {  	[smem:$0x3F98] =	sst s6  }
0xf: {  	[smem:$0x3F99] =	sst s7  }
0x10: {  	[smem:$0x3F9A] =	sst s8  }
0x11: {  	[smem:$0x3F9B] =	sst s9;
	s0 =	simm.s32 @!p0 $0x0  }
0x12: {  	s1 =	sld [smem:$0x3F81];
	s0 =	simm.s32 @p0 $0x1  }
0x13: {  	[smem:$0x3F9C] =	sst s0;
	s0 =	simm.s32 @!p1 $0x0  }
0x14: {  	s2 =	sld [smem:$0x3F80];
	s0 =	simm.s32 @p1 $0x1  }
0x15: {  	[smem:$0x3F9D] =	sst s0;
	s0 =	simm.s32 @!p2 $0x0  }
0x16: {  	s3 =	sld [smem:$0x3FDB];
	s0 =	simm.s32 @p2 $0x1  }
0x17: {  	s4 =	simm.s32 $0x1BF5;
	[smem:$0x3F9F] =	sst s0  }
0x18: {  	s0 =	sld [smem:$0x3F82];
	_ =	swait.ge [sflag:s4], $0x0  }
0x19: {  	s7 =	sld [smem:$0x3F83]  }
0x1a: {  	s8 =	sadd.s32 $0xFFFFE003, lr  }
0x1b: {  	s9 =	sadd.s32 $0xFFFFFEF7, lr;
	s5 =	simm.s32 $0xFFFFFFFF;
	p2 =	slt.u32 s8, $0xFFFFF086  }
0x1c: {  	p1 =	slt.u32 s9, $0xF7A;
	s5 =	simm.s32 @!p2 $0x0  }
0x1d: {  	s5 =	simm.s32 @p1 $0x1;
	p0 =	seq.s32 s7, s2  }
0x1e: {  	s7 =	smul.u32 @!p0 $0xF7A, s2;
	p2 =	seq.s32 @!p0 s5, $0x0  }
0x1f: {  	s9 =	smul.u32 $0xF7A, s1;
	s8 =	simm.s32 @!p0 $0x1BF5;
	p2 =	por !p2, p0  }
0x20: {  	[sflag:s8] =	ssyncset.s32 @!p0 $0xFFFFF086;
	s6 =	sadd.s32 @!p0 s3, s7;
	s7 =	simm.s32 @!p0 $0x108  }
0x21: {  	s3 =	sadd.s32 s3, s9;
	s6 =	sadd.s32 @!p0 $0x88, s6;
	s7 =	simm.s32 @p2 $0x1082  }
0x22: {  	[simem:s7], [sflag:s8] =	dma.local @!p0 [hbm:s6], $0xF7A  }
0x23: {  	s9 =	sor.u32 $0xD0000000, s2;
	s6 =	simm.s32 $0x108;
	_ =	swait.ge @!p0 [sflag:s8], $0x0  }
0x24: {  	s3 =	sadd.s32 $0x88, s3;
	s6 =	simm.s32 @!p1 $0x1082;
	[sflag:s4] =	ssyncset.s32 $0xFFFFF086  }
0x25: {  	[simem:s6], [sflag:s4] =	dma.local [hbm:s3], $0xF7A  }
0x26: {  	[smem:$0x3F83] =	sst s1;
	(tag) =	ssettag s2;
	_ =	strace s9  }
0x27: {  	s1 =	sld [smem:$0x3F93]  }
0x28: {  	s2 =	sld [smem:$0x3F94]  }
0x29: {  	s4 =	sld [smem:$0x3F96]  }
0x2a: {  	p0 =	seq.s32 s5, $0x0;
	s5 =	sld [smem:$0x3F97]  }
0x2b: {  	s6 =	sld [smem:$0x3F98]  }
0x2c: {  	s7 =	sld [smem:$0x3F99]  }
0x2d: {  	s3 =	simm.s32 $0x108;
	s8 =	sld [smem:$0x3F9A]  }
0x2e: {  	s3 =	simm.s32 @!p0 $0x1082;
	s9 =	sld [smem:$0x3F9B]  }
0x2f: {  	lr =	sadd.s32 s0, s3;
	s0 =	sld [smem:$0x3F92]  }
0x30: {  	s3 =	sld [smem:$0x3F95]  }
0x31: {  	[smem:$0x3F9E] =	sst s10  }
0x32: {  	s10 =	sld [smem:$0x3F9C];
	_ =	sdelay $0x3  }
0x33: {  	p0 =	seq.s32 s10, $0x1;
	s10 =	sld [smem:$0x3F9E];
	_ =	sdelay $0x3  }
0x34: {  	[smem:$0x3F9E] =	sst s10  }
0x35: {  	s10 =	sld [smem:$0x3F9D];
	_ =	sdelay $0x3  }
0x36: {  	p1 =	seq.s32 s10, $0x1;
	s10 =	sld [smem:$0x3F9E];
	_ =	sdelay $0x3  }
0x37: {  	[smem:$0x3F9E] =	sst s10  }
0x38: {  	s10 =	sld [smem:$0x3F9F]  }
0x39: {  	_ = 	snop;
	(pc) =	sbr.ind lr, $3  }
0x3a: {  	_ = 	snop  }
0x3b: {  	_ = 	snop  }
0x3c: {  	p2 =	seq.s32 s10, $0x1;
	s10 =	sld [smem:$0x3F9E]  }
0x3d: {  	_ =	shalt  }
0x3e: {  	_ =	shalt  }
0x3f: {  	_ =	shalt  }
0x40: {  	_ =	shalt  }
0x41: {  	_ =	shalt  }
0x42: {  	_ =	shalt  }
0x43: {  	_ =	shalt  }
0x44: {  	_ =	shalt  }
0x45: {  	_ =	shalt  }
0x46: {  	_ =	shalt  }
0x47: {  	_ =	shalt  }
0x48: {  	_ =	shalt  }
0x49: {  	_ =	shalt  }
0x4a: {  	_ =	shalt  }
0x4b: {  	_ =	shalt  }
0x4c: {  	_ =	shalt  }
0x4d: {  	_ =	shalt  }
0x4e: {  	_ =	shalt  }
0x4f: {  	_ =	shalt  }
0x50: {  	_ =	shalt  }
0x51: {  	_ =	shalt  }
0x52: {  	_ =	shalt  }
0x53: {  	_ =	shalt  }
0x54: {  	_ =	shalt  }
0x55: {  	_ =	shalt  }
0x56: {  	_ =	shalt  }
0x57: {  	_ =	shalt  }
0x58: {  	_ =	shalt  }
0x59: {  	_ =	shalt  }
0x5a: {  	_ =	shalt  }
0x5b: {  	_ =	shalt  }
0x5c: {  	_ =	shalt  }
0x5d: {  	_ =	shalt  }
0x5e: {  	_ =	shalt  }
0x5f: {  	_ =	shalt  }
0x60: {  	_ =	shalt  }
0x61: {  	_ =	shalt  }
0x62: {  	_ =	shalt  }
0x63: {  	_ =	shalt  }
0x64: {  	_ =	shalt  }
0x65: {  	_ =	shalt  }
0x66: {  	_ =	shalt  }
0x67: {  	_ =	shalt  }
0x68: {  	_ =	shalt  }
0x69: {  	_ =	shalt  }
0x6a: {  	_ =	shalt  }
0x6b: {  	_ =	shalt  }
0x6c: {  	_ =	shalt  }
0x6d: {  	_ =	shalt  }
0x6e: {  	_ =	shalt  }
0x6f: {  	_ =	shalt  }
0x70: {  	_ =	shalt  }
0x71: {  	_ =	shalt  }
0x72: {  	_ =	shalt  }
0x73: {  	_ =	shalt  }
0x74: {  	_ =	shalt  }
0x75: {  	_ =	shalt  }
0x76: {  	_ =	shalt  }
0x77: {  	_ =	shalt  }
0x78: {  	_ =	shalt  }
0x79: {  	_ =	shalt  }
0x7a: {  	_ =	shalt  }
0x7b: {  	_ =	shalt  }
0x7c: {  	_ =	shalt  }
0x7d: {  	_ =	shalt  }
0x7e: {  	_ =	shalt  }
0x7f: {  	_ =	shalt  }
0x80: {  	_ =	shalt  }
0x81: {  	_ =	shalt  }
0x82: {  	_ =	shalt  }
0x83: {  	_ =	shalt  }
0x84: {  	_ =	shalt  }
0x85: {  	_ =	shalt  }
0x86: {  	_ =	shalt  }
0x87: {  	_ =	shalt  }
.Lfunc_end0:
.L_simem_size_0:
called_computation.4_lowered:
.L_overlay_start_0:
0x88: {  	s2 =	sld [smem:$0x3FD9]  }
0x89: {  	s3 =	sld [smem:$0x3FFE];
	_ =	sdelay $0x1  }
0x8a: {  	s1 =	srdreg.scid  }
0x8b: {  	s0 =	sand.u32 $0x1, s1  }
0x8c: {  	s17 =	sshll.u32 s0, $0xA;
	s2 =	sadd.s32 s3, s2  }
0x8d: {  	s2 =	sadd.s32 s2, s17  }
0x8e: {  	[smem:$0x3FAA] =	sst s2  }
0x8f: {  	_ = 	snop  }
0x90: {  	s2 =	sld [smem:$0x3FD0];
	(tm) =	ssettm $0x1  }
0x91: {  	s18 =	sld [smem:$0x3FFB];
	_ =	sdelay $0x3  }
0x92: {  	_ =	strace s18  }
0x93: {  	s3 =	sld [smem:$0x3FFC];
	_ =	sdelay $0x3  }
0x94: {  	_ =	strace s3  }
0x95: {  	s3 =	sld [smem:$0x3FFD];
	_ =	sdelay $0x3  }
0x96: {  	_ =	strace s3  }
0x97: {  	_ =	strace $0x8FFFFFFF  }
0x98: {  	s19 =	sld [smem:$0x3FDB];
	_ =	sdelay $0x1  }
0x99: {  	s4 =	simm.s32 $_scs_section_size  }
0x9a: {  	s5 =	simm.s32 $_size__tile_overlayer_lowered;
	s6 =	simm.s32 $_tile_overlayer_lowered  }
0x9b: {  	s22 =	simm.s32 $0x1BFF;
	s21 =	sshll.u32 s6, $0x1;
	s3 =	sadd.s32 s4, s19  }
0x9c: {  	s7 =	simm.s32 $0x0;
	s20 =	sshll.u32 s5, $0x1;
	s5 =	sadd.s32 s21, s3  }
0x9d: {  	[timem:s7], [sflag:s22] =	dma.local [hbm:s5], s20  }
0x9e: {  	_ =	swait.ge [sflag:s22], s20  }
0x9f: {  	s4 =	ssub.s32 $0x0, s20;
	[sflag:s22] =	ssyncset.done $0x0  }
0xa0: {  	[sflag:s22] =	ssyncadd.s32 s4;
	_ =	sdelay $0x1  }
0xa1: {  	s23 =	simm.s32 $0x1B8B  }
0xa2: {  	_ =	swait.ge [sflag:s23], $0x1  }
0xa3: {  	[sflag:s23] =	ssyncset.done $0x0  }
0xa4: {  	s25 =	simm.s32 $0x1B8E;
	s24 =	sld [smem:$0x3FFE];
	[sflag:s23] =	ssyncadd.s32 $0xFFFFFFFF  }
0xa5: {  	s26 =	simm.s32 $execute0_lowered;
	[smem:$0x3FD2] =	sst s25  }
0xa6: {  	s5 =	sshll.u32 s26, $0x1;
	_ =	strace $0x80000052;
	[dreg:$0x1] =	wrdreg $0xFFFFFFFF  }
0xa7: {  	s28 =	simm.s32 $_size_execute0_lowered;
	s3 =	sadd.s32 s3, s5;
	[dreg:$0x0] =	wrdreg $0x0  }
0xa8: {  	s5 =	sshll.u32 s28, $0x1;
	[dreg:$0x2] =	wrdreg s3  }
0xa9: {  	[dreg:$0x3] =	wrdreg s5  }
0xaa: {  	[dreg:$0x4] =	wrdreg $0xC0  }
0xab: {  	_ =	task [dreg:s7], $0x5FFFF  }
0xac: {  	[dreg:$0x1] =	wrdreg $0xFFFFFFFF  }
0xad: {  	[dreg:$0x0] =	wrdreg $0x60  }
0xae: {  	[dreg:$0x2] =	wrdreg s2  }
0xaf: {  	[dreg:$0x3] =	wrdreg s24  }
0xb0: {  	[dreg:$0x4] =	wrdreg $0x15C400  }
0xb1: {  	[dreg:$0x5] =	wrdreg $0x9  }
0xb2: {  	_ =	task.clear_ibuf [dreg:s7], $0x6FFFF;
	_ =	strace $0x90000052  }
0xb3: {  	s29 =	simm.s32 $0x9;
	_ =	strace $0x80000054  }
0xb4: {  	_ =	swait.ge [sflag:s29], $0x1  }
0xb5: {  	[sflag:s29] =	ssyncadd.s32 $0xFFFFFFFF  }
0xb6: {  	_ =	strace $0x90000054  }
0xb7: {  	_ =	sfence  }
0xb8: {  	s30 =	sld [smem:$0x0];
	_ =	sdelay $0x2  }
0xb9: {  	s31 =	sshll.u32 s1, $0xD;
	s1 =	sshrl.u32 s1, $0x2  }
0xba: {  	s3 =	sand.u32 $0x4000, s31;
	s1 =	sadd.s32 s1, s30  }
0xbb: {  	s0 =	sor.u32 s3, s0;
	s1 =	sshll.u32 s1, $0x11  }
0xbc: {  	s0 =	sor.u32 s1, s0  }
0xbd: {  	s0 =	sadd.s32 $0x8F2B, s0  }
0xbe: {  	[sflag:s0] =	ssyncadd.remote.s32 $0x1  }
0xbf: {  	_ =	sfence.sel $0xFFFF  }
0xc0: {  	[dreg:$0x0] =	wrdreg $0xFFFFFFFF;
	(pc) =	sbr.abs _section_cstart, $3  }
0xc1: {  	[dreg:$0x1] =	wrdreg $0xFFFFFFFF  }
0xc2: {  	_ =	task.clear_ibuf [dreg:s7], $0x2FFFF;
	_ =	strace $0x9FFFFFFF  }
0xc3: {  	(tm) =	ssettm $0x7FFFFFFF  }
tec
execute0_lowered:
.L_overlay_start_1:
0x0: {  	(tag) =	ssettag $0x1  }
0x1: {  	s1 =	srdreg.scid;
	s0 =	rddreg [dreg:$0x0]  }
0x2: {  	s13 =	stileid.u32;
	s9 =	rddreg [dreg:$0x1]  }
0x3: {  	s2 =	rddreg [dreg:$0x2];
	s3 =	simm.s32 $0x0;
	s17 =	simm.s32 $0x4E20  }
0x4: {  	s19 =	simm.s32 $0x2;
	s20 =	simm.s32 $0x80;
	s21 =	simm.s32 $0x9C40  }
0x5: {  	s29 =	simm.s32 $0xFC40;
	s31 =	simm.s32 $0x11C40;
	s4 =	smul.u32 $0x4E20, s13  }
0x6: {  	s30 =	simm.s32 $0x20;
	s28 =	simm.s32 $0x0;
	s10 =	smul.u32 $0x13800, s13  }
0x7: {  	s1 =	sand.u32 $0x1, s1;
	[smem:$0x7FF] =	sst s3;
	s8 =	smul.u32 $0x27000, s13  }
0x8: {  	s12 =	sadd.s32 $0x23800, s9;
	s18 =	sadd.s32 $0x9C000, s2;
	p0 =	sne.s32 s13, $0x0  }
0x9: {  	s5 =	smul.u32 $0x4E200, s1;
	_ =	strace $0x80000053;
	s6 =	ssub.s32 $0x2, s1  }
0xa: {  	s16 =	sshll.u32 s1, $0x6;
	s1 =	sshll.u32 s1, $0x3;
	s18 =	sshrl.u32 @!p0 s18, $0x3  }
0xb: {  	s22 =	sshrl.u32 s10, $0x3;
	s24 =	sshrl.u32 s6, $0x1;
	s25 =	sshrl.u32 s8, $0x2  }
0xc: {  	s10 =	sor.u32 s16, s10;
	s1 =	sadd.s32 s1, s12;
	s16 =	simm.s32 $0x10  }
0xd: {  	s5 =	sadd.s32 s4, s5;
	s4 =	sshrl.u32 s4, $0x3;
	s23 =	sadd.s32 s22, s9  }
0xe: {  	s14 =	ssub.s32 s6, s24;
	s15 =	sadd.s32 s25, s2;
	s10 =	sshrl.u32 s10, $0x3  }
0xf: {  	s22 =	simm.s32 $0xBC40;
	s24 =	simm.s32 $0xDC40;
	s5 =	sshrl.u32 s5, $0x3  }
0x10: {  	s11 =	sadd.s32 s4, s9;
	s4 =	sadd.s32 $0x71A00, s23;
	s10 =	sadd.s32 s12, s10  }
0x11: {  	s12 =	smax.u32 s14, $0x1;
	s14 =	simm.s32 $0x1;
	s23 =	simm.s32 $0x13C40  }
0x12: {  	s7 =	sadd.s32 s5, s9;
	[dreg:$0x4] =	wrdreg s4;
	s5 =	sshll.u32 s13, $0x6  }
0x13: {  	s8 =	sadd.s32 $0x6000, s11;
	s9 =	sadd.s32 $0x98A00, s9;
	s11 =	sadd.s32 $0x27000, s1  }
0x14: {  	s13 =	sshrl.u32 s15, $0x3;
	s15 =	simm.s32 $0x8;
	s26 =	sor.u32 $0x1C01, s5  }
0x15: {  	s7 =	sadd.s32 $0xFE00, s7;
	[dreg:$0x5] =	wrdreg s26;
	s26 =	simm.s32 $0x3  }
.LBB2_1:
0x16: {  	s1 =	rddreg [dreg:$0x4]  }
0x17: {  	s4 =	rddreg [dreg:$0x5];
	s25 =	simm.s32 @!p0 $0x8  }
0x18: {  	[spmem:s13@s15], [sflag:s4] =	dma.strided [hbm:s1@s16], $0x1380, s14, $0x8   }
0x19: {  	[tilespmem:s3], [sflag:$0x2] =	stream.linear.gather [hbm4b:s7+s3], $0x4E20, $0x38;
	[tilespmem:$0x1F880] =	vst v63  }
0x1a: {  	s6 =	simm.s32 @!p0 $0x1C03;
	s1 =	simm.s32 @!p0 $0x1;
	s4 =	simm.s32 @!p0 $0x10  }
0x1b: {  	[tilespmem:s17], [sflag:$0x2] =	stream.linear.gather [hbm4b:s8+s3], $0x4E20, $0x38;
	[tilespmem:$0x1F880] =	vst v63  }
0x1c: {  	[spmem:s18@s25], [sflag:s6] =	dma.strided @!p0 [hbm:s9@s4], $0x80, s1, $0x8   }
0x1d: {  	s1 =	simm.s32 @!p0 $0x3  }
0x1e: {  	_ =	swait.ge @!p0 [sflag:s1], $0x80  }
0x1f: {  	[sflag:s1] =	ssyncset.done @!p0 $0x0  }
0x20: {  	[sflag:s1] =	ssyncadd.s32 @!p0 $0xFFFFFF80  }
0x21: {  	_ =	swait.ge [sflag:s14], $0x1380  }
0x22: {  	[sflag:s14] =	ssyncset.done $0x0  }
0x23: {  	[sflag:s14] =	ssyncadd.s32 $0xFFFFEC80  }
0x24: {  	_ =	swait.ge [sflag:s19], $0x4E20  }
0x25: {  	[sflag:s19] =	ssyncset.done $0x0  }
0x26: {  	[sflag:s19] =	ssyncadd.s32 $0xFFFFB1E0  }
0x27: {  	_ =	swait.ge [sflag:s19], $0x4E20  }
0x28: {  	[sflag:s19] =	ssyncset.done $0x0  }
0x29: {  	[sflag:s19] =	ssyncadd.s32 $0xFFFFB1E0  }
0x2a: {  	[bflag:$0x0] =	sbarrier.arrive $0xFFFF  }
0x2b: {  	[tilespmem:s21], [sflag:$0x1] =	stream.indirect.gather [hbm4b:s0+s20], $0x40, s3, s20, $0xb8;
	[tilespmem:$0x1F880] =	vst v63  }
0x2c: {  	_ = 	snop  }
0x2d: {  	[tilespmem:s22], [sflag:$0x1] =	stream.indirect.gather [hbm4b:s0+s20], $0x40, s20, s20, $0xb8;
	[tilespmem:$0x1F880] =	vst v63  }
0x2e: {  	s6 =	simm.s32 $0x100  }
0x2f: {  	[tilespmem:s24], [sflag:$0x1] =	stream.indirect.gather [hbm4b:s0+s20], $0x40, s6, s20, $0xb8;
	[tilespmem:$0x1F880] =	vst v63  }
0x30: {  	_ =	swait.ge [sflag:s14], $0x2000  }
0x31: {  	[sflag:s14] =	ssyncset.done $0x0  }
0x32: {  	[sflag:s14] =	ssyncadd.s32 $0xFFFFE000  }
0x33: {  	_ =	swait.ge [sflag:s14], $0x2000  }
0x34: {  	[sflag:s14] =	ssyncset.done $0x0  }
0x35: {  	[sflag:s14] =	ssyncadd.s32 $0xFFFFE000  }
0x36: {  	_ =	swait.ge [sflag:s14], $0x2000  }
0x37: {  	[sflag:s14] =	ssyncset.done $0x0  }
0x38: {  	[sflag:s14] =	ssyncadd.s32 $0xFFFFE000  }
0x39: {  	[spmem:s2] =	stream.indirect.scatter.add.f32 [tilespmem:s21], [sflag:$0x2], $0x40, s17, s20, $0xb8;
	[tilespmem:$0x1F880] =	vst v63  }
0x3a: {  	s25 =	simm.s32 $0x4EA0  }
0x3b: {  	[spmem:s2] =	stream.indirect.scatter.add.f32 [tilespmem:s22], [sflag:$0x2], $0x40, s25, s20, $0xb8;
	[tilespmem:$0x1F880] =	vst v63  }
0x3c: {  	s4 =	simm.s32 $0x4F20  }
0x3d: {  	[spmem:s2] =	stream.indirect.scatter.add.f32 [tilespmem:s24], [sflag:$0x2], $0x40, s4, s20, $0xb8;
	[tilespmem:$0x1F880] =	vst v63  }
0x3e: {  	s6 =	simm.s32 $0x180  }
0x3f: {  	[tilespmem:s29], [sflag:$0x1] =	stream.indirect.gather [hbm4b:s0+s20], $0x40, s6, s20, $0xb8;
	[tilespmem:$0x1F880] =	vst v63  }
0x40: {  	s25 =	simm.s32 $0x200  }
0x41: {  	[tilespmem:s31], [sflag:$0x1] =	stream.indirect.gather [hbm4b:s0+s20], $0x40, s25, s20, $0xb8;
	[tilespmem:$0x1F880] =	vst v63  }
0x42: {  	s4 =	simm.s32 $0x280  }
0x43: {  	[tilespmem:s23], [sflag:$0x1] =	stream.indirect.gather [hbm4b:s0+s20], $0x40, s4, s20, $0xb8;
	[tilespmem:$0x1F880] =	vst v63  }
0x44: {  	_ =	swait.ge [sflag:s14], $0x2000  }
0x45: {  	[sflag:s14] =	ssyncset.done $0x0  }
0x46: {  	[sflag:s14] =	ssyncadd.s32 $0xFFFFE000  }
0x47: {  	_ =	swait.ge [sflag:s14], $0x2000  }
0x48: {  	[sflag:s14] =	ssyncset.done $0x0  }
0x49: {  	[sflag:s14] =	ssyncadd.s32 $0xFFFFE000  }
0x4a: {  	_ =	swait.ge [sflag:s14], $0x2000  }
0x4b: {  	[sflag:s14] =	ssyncset.done $0x0  }
0x4c: {  	s6 =	simm.s32 $0x4FA0;
	[sflag:s14] =	ssyncadd.s32 $0xFFFFE000  }
0x4d: {  	[spmem:s2] =	stream.indirect.scatter.add.f32 [tilespmem:s29], [sflag:$0x2], $0x40, s6, s20, $0xb8;
	[tilespmem:$0x1F880] =	vst v63  }
0x4e: {  	s25 =	simm.s32 $0x5020  }
0x4f: {  	[spmem:s2] =	stream.indirect.scatter.add.f32 [tilespmem:s31], [sflag:$0x2], $0x40, s25, s20, $0xb8;
	[tilespmem:$0x1F880] =	vst v63  }
0x50: {  	s4 =	simm.s32 $0x50A0  }
0x51: {  	[spmem:s2] =	stream.indirect.scatter.add.f32 [tilespmem:s23], [sflag:$0x2], $0x40, s4, s20, $0xb8;
	[tilespmem:$0x1F880] =	vst v63  }
0x52: {  	_ =	swait.ge [sflag:s19], $0x2000  }
0x53: {  	[sflag:s19] =	ssyncset.done $0x0  }
0x54: {  	[sflag:s19] =	ssyncadd.s32 $0xFFFFE000  }
0x55: {  	_ =	swait.ge [sflag:s19], $0x2000  }
0x56: {  	[sflag:s19] =	ssyncset.done $0x0  }
0x57: {  	[sflag:s19] =	ssyncadd.s32 $0xFFFFE000  }
0x58: {  	_ =	swait.ge [sflag:s19], $0x2000  }
0x59: {  	[sflag:s19] =	ssyncset.done $0x0  }
0x5a: {  	s6 =	simm.s32 $0x300;
	[sflag:s19] =	ssyncadd.s32 $0xFFFFE000  }
0x5b: {  	[tilespmem:s21], [sflag:$0x1] =	stream.indirect.gather [hbm4b:s0+s20], $0x40, s6, s20, $0xb8;
	[tilespmem:$0x1F880] =	vst v63  }
0x5c: {  	s25 =	simm.s32 $0x380  }
0x5d: {  	[tilespmem:s22], [sflag:$0x1] =	stream.indirect.gather [hbm4b:s0+s20], $0x40, s25, s20, $0xb8;
	[tilespmem:$0x1F880] =	vst v63  }
0x5e: {  	s4 =	simm.s32 $0x400  }
0x5f: {  	[tilespmem:s24], [sflag:$0x1] =	stream.indirect.gather [hbm4b:s0+s20], $0x40, s4, s20, $0xb8;
	[tilespmem:$0x1F880] =	vst v63  }
0x60: {  	_ =	swait.ge [sflag:s14], $0x2000  }
0x61: {  	[sflag:s14] =	ssyncset.done $0x0  }
0x62: {  	[sflag:s14] =	ssyncadd.s32 $0xFFFFE000  }
0x63: {  	_ =	swait.ge [sflag:s14], $0x2000  }
0x64: {  	[sflag:s14] =	ssyncset.done $0x0  }
0x65: {  	[sflag:s14] =	ssyncadd.s32 $0xFFFFE000  }
0x66: {  	_ =	swait.ge [sflag:s14], $0x2000  }
0x67: {  	[sflag:s14] =	ssyncset.done $0x0  }
0x68: {  	[sflag:s14] =	ssyncadd.s32 $0xFFFFE000  }
0x69: {  	_ =	swait.ge [sflag:s19], $0x2000  }
0x6a: {  	[sflag:s19] =	ssyncset.done $0x0  }
0x6b: {  	[sflag:s19] =	ssyncadd.s32 $0xFFFFE000  }
0x6c: {  	_ =	swait.ge [sflag:s19], $0x2000  }
0x6d: {  	[sflag:s19] =	ssyncset.done $0x0  }
0x6e: {  	[sflag:s19] =	ssyncadd.s32 $0xFFFFE000  }
0x6f: {  	_ =	swait.ge [sflag:s19], $0x2000  }
0x70: {  	[sflag:s19] =	ssyncset.done $0x0  }
0x71: {  	s6 =	simm.s32 $0x5120;
	[sflag:s19] =	ssyncadd.s32 $0xFFFFE000  }
0x72: {  	[spmem:s2] =	stream.indirect.scatter.add.f32 [tilespmem:s21], [sflag:$0x2], $0x40, s6, s20, $0xb8;
	[tilespmem:$0x1F880] =	vst v63  }
0x73: {  	s25 =	simm.s32 $0x51A0  }
0x74: {  	[spmem:s2] =	stream.indirect.scatter.add.f32 [tilespmem:s22], [sflag:$0x2], $0x40, s25, s20, $0xb8;
	[tilespmem:$0x1F880] =	vst v63  }
0x75: {  	s4 =	simm.s32 $0x5220  }
0x76: {  	[spmem:s2] =	stream.indirect.scatter.add.f32 [tilespmem:s24], [sflag:$0x2], $0x40, s4, s20, $0xb8;
	[tilespmem:$0x1F880] =	vst v63  }
0x77: {  	s6 =	simm.s32 $0x480  }
0x78: {  	[tilespmem:s29], [sflag:$0x1] =	stream.indirect.gather [hbm4b:s0+s20], $0x40, s6, s20, $0xb8;
	[tilespmem:$0x1F880] =	vst v63  }
0x79: {  	s25 =	simm.s32 $0x500  }
0x7a: {  	[tilespmem:s31], [sflag:$0x1] =	stream.indirect.gather [hbm4b:s0+s20], $0x40, s25, s20, $0xb8;
	[tilespmem:$0x1F880] =	vst v63  }
0x7b: {  	s4 =	simm.s32 $0x580  }
0x7c: {  	[tilespmem:s23], [sflag:$0x1] =	stream.indirect.gather [hbm4b:s0+s20], $0x40, s4, s20, $0xb8;
	[tilespmem:$0x1F880] =	vst v63  }
0x7d: {  	_ =	swait.ge [sflag:s14], $0x2000  }
0x7e: {  	[sflag:s14] =	ssyncset.done $0x0  }
0x7f: {  	[sflag:s14] =	ssyncadd.s32 $0xFFFFE000  }
0x80: {  	_ =	swait.ge [sflag:s14], $0x2000  }
0x81: {  	[sflag:s14] =	ssyncset.done $0x0  }
0x82: {  	[sflag:s14] =	ssyncadd.s32 $0xFFFFE000  }
0x83: {  	_ =	swait.ge [sflag:s14], $0x2000  }
0x84: {  	[sflag:s14] =	ssyncset.done $0x0  }
0x85: {  	s6 =	simm.s32 $0x52A0;
	[sflag:s14] =	ssyncadd.s32 $0xFFFFE000  }
0x86: {  	[spmem:s2] =	stream.indirect.scatter.add.f32 [tilespmem:s29], [sflag:$0x2], $0x40, s6, s20, $0xb8;
	[tilespmem:$0x1F880] =	vst v63  }
0x87: {  	s25 =	simm.s32 $0x5320  }
0x88: {  	[spmem:s2] =	stream.indirect.scatter.add.f32 [tilespmem:s31], [sflag:$0x2], $0x40, s25, s20, $0xb8;
	[tilespmem:$0x1F880] =	vst v63  }
0x89: {  	s1 =	simm.s32 $0xC00;
	s25 =	simm.s32 $0x53A0  }
.LBB2_2:
0x8a: {  	[spmem:s2] =	stream.indirect.scatter.add.f32 [tilespmem:s23], [sflag:$0x2], $0x40, s25, s20, $0xb8;
	[tilespmem:$0x1F880] =	vst v63  }
0x8b: {  	s4 =	smov.u32 s1  }
0x8c: {  	p1 =	sne.s32 s1, $0x12000;
	s1 =	sadd.s32 $0xC00, s1;
	_ =	swait.ge [sflag:s19], $0x2000  }
0x8d: {  	[sflag:s19] =	ssyncset.done $0x0  }
0x8e: {  	[sflag:s19] =	ssyncadd.s32 $0xFFFFE000  }
0x8f: {  	_ =	swait.ge [sflag:s19], $0x2000  }
0x90: {  	[sflag:s19] =	ssyncset.done $0x0  }
0x91: {  	[sflag:s19] =	ssyncadd.s32 $0xFFFFE000  }
0x92: {  	_ =	swait.ge [sflag:s19], $0x2000  }
0x93: {  	s25 =	sshra.s32 s4, $0x2;
	[sflag:s19] =	ssyncset.done $0x0  }
0x94: {  	s4 =	sadd.s32 $0x300, s25;
	[sflag:s19] =	ssyncadd.s32 $0xFFFFE000  }
0x95: {  	[tilespmem:s21], [sflag:$0x1] =	stream.indirect.gather [hbm4b:s0+s20], $0x40, s4, s20, $0xb8;
	[tilespmem:$0x1F880] =	vst v63  }
0x96: {  	s4 =	sadd.s32 $0x380, s25  }
0x97: {  	[tilespmem:s22], [sflag:$0x1] =	stream.indirect.gather [hbm4b:s0+s20], $0x40, s4, s20, $0xb8;
	[tilespmem:$0x1F880] =	vst v63  }
0x98: {  	s4 =	sadd.s32 $0x400, s25  }
0x99: {  	[tilespmem:s24], [sflag:$0x1] =	stream.indirect.gather [hbm4b:s0+s20], $0x40, s4, s20, $0xb8;
	[tilespmem:$0x1F880] =	vst v63  }
0x9a: {  	_ =	swait.ge [sflag:s14], $0x2000  }
0x9b: {  	[sflag:s14] =	ssyncset.done $0x0  }
0x9c: {  	[sflag:s14] =	ssyncadd.s32 $0xFFFFE000  }
0x9d: {  	_ =	swait.ge [sflag:s14], $0x2000  }
0x9e: {  	[sflag:s14] =	ssyncset.done $0x0  }
0x9f: {  	[sflag:s14] =	ssyncadd.s32 $0xFFFFE000  }
0xa0: {  	_ =	swait.ge [sflag:s14], $0x2000  }
0xa1: {  	[sflag:s14] =	ssyncset.done $0x0  }
0xa2: {  	[sflag:s14] =	ssyncadd.s32 $0xFFFFE000  }
0xa3: {  	_ =	swait.ge [sflag:s19], $0x2000  }
0xa4: {  	[sflag:s19] =	ssyncset.done $0x0  }
0xa5: {  	[sflag:s19] =	ssyncadd.s32 $0xFFFFE000  }
0xa6: {  	_ =	swait.ge [sflag:s19], $0x2000  }
0xa7: {  	[sflag:s19] =	ssyncset.done $0x0  }
0xa8: {  	[sflag:s19] =	ssyncadd.s32 $0xFFFFE000  }
0xa9: {  	_ =	swait.ge [sflag:s19], $0x2000  }
0xaa: {  	[sflag:s19] =	ssyncset.done $0x0  }
0xab: {  	s4 =	sadd.s32 $0x5120, s25;
	[sflag:s19] =	ssyncadd.s32 $0xFFFFE000  }
0xac: {  	[spmem:s2] =	stream.indirect.scatter.add.f32 [tilespmem:s21], [sflag:$0x2], $0x40, s4, s20, $0xb8;
	[tilespmem:$0x1F880] =	vst v63  }
0xad: {  	s4 =	sadd.s32 $0x51A0, s25  }
0xae: {  	[spmem:s2] =	stream.indirect.scatter.add.f32 [tilespmem:s22], [sflag:$0x2], $0x40, s4, s20, $0xb8;
	[tilespmem:$0x1F880] =	vst v63  }
0xaf: {  	s4 =	sadd.s32 $0x5220, s25  }
0xb0: {  	[spmem:s2] =	stream.indirect.scatter.add.f32 [tilespmem:s24], [sflag:$0x2], $0x40, s4, s20, $0xb8;
	[tilespmem:$0x1F880] =	vst v63  }
0xb1: {  	s4 =	sadd.s32 $0x480, s25  }
0xb2: {  	[tilespmem:s29], [sflag:$0x1] =	stream.indirect.gather [hbm4b:s0+s20], $0x40, s4, s20, $0xb8;
	[tilespmem:$0x1F880] =	vst v63  }
0xb3: {  	s4 =	sadd.s32 $0x500, s25  }
0xb4: {  	[tilespmem:s31], [sflag:$0x1] =	stream.indirect.gather [hbm4b:s0+s20], $0x40, s4, s20, $0xb8;
	[tilespmem:$0x1F880] =	vst v63  }
0xb5: {  	s4 =	sadd.s32 $0x580, s25  }
0xb6: {  	[tilespmem:s23], [sflag:$0x1] =	stream.indirect.gather [hbm4b:s0+s20], $0x40, s4, s20, $0xb8;
	[tilespmem:$0x1F880] =	vst v63  }
0xb7: {  	_ =	swait.ge [sflag:s14], $0x2000  }
0xb8: {  	[sflag:s14] =	ssyncset.done $0x0  }
0xb9: {  	[sflag:s14] =	ssyncadd.s32 $0xFFFFE000  }
0xba: {  	_ =	swait.ge [sflag:s14], $0x2000  }
0xbb: {  	[sflag:s14] =	ssyncset.done $0x0  }
0xbc: {  	[sflag:s14] =	ssyncadd.s32 $0xFFFFE000  }
0xbd: {  	_ =	swait.ge [sflag:s14], $0x2000  }
0xbe: {  	[sflag:s14] =	ssyncset.done $0x0  }
.Ltmp0:
0xbf: {  	s4 =	sadd.s32 $0x52A0, s25;
	[sflag:s14] =	ssyncadd.s32 $0xFFFFE000;
	(pc) =	sbr.rel @p1 .LBB2_2-.Ltmp0, $4  }
0xc0: {  	[spmem:s2] =	stream.indirect.scatter.add.f32 [tilespmem:s29], [sflag:$0x2], $0x40, s4, s20, $0xb8;
	[tilespmem:$0x1F880] =	vst v63  }
0xc1: {  	s4 =	sadd.s32 $0x5320, s25  }
0xc2: {  	[spmem:s2] =	stream.indirect.scatter.add.f32 [tilespmem:s31], [sflag:$0x2], $0x40, s4, s20, $0xb8;
	[tilespmem:$0x1F880] =	vst v63  }
0xc3: {  	s25 =	sadd.s32 $0x53A0, s25  }
0xc4: {  	[spmem:s2] =	stream.indirect.scatter.add.f32 [tilespmem:s23], [sflag:$0x2], $0x40, s25, s20, $0xb8;
	[tilespmem:$0x1F880] =	vst v63  }
0xc5: {  	_ =	swait.ge [sflag:s19], $0x2000  }
0xc6: {  	[sflag:s19] =	ssyncset.done $0x0  }
0xc7: {  	[sflag:s19] =	ssyncadd.s32 $0xFFFFE000  }
0xc8: {  	_ =	swait.ge [sflag:s19], $0x2000  }
0xc9: {  	[sflag:s19] =	ssyncset.done $0x0  }
0xca: {  	[sflag:s19] =	ssyncadd.s32 $0xFFFFE000  }
0xcb: {  	_ =	swait.ge [sflag:s19], $0x2000  }
0xcc: {  	[sflag:s19] =	ssyncset.done $0x0  }
0xcd: {  	[sflag:s19] =	ssyncadd.s32 $0xFFFFE000  }
0xce: {  	_ =	swait.ge [sflag:s19], $0x2000  }
0xcf: {  	[sflag:s19] =	ssyncset.done $0x0  }
0xd0: {  	[sflag:s19] =	ssyncadd.s32 $0xFFFFE000  }
0xd1: {  	_ =	swait.ge [sflag:s19], $0x2000  }
0xd2: {  	[sflag:s19] =	ssyncset.done $0x0  }
0xd3: {  	[sflag:s19] =	ssyncadd.s32 $0xFFFFE000  }
0xd4: {  	_ =	swait.ge [sflag:s19], $0x2000  }
0xd5: {  	[sflag:s19] =	ssyncset.done $0x0  }
0xd6: {  	s1 =	simm.s32 $0x4E00;
	[sflag:s19] =	ssyncadd.s32 $0xFFFFE000  }
0xd7: {  	[tilespmem:s21], [sflag:$0x1] =	stream.indirect.gather [hbm4b:s0+s30], $0x40, s1, s30, $0xb8;
	[tilespmem:$0x1F880] =	vst v63  }
0xd8: {  	_ =	swait.ge [sflag:s14], $0x800  }
0xd9: {  	[sflag:s14] =	ssyncset.done $0x0  }
0xda: {  	s25 =	simm.s32 $0x9C20;
	[sflag:s14] =	ssyncadd.s32 $0xFFFFF800  }
0xdb: {  	[spmem:s2] =	stream.indirect.scatter.add.f32 [tilespmem:s21], [sflag:$0x2], $0x40, s25, s30, $0xb8;
	[tilespmem:$0x1F880] =	vst v63  }
0xdc: {  	_ =	swait.ge [sflag:s19], $0x800  }
0xdd: {  	[sflag:s19] =	ssyncset.done $0x0  }
0xde: {  	[sflag:s19] =	ssyncadd.s32 $0xFFFFF800  }
0xdf: {  	s1 =	sor.u32 $0x1C03, s5;
	[bflag:$0x0] =	sbarrier.arrive $0xFFFF  }
0xe0: {  	[hbm:s10@s16], [sflag:s1] =	dma.strided [spmem:s13@s15], $0x1380, s14, $0x8   }
0xe1: {  	s4 =	simm.s32 @!p0 $0x1;
	_ =	swait.ge [sflag:s26], $0x1380  }
0xe2: {  	s6 =	simm.s32 @!p0 $0x10;
	s28 =	sadd.s32 $0x1, s28;
	[sflag:s26] =	ssyncset.done $0x0  }
0xe3: {  	p1 =	sne.s32 s28, s12;
	s25 =	simm.s32 @!p0 $0x8;
	[sflag:s26] =	ssyncadd.s32 $0xFFFFEC80  }
0xe4: {  	[hbm:s11@s6], [sflag:s1] =	dma.strided @!p0 [spmem:s18@s25], $0x80, s4, $0x8   }
.Ltmp1:
0xe5: {  	_ = 	snop;
	(pc) =	sbr.rel @p1 .LBB2_1-.Ltmp1, $4  }
0xe6: {  	s1 =	simm.s32 @!p0 $0x3  }
0xe7: {  	_ =	swait.ge @!p0 [sflag:s1], $0x80  }
0xe8: {  	[sflag:s1] =	ssyncset.done @!p0 $0x0  }
0xe9: {  	[sflag:s1] =	ssyncadd.s32 @!p0 $0xFFFFFF80  }
0xea: {  	_ =	sfence.sel $0x180000  }
0xeb: {  	[bflag:$0x0] =	sbarrier.arrive $0xFFFF  }
0xec: {  	_ =	strace $0x90000053  }
0xed: {  	[bflag:$0x2] =	sbarrier.arrive $0xFFFF  }
0xee: {  	s0 =	rddreg [dreg:$0x3]  }
0xef: {  	s0 =	sadd.s32 @!p0 $0x100000, s0  }
0xf0: {  	[sflag:s0] =	ssyncadd.tile.s32 @!p0 $0x1;
	_ =	shalt  }
.Lfunc_end2:
_tile_overlayer_lowered:
.L_overlay_start_2:
0xf1: {  	(tag) =	ssettag $0x2  }
0xf2: {  	s0 =	rddreg [dreg:$0x0];
	s2 =	stileid.u32  }
0xf3: {  	s1 =	rddreg [dreg:$0x1];
	p0 =	sne.s32 s2, $0x0  }
0xf4: {  	s3 =	rddreg [dreg:$0x2];
	[bflag:$0x3] =	sbarrier.arrive $0xFFFF;
	s2 =	simm.s32 @!p0 $0x1C03  }
0xf5: {  	[timem:s3], [sflag:s2] =	dma.local @!p0 [hbm:s0], s1  }
0xf6: {  	s0 =	simm.s32 @!p0 $0x3  }
0xf7: {  	_ =	swait.ge @!p0 [sflag:s0], s1  }
0xf8: {  	s1 =	ssub.s32 @!p0 $0x0, s1;
	[sflag:s0] =	ssyncset.done @!p0 $0x0  }
0xf9: {  	[sflag:s0] =	ssyncadd.s32 @!p0 s1  }
0xfa: {  	[bflag:$0x3] =	sbarrier.arrive $0xFFFF  }
0xfb: {  	_ =	shalt  }

</sc_bundles>
